<compile_context>
chip_gen: v7x
topology: tpu7x:2x2x1
jax: 0.10.2.dev20260603
libtpu: 0.0.44.dev20260713+nightly
codegen_flags: <defaults>
</compile_context>

<pallas_src>
import functools

import jax
import jax.numpy as jnp
from jax import lax
from jax.experimental import pallas as pl
from jax.experimental.pallas import tpu as pltpu
from jax.experimental.pallas import tpu_sc as plsc

_NC = 2
_NS = 16
_NW = _NC * _NS
_G = 128
_K = 16


def _sc_aggregate(nrow, d, nch, with_deg):
  rpt = nrow // _NS
  ngrp = nch // _K

  mesh = plsc.VectorSubcoreMesh(core_axis_name="c", subcore_axis_name="s")
  out_type = [jax.ShapeDtypeStruct((_NC, nrow, d), jnp.float32)]
  scratch = [
      pltpu.VMEM_SHARED((nrow, d), jnp.float32),
      pltpu.VMEM((_K, _G), jnp.int32),
      pltpu.VMEM((_K, _G), jnp.int32),
      pltpu.VMEM((_G, d), jnp.float32),
      pltpu.VMEM((_G, d), jnp.float32),
      pltpu.SemaphoreType.DMA,
      pltpu.SemaphoreType.DMA,
      pltpu.SemaphoreType.DMA,
      pltpu.SemaphoreType.DMA,
  ]
  if with_deg:
    out_type.append(jax.ShapeDtypeStruct((_NC, nrow, d), jnp.float32))

  @functools.partial(
      pl.kernel, mesh=mesh, out_type=out_type, scratch_types=scratch)
  def k(*refs):
    if with_deg:
      (feats_h, edges_h, z_h, aggp_h, degp_h,
       agg_sh, sidx_v, didx_v, gbuf_v, gbuf2_v,
       semg0, semg1, sems0, sems1) = refs
    else:
      (feats_h, edges_h, z_h, aggp_h,
       agg_sh, sidx_v, didx_v, gbuf_v, gbuf2_v,
       semg0, semg1, sems0, sems1) = refs
    c = lax.axis_index("c")
    s = lax.axis_index("s")
    wid = c * _NS + s
    ones16 = jnp.ones((16,), jnp.float32)
    pltpu.sync_copy(z_h, agg_sh.at[pl.ds(s * rpt, rpt)])
    plsc.subcore_barrier()

    if with_deg:
      def ofill(i, carry):
        for l in range(d // 16):
          gbuf_v[i, pl.ds(l * 16, 16)] = ones16
        return carry

      lax.fori_loop(0, _G, ofill, 0)

      def dgroup(g, carry):
        pltpu.sync_copy(edges_h.at[1, wid, pl.ds(g * _K, _K)], didx_v)
        descs = [
            pltpu.async_copy(gbuf_v, agg_sh.at[didx_v.at[j]], semg0,
                             add=True)
            for j in range(_K)
        ]
        for de in descs:
          de.wait()
        return carry

      lax.fori_loop(0, ngrp, dgroup, 0)
      plsc.subcore_barrier()
      pltpu.sync_copy(agg_sh.at[pl.ds(s * rpt, rpt)],
                      degp_h.at[c, pl.ds(s * rpt, rpt)])
      plsc.subcore_barrier()
      pltpu.sync_copy(z_h, agg_sh.at[pl.ds(s * rpt, rpt)])
      plsc.subcore_barrier()

    bufs = (gbuf_v, gbuf2_v)
    gsems = (semg0, semg1)
    ssems = (sems0, sems1)

    def group(g, carry):
      pltpu.sync_copy(edges_h.at[0, wid, pl.ds(g * _K, _K)], sidx_v)
      pltpu.sync_copy(edges_h.at[1, wid, pl.ds(g * _K, _K)], didx_v)
      pend = pltpu.async_copy(feats_h.at[sidx_v.at[0]], bufs[0], gsems[0])
      scat = [None, None]
      for j in range(_K):
        b = j % 2
        pend.wait()
        scat[b] = pltpu.async_copy(bufs[b], agg_sh.at[didx_v.at[j]],
                                   ssems[b], add=True)
        if j + 1 < _K:
          nb = 1 - b
          if scat[nb] is not None:
            scat[nb].wait()
            scat[nb] = None
          pend = pltpu.async_copy(feats_h.at[sidx_v.at[j + 1]], bufs[nb],
                                  gsems[nb])
      for de in scat:
        if de is not None:
          de.wait()
      return carry

    lax.fori_loop(0, ngrp, group, 0)
    plsc.subcore_barrier()
    pltpu.sync_copy(agg_sh.at[pl.ds(s * rpt, rpt)],
                    aggp_h.at[c, pl.ds(s * rpt, rpt)])

  return k


def _tc_layer(n, d_in, d_out, br, relu, softmax):
  grid = (n // br,)
  row = lambda i: (i, 0)
  fixed = lambda i: (0, 0)

  def body(p0, p1, dp0, dp1, x_r, wl, wr, b, o):
    deg = jnp.maximum(dp0[:, 0:1] + dp1[:, 0:1], 1.0)
    agg = (p0[...] + p1[...]) / deg
    y = lax.dot_general(agg, wl[...], (((1,), (1,)), ((), ())),
                        precision=lax.Precision.HIGHEST,
                        preferred_element_type=jnp.float32)
    y = y + lax.dot_general(x_r[...], wr[...], (((1,), (1,)), ((), ())),
                            precision=lax.Precision.HIGHEST,
                            preferred_element_type=jnp.float32)
    y = y + b[...]
    if relu:
      y = jnp.maximum(y, 0.0)
    if softmax:
      m = jnp.max(y, axis=1, keepdims=True)
      z = y - m
      y = z - jnp.log(jnp.sum(jnp.exp(z), axis=1, keepdims=True))
    o[...] = y

  return pl.pallas_call(
      body,
      grid=grid,
      in_specs=[
          pl.BlockSpec((br, d_in), row),
          pl.BlockSpec((br, d_in), row),
          pl.BlockSpec((br, d_in), row),
          pl.BlockSpec((br, d_in), row),
          pl.BlockSpec((br, d_in), row),
          pl.BlockSpec((d_out, d_in), fixed),
          pl.BlockSpec((d_out, d_in), fixed),
          pl.BlockSpec((1, d_out), fixed),
      ],
      out_specs=pl.BlockSpec((br, d_out), row),
      out_shape=jax.ShapeDtypeStruct((n, d_out), jnp.float32),
  )


def kernel(x, edge_index, W1l, W1r, b1, W2l, W2r, b2):
  n, d_in = x.shape
  e = edge_index.shape[1]
  d_h = W1l.shape[0]
  d_out = W2l.shape[0]
  per = e // _NW
  nch = -(-per // (_G * _K)) * _K
  pad = nch * _G - per
  nrow = -(-n // (_NS * 8)) * _NS * 8
  rpt = nrow // _NS

  src = edge_index[0].astype(jnp.int32).reshape(_NW, per)
  dst = edge_index[1].astype(jnp.int32).reshape(_NW, per)
  srcm = jnp.pad(src, ((0, 0), (0, pad))).reshape(_NW, nch, _G)
  dstm = jnp.pad(dst, ((0, 0), (0, pad)),
                 constant_values=n).reshape(_NW, nch, _G)
  edges = jnp.stack([srcm, dstm])
  z = jnp.zeros((rpt, d_in), jnp.float32)

  aggp1, degp = _sc_aggregate(nrow, d_in, nch, True)(x, edges, z)
  h = _tc_layer(n, d_in, d_h, 1000, True, False)(
      aggp1[0, :n], aggp1[1, :n], degp[0, :n], degp[1, :n], x,
      W1l, W1r, b1.reshape(1, d_h))
  (aggp2,) = _sc_aggregate(nrow, d_h, nch, False)(h, edges, z)
  out = _tc_layer(n, d_h, d_out, 1000, False, True)(
      aggp2[0, :n], aggp2[1, :n], degp[0, :n], degp[1, :n], h,
      W2l, W2r, b2.reshape(1, d_out))
  return out

# --- scband reference (transcript-rebuilt; emitter-appended) ---
"""Pipeline reference for scband-graph-sagemodel-13305808683556 (READ-ONLY COPY).

The authoritative reference and input builder live on the scoring server;
editing this copy changes nothing except your own understanding.
"""

import jax, jax.numpy as jnp
import numpy as np

N = 10000
E = 320000
D_IN = 128
D_H = 128
D_OUT = 64


def setup_inputs(seed: int = 0) -> dict:
    key = jax.random.key(seed)
    ks = jax.random.split(key, 10)
    x = jax.random.normal(ks[0], (N, D_IN), dtype=jnp.float32)
    edge_index = jax.random.randint(ks[1], (2, E), 0, N)
    W1l = jax.random.normal(ks[2], (D_H, D_IN), dtype=jnp.float32) * 0.05
    W1r = jax.random.normal(ks[3], (D_H, D_IN), dtype=jnp.float32) * 0.05
    b1 = jnp.zeros((D_H,), dtype=jnp.float32)
    W2l = jax.random.normal(ks[4], (D_OUT, D_H), dtype=jnp.float32) * 0.05
    W2r = jax.random.normal(ks[5], (D_OUT, D_H), dtype=jnp.float32) * 0.05
    b2 = jnp.zeros((D_OUT,), dtype=jnp.float32)
    return {"x": x, "edge_index": edge_index, "W1l": W1l, "W1r": W1r, "b1": b1,
            "W2l": W2l, "W2r": W2r, "b2": b2}


def _sage_layer(x, src, dst, Wl, Wr, b):
    # PyG SAGEConv with mean aggregation:
    # out = lin_l(mean_{j in N(i)} x_j) + lin_r(x_i)
    msgs = x[src]
    agg = jax.ops.segment_sum(msgs, dst, num_segments=N)
    deg = jax.ops.segment_sum(jnp.ones((src.shape[0], 1), x.dtype), dst, num_segments=N)
    agg = agg / jnp.maximum(deg, 1.0)
    return agg @ Wl.T + x @ Wr.T + b


def reference(x, edge_index, W1l, W1r, b1, W2l, W2r, b2):
    src = edge_index[0]
    dst = edge_index[1]
    h = _sage_layer(x, src, dst, W1l, W1r, b1)
    h = jax.nn.relu(h)
    # dropout is identity in eval mode
    out = _sage_layer(h, src, dst, W2l, W2r, b2)
    return jax.nn.log_softmax(out, axis=1)

if __name__ == "__main__":
    import jax
    _d = setup_inputs()
    print(jax.jit(kernel)(*tuple(_d.values())))

</pallas_src>

<mosaic_0001>
#map = affine_map<(d0, d1) -> (0, 0)>
#map1 = affine_map<(d0, d1) -> (0, 0, 0, 0)>
#map2 = affine_map<(d0, d1) -> (0, 0, 0)>
module attributes {stable_mosaic.version = 14 : i64} {
  func.func @k(%arg0: i32, %arg1: i32, %arg2: memref<10000x128xf32, #tpu.memory_space<hbm>>, %arg3: memref<2x32x80x128xi32, #tpu.memory_space<hbm>>, %arg4: memref<632x128xf32, #tpu.memory_space<hbm>>, %arg5: memref<2x10112x128xf32, #tpu.memory_space<hbm>>, %arg6: memref<2x10112x128xf32, #tpu.memory_space<hbm>>, %arg7: memref<10112x128xf32, #tpu.memory_space<vmem_shared>>, %arg8: memref<16x128xi32, #tpu.memory_space<vmem>>, %arg9: memref<16x128xi32, #tpu.memory_space<vmem>>, %arg10: memref<128x128xf32, #tpu.memory_space<vmem>>, %arg11: memref<128x128xf32, #tpu.memory_space<vmem>>, %arg12: memref<!tpu.dma_semaphore, #tpu.memory_space<semaphore_mem>>, %arg13: memref<!tpu.dma_semaphore, #tpu.memory_space<semaphore_mem>>, %arg14: memref<!tpu.dma_semaphore, #tpu.memory_space<semaphore_mem>>, %arg15: memref<!tpu.dma_semaphore, #tpu.memory_space<semaphore_mem>>) attributes {dimension_semantics = [#tpu.dimension_semantics<core_parallel>, #tpu.dimension_semantics<subcore_parallel>], iteration_bounds = array<i64: 2, 16>, scalar_prefetch = 0 : i64, scratch_operands = 9 : i64, tpu.core_type = #tpu.core_type<sc_vector_subcore>, window_params = [{transform_indices = #map}, {transform_indices = #map1}, {transform_indices = #map}, {transform_indices = #map2}, {transform_indices = #map2}]} {
    %mul3A = arith.constant 16 : i32
    %mul3A_0 = arith.muli %arg0, %mul3A : i32
    %add3A = arith.addi %mul3A_0, %arg1 : i32
    %broadcast_in_dim3A = arith.constant 1.000000e+00 : f32
    %broadcast_in_dim3A_1 = vector.broadcast %broadcast_in_dim3A : f32 to vector<16xf32>
    %mul3A_2 = arith.constant 632 : i32
    %mul3A_3 = arith.muli %arg1, %mul3A_2 : i32
    "tpu.region"() ({
      %run_scoped3A = tpu.sem_alloc : memref<!tpu.dma_semaphore, #tpu.memory_space<semaphore_mem>>
      %dma_start3A = arith.constant 0 : i32
      %dma_start3A_35 = tpu.memref_slice %arg7[%mul3A_3, %dma_start3A] : memref<10112x128xf32, #tpu.memory_space<vmem_shared>> -> memref<632x128xf32, #tpu.memory_space<vmem_shared>>
      tpu.enqueue_dma source(%arg4 : memref<632x128xf32, #tpu.memory_space<hbm>>) target(%dma_start3A_35 : memref<632x128xf32, #tpu.memory_space<vmem_shared>>) target_semaphore(%run_scoped3A : memref<!tpu.dma_semaphore, #tpu.memory_space<semaphore_mem>>)
      %dma_wait3A = arith.constant 0 : i32
      %dma_wait3A_36 = tpu.memref_slice %arg7[%mul3A_3, %dma_wait3A] : memref<10112x128xf32, #tpu.memory_space<vmem_shared>> -> memref<632x128xf32, #tpu.memory_space<vmem_shared>>
      tpu.wait_dma2 semaphore(%run_scoped3A : memref<!tpu.dma_semaphore, #tpu.memory_space<semaphore_mem>>) src(%arg4 : memref<632x128xf32, #tpu.memory_space<hbm>>) dst(%dma_wait3A_36 : memref<632x128xf32, #tpu.memory_space<vmem_shared>>)
      tpu.yield
    }) : () -> ()
    %barrier3A = arith.constant 0 : index
    tpu.barrier barrier_id(%barrier3A)
    %scan3A = arith.constant 0 : i32
    %scan3A_4 = arith.constant 0 : i32
    %scan3A_5 = arith.constant 128 : i32
    %scan3A_6 = arith.addi %scan3A_4, %scan3A_5 : i32
    %scan3A_7 = arith.constant 1 : i32
    scf.for %scan3A_35 = %scan3A_4 to %scan3A_6 step %scan3A_7  : i32 {
      %swap3A = arith.index_cast %scan3A_35 : i32 to index
      %swap3A_36 = arith.constant 0 : index
      %swap3A_37 = tpu.vector_load %arg10[%swap3A, %swap3A_36] {strides = array<i32>} : memref<128x128xf32, #tpu.memory_space<vmem>>, vector<1x16xf32>,
      %swap3A_38 = vector.shape_cast %swap3A_37 : vector<1x16xf32> to vector<16xf32>
      %swap3A_39 = vector.shape_cast %broadcast_in_dim3A_1 : vector<16xf32> to vector<1x16xf32>
      tpu.vector_store %arg10[%swap3A, %swap3A_36], %swap3A_39 {strides = array<i32>} : memref<128x128xf32, #tpu.memory_space<vmem>>, vector<1x16xf32>,
      %swap3A_40 = arith.index_cast %scan3A_35 : i32 to index
      %swap3A_41 = arith.constant 16 : index
      %swap3A_42 = tpu.vector_load %arg10[%swap3A_40, %swap3A_41] {strides = array<i32>} : memref<128x128xf32, #tpu.memory_space<vmem>>, vector<1x16xf32>,
      %swap3A_43 = vector.shape_cast %swap3A_42 : vector<1x16xf32> to vector<16xf32>
      %swap3A_44 = vector.shape_cast %broadcast_in_dim3A_1 : vector<16xf32> to vector<1x16xf32>
      tpu.vector_store %arg10[%swap3A_40, %swap3A_41], %swap3A_44 {strides = array<i32>} : memref<128x128xf32, #tpu.memory_space<vmem>>, vector<1x16xf32>,
      %swap3A_45 = arith.index_cast %scan3A_35 : i32 to index
      %swap3A_46 = arith.constant 32 : index
      %swap3A_47 = tpu.vector_load %arg10[%swap3A_45, %swap3A_46] {strides = array<i32>} : memref<128x128xf32, #tpu.memory_space<vmem>>, vector<1x16xf32>,
      %swap3A_48 = vector.shape_cast %swap3A_47 : vector<1x16xf32> to vector<16xf32>
      %swap3A_49 = vector.shape_cast %broadcast_in_dim3A_1 : vector<16xf32> to vector<1x16xf32>
      tpu.vector_store %arg10[%swap3A_45, %swap3A_46], %swap3A_49 {strides = array<i32>} : memref<128x128xf32, #tpu.memory_space<vmem>>, vector<1x16xf32>,
      %swap3A_50 = arith.index_cast %scan3A_35 : i32 to index
      %swap3A_51 = arith.constant 48 : index
      %swap3A_52 = tpu.vector_load %arg10[%swap3A_50, %swap3A_51] {strides = array<i32>} : memref<128x128xf32, #tpu.memory_space<vmem>>, vector<1x16xf32>,
      %swap3A_53 = vector.shape_cast %swap3A_52 : vector<1x16xf32> to vector<16xf32>
      %swap3A_54 = vector.shape_cast %broadcast_in_dim3A_1 : vector<16xf32> to vector<1x16xf32>
      tpu.vector_store %arg10[%swap3A_50, %swap3A_51], %swap3A_54 {strides = array<i32>} : memref<128x128xf32, #tpu.memory_space<vmem>>, vector<1x16xf32>,
      %swap3A_55 = arith.index_cast %scan3A_35 : i32 to index
      %swap3A_56 = arith.constant 64 : index
      %swap3A_57 = tpu.vector_load %arg10[%swap3A_55, %swap3A_56] {strides = array<i32>} : memref<128x128xf32, #tpu.memory_space<vmem>>, vector<1x16xf32>,
      %swap3A_58 = vector.shape_cast %swap3A_57 : vector<1x16xf32> to vector<16xf32>
      %swap3A_59 = vector.shape_cast %broadcast_in_dim3A_1 : vector<16xf32> to vector<1x16xf32>
      tpu.vector_store %arg10[%swap3A_55, %swap3A_56], %swap3A_59 {strides = array<i32>} : memref<128x128xf32, #tpu.memory_space<vmem>>, vector<1x16xf32>,
      %swap3A_60 = arith.index_cast %scan3A_35 : i32 to index
      %swap3A_61 = arith.constant 80 : index
      %swap3A_62 = tpu.vector_load %arg10[%swap3A_60, %swap3A_61] {strides = array<i32>} : memref<128x128xf32, #tpu.memory_space<vmem>>, vector<1x16xf32>,
      %swap3A_63 = vector.shape_cast %swap3A_62 : vector<1x16xf32> to vector<16xf32>
      %swap3A_64 = vector.shape_cast %broadcast_in_dim3A_1 : vector<16xf32> to vector<1x16xf32>
      tpu.vector_store %arg10[%swap3A_60, %swap3A_61], %swap3A_64 {strides = array<i32>} : memref<128x128xf32, #tpu.memory_space<vmem>>, vector<1x16xf32>,
      %swap3A_65 = arith.index_cast %scan3A_35 : i32 to index
      %swap3A_66 = arith.constant 96 : index
      %swap3A_67 = tpu.vector_load %arg10[%swap3A_65, %swap3A_66] {strides = array<i32>} : memref<128x128xf32, #tpu.memory_space<vmem>>, vector<1x16xf32>,
      %swap3A_68 = vector.shape_cast %swap3A_67 : vector<1x16xf32> to vector<16xf32>
      %swap3A_69 = vector.shape_cast %broadcast_in_dim3A_1 : vector<16xf32> to vector<1x16xf32>
      tpu.vector_store %arg10[%swap3A_65, %swap3A_66], %swap3A_69 {strides = array<i32>} : memref<128x128xf32, #tpu.memory_space<vmem>>, vector<1x16xf32>,
      %swap3A_70 = arith.index_cast %scan3A_35 : i32 to index
      %swap3A_71 = arith.constant 112 : index
      %swap3A_72 = tpu.vector_load %arg10[%swap3A_70, %swap3A_71] {strides = array<i32>} : memref<128x128xf32, #tpu.memory_space<vmem>>, vector<1x16xf32>,
      %swap3A_73 = vector.shape_cast %swap3A_72 : vector<1x16xf32> to vector<16xf32>
      %swap3A_74 = vector.shape_cast %broadcast_in_dim3A_1 : vector<16xf32> to vector<1x16xf32>
      tpu.vector_store %arg10[%swap3A_70, %swap3A_71], %swap3A_74 {strides = array<i32>} : memref<128x128xf32, #tpu.memory_space<vmem>>, vector<1x16xf32>,
    }
    %scan3A_8 = arith.constant 128 : i32
    %scan3A_9 = arith.constant 0 : i32
    %scan3A_10 = arith.constant 0 : i32
    %scan3A_11 = arith.constant 5 : i32
    %scan3A_12 = arith.addi %scan3A_10, %scan3A_11 : i32
    %scan3A_13 = arith.constant 1 : i32
    scf.for %scan3A_35 = %scan3A_10 to %scan3A_12 step %scan3A_13  : i32 {
      %mul3A_36 = arith.constant 16 : i32
      %mul3A_37 = arith.muli %scan3A_35, %mul3A_36 : i32
      %run_scoped3A = arith.constant 1 : i32
      "tpu.region"() ({
        %run_scoped3A_260 = tpu.sem_alloc : memref<!tpu.dma_semaphore, #tpu.memory_space<semaphore_mem>>
        %dma_start3A_261 = arith.constant 0 : i32
        %dma_start3A_262 = tpu.memref_slice %arg3[%run_scoped3A, %add3A, %mul3A_37, %dma_start3A_261] : memref<2x32x80x128xi32, #tpu.memory_space<hbm>> -> memref<1x1x16x128xi32, #tpu.memory_space<hbm>>
        %dma_start3A_263 = tpu.memref_squeeze %dma_start3A_262 : memref<1x1x16x128xi32, #tpu.memory_space<hbm>> -> memref<16x128xi32, #tpu.memory_space<hbm>>
        %dma_start3A_264 = arith.constant 0 : i32
        %dma_start3A_265 = tpu.memref_slice %arg3[%run_scoped3A, %add3A, %mul3A_37, %dma_start3A_264] : memref<2x32x80x128xi32, #tpu.memory_space<hbm>> -> memref<1x1x16x128xi32, #tpu.memory_space<hbm>>
        %dma_start3A_266 = tpu.memref_squeeze %dma_start3A_265 : memref<1x1x16x128xi32, #tpu.memory_space<hbm>> -> memref<16x128xi32, #tpu.memory_space<hbm>>
        tpu.enqueue_dma source(%dma_start3A_266 : memref<16x128xi32, #tpu.memory_space<hbm>>) target(%arg9 : memref<16x128xi32, #tpu.memory_space<vmem>>) target_semaphore(%run_scoped3A_260 : memref<!tpu.dma_semaphore, #tpu.memory_space<semaphore_mem>>)
        %dma_wait3A_267 = arith.constant 0 : i32
        %dma_wait3A_268 = tpu.memref_slice %arg3[%run_scoped3A, %add3A, %mul3A_37, %dma_wait3A_267] : memref<2x32x80x128xi32, #tpu.memory_space<hbm>> -> memref<1x1x16x128xi32, #tpu.memory_space<hbm>>
        %dma_wait3A_269 = tpu.memref_squeeze %dma_wait3A_268 : memref<1x1x16x128xi32, #tpu.memory_space<hbm>> -> memref<16x128xi32, #tpu.memory_space<hbm>>
        %dma_wait3A_270 = arith.constant 0 : i32
        %dma_wait3A_271 = tpu.memref_slice %arg3[%run_scoped3A, %add3A, %mul3A_37, %dma_wait3A_270] : memref<2x32x80x128xi32, #tpu.memory_space<hbm>> -> memref<1x1x16x128xi32, #tpu.memory_space<hbm>>
        %dma_wait3A_272 = tpu.memref_squeeze %dma_wait3A_271 : memref<1x1x16x128xi32, #tpu.memory_space<hbm>> -> memref<16x128xi32, #tpu.memory_space<hbm>>
        tpu.wait_dma2 semaphore(%run_scoped3A_260 : memref<!tpu.dma_semaphore, #tpu.memory_space<semaphore_mem>>) src(%dma_wait3A_272 : memref<16x128xi32, #tpu.memory_space<hbm>>) dst(%arg9 : memref<16x128xi32, #tpu.memory_space<vmem>>)
        tpu.yield
      }) : () -> ()
      %dma_start3A = arith.constant 0 : i32
      %dma_start3A_38 = arith.constant 0 : i32
      %dma_start3A_39 = tpu.memref_slice %arg9[%dma_start3A, %dma_start3A_38] : memref<16x128xi32, #tpu.memory_space<vmem>> -> memref<1x128xi32, #tpu.memory_space<vmem>>
      %dma_start3A_40 = tpu.memref_squeeze %dma_start3A_39 : memref<1x128xi32, #tpu.memory_space<vmem>> -> memref<128xi32, #tpu.memory_space<vmem>>
      %dma_start3A_41 = arith.constant 0 : i32
      %dma_start3A_42 = arith.constant 0 : i32
      %dma_start3A_43 = tpu.memref_slice %arg7[%dma_start3A_41, %dma_start3A_42] : memref<10112x128xf32, #tpu.memory_space<vmem_shared>> -> memref<10112x128xf32, #tpu.memory_space<vmem_shared>>
      tpu.enqueue_indirect_dma source(%arg10 : memref<128x128xf32, #tpu.memory_space<vmem>>) target(%dma_start3A_43 : memref<10112x128xf32, #tpu.memory_space<vmem_shared>>) offsets(%dma_start3A_40 : memref<128xi32, #tpu.memory_space<vmem>>) semaphore(%arg12 : memref<!tpu.dma_semaphore, #tpu.memory_space<semaphore_mem>>) {add = true}
      %dma_start3A_44 = arith.constant 1 : i32
      %dma_start3A_45 = arith.constant 0 : i32
      %dma_start3A_46 = tpu.memref_slice %arg9[%dma_start3A_44, %dma_start3A_45] : memref<16x128xi32, #tpu.memory_space<vmem>> -> memref<1x128xi32, #tpu.memory_space<vmem>>
      %dma_start3A_47 = tpu.memref_squeeze %dma_start3A_46 : memref<1x128xi32, #tpu.memory_space<vmem>> -> memref<128xi32, #tpu.memory_space<vmem>>
      %dma_start3A_48 = arith.constant 0 : i32
      %dma_start3A_49 = arith.constant 0 : i32
      %dma_start3A_50 = tpu.memref_slice %arg7[%dma_start3A_48, %dma_start3A_49] : memref<10112x128xf32, #tpu.memory_space<vmem_shared>> -> memref<10112x128xf32, #tpu.memory_space<vmem_shared>>
      tpu.enqueue_indirect_dma source(%arg10 : memref<128x128xf32, #tpu.memory_space<vmem>>) target(%dma_start3A_50 : memref<10112x128xf32, #tpu.memory_space<vmem_shared>>) offsets(%dma_start3A_47 : memref<128xi32, #tpu.memory_space<vmem>>) semaphore(%arg12 : memref<!tpu.dma_semaphore, #tpu.memory_space<semaphore_mem>>) {add = true}
      %dma_start3A_51 = arith.constant 2 : i32
      %dma_start3A_52 = arith.constant 0 : i32
      %dma_start3A_53 = tpu.memref_slice %arg9[%dma_start3A_51, %dma_start3A_52] : memref<16x128xi32, #tpu.memory_space<vmem>> -> memref<1x128xi32, #tpu.memory_space<vmem>>
      %dma_start3A_54 = tpu.memref_squeeze %dma_start3A_53 : memref<1x128xi32, #tpu.memory_space<vmem>> -> memref<128xi32, #tpu.memory_space<vmem>>
      %dma_start3A_55 = arith.constant 0 : i32
      %dma_start3A_56 = arith.constant 0 : i32
      %dma_start3A_57 = tpu.memref_slice %arg7[%dma_start3A_55, %dma_start3A_56] : memref<10112x128xf32, #tpu.memory_space<vmem_shared>> -> memref<10112x128xf32, #tpu.memory_space<vmem_shared>>
      tpu.enqueue_indirect_dma source(%arg10 : memref<128x128xf32, #tpu.memory_space<vmem>>) target(%dma_start3A_57 : memref<10112x128xf32, #tpu.memory_space<vmem_shared>>) offsets(%dma_start3A_54 : memref<128xi32, #tpu.memory_space<vmem>>) semaphore(%arg12 : memref<!tpu.dma_semaphore, #tpu.memory_space<semaphore_mem>>) {add = true}
      %dma_start3A_58 = arith.constant 3 : i32
      %dma_start3A_59 = arith.constant 0 : i32
      %dma_start3A_60 = tpu.memref_slice %arg9[%dma_start3A_58, %dma_start3A_59] : memref<16x128xi32, #tpu.memory_space<vmem>> -> memref<1x128xi32, #tpu.memory_space<vmem>>
      %dma_start3A_61 = tpu.memref_squeeze %dma_start3A_60 : memref<1x128xi32, #tpu.memory_space<vmem>> -> memref<128xi32, #tpu.memory_space<vmem>>
      %dma_start3A_62 = arith.constant 0 : i32
      %dma_start3A_63 = arith.constant 0 : i32
      %dma_start3A_64 = tpu.memref_slice %arg7[%dma_start3A_62, %dma_start3A_63] : memref<10112x128xf32, #tpu.memory_space<vmem_shared>> -> memref<10112x128xf32, #tpu.memory_space<vmem_shared>>
      tpu.enqueue_indirect_dma source(%arg10 : memref<128x128xf32, #tpu.memory_space<vmem>>) target(%dma_start3A_64 : memref<10112x128xf32, #tpu.memory_space<vmem_shared>>) offsets(%dma_start3A_61 : memref<128xi32, #tpu.memory_space<vmem>>) semaphore(%arg12 : memref<!tpu.dma_semaphore, #tpu.memory_space<semaphore_mem>>) {add = true}
      %dma_start3A_65 = arith.constant 4 : i32
      %dma_start3A_66 = arith.constant 0 : i32
      %dma_start3A_67 = tpu.memref_slice %arg9[%dma_start3A_65, %dma_start3A_66] : memref<16x128xi32, #tpu.memory_space<vmem>> -> memref<1x128xi32, #tpu.memory_space<vmem>>
      %dma_start3A_68 = tpu.memref_squeeze %dma_start3A_67 : memref<1x128xi32, #tpu.memory_space<vmem>> -> memref<128xi32, #tpu.memory_space<vmem>>
      %dma_start3A_69 = arith.constant 0 : i32
      %dma_start3A_70 = arith.constant 0 : i32
      %dma_start3A_71 = tpu.memref_slice %arg7[%dma_start3A_69, %dma_start3A_70] : memref<10112x128xf32, #tpu.memory_space<vmem_shared>> -> memref<10112x128xf32, #tpu.memory_space<vmem_shared>>
      tpu.enqueue_indirect_dma source(%arg10 : memref<128x128xf32, #tpu.memory_space<vmem>>) target(%dma_start3A_71 : memref<10112x128xf32, #tpu.memory_space<vmem_shared>>) offsets(%dma_start3A_68 : memref<128xi32, #tpu.memory_space<vmem>>) semaphore(%arg12 : memref<!tpu.dma_semaphore, #tpu.memory_space<semaphore_mem>>) {add = true}
      %dma_start3A_72 = arith.constant 5 : i32
      %dma_start3A_73 = arith.constant 0 : i32
      %dma_start3A_74 = tpu.memref_slice %arg9[%dma_start3A_72, %dma_start3A_73] : memref<16x128xi32, #tpu.memory_space<vmem>> -> memref<1x128xi32, #tpu.memory_space<vmem>>
      %dma_start3A_75 = tpu.memref_squeeze %dma_start3A_74 : memref<1x128xi32, #tpu.memory_space<vmem>> -> memref<128xi32, #tpu.memory_space<vmem>>
      %dma_start3A_76 = arith.constant 0 : i32
      %dma_start3A_77 = arith.constant 0 : i32
      %dma_start3A_78 = tpu.memref_slice %arg7[%dma_start3A_76, %dma_start3A_77] : memref<10112x128xf32, #tpu.memory_space<vmem_shared>> -> memref<10112x128xf32, #tpu.memory_space<vmem_shared>>
      tpu.enqueue_indirect_dma source(%arg10 : memref<128x128xf32, #tpu.memory_space<vmem>>) target(%dma_start3A_78 : memref<10112x128xf32, #tpu.memory_space<vmem_shared>>) offsets(%dma_start3A_75 : memref<128xi32, #tpu.memory_space<vmem>>) semaphore(%arg12 : memref<!tpu.dma_semaphore, #tpu.memory_space<semaphore_mem>>) {add = true}
      %dma_start3A_79 = arith.constant 6 : i32
      %dma_start3A_80 = arith.constant 0 : i32
      %dma_start3A_81 = tpu.memref_slice %arg9[%dma_start3A_79, %dma_start3A_80] : memref<16x128xi32, #tpu.memory_space<vmem>> -> memref<1x128xi32, #tpu.memory_space<vmem>>
      %dma_start3A_82 = tpu.memref_squeeze %dma_start3A_81 : memref<1x128xi32, #tpu.memory_space<vmem>> -> memref<128xi32, #tpu.memory_space<vmem>>
      %dma_start3A_83 = arith.constant 0 : i32
      %dma_start3A_84 = arith.constant 0 : i32
      %dma_start3A_85 = tpu.memref_slice %arg7[%dma_start3A_83, %dma_start3A_84] : memref<10112x128xf32, #tpu.memory_space<vmem_shared>> -> memref<10112x128xf32, #tpu.memory_space<vmem_shared>>
      tpu.enqueue_indirect_dma source(%arg10 : memref<128x128xf32, #tpu.memory_space<vmem>>) target(%dma_start3A_85 : memref<10112x128xf32, #tpu.memory_space<vmem_shared>>) offsets(%dma_start3A_82 : memref<128xi32, #tpu.memory_space<vmem>>) semaphore(%arg12 : memref<!tpu.dma_semaphore, #tpu.memory_space<semaphore_mem>>) {add = true}
      %dma_start3A_86 = arith.constant 7 : i32
      %dma_start3A_87 = arith.constant 0 : i32
      %dma_start3A_88 = tpu.memref_slice %arg9[%dma_start3A_86, %dma_start3A_87] : memref<16x128xi32, #tpu.memory_space<vmem>> -> memref<1x128xi32, #tpu.memory_space<vmem>>
      %dma_start3A_89 = tpu.memref_squeeze %dma_start3A_88 : memref<1x128xi32, #tpu.memory_space<vmem>> -> memref<128xi32, #tpu.memory_space<vmem>>
      %dma_start3A_90 = arith.constant 0 : i32
      %dma_start3A_91 = arith.constant 0 : i32
      %dma_start3A_92 = tpu.memref_slice %arg7[%dma_start3A_90, %dma_start3A_91] : memref<10112x128xf32, #tpu.memory_space<vmem_shared>> -> memref<10112x128xf32, #tpu.memory_space<vmem_shared>>
      tpu.enqueue_indirect_dma source(%arg10 : memref<128x128xf32, #tpu.memory_space<vmem>>) target(%dma_start3A_92 : memref<10112x128xf32, #tpu.memory_space<vmem_shared>>) offsets(%dma_start3A_89 : memref<128xi32, #tpu.memory_space<vmem>>) semaphore(%arg12 : memref<!tpu.dma_semaphore, #tpu.memory_space<semaphore_mem>>) {add = true}
      %dma_start3A_93 = arith.constant 8 : i32
      %dma_start3A_94 = arith.constant 0 : i32
      %dma_start3A_95 = tpu.memref_slice %arg9[%dma_start3A_93, %dma_start3A_94] : memref<16x128xi32, #tpu.memory_space<vmem>> -> memref<1x128xi32, #tpu.memory_space<vmem>>
      %dma_start3A_96 = tpu.memref_squeeze %dma_start3A_95 : memref<1x128xi32, #tpu.memory_space<vmem>> -> memref<128xi32, #tpu.memory_space<vmem>>
      %dma_start3A_97 = arith.constant 0 : i32
      %dma_start3A_98 = arith.constant 0 : i32
      %dma_start3A_99 = tpu.memref_slice %arg7[%dma_start3A_97, %dma_start3A_98] : memref<10112x128xf32, #tpu.memory_space<vmem_shared>> -> memref<10112x128xf32, #tpu.memory_space<vmem_shared>>
      tpu.enqueue_indirect_dma source(%arg10 : memref<128x128xf32, #tpu.memory_space<vmem>>) target(%dma_start3A_99 : memref<10112x128xf32, #tpu.memory_space<vmem_shared>>) offsets(%dma_start3A_96 : memref<128xi32, #tpu.memory_space<vmem>>) semaphore(%arg12 : memref<!tpu.dma_semaphore, #tpu.memory_space<semaphore_mem>>) {add = true}
      %dma_start3A_100 = arith.constant 9 : i32
      %dma_start3A_101 = arith.constant 0 : i32
      %dma_start3A_102 = tpu.memref_slice %arg9[%dma_start3A_100, %dma_start3A_101] : memref<16x128xi32, #tpu.memory_space<vmem>> -> memref<1x128xi32, #tpu.memory_space<vmem>>
      %dma_start3A_103 = tpu.memref_squeeze %dma_start3A_102 : memref<1x128xi32, #tpu.memory_space<vmem>> -> memref<128xi32, #tpu.memory_space<vmem>>
      %dma_start3A_104 = arith.constant 0 : i32
      %dma_start3A_105 = arith.constant 0 : i32
      %dma_start3A_106 = tpu.memref_slice %arg7[%dma_start3A_104, %dma_start3A_105] : memref<10112x128xf32, #tpu.memory_space<vmem_shared>> -> memref<10112x128xf32, #tpu.memory_space<vmem_shared>>
      tpu.enqueue_indirect_dma source(%arg10 : memref<128x128xf32, #tpu.memory_space<vmem>>) target(%dma_start3A_106 : memref<10112x128xf32, #tpu.memory_space<vmem_shared>>) offsets(%dma_start3A_103 : memref<128xi32, #tpu.memory_space<vmem>>) semaphore(%arg12 : memref<!tpu.dma_semaphore, #tpu.memory_space<semaphore_mem>>) {add = true}
      %dma_start3A_107 = arith.constant 10 : i32
      %dma_start3A_108 = arith.constant 0 : i32
      %dma_start3A_109 = tpu.memref_slice %arg9[%dma_start3A_107, %dma_start3A_108] : memref<16x128xi32, #tpu.memory_space<vmem>> -> memref<1x128xi32, #tpu.memory_space<vmem>>
      %dma_start3A_110 = tpu.memref_squeeze %dma_start3A_109 : memref<1x128xi32, #tpu.memory_space<vmem>> -> memref<128xi32, #tpu.memory_space<vmem>>
      %dma_start3A_111 = arith.constant 0 : i32
      %dma_start3A_112 = arith.constant 0 : i32
      %dma_start3A_113 = tpu.memref_slice %arg7[%dma_start3A_111, %dma_start3A_112] : memref<10112x128xf32, #tpu.memory_space<vmem_shared>> -> memref<10112x128xf32, #tpu.memory_space<vmem_shared>>
      tpu.enqueue_indirect_dma source(%arg10 : memref<128x128xf32, #tpu.memory_space<vmem>>) target(%dma_start3A_113 : memref<10112x128xf32, #tpu.memory_space<vmem_shared>>) offsets(%dma_start3A_110 : memref<128xi32, #tpu.memory_space<vmem>>) semaphore(%arg12 : memref<!tpu.dma_semaphore, #tpu.memory_space<semaphore_mem>>) {add = true}
      %dma_start3A_114 = arith.constant 11 : i32
      %dma_start3A_115 = arith.constant 0 : i32
      %dma_start3A_116 = tpu.memref_slice %arg9[%dma_start3A_114, %dma_start3A_115] : memref<16x128xi32, #tpu.memory_space<vmem>> -> memref<1x128xi32, #tpu.memory_space<vmem>>
      %dma_start3A_117 = tpu.memref_squeeze %dma_start3A_116 : memref<1x128xi32, #tpu.memory_space<vmem>> -> memref<128xi32, #tpu.memory_space<vmem>>
      %dma_start3A_118 = arith.constant 0 : i32
      %dma_start3A_119 = arith.constant 0 : i32
      %dma_start3A_120 = tpu.memref_slice %arg7[%dma_start3A_118, %dma_start3A_119] : memref<10112x128xf32, #tpu.memory_space<vmem_shared>> -> memref<10112x128xf32, #tpu.memory_space<vmem_shared>>
      tpu.enqueue_indirect_dma source(%arg10 : memref<128x128xf32, #tpu.memory_space<vmem>>) target(%dma_start3A_120 : memref<10112x128xf32, #tpu.memory_space<vmem_shared>>) offsets(%dma_start3A_117 : memref<128xi32, #tpu.memory_space<vmem>>) semaphore(%arg12 : memref<!tpu.dma_semaphore, #tpu.memory_space<semaphore_mem>>) {add = true}
      %dma_start3A_121 = arith.constant 12 : i32
      %dma_start3A_122 = arith.constant 0 : i32
      %dma_start3A_123 = tpu.memref_slice %arg9[%dma_start3A_121, %dma_start3A_122] : memref<16x128xi32, #tpu.memory_space<vmem>> -> memref<1x128xi32, #tpu.memory_space<vmem>>
      %dma_start3A_124 = tpu.memref_squeeze %dma_start3A_123 : memref<1x128xi32, #tpu.memory_space<vmem>> -> memref<128xi32, #tpu.memory_space<vmem>>
      %dma_start3A_125 = arith.constant 0 : i32
      %dma_start3A_126 = arith.constant 0 : i32
      %dma_start3A_127 = tpu.memref_slice %arg7[%dma_start3A_125, %dma_start3A_126] : memref<10112x128xf32, #tpu.memory_space<vmem_shared>> -> memref<10112x128xf32, #tpu.memory_space<vmem_shared>>
      tpu.enqueue_indirect_dma source(%arg10 : memref<128x128xf32, #tpu.memory_space<vmem>>) target(%dma_start3A_127 : memref<10112x128xf32, #tpu.memory_space<vmem_shared>>) offsets(%dma_start3A_124 : memref<128xi32, #tpu.memory_space<vmem>>) semaphore(%arg12 : memref<!tpu.dma_semaphore, #tpu.memory_space<semaphore_mem>>) {add = true}
      %dma_start3A_128 = arith.constant 13 : i32
      %dma_start3A_129 = arith.constant 0 : i32
      %dma_start3A_130 = tpu.memref_slice %arg9[%dma_start3A_128, %dma_start3A_129] : memref<16x128xi32, #tpu.memory_space<vmem>> -> memref<1x128xi32, #tpu.memory_space<vmem>>
      %dma_start3A_131 = tpu.memref_squeeze %dma_start3A_130 : memref<1x128xi32, #tpu.memory_space<vmem>> -> memref<128xi32, #tpu.memory_space<vmem>>
      %dma_start3A_132 = arith.constant 0 : i32
      %dma_start3A_133 = arith.constant 0 : i32
      %dma_start3A_134 = tpu.memref_slice %arg7[%dma_start3A_132, %dma_start3A_133] : memref<10112x128xf32, #tpu.memory_space<vmem_shared>> -> memref<10112x128xf32, #tpu.memory_space<vmem_shared>>
      tpu.enqueue_indirect_dma source(%arg10 : memref<128x128xf32, #tpu.memory_space<vmem>>) target(%dma_start3A_134 : memref<10112x128xf32, #tpu.memory_space<vmem_shared>>) offsets(%dma_start3A_131 : memref<128xi32, #tpu.memory_space<vmem>>) semaphore(%arg12 : memref<!tpu.dma_semaphore, #tpu.memory_space<semaphore_mem>>) {add = true}
      %dma_start3A_135 = arith.constant 14 : i32
      %dma_start3A_136 = arith.constant 0 : i32
      %dma_start3A_137 = tpu.memref_slice %arg9[%dma_start3A_135, %dma_start3A_136] : memref<16x128xi32, #tpu.memory_space<vmem>> -> memref<1x128xi32, #tpu.memory_space<vmem>>
      %dma_start3A_138 = tpu.memref_squeeze %dma_start3A_137 : memref<1x128xi32, #tpu.memory_space<vmem>> -> memref<128xi32, #tpu.memory_space<vmem>>
      %dma_start3A_139 = arith.constant 0 : i32
      %dma_start3A_140 = arith.constant 0 : i32
      %dma_start3A_141 = tpu.memref_slice %arg7[%dma_start3A_139, %dma_start3A_140] : memref<10112x128xf32, #tpu.memory_space<vmem_shared>> -> memref<10112x128xf32, #tpu.memory_space<vmem_shared>>
      tpu.enqueue_indirect_dma source(%arg10 : memref<128x128xf32, #tpu.memory_space<vmem>>) target(%dma_start3A_141 : memref<10112x128xf32, #tpu.memory_space<vmem_shared>>) offsets(%dma_start3A_138 : memref<128xi32, #tpu.memory_space<vmem>>) semaphore(%arg12 : memref<!tpu.dma_semaphore, #tpu.memory_space<semaphore_mem>>) {add = true}
      %dma_start3A_142 = arith.constant 15 : i32
      %dma_start3A_143 = arith.constant 0 : i32
      %dma_start3A_144 = tpu.memref_slice %arg9[%dma_start3A_142, %dma_start3A_143] : memref<16x128xi32, #tpu.memory_space<vmem>> -> memref<1x128xi32, #tpu.memory_space<vmem>>
      %dma_start3A_145 = tpu.memref_squeeze %dma_start3A_144 : memref<1x128xi32, #tpu.memory_space<vmem>> -> memref<128xi32, #tpu.memory_space<vmem>>
      %dma_start3A_146 = arith.constant 0 : i32
      %dma_start3A_147 = arith.constant 0 : i32
      %dma_start3A_148 = tpu.memref_slice %arg7[%dma_start3A_146, %dma_start3A_147] : memref<10112x128xf32, #tpu.memory_space<vmem_shared>> -> memref<10112x128xf32, #tpu.memory_space<vmem_shared>>
      tpu.enqueue_indirect_dma source(%arg10 : memref<128x128xf32, #tpu.memory_space<vmem>>) target(%dma_start3A_148 : memref<10112x128xf32, #tpu.memory_space<vmem_shared>>) offsets(%dma_start3A_145 : memref<128xi32, #tpu.memory_space<vmem>>) semaphore(%arg12 : memref<!tpu.dma_semaphore, #tpu.memory_space<semaphore_mem>>) {add = true}
      %dma_wait3A = arith.constant 0 : i32
      %dma_wait3A_149 = arith.constant 0 : i32
      %dma_wait3A_150 = tpu.memref_slice %arg9[%dma_wait3A, %dma_wait3A_149] : memref<16x128xi32, #tpu.memory_space<vmem>> -> memref<1x128xi32, #tpu.memory_space<vmem>>
      %dma_wait3A_151 = tpu.memref_squeeze %dma_wait3A_150 : memref<1x128xi32, #tpu.memory_space<vmem>> -> memref<128xi32, #tpu.memory_space<vmem>>
      %dma_wait3A_152 = arith.constant 0 : i32
      %dma_wait3A_153 = arith.constant 0 : i32
      %dma_wait3A_154 = tpu.memref_slice %arg7[%dma_wait3A_152, %dma_wait3A_153] : memref<10112x128xf32, #tpu.memory_space<vmem_shared>> -> memref<10112x128xf32, #tpu.memory_space<vmem_shared>>
      tpu.wait_indirect_dma semaphore(%arg12 : memref<!tpu.dma_semaphore, #tpu.memory_space<semaphore_mem>>) src(%arg10 : memref<128x128xf32, #tpu.memory_space<vmem>>) dst(%dma_wait3A_154 : memref<10112x128xf32, #tpu.memory_space<vmem_shared>>)
      %dma_wait3A_155 = arith.constant 1 : i32
      %dma_wait3A_156 = arith.constant 0 : i32
      %dma_wait3A_157 = tpu.memref_slice %arg9[%dma_wait3A_155, %dma_wait3A_156] : memref<16x128xi32, #tpu.memory_space<vmem>> -> memref<1x128xi32, #tpu.memory_space<vmem>>
      %dma_wait3A_158 = tpu.memref_squeeze %dma_wait3A_157 : memref<1x128xi32, #tpu.memory_space<vmem>> -> memref<128xi32, #tpu.memory_space<vmem>>
      %dma_wait3A_159 = arith.constant 0 : i32
      %dma_wait3A_160 = arith.constant 0 : i32
      %dma_wait3A_161 = tpu.memref_slice %arg7[%dma_wait3A_159, %dma_wait3A_160] : memref<10112x128xf32, #tpu.memory_space<vmem_shared>> -> memref<10112x128xf32, #tpu.memory_space<vmem_shared>>
      tpu.wait_indirect_dma semaphore(%arg12 : memref<!tpu.dma_semaphore, #tpu.memory_space<semaphore_mem>>) src(%arg10 : memref<128x128xf32, #tpu.memory_space<vmem>>) dst(%dma_wait3A_161 : memref<10112x128xf32, #tpu.memory_space<vmem_shared>>)
      %dma_wait3A_162 = arith.constant 2 : i32
      %dma_wait3A_163 = arith.constant 0 : i32
      %dma_wait3A_164 = tpu.memref_slice %arg9[%dma_wait3A_162, %dma_wait3A_163] : memref<16x128xi32, #tpu.memory_space<vmem>> -> memref<1x128xi32, #tpu.memory_space<vmem>>
      %dma_wait3A_165 = tpu.memref_squeeze %dma_wait3A_164 : memref<1x128xi32, #tpu.memory_space<vmem>> -> memref<128xi32, #tpu.memory_space<vmem>>
      %dma_wait3A_166 = arith.constant 0 : i32
      %dma_wait3A_167 = arith.constant 0 : i32
      %dma_wait3A_168 = tpu.memref_slice %arg7[%dma_wait3A_166, %dma_wait3A_167] : memref<10112x128xf32, #tpu.memory_space<vmem_shared>> -> memref<10112x128xf32, #tpu.memory_space<vmem_shared>>
      tpu.wait_indirect_dma semaphore(%arg12 : memref<!tpu.dma_semaphore, #tpu.memory_space<semaphore_mem>>) src(%arg10 : memref<128x128xf32, #tpu.memory_space<vmem>>) dst(%dma_wait3A_168 : memref<10112x128xf32, #tpu.memory_space<vmem_shared>>)
      %dma_wait3A_169 = arith.constant 3 : i32
      %dma_wait3A_170 = arith.constant 0 : i32
      %dma_wait3A_171 = tpu.memref_slice %arg9[%dma_wait3A_169, %dma_wait3A_170] : memref<16x128xi32, #tpu.memory_space<vmem>> -> memref<1x128xi32, #tpu.memory_space<vmem>>
      %dma_wait3A_172 = tpu.memref_squeeze %dma_wait3A_171 : memref<1x128xi32, #tpu.memory_space<vmem>> -> memref<128xi32, #tpu.memory_space<vmem>>
      %dma_wait3A_173 = arith.constant 0 : i32
      %dma_wait3A_174 = arith.constant 0 : i32
      %dma_wait3A_175 = tpu.memref_slice %arg7[%dma_wait3A_173, %dma_wait3A_174] : memref<10112x128xf32, #tpu.memory_space<vmem_shared>> -> memref<10112x128xf32, #tpu.memory_space<vmem_shared>>
      tpu.wait_indirect_dma semaphore(%arg12 : memref<!tpu.dma_semaphore, #tpu.memory_space<semaphore_mem>>) src(%arg10 : memref<128x128xf32, #tpu.memory_space<vmem>>) dst(%dma_wait3A_175 : memref<10112x128xf32, #tpu.memory_space<vmem_shared>>)
      %dma_wait3A_176 = arith.constant 4 : i32
      %dma_wait3A_177 = arith.constant 0 : i32
      %dma_wait3A_178 = tpu.memref_slice %arg9[%dma_wait3A_176, %dma_wait3A_177] : memref<16x128xi32, #tpu.memory_space<vmem>> -> memref<1x128xi32, #tpu.memory_space<vmem>>
      %dma_wait3A_179 = tpu.memref_squeeze %dma_wait3A_178 : memref<1x128xi32, #tpu.memory_space<vmem>> -> memref<128xi32, #tpu.memory_space<vmem>>
      %dma_wait3A_180 = arith.constant 0 : i32
      %dma_wait3A_181 = arith.constant 0 : i32
      %dma_wait3A_182 = tpu.memref_slice %arg7[%dma_wait3A_180, %dma_wait3A_181] : memref<10112x128xf32, #tpu.memory_space<vmem_shared>> -> memref<10112x128xf32, #tpu.memory_space<vmem_shared>>
      tpu.wait_indirect_dma semaphore(%arg12 : memref<!tpu.dma_semaphore, #tpu.memory_space<semaphore_mem>>) src(%arg10 : memref<128x128xf32, #tpu.memory_space<vmem>>) dst(%dma_wait3A_182 : memref<10112x128xf32, #tpu.memory_space<vmem_shared>>)
      %dma_wait3A_183 = arith.constant 5 : i32
      %dma_wait3A_184 = arith.constant 0 : i32
      %dma_wait3A_185 = tpu.memref_slice %arg9[%dma_wait3A_183, %dma_wait3A_184] : memref<16x128xi32, #tpu.memory_space<vmem>> -> memref<1x128xi32, #tpu.memory_space<vmem>>
      %dma_wait3A_186 = tpu.memref_squeeze %dma_wait3A_185 : memref<1x128xi32, #tpu.memory_space<vmem>> -> memref<128xi32, #tpu.memory_space<vmem>>
      %dma_wait3A_187 = arith.constant 0 : i32
      %dma_wait3A_188 = arith.constant 0 : i32
      %dma_wait3A_189 = tpu.memref_slice %arg7[%dma_wait3A_187, %dma_wait3A_188] : memref<10112x128xf32, #tpu.memory_space<vmem_shared>> -> memref<10112x128xf32, #tpu.memory_space<vmem_shared>>
      tpu.wait_indirect_dma semaphore(%arg12 : memref<!tpu.dma_semaphore, #tpu.memory_space<semaphore_mem>>) src(%arg10 : memref<128x128xf32, #tpu.memory_space<vmem>>) dst(%dma_wait3A_189 : memref<10112x128xf32, #tpu.memory_space<vmem_shared>>)
      %dma_wait3A_190 = arith.constant 6 : i32
      %dma_wait3A_191 = arith.constant 0 : i32
      %dma_wait3A_192 = tpu.memref_slice %arg9[%dma_wait3A_190, %dma_wait3A_191] : memref<16x128xi32, #tpu.memory_space<vmem>> -> memref<1x128xi32, #tpu.memory_space<vmem>>
      %dma_wait3A_193 = tpu.memref_squeeze %dma_wait3A_192 : memref<1x128xi32, #tpu.memory_space<vmem>> -> memref<128xi32, #tpu.memory_space<vmem>>
      %dma_wait3A_194 = arith.constant 0 : i32
      %dma_wait3A_195 = arith.constant 0 : i32
      %dma_wait3A_196 = tpu.memref_slice %arg7[%dma_wait3A_194, %dma_wait3A_195] : memref<10112x128xf32, #tpu.memory_space<vmem_shared>> -> memref<10112x128xf32, #tpu.memory_space<vmem_shared>>
      tpu.wait_indirect_dma semaphore(%arg12 : memref<!tpu.dma_semaphore, #tpu.memory_space<semaphore_mem>>) src(%arg10 : memref<128x128xf32, #tpu.memory_space<vmem>>) dst(%dma_wait3A_196 : memref<10112x128xf32, #tpu.memory_space<vmem_shared>>)
      %dma_wait3A_197 = arith.constant 7 : i32
      %dma_wait3A_198 = arith.constant 0 : i32
      %dma_wait3A_199 = tpu.memref_slice %arg9[%dma_wait3A_197, %dma_wait3A_198] : memref<16x128xi32, #tpu.memory_space<vmem>> -> memref<1x128xi32, #tpu.memory_space<vmem>>
      %dma_wait3A_200 = tpu.memref_squeeze %dma_wait3A_199 : memref<1x128xi32, #tpu.memory_space<vmem>> -> memref<128xi32, #tpu.memory_space<vmem>>
      %dma_wait3A_201 = arith.constant 0 : i32
      %dma_wait3A_202 = arith.constant 0 : i32
      %dma_wait3A_203 = tpu.memref_slice %arg7[%dma_wait3A_201, %dma_wait3A_202] : memref<10112x128xf32, #tpu.memory_space<vmem_shared>> -> memref<10112x128xf32, #tpu.memory_space<vmem_shared>>
      tpu.wait_indirect_dma semaphore(%arg12 : memref<!tpu.dma_semaphore, #tpu.memory_space<semaphore_mem>>) src(%arg10 : memref<128x128xf32, #tpu.memory_space<vmem>>) dst(%dma_wait3A_203 : memref<10112x128xf32, #tpu.memory_space<vmem_shared>>)
      %dma_wait3A_204 = arith.constant 8 : i32
      %dma_wait3A_205 = arith.constant 0 : i32
      %dma_wait3A_206 = tpu.memref_slice %arg9[%dma_wait3A_204, %dma_wait3A_205] : memref<16x128xi32, #tpu.memory_space<vmem>> -> memref<1x128xi32, #tpu.memory_space<vmem>>
      %dma_wait3A_207 = tpu.memref_squeeze %dma_wait3A_206 : memref<1x128xi32, #tpu.memory_space<vmem>> -> memref<128xi32, #tpu.memory_space<vmem>>
      %dma_wait3A_208 = arith.constant 0 : i32
      %dma_wait3A_209 = arith.constant 0 : i32
      %dma_wait3A_210 = tpu.memref_slice %arg7[%dma_wait3A_208, %dma_wait3A_209] : memref<10112x128xf32, #tpu.memory_space<vmem_shared>> -> memref<10112x128xf32, #tpu.memory_space<vmem_shared>>
      tpu.wait_indirect_dma semaphore(%arg12 : memref<!tpu.dma_semaphore, #tpu.memory_space<semaphore_mem>>) src(%arg10 : memref<128x128xf32, #tpu.memory_space<vmem>>) dst(%dma_wait3A_210 : memref<10112x128xf32, #tpu.memory_space<vmem_shared>>)
      %dma_wait3A_211 = arith.constant 9 : i32
      %dma_wait3A_212 = arith.constant 0 : i32
      %dma_wait3A_213 = tpu.memref_slice %arg9[%dma_wait3A_211, %dma_wait3A_212] : memref<16x128xi32, #tpu.memory_space<vmem>> -> memref<1x128xi32, #tpu.memory_space<vmem>>
      %dma_wait3A_214 = tpu.memref_squeeze %dma_wait3A_213 : memref<1x128xi32, #tpu.memory_space<vmem>> -> memref<128xi32, #tpu.memory_space<vmem>>
      %dma_wait3A_215 = arith.constant 0 : i32
      %dma_wait3A_216 = arith.constant 0 : i32
      %dma_wait3A_217 = tpu.memref_slice %arg7[%dma_wait3A_215, %dma_wait3A_216] : memref<10112x128xf32, #tpu.memory_space<vmem_shared>> -> memref<10112x128xf32, #tpu.memory_space<vmem_shared>>
      tpu.wait_indirect_dma semaphore(%arg12 : memref<!tpu.dma_semaphore, #tpu.memory_space<semaphore_mem>>) src(%arg10 : memref<128x128xf32, #tpu.memory_space<vmem>>) dst(%dma_wait3A_217 : memref<10112x128xf32, #tpu.memory_space<vmem_shared>>)
      %dma_wait3A_218 = arith.constant 10 : i32
      %dma_wait3A_219 = arith.constant 0 : i32
      %dma_wait3A_220 = tpu.memref_slice %arg9[%dma_wait3A_218, %dma_wait3A_219] : memref<16x128xi32, #tpu.memory_space<vmem>> -> memref<1x128xi32, #tpu.memory_space<vmem>>
      %dma_wait3A_221 = tpu.memref_squeeze %dma_wait3A_220 : memref<1x128xi32, #tpu.memory_space<vmem>> -> memref<128xi32, #tpu.memory_space<vmem>>
      %dma_wait3A_222 = arith.constant 0 : i32
      %dma_wait3A_223 = arith.constant 0 : i32
      %dma_wait3A_224 = tpu.memref_slice %arg7[%dma_wait3A_222, %dma_wait3A_223] : memref<10112x128xf32, #tpu.memory_space<vmem_shared>> -> memref<10112x128xf32, #tpu.memory_space<vmem_shared>>
      tpu.wait_indirect_dma semaphore(%arg12 : memref<!tpu.dma_semaphore, #tpu.memory_space<semaphore_mem>>) src(%arg10 : memref<128x128xf32, #tpu.memory_space<vmem>>) dst(%dma_wait3A_224 : memref<10112x128xf32, #tpu.memory_space<vmem_shared>>)
      %dma_wait3A_225 = arith.constant 11 : i32
      %dma_wait3A_226 = arith.constant 0 : i32
      %dma_wait3A_227 = tpu.memref_slice %arg9[%dma_wait3A_225, %dma_wait3A_226] : memref<16x128xi32, #tpu.memory_space<vmem>> -> memref<1x128xi32, #tpu.memory_space<vmem>>
      %dma_wait3A_228 = tpu.memref_squeeze %dma_wait3A_227 : memref<1x128xi32, #tpu.memory_space<vmem>> -> memref<128xi32, #tpu.memory_space<vmem>>
      %dma_wait3A_229 = arith.constant 0 : i32
      %dma_wait3A_230 = arith.constant 0 : i32
      %dma_wait3A_231 = tpu.memref_slice %arg7[%dma_wait3A_229, %dma_wait3A_230] : memref<10112x128xf32, #tpu.memory_space<vmem_shared>> -> memref<10112x128xf32, #tpu.memory_space<vmem_shared>>
      tpu.wait_indirect_dma semaphore(%arg12 : memref<!tpu.dma_semaphore, #tpu.memory_space<semaphore_mem>>) src(%arg10 : memref<128x128xf32, #tpu.memory_space<vmem>>) dst(%dma_wait3A_231 : memref<10112x128xf32, #tpu.memory_space<vmem_shared>>)
      %dma_wait3A_232 = arith.constant 12 : i32
      %dma_wait3A_233 = arith.constant 0 : i32
      %dma_wait3A_234 = tpu.memref_slice %arg9[%dma_wait3A_232, %dma_wait3A_233] : memref<16x128xi32, #tpu.memory_space<vmem>> -> memref<1x128xi32, #tpu.memory_space<vmem>>
      %dma_wait3A_235 = tpu.memref_squeeze %dma_wait3A_234 : memref<1x128xi32, #tpu.memory_space<vmem>> -> memref<128xi32, #tpu.memory_space<vmem>>
      %dma_wait3A_236 = arith.constant 0 : i32
      %dma_wait3A_237 = arith.constant 0 : i32
      %dma_wait3A_238 = tpu.memref_slice %arg7[%dma_wait3A_236, %dma_wait3A_237] : memref<10112x128xf32, #tpu.memory_space<vmem_shared>> -> memref<10112x128xf32, #tpu.memory_space<vmem_shared>>
      tpu.wait_indirect_dma semaphore(%arg12 : memref<!tpu.dma_semaphore, #tpu.memory_space<semaphore_mem>>) src(%arg10 : memref<128x128xf32, #tpu.memory_space<vmem>>) dst(%dma_wait3A_238 : memref<10112x128xf32, #tpu.memory_space<vmem_shared>>)
      %dma_wait3A_239 = arith.constant 13 : i32
      %dma_wait3A_240 = arith.constant 0 : i32
      %dma_wait3A_241 = tpu.memref_slice %arg9[%dma_wait3A_239, %dma_wait3A_240] : memref<16x128xi32, #tpu.memory_space<vmem>> -> memref<1x128xi32, #tpu.memory_space<vmem>>
      %dma_wait3A_242 = tpu.memref_squeeze %dma_wait3A_241 : memref<1x128xi32, #tpu.memory_space<vmem>> -> memref<128xi32, #tpu.memory_space<vmem>>
      %dma_wait3A_243 = arith.constant 0 : i32
      %dma_wait3A_244 = arith.constant 0 : i32
      %dma_wait3A_245 = tpu.memref_slice %arg7[%dma_wait3A_243, %dma_wait3A_244] : memref<10112x128xf32, #tpu.memory_space<vmem_shared>> -> memref<10112x128xf32, #tpu.memory_space<vmem_shared>>
      tpu.wait_indirect_dma semaphore(%arg12 : memref<!tpu.dma_semaphore, #tpu.memory_space<semaphore_mem>>) src(%arg10 : memref<128x128xf32, #tpu.memory_space<vmem>>) dst(%dma_wait3A_245 : memref<10112x128xf32, #tpu.memory_space<vmem_shared>>)
      %dma_wait3A_246 = arith.constant 14 : i32
      %dma_wait3A_247 = arith.constant 0 : i32
      %dma_wait3A_248 = tpu.memref_slice %arg9[%dma_wait3A_246, %dma_wait3A_247] : memref<16x128xi32, #tpu.memory_space<vmem>> -> memref<1x128xi32, #tpu.memory_space<vmem>>
      %dma_wait3A_249 = tpu.memref_squeeze %dma_wait3A_248 : memref<1x128xi32, #tpu.memory_space<vmem>> -> memref<128xi32, #tpu.memory_space<vmem>>
      %dma_wait3A_250 = arith.constant 0 : i32
      %dma_wait3A_251 = arith.constant 0 : i32
      %dma_wait3A_252 = tpu.memref_slice %arg7[%dma_wait3A_250, %dma_wait3A_251] : memref<10112x128xf32, #tpu.memory_space<vmem_shared>> -> memref<10112x128xf32, #tpu.memory_space<vmem_shared>>
      tpu.wait_indirect_dma semaphore(%arg12 : memref<!tpu.dma_semaphore, #tpu.memory_space<semaphore_mem>>) src(%arg10 : memref<128x128xf32, #tpu.memory_space<vmem>>) dst(%dma_wait3A_252 : memref<10112x128xf32, #tpu.memory_space<vmem_shared>>)
      %dma_wait3A_253 = arith.constant 15 : i32
      %dma_wait3A_254 = arith.constant 0 : i32
      %dma_wait3A_255 = tpu.memref_slice %arg9[%dma_wait3A_253, %dma_wait3A_254] : memref<16x128xi32, #tpu.memory_space<vmem>> -> memref<1x128xi32, #tpu.memory_space<vmem>>
      %dma_wait3A_256 = tpu.memref_squeeze %dma_wait3A_255 : memref<1x128xi32, #tpu.memory_space<vmem>> -> memref<128xi32, #tpu.memory_space<vmem>>
      %dma_wait3A_257 = arith.constant 0 : i32
      %dma_wait3A_258 = arith.constant 0 : i32
      %dma_wait3A_259 = tpu.memref_slice %arg7[%dma_wait3A_257, %dma_wait3A_258] : memref<10112x128xf32, #tpu.memory_space<vmem_shared>> -> memref<10112x128xf32, #tpu.memory_space<vmem_shared>>
      tpu.wait_indirect_dma semaphore(%arg12 : memref<!tpu.dma_semaphore, #tpu.memory_space<semaphore_mem>>) src(%arg10 : memref<128x128xf32, #tpu.memory_space<vmem>>) dst(%dma_wait3A_259 : memref<10112x128xf32, #tpu.memory_space<vmem_shared>>)
    }
    %scan3A_14 = arith.constant 5 : i32
    %barrier3A_15 = arith.constant 0 : index
    tpu.barrier barrier_id(%barrier3A_15)
    %mul3A_16 = arith.constant 632 : i32
    %mul3A_17 = arith.muli %arg1, %mul3A_16 : i32
    %mul3A_18 = arith.constant 632 : i32
    %mul3A_19 = arith.muli %arg1, %mul3A_18 : i32
    "tpu.region"() ({
      %run_scoped3A = tpu.sem_alloc : memref<!tpu.dma_semaphore, #tpu.memory_space<semaphore_mem>>
      %dma_start3A = arith.constant 0 : i32
      %dma_start3A_35 = tpu.memref_slice %arg6[%arg0, %mul3A_19, %dma_start3A] : memref<2x10112x128xf32, #tpu.memory_space<hbm>> -> memref<1x632x128xf32, #tpu.memory_space<hbm>>
      %dma_start3A_36 = tpu.memref_squeeze %dma_start3A_35 : memref<1x632x128xf32, #tpu.memory_space<hbm>> -> memref<632x128xf32, #tpu.memory_space<hbm>>
      %dma_start3A_37 = arith.constant 0 : i32
      %dma_start3A_38 = tpu.memref_slice %arg7[%mul3A_17, %dma_start3A_37] : memref<10112x128xf32, #tpu.memory_space<vmem_shared>> -> memref<632x128xf32, #tpu.memory_space<vmem_shared>>
      tpu.enqueue_dma source(%dma_start3A_38 : memref<632x128xf32, #tpu.memory_space<vmem_shared>>) target(%dma_start3A_36 : memref<632x128xf32, #tpu.memory_space<hbm>>) target_semaphore(%run_scoped3A : memref<!tpu.dma_semaphore, #tpu.memory_space<semaphore_mem>>)
      %dma_wait3A = arith.constant 0 : i32
      %dma_wait3A_39 = tpu.memref_slice %arg6[%arg0, %mul3A_19, %dma_wait3A] : memref<2x10112x128xf32, #tpu.memory_space<hbm>> -> memref<1x632x128xf32, #tpu.memory_space<hbm>>
      %dma_wait3A_40 = tpu.memref_squeeze %dma_wait3A_39 : memref<1x632x128xf32, #tpu.memory_space<hbm>> -> memref<632x128xf32, #tpu.memory_space<hbm>>
      %dma_wait3A_41 = arith.constant 0 : i32
      %dma_wait3A_42 = tpu.memref_slice %arg7[%mul3A_17, %dma_wait3A_41] : memref<10112x128xf32, #tpu.memory_space<vmem_shared>> -> memref<632x128xf32, #tpu.memory_space<vmem_shared>>
      tpu.wait_dma2 semaphore(%run_scoped3A : memref<!tpu.dma_semaphore, #tpu.memory_space<semaphore_mem>>) src(%dma_wait3A_42 : memref<632x128xf32, #tpu.memory_space<vmem_shared>>) dst(%dma_wait3A_40 : memref<632x128xf32, #tpu.memory_space<hbm>>)
      tpu.yield
    }) : () -> ()
    %barrier3A_20 = arith.constant 0 : index
    tpu.barrier barrier_id(%barrier3A_20)
    %mul3A_21 = arith.constant 632 : i32
    %mul3A_22 = arith.muli %arg1, %mul3A_21 : i32
    "tpu.region"() ({
      %run_scoped3A = tpu.sem_alloc : memref<!tpu.dma_semaphore, #tpu.memory_space<semaphore_mem>>
      %dma_start3A = arith.constant 0 : i32
      %dma_start3A_35 = tpu.memref_slice %arg7[%mul3A_22, %dma_start3A] : memref<10112x128xf32, #tpu.memory_space<vmem_shared>> -> memref<632x128xf32, #tpu.memory_space<vmem_shared>>
      tpu.enqueue_dma source(%arg4 : memref<632x128xf32, #tpu.memory_space<hbm>>) target(%dma_start3A_35 : memref<632x128xf32, #tpu.memory_space<vmem_shared>>) target_semaphore(%run_scoped3A : memref<!tpu.dma_semaphore, #tpu.memory_space<semaphore_mem>>)
      %dma_wait3A = arith.constant 0 : i32
      %dma_wait3A_36 = tpu.memref_slice %arg7[%mul3A_22, %dma_wait3A] : memref<10112x128xf32, #tpu.memory_space<vmem_shared>> -> memref<632x128xf32, #tpu.memory_space<vmem_shared>>
      tpu.wait_dma2 semaphore(%run_scoped3A : memref<!tpu.dma_semaphore, #tpu.memory_space<semaphore_mem>>) src(%arg4 : memref<632x128xf32, #tpu.memory_space<hbm>>) dst(%dma_wait3A_36 : memref<632x128xf32, #tpu.memory_space<vmem_shared>>)
      tpu.yield
    }) : () -> ()
    %barrier3A_23 = arith.constant 0 : index
    tpu.barrier barrier_id(%barrier3A_23)
    %scan3A_24 = arith.constant 0 : i32
    %scan3A_25 = arith.constant 0 : i32
    %scan3A_26 = arith.constant 5 : i32
    %scan3A_27 = arith.addi %scan3A_25, %scan3A_26 : i32
    %scan3A_28 = arith.constant 1 : i32
    scf.for %scan3A_35 = %scan3A_25 to %scan3A_27 step %scan3A_28  : i32 {
      %mul3A_36 = arith.constant 16 : i32
      %mul3A_37 = arith.muli %scan3A_35, %mul3A_36 : i32
      %run_scoped3A = arith.constant 0 : i32
      "tpu.region"() ({
        %run_scoped3A_487 = tpu.sem_alloc : memref<!tpu.dma_semaphore, #tpu.memory_space<semaphore_mem>>
        %dma_start3A_488 = arith.constant 0 : i32
        %dma_start3A_489 = tpu.memref_slice %arg3[%run_scoped3A, %add3A, %mul3A_37, %dma_start3A_488] : memref<2x32x80x128xi32, #tpu.memory_space<hbm>> -> memref<1x1x16x128xi32, #tpu.memory_space<hbm>>
        %dma_start3A_490 = tpu.memref_squeeze %dma_start3A_489 : memref<1x1x16x128xi32, #tpu.memory_space<hbm>> -> memref<16x128xi32, #tpu.memory_space<hbm>>
        %dma_start3A_491 = arith.constant 0 : i32
        %dma_start3A_492 = tpu.memref_slice %arg3[%run_scoped3A, %add3A, %mul3A_37, %dma_start3A_491] : memref<2x32x80x128xi32, #tpu.memory_space<hbm>> -> memref<1x1x16x128xi32, #tpu.memory_space<hbm>>
        %dma_start3A_493 = tpu.memref_squeeze %dma_start3A_492 : memref<1x1x16x128xi32, #tpu.memory_space<hbm>> -> memref<16x128xi32, #tpu.memory_space<hbm>>
        tpu.enqueue_dma source(%dma_start3A_493 : memref<16x128xi32, #tpu.memory_space<hbm>>) target(%arg8 : memref<16x128xi32, #tpu.memory_space<vmem>>) target_semaphore(%run_scoped3A_487 : memref<!tpu.dma_semaphore, #tpu.memory_space<semaphore_mem>>)
        %dma_wait3A_494 = arith.constant 0 : i32
        %dma_wait3A_495 = tpu.memref_slice %arg3[%run_scoped3A, %add3A, %mul3A_37, %dma_wait3A_494] : memref<2x32x80x128xi32, #tpu.memory_space<hbm>> -> memref<1x1x16x128xi32, #tpu.memory_space<hbm>>
        %dma_wait3A_496 = tpu.memref_squeeze %dma_wait3A_495 : memref<1x1x16x128xi32, #tpu.memory_space<hbm>> -> memref<16x128xi32, #tpu.memory_space<hbm>>
        %dma_wait3A_497 = arith.constant 0 : i32
        %dma_wait3A_498 = tpu.memref_slice %arg3[%run_scoped3A, %add3A, %mul3A_37, %dma_wait3A_497] : memref<2x32x80x128xi32, #tpu.memory_space<hbm>> -> memref<1x1x16x128xi32, #tpu.memory_space<hbm>>
        %dma_wait3A_499 = tpu.memref_squeeze %dma_wait3A_498 : memref<1x1x16x128xi32, #tpu.memory_space<hbm>> -> memref<16x128xi32, #tpu.memory_space<hbm>>
        tpu.wait_dma2 semaphore(%run_scoped3A_487 : memref<!tpu.dma_semaphore, #tpu.memory_space<semaphore_mem>>) src(%dma_wait3A_499 : memref<16x128xi32, #tpu.memory_space<hbm>>) dst(%arg8 : memref<16x128xi32, #tpu.memory_space<vmem>>)
        tpu.yield
      }) : () -> ()
      %mul3A_38 = arith.constant 16 : i32
      %mul3A_39 = arith.muli %scan3A_35, %mul3A_38 : i32
      %run_scoped3A_40 = arith.constant 1 : i32
      "tpu.region"() ({
        %run_scoped3A_487 = tpu.sem_alloc : memref<!tpu.dma_semaphore, #tpu.memory_space<semaphore_mem>>
        %dma_start3A_488 = arith.constant 0 : i32
        %dma_start3A_489 = tpu.memref_slice %arg3[%run_scoped3A_40, %add3A, %mul3A_39, %dma_start3A_488] : memref<2x32x80x128xi32, #tpu.memory_space<hbm>> -> memref<1x1x16x128xi32, #tpu.memory_space<hbm>>
        %dma_start3A_490 = tpu.memref_squeeze %dma_start3A_489 : memref<1x1x16x128xi32, #tpu.memory_space<hbm>> -> memref<16x128xi32, #tpu.memory_space<hbm>>
        %dma_start3A_491 = arith.constant 0 : i32
        %dma_start3A_492 = tpu.memref_slice %arg3[%run_scoped3A_40, %add3A, %mul3A_39, %dma_start3A_491] : memref<2x32x80x128xi32, #tpu.memory_space<hbm>> -> memref<1x1x16x128xi32, #tpu.memory_space<hbm>>
        %dma_start3A_493 = tpu.memref_squeeze %dma_start3A_492 : memref<1x1x16x128xi32, #tpu.memory_space<hbm>> -> memref<16x128xi32, #tpu.memory_space<hbm>>
        tpu.enqueue_dma source(%dma_start3A_493 : memref<16x128xi32, #tpu.memory_space<hbm>>) target(%arg9 : memref<16x128xi32, #tpu.memory_space<vmem>>) target_semaphore(%run_scoped3A_487 : memref<!tpu.dma_semaphore, #tpu.memory_space<semaphore_mem>>)
        %dma_wait3A_494 = arith.constant 0 : i32
        %dma_wait3A_495 = tpu.memref_slice %arg3[%run_scoped3A_40, %add3A, %mul3A_39, %dma_wait3A_494] : memref<2x32x80x128xi32, #tpu.memory_space<hbm>> -> memref<1x1x16x128xi32, #tpu.memory_space<hbm>>
        %dma_wait3A_496 = tpu.memref_squeeze %dma_wait3A_495 : memref<1x1x16x128xi32, #tpu.memory_space<hbm>> -> memref<16x128xi32, #tpu.memory_space<hbm>>
        %dma_wait3A_497 = arith.constant 0 : i32
        %dma_wait3A_498 = tpu.memref_slice %arg3[%run_scoped3A_40, %add3A, %mul3A_39, %dma_wait3A_497] : memref<2x32x80x128xi32, #tpu.memory_space<hbm>> -> memref<1x1x16x128xi32, #tpu.memory_space<hbm>>
        %dma_wait3A_499 = tpu.memref_squeeze %dma_wait3A_498 : memref<1x1x16x128xi32, #tpu.memory_space<hbm>> -> memref<16x128xi32, #tpu.memory_space<hbm>>
        tpu.wait_dma2 semaphore(%run_scoped3A_487 : memref<!tpu.dma_semaphore, #tpu.memory_space<semaphore_mem>>) src(%dma_wait3A_499 : memref<16x128xi32, #tpu.memory_space<hbm>>) dst(%arg9 : memref<16x128xi32, #tpu.memory_space<vmem>>)
        tpu.yield
      }) : () -> ()
      %dma_start3A = arith.constant 0 : i32
      %dma_start3A_41 = arith.constant 0 : i32
      %dma_start3A_42 = tpu.memref_slice %arg8[%dma_start3A, %dma_start3A_41] : memref<16x128xi32, #tpu.memory_space<vmem>> -> memref<1x128xi32, #tpu.memory_space<vmem>>
      %dma_start3A_43 = tpu.memref_squeeze %dma_start3A_42 : memref<1x128xi32, #tpu.memory_space<vmem>> -> memref<128xi32, #tpu.memory_space<vmem>>
      %dma_start3A_44 = arith.constant 0 : i32
      %dma_start3A_45 = arith.constant 0 : i32
      %dma_start3A_46 = tpu.memref_slice %arg2[%dma_start3A_44, %dma_start3A_45] : memref<10000x128xf32, #tpu.memory_space<hbm>> -> memref<10000x128xf32, #tpu.memory_space<hbm>>
      tpu.enqueue_indirect_dma source(%dma_start3A_46 : memref<10000x128xf32, #tpu.memory_space<hbm>>) target(%arg10 : memref<128x128xf32, #tpu.memory_space<vmem>>) offsets(%dma_start3A_43 : memref<128xi32, #tpu.memory_space<vmem>>) semaphore(%arg12 : memref<!tpu.dma_semaphore, #tpu.memory_space<semaphore_mem>>)
      %dma_wait3A = arith.constant 0 : i32
      %dma_wait3A_47 = arith.constant 0 : i32
      %dma_wait3A_48 = tpu.memref_slice %arg8[%dma_wait3A, %dma_wait3A_47] : memref<16x128xi32, #tpu.memory_space<vmem>> -> memref<1x128xi32, #tpu.memory_space<vmem>>
      %dma_wait3A_49 = tpu.memref_squeeze %dma_wait3A_48 : memref<1x128xi32, #tpu.memory_space<vmem>> -> memref<128xi32, #tpu.memory_space<vmem>>
      %dma_wait3A_50 = arith.constant 0 : i32
      %dma_wait3A_51 = arith.constant 0 : i32
      %dma_wait3A_52 = tpu.memref_slice %arg2[%dma_wait3A_50, %dma_wait3A_51] : memref<10000x128xf32, #tpu.memory_space<hbm>> -> memref<10000x128xf32, #tpu.memory_space<hbm>>
      tpu.wait_indirect_dma semaphore(%arg12 : memref<!tpu.dma_semaphore, #tpu.memory_space<semaphore_mem>>) src(%dma_wait3A_52 : memref<10000x128xf32, #tpu.memory_space<hbm>>) dst(%arg10 : memref<128x128xf32, #tpu.memory_space<vmem>>)
      %dma_start3A_53 = arith.constant 0 : i32
      %dma_start3A_54 = arith.constant 0 : i32
      %dma_start3A_55 = tpu.memref_slice %arg9[%dma_start3A_53, %dma_start3A_54] : memref<16x128xi32, #tpu.memory_space<vmem>> -> memref<1x128xi32, #tpu.memory_space<vmem>>
      %dma_start3A_56 = tpu.memref_squeeze %dma_start3A_55 : memref<1x128xi32, #tpu.memory_space<vmem>> -> memref<128xi32, #tpu.memory_space<vmem>>
      %dma_start3A_57 = arith.constant 0 : i32
      %dma_start3A_58 = arith.constant 0 : i32
      %dma_start3A_59 = tpu.memref_slice %arg7[%dma_start3A_57, %dma_start3A_58] : memref<10112x128xf32, #tpu.memory_space<vmem_shared>> -> memref<10112x128xf32, #tpu.memory_space<vmem_shared>>
      tpu.enqueue_indirect_dma source(%arg10 : memref<128x128xf32, #tpu.memory_space<vmem>>) target(%dma_start3A_59 : memref<10112x128xf32, #tpu.memory_space<vmem_shared>>) offsets(%dma_start3A_56 : memref<128xi32, #tpu.memory_space<vmem>>) semaphore(%arg14 : memref<!tpu.dma_semaphore, #tpu.memory_space<semaphore_mem>>) {add = true}
      %dma_start3A_60 = arith.constant 1 : i32
      %dma_start3A_61 = arith.constant 0 : i32
      %dma_start3A_62 = tpu.memref_slice %arg8[%dma_start3A_60, %dma_start3A_61] : memref<16x128xi32, #tpu.memory_space<vmem>> -> memref<1x128xi32, #tpu.memory_space<vmem>>
      %dma_start3A_63 = tpu.memref_squeeze %dma_start3A_62 : memref<1x128xi32, #tpu.memory_space<vmem>> -> memref<128xi32, #tpu.memory_space<vmem>>
      %dma_start3A_64 = arith.constant 0 : i32
      %dma_start3A_65 = arith.constant 0 : i32
      %dma_start3A_66 = tpu.memref_slice %arg2[%dma_start3A_64, %dma_start3A_65] : memref<10000x128xf32, #tpu.memory_space<hbm>> -> memref<10000x128xf32, #tpu.memory_space<hbm>>
      tpu.enqueue_indirect_dma source(%dma_start3A_66 : memref<10000x128xf32, #tpu.memory_space<hbm>>) target(%arg11 : memref<128x128xf32, #tpu.memory_space<vmem>>) offsets(%dma_start3A_63 : memref<128xi32, #tpu.memory_space<vmem>>) semaphore(%arg13 : memref<!tpu.dma_semaphore, #tpu.memory_space<semaphore_mem>>)
      %dma_wait3A_67 = arith.constant 1 : i32
      %dma_wait3A_68 = arith.constant 0 : i32
      %dma_wait3A_69 = tpu.memref_slice %arg8[%dma_wait3A_67, %dma_wait3A_68] : memref<16x128xi32, #tpu.memory_space<vmem>> -> memref<1x128xi32, #tpu.memory_space<vmem>>
      %dma_wait3A_70 = tpu.memref_squeeze %dma_wait3A_69 : memref<1x128xi32, #tpu.memory_space<vmem>> -> memref<128xi32, #tpu.memory_space<vmem>>
      %dma_wait3A_71 = arith.constant 0 : i32
      %dma_wait3A_72 = arith.constant 0 : i32
      %dma_wait3A_73 = tpu.memref_slice %arg2[%dma_wait3A_71, %dma_wait3A_72] : memref<10000x128xf32, #tpu.memory_space<hbm>> -> memref<10000x128xf32, #tpu.memory_space<hbm>>
      tpu.wait_indirect_dma semaphore(%arg13 : memref<!tpu.dma_semaphore, #tpu.memory_space<semaphore_mem>>) src(%dma_wait3A_73 : memref<10000x128xf32, #tpu.memory_space<hbm>>) dst(%arg11 : memref<128x128xf32, #tpu.memory_space<vmem>>)
      %dma_start3A_74 = arith.constant 1 : i32
      %dma_start3A_75 = arith.constant 0 : i32
      %dma_start3A_76 = tpu.memref_slice %arg9[%dma_start3A_74, %dma_start3A_75] : memref<16x128xi32, #tpu.memory_space<vmem>> -> memref<1x128xi32, #tpu.memory_space<vmem>>
      %dma_start3A_77 = tpu.memref_squeeze %dma_start3A_76 : memref<1x128xi32, #tpu.memory_space<vmem>> -> memref<128xi32, #tpu.memory_space<vmem>>
      %dma_start3A_78 = arith.constant 0 : i32
      %dma_start3A_79 = arith.constant 0 : i32
      %dma_start3A_80 = tpu.memref_slice %arg7[%dma_start3A_78, %dma_start3A_79] : memref<10112x128xf32, #tpu.memory_space<vmem_shared>> -> memref<10112x128xf32, #tpu.memory_space<vmem_shared>>
      tpu.enqueue_indirect_dma source(%arg11 : memref<128x128xf32, #tpu.memory_space<vmem>>) target(%dma_start3A_80 : memref<10112x128xf32, #tpu.memory_space<vmem_shared>>) offsets(%dma_start3A_77 : memref<128xi32, #tpu.memory_space<vmem>>) semaphore(%arg15 : memref<!tpu.dma_semaphore, #tpu.memory_space<semaphore_mem>>) {add = true}
      %dma_wait3A_81 = arith.constant 0 : i32
      %dma_wait3A_82 = arith.constant 0 : i32
      %dma_wait3A_83 = tpu.memref_slice %arg9[%dma_wait3A_81, %dma_wait3A_82] : memref<16x128xi32, #tpu.memory_space<vmem>> -> memref<1x128xi32, #tpu.memory_space<vmem>>
      %dma_wait3A_84 = tpu.memref_squeeze %dma_wait3A_83 : memref<1x128xi32, #tpu.memory_space<vmem>> -> memref<128xi32, #tpu.memory_space<vmem>>
      %dma_wait3A_85 = arith.constant 0 : i32
      %dma_wait3A_86 = arith.constant 0 : i32
      %dma_wait3A_87 = tpu.memref_slice %arg7[%dma_wait3A_85, %dma_wait3A_86] : memref<10112x128xf32, #tpu.memory_space<vmem_shared>> -> memref<10112x128xf32, #tpu.memory_space<vmem_shared>>
      tpu.wait_indirect_dma semaphore(%arg14 : memref<!tpu.dma_semaphore, #tpu.memory_space<semaphore_mem>>) src(%arg10 : memref<128x128xf32, #tpu.memory_space<vmem>>) dst(%dma_wait3A_87 : memref<10112x128xf32, #tpu.memory_space<vmem_shared>>)
      %dma_start3A_88 = arith.constant 2 : i32
      %dma_start3A_89 = arith.constant 0 : i32
      %dma_start3A_90 = tpu.memref_slice %arg8[%dma_start3A_88, %dma_start3A_89] : memref<16x128xi32, #tpu.memory_space<vmem>> -> memref<1x128xi32, #tpu.memory_space<vmem>>
      %dma_start3A_91 = tpu.memref_squeeze %dma_start3A_90 : memref<1x128xi32, #tpu.memory_space<vmem>> -> memref<128xi32, #tpu.memory_space<vmem>>
      %dma_start3A_92 = arith.constant 0 : i32
      %dma_start3A_93 = arith.constant 0 : i32
      %dma_start3A_94 = tpu.memref_slice %arg2[%dma_start3A_92, %dma_start3A_93] : memref<10000x128xf32, #tpu.memory_space<hbm>> -> memref<10000x128xf32, #tpu.memory_space<hbm>>
      tpu.enqueue_indirect_dma source(%dma_start3A_94 : memref<10000x128xf32, #tpu.memory_space<hbm>>) target(%arg10 : memref<128x128xf32, #tpu.memory_space<vmem>>) offsets(%dma_start3A_91 : memref<128xi32, #tpu.memory_space<vmem>>) semaphore(%arg12 : memref<!tpu.dma_semaphore, #tpu.memory_space<semaphore_mem>>)
      %dma_wait3A_95 = arith.constant 2 : i32
      %dma_wait3A_96 = arith.constant 0 : i32
      %dma_wait3A_97 = tpu.memref_slice %arg8[%dma_wait3A_95, %dma_wait3A_96] : memref<16x128xi32, #tpu.memory_space<vmem>> -> memref<1x128xi32, #tpu.memory_space<vmem>>
      %dma_wait3A_98 = tpu.memref_squeeze %dma_wait3A_97 : memref<1x128xi32, #tpu.memory_space<vmem>> -> memref<128xi32, #tpu.memory_space<vmem>>
      %dma_wait3A_99 = arith.constant 0 : i32
      %dma_wait3A_100 = arith.constant 0 : i32
      %dma_wait3A_101 = tpu.memref_slice %arg2[%dma_wait3A_99, %dma_wait3A_100] : memref<10000x128xf32, #tpu.memory_space<hbm>> -> memref<10000x128xf32, #tpu.memory_space<hbm>>
      tpu.wait_indirect_dma semaphore(%arg12 : memref<!tpu.dma_semaphore, #tpu.memory_space<semaphore_mem>>) src(%dma_wait3A_101 : memref<10000x128xf32, #tpu.memory_space<hbm>>) dst(%arg10 : memref<128x128xf32, #tpu.memory_space<vmem>>)
      %dma_start3A_102 = arith.constant 2 : i32
      %dma_start3A_103 = arith.constant 0 : i32
      %dma_start3A_104 = tpu.memref_slice %arg9[%dma_start3A_102, %dma_start3A_103] : memref<16x128xi32, #tpu.memory_space<vmem>> -> memref<1x128xi32, #tpu.memory_space<vmem>>
      %dma_start3A_105 = tpu.memref_squeeze %dma_start3A_104 : memref<1x128xi32, #tpu.memory_space<vmem>> -> memref<128xi32, #tpu.memory_space<vmem>>
      %dma_start3A_106 = arith.constant 0 : i32
      %dma_start3A_107 = arith.constant 0 : i32
      %dma_start3A_108 = tpu.memref_slice %arg7[%dma_start3A_106, %dma_start3A_107] : memref<10112x128xf32, #tpu.memory_space<vmem_shared>> -> memref<10112x128xf32, #tpu.memory_space<vmem_shared>>
      tpu.enqueue_indirect_dma source(%arg10 : memref<128x128xf32, #tpu.memory_space<vmem>>) target(%dma_start3A_108 : memref<10112x128xf32, #tpu.memory_space<vmem_shared>>) offsets(%dma_start3A_105 : memref<128xi32, #tpu.memory_space<vmem>>) semaphore(%arg14 : memref<!tpu.dma_semaphore, #tpu.memory_space<semaphore_mem>>) {add = true}
      %dma_wait3A_109 = arith.constant 1 : i32
      %dma_wait3A_110 = arith.constant 0 : i32
      %dma_wait3A_111 = tpu.memref_slice %arg9[%dma_wait3A_109, %dma_wait3A_110] : memref<16x128xi32, #tpu.memory_space<vmem>> -> memref<1x128xi32, #tpu.memory_space<vmem>>
      %dma_wait3A_112 = tpu.memref_squeeze %dma_wait3A_111 : memref<1x128xi32, #tpu.memory_space<vmem>> -> memref<128xi32, #tpu.memory_space<vmem>>
      %dma_wait3A_113 = arith.constant 0 : i32
      %dma_wait3A_114 = arith.constant 0 : i32
      %dma_wait3A_115 = tpu.memref_slice %arg7[%dma_wait3A_113, %dma_wait3A_114] : memref<10112x128xf32, #tpu.memory_space<vmem_shared>> -> memref<10112x128xf32, #tpu.memory_space<vmem_shared>>
      tpu.wait_indirect_dma semaphore(%arg15 : memref<!tpu.dma_semaphore, #tpu.memory_space<semaphore_mem>>) src(%arg11 : memref<128x128xf32, #tpu.memory_space<vmem>>) dst(%dma_wait3A_115 : memref<10112x128xf32, #tpu.memory_space<vmem_shared>>)
      %dma_start3A_116 = arith.constant 3 : i32
      %dma_start3A_117 = arith.constant 0 : i32
      %dma_start3A_118 = tpu.memref_slice %arg8[%dma_start3A_116, %dma_start3A_117] : memref<16x128xi32, #tpu.memory_space<vmem>> -> memref<1x128xi32, #tpu.memory_space<vmem>>
      %dma_start3A_119 = tpu.memref_squeeze %dma_start3A_118 : memref<1x128xi32, #tpu.memory_space<vmem>> -> memref<128xi32, #tpu.memory_space<vmem>>
      %dma_start3A_120 = arith.constant 0 : i32
      %dma_start3A_121 = arith.constant 0 : i32
      %dma_start3A_122 = tpu.memref_slice %arg2[%dma_start3A_120, %dma_start3A_121] : memref<10000x128xf32, #tpu.memory_space<hbm>> -> memref<10000x128xf32, #tpu.memory_space<hbm>>
      tpu.enqueue_indirect_dma source(%dma_start3A_122 : memref<10000x128xf32, #tpu.memory_space<hbm>>) target(%arg11 : memref<128x128xf32, #tpu.memory_space<vmem>>) offsets(%dma_start3A_119 : memref<128xi32, #tpu.memory_space<vmem>>) semaphore(%arg13 : memref<!tpu.dma_semaphore, #tpu.memory_space<semaphore_mem>>)
      %dma_wait3A_123 = arith.constant 3 : i32
      %dma_wait3A_124 = arith.constant 0 : i32
      %dma_wait3A_125 = tpu.memref_slice %arg8[%dma_wait3A_123, %dma_wait3A_124] : memref<16x128xi32, #tpu.memory_space<vmem>> -> memref<1x128xi32, #tpu.memory_space<vmem>>
      %dma_wait3A_126 = tpu.memref_squeeze %dma_wait3A_125 : memref<1x128xi32, #tpu.memory_space<vmem>> -> memref<128xi32, #tpu.memory_space<vmem>>
      %dma_wait3A_127 = arith.constant 0 : i32
      %dma_wait3A_128 = arith.constant 0 : i32
      %dma_wait3A_129 = tpu.memref_slice %arg2[%dma_wait3A_127, %dma_wait3A_128] : memref<10000x128xf32, #tpu.memory_space<hbm>> -> memref<10000x128xf32, #tpu.memory_space<hbm>>
      tpu.wait_indirect_dma semaphore(%arg13 : memref<!tpu.dma_semaphore, #tpu.memory_space<semaphore_mem>>) src(%dma_wait3A_129 : memref<10000x128xf32, #tpu.memory_space<hbm>>) dst(%arg11 : memref<128x128xf32, #tpu.memory_space<vmem>>)
      %dma_start3A_130 = arith.constant 3 : i32
      %dma_start3A_131 = arith.constant 0 : i32
      %dma_start3A_132 = tpu.memref_slice %arg9[%dma_start3A_130, %dma_start3A_131] : memref<16x128xi32, #tpu.memory_space<vmem>> -> memref<1x128xi32, #tpu.memory_space<vmem>>
      %dma_start3A_133 = tpu.memref_squeeze %dma_start3A_132 : memref<1x128xi32, #tpu.memory_space<vmem>> -> memref<128xi32, #tpu.memory_space<vmem>>
      %dma_start3A_134 = arith.constant 0 : i32
      %dma_start3A_135 = arith.constant 0 : i32
      %dma_start3A_136 = tpu.memref_slice %arg7[%dma_start3A_134, %dma_start3A_135] : memref<10112x128xf32, #tpu.memory_space<vmem_shared>> -> memref<10112x128xf32, #tpu.memory_space<vmem_shared>>
      tpu.enqueue_indirect_dma source(%arg11 : memref<128x128xf32, #tpu.memory_space<vmem>>) target(%dma_start3A_136 : memref<10112x128xf32, #tpu.memory_space<vmem_shared>>) offsets(%dma_start3A_133 : memref<128xi32, #tpu.memory_space<vmem>>) semaphore(%arg15 : memref<!tpu.dma_semaphore, #tpu.memory_space<semaphore_mem>>) {add = true}
      %dma_wait3A_137 = arith.constant 2 : i32
      %dma_wait3A_138 = arith.constant 0 : i32
      %dma_wait3A_139 = tpu.memref_slice %arg9[%dma_wait3A_137, %dma_wait3A_138] : memref<16x128xi32, #tpu.memory_space<vmem>> -> memref<1x128xi32, #tpu.memory_space<vmem>>
      %dma_wait3A_140 = tpu.memref_squeeze %dma_wait3A_139 : memref<1x128xi32, #tpu.memory_space<vmem>> -> memref<128xi32, #tpu.memory_space<vmem>>
      %dma_wait3A_141 = arith.constant 0 : i32
      %dma_wait3A_142 = arith.constant 0 : i32
      %dma_wait3A_143 = tpu.memref_slice %arg7[%dma_wait3A_141, %dma_wait3A_142] : memref<10112x128xf32, #tpu.memory_space<vmem_shared>> -> memref<10112x128xf32, #tpu.memory_space<vmem_shared>>
      tpu.wait_indirect_dma semaphore(%arg14 : memref<!tpu.dma_semaphore, #tpu.memory_space<semaphore_mem>>) src(%arg10 : memref<128x128xf32, #tpu.memory_space<vmem>>) dst(%dma_wait3A_143 : memref<10112x128xf32, #tpu.memory_space<vmem_shared>>)
      %dma_start3A_144 = arith.constant 4 : i32
      %dma_start3A_145 = arith.constant 0 : i32
      %dma_start3A_146 = tpu.memref_slice %arg8[%dma_start3A_144, %dma_start3A_145] : memref<16x128xi32, #tpu.memory_space<vmem>> -> memref<1x128xi32, #tpu.memory_space<vmem>>
      %dma_start3A_147 = tpu.memref_squeeze %dma_start3A_146 : memref<1x128xi32, #tpu.memory_space<vmem>> -> memref<128xi32, #tpu.memory_space<vmem>>
      %dma_start3A_148 = arith.constant 0 : i32
      %dma_start3A_149 = arith.constant 0 : i32
      %dma_start3A_150 = tpu.memref_slice %arg2[%dma_start3A_148, %dma_start3A_149] : memref<10000x128xf32, #tpu.memory_space<hbm>> -> memref<10000x128xf32, #tpu.memory_space<hbm>>
      tpu.enqueue_indirect_dma source(%dma_start3A_150 : memref<10000x128xf32, #tpu.memory_space<hbm>>) target(%arg10 : memref<128x128xf32, #tpu.memory_space<vmem>>) offsets(%dma_start3A_147 : memref<128xi32, #tpu.memory_space<vmem>>) semaphore(%arg12 : memref<!tpu.dma_semaphore, #tpu.memory_space<semaphore_mem>>)
      %dma_wait3A_151 = arith.constant 4 : i32
      %dma_wait3A_152 = arith.constant 0 : i32
      %dma_wait3A_153 = tpu.memref_slice %arg8[%dma_wait3A_151, %dma_wait3A_152] : memref<16x128xi32, #tpu.memory_space<vmem>> -> memref<1x128xi32, #tpu.memory_space<vmem>>
      %dma_wait3A_154 = tpu.memref_squeeze %dma_wait3A_153 : memref<1x128xi32, #tpu.memory_space<vmem>> -> memref<128xi32, #tpu.memory_space<vmem>>
      %dma_wait3A_155 = arith.constant 0 : i32
      %dma_wait3A_156 = arith.constant 0 : i32
      %dma_wait3A_157 = tpu.memref_slice %arg2[%dma_wait3A_155, %dma_wait3A_156] : memref<10000x128xf32, #tpu.memory_space<hbm>> -> memref<10000x128xf32, #tpu.memory_space<hbm>>
      tpu.wait_indirect_dma semaphore(%arg12 : memref<!tpu.dma_semaphore, #tpu.memory_space<semaphore_mem>>) src(%dma_wait3A_157 : memref<10000x128xf32, #tpu.memory_space<hbm>>) dst(%arg10 : memref<128x128xf32, #tpu.memory_space<vmem>>)
      %dma_start3A_158 = arith.constant 4 : i32
      %dma_start3A_159 = arith.constant 0 : i32
      %dma_start3A_160 = tpu.memref_slice %arg9[%dma_start3A_158, %dma_start3A_159] : memref<16x128xi32, #tpu.memory_space<vmem>> -> memref<1x128xi32, #tpu.memory_space<vmem>>
      %dma_start3A_161 = tpu.memref_squeeze %dma_start3A_160 : memref<1x128xi32, #tpu.memory_space<vmem>> -> memref<128xi32, #tpu.memory_space<vmem>>
      %dma_start3A_162 = arith.constant 0 : i32
      %dma_start3A_163 = arith.constant 0 : i32
      %dma_start3A_164 = tpu.memref_slice %arg7[%dma_start3A_162, %dma_start3A_163] : memref<10112x128xf32, #tpu.memory_space<vmem_shared>> -> memref<10112x128xf32, #tpu.memory_space<vmem_shared>>
      tpu.enqueue_indirect_dma source(%arg10 : memref<128x128xf32, #tpu.memory_space<vmem>>) target(%dma_start3A_164 : memref<10112x128xf32, #tpu.memory_space<vmem_shared>>) offsets(%dma_start3A_161 : memref<128xi32, #tpu.memory_space<vmem>>) semaphore(%arg14 : memref<!tpu.dma_semaphore, #tpu.memory_space<semaphore_mem>>) {add = true}
      %dma_wait3A_165 = arith.constant 3 : i32
      %dma_wait3A_166 = arith.constant 0 : i32
      %dma_wait3A_167 = tpu.memref_slice %arg9[%dma_wait3A_165, %dma_wait3A_166] : memref<16x128xi32, #tpu.memory_space<vmem>> -> memref<1x128xi32, #tpu.memory_space<vmem>>
      %dma_wait3A_168 = tpu.memref_squeeze %dma_wait3A_167 : memref<1x128xi32, #tpu.memory_space<vmem>> -> memref<128xi32, #tpu.memory_space<vmem>>
      %dma_wait3A_169 = arith.constant 0 : i32
      %dma_wait3A_170 = arith.constant 0 : i32
      %dma_wait3A_171 = tpu.memref_slice %arg7[%dma_wait3A_169, %dma_wait3A_170] : memref<10112x128xf32, #tpu.memory_space<vmem_shared>> -> memref<10112x128xf32, #tpu.memory_space<vmem_shared>>
      tpu.wait_indirect_dma semaphore(%arg15 : memref<!tpu.dma_semaphore, #tpu.memory_space<semaphore_mem>>) src(%arg11 : memref<128x128xf32, #tpu.memory_space<vmem>>) dst(%dma_wait3A_171 : memref<10112x128xf32, #tpu.memory_space<vmem_shared>>)
      %dma_start3A_172 = arith.constant 5 : i32
      %dma_start3A_173 = arith.constant 0 : i32
      %dma_start3A_174 = tpu.memref_slice %arg8[%dma_start3A_172, %dma_start3A_173] : memref<16x128xi32, #tpu.memory_space<vmem>> -> memref<1x128xi32, #tpu.memory_space<vmem>>
      %dma_start3A_175 = tpu.memref_squeeze %dma_start3A_174 : memref<1x128xi32, #tpu.memory_space<vmem>> -> memref<128xi32, #tpu.memory_space<vmem>>
      %dma_start3A_176 = arith.constant 0 : i32
      %dma_start3A_177 = arith.constant 0 : i32
      %dma_start3A_178 = tpu.memref_slice %arg2[%dma_start3A_176, %dma_start3A_177] : memref<10000x128xf32, #tpu.memory_space<hbm>> -> memref<10000x128xf32, #tpu.memory_space<hbm>>
      tpu.enqueue_indirect_dma source(%dma_start3A_178 : memref<10000x128xf32, #tpu.memory_space<hbm>>) target(%arg11 : memref<128x128xf32, #tpu.memory_space<vmem>>) offsets(%dma_start3A_175 : memref<128xi32, #tpu.memory_space<vmem>>) semaphore(%arg13 : memref<!tpu.dma_semaphore, #tpu.memory_space<semaphore_mem>>)
      %dma_wait3A_179 = arith.constant 5 : i32
      %dma_wait3A_180 = arith.constant 0 : i32
      %dma_wait3A_181 = tpu.memref_slice %arg8[%dma_wait3A_179, %dma_wait3A_180] : memref<16x128xi32, #tpu.memory_space<vmem>> -> memref<1x128xi32, #tpu.memory_space<vmem>>
      %dma_wait3A_182 = tpu.memref_squeeze %dma_wait3A_181 : memref<1x128xi32, #tpu.memory_space<vmem>> -> memref<128xi32, #tpu.memory_space<vmem>>
      %dma_wait3A_183 = arith.constant 0 : i32
      %dma_wait3A_184 = arith.constant 0 : i32
      %dma_wait3A_185 = tpu.memref_slice %arg2[%dma_wait3A_183, %dma_wait3A_184] : memref<10000x128xf32, #tpu.memory_space<hbm>> -> memref<10000x128xf32, #tpu.memory_space<hbm>>
      tpu.wait_indirect_dma semaphore(%arg13 : memref<!tpu.dma_semaphore, #tpu.memory_space<semaphore_mem>>) src(%dma_wait3A_185 : memref<10000x128xf32, #tpu.memory_space<hbm>>) dst(%arg11 : memref<128x128xf32, #tpu.memory_space<vmem>>)
      %dma_start3A_186 = arith.constant 5 : i32
      %dma_start3A_187 = arith.constant 0 : i32
      %dma_start3A_188 = tpu.memref_slice %arg9[%dma_start3A_186, %dma_start3A_187] : memref<16x128xi32, #tpu.memory_space<vmem>> -> memref<1x128xi32, #tpu.memory_space<vmem>>
      %dma_start3A_189 = tpu.memref_squeeze %dma_start3A_188 : memref<1x128xi32, #tpu.memory_space<vmem>> -> memref<128xi32, #tpu.memory_space<vmem>>
      %dma_start3A_190 = arith.constant 0 : i32
      %dma_start3A_191 = arith.constant 0 : i32
      %dma_start3A_192 = tpu.memref_slice %arg7[%dma_start3A_190, %dma_start3A_191] : memref<10112x128xf32, #tpu.memory_space<vmem_shared>> -> memref<10112x128xf32, #tpu.memory_space<vmem_shared>>
      tpu.enqueue_indirect_dma source(%arg11 : memref<128x128xf32, #tpu.memory_space<vmem>>) target(%dma_start3A_192 : memref<10112x128xf32, #tpu.memory_space<vmem_shared>>) offsets(%dma_start3A_189 : memref<128xi32, #tpu.memory_space<vmem>>) semaphore(%arg15 : memref<!tpu.dma_semaphore, #tpu.memory_space<semaphore_mem>>) {add = true}
      %dma_wait3A_193 = arith.constant 4 : i32
      %dma_wait3A_194 = arith.constant 0 : i32
      %dma_wait3A_195 = tpu.memref_slice %arg9[%dma_wait3A_193, %dma_wait3A_194] : memref<16x128xi32, #tpu.memory_space<vmem>> -> memref<1x128xi32, #tpu.memory_space<vmem>>
      %dma_wait3A_196 = tpu.memref_squeeze %dma_wait3A_195 : memref<1x128xi32, #tpu.memory_space<vmem>> -> memref<128xi32, #tpu.memory_space<vmem>>
      %dma_wait3A_197 = arith.constant 0 : i32
      %dma_wait3A_198 = arith.constant 0 : i32
      %dma_wait3A_199 = tpu.memref_slice %arg7[%dma_wait3A_197, %dma_wait3A_198] : memref<10112x128xf32, #tpu.memory_space<vmem_shared>> -> memref<10112x128xf32, #tpu.memory_space<vmem_shared>>
      tpu.wait_indirect_dma semaphore(%arg14 : memref<!tpu.dma_semaphore, #tpu.memory_space<semaphore_mem>>) src(%arg10 : memref<128x128xf32, #tpu.memory_space<vmem>>) dst(%dma_wait3A_199 : memref<10112x128xf32, #tpu.memory_space<vmem_shared>>)
      %dma_start3A_200 = arith.constant 6 : i32
      %dma_start3A_201 = arith.constant 0 : i32
      %dma_start3A_202 = tpu.memref_slice %arg8[%dma_start3A_200, %dma_start3A_201] : memref<16x128xi32, #tpu.memory_space<vmem>> -> memref<1x128xi32, #tpu.memory_space<vmem>>
      %dma_start3A_203 = tpu.memref_squeeze %dma_start3A_202 : memref<1x128xi32, #tpu.memory_space<vmem>> -> memref<128xi32, #tpu.memory_space<vmem>>
      %dma_start3A_204 = arith.constant 0 : i32
      %dma_start3A_205 = arith.constant 0 : i32
      %dma_start3A_206 = tpu.memref_slice %arg2[%dma_start3A_204, %dma_start3A_205] : memref<10000x128xf32, #tpu.memory_space<hbm>> -> memref<10000x128xf32, #tpu.memory_space<hbm>>
      tpu.enqueue_indirect_dma source(%dma_start3A_206 : memref<10000x128xf32, #tpu.memory_space<hbm>>) target(%arg10 : memref<128x128xf32, #tpu.memory_space<vmem>>) offsets(%dma_start3A_203 : memref<128xi32, #tpu.memory_space<vmem>>) semaphore(%arg12 : memref<!tpu.dma_semaphore, #tpu.memory_space<semaphore_mem>>)
      %dma_wait3A_207 = arith.constant 6 : i32
      %dma_wait3A_208 = arith.constant 0 : i32
      %dma_wait3A_209 = tpu.memref_slice %arg8[%dma_wait3A_207, %dma_wait3A_208] : memref<16x128xi32, #tpu.memory_space<vmem>> -> memref<1x128xi32, #tpu.memory_space<vmem>>
      %dma_wait3A_210 = tpu.memref_squeeze %dma_wait3A_209 : memref<1x128xi32, #tpu.memory_space<vmem>> -> memref<128xi32, #tpu.memory_space<vmem>>
      %dma_wait3A_211 = arith.constant 0 : i32
      %dma_wait3A_212 = arith.constant 0 : i32
      %dma_wait3A_213 = tpu.memref_slice %arg2[%dma_wait3A_211, %dma_wait3A_212] : memref<10000x128xf32, #tpu.memory_space<hbm>> -> memref<10000x128xf32, #tpu.memory_space<hbm>>
      tpu.wait_indirect_dma semaphore(%arg12 : memref<!tpu.dma_semaphore, #tpu.memory_space<semaphore_mem>>) src(%dma_wait3A_213 : memref<10000x128xf32, #tpu.memory_space<hbm>>) dst(%arg10 : memref<128x128xf32, #tpu.memory_space<vmem>>)
      %dma_start3A_214 = arith.constant 6 : i32
      %dma_start3A_215 = arith.constant 0 : i32
      %dma_start3A_216 = tpu.memref_slice %arg9[%dma_start3A_214, %dma_start3A_215] : memref<16x128xi32, #tpu.memory_space<vmem>> -> memref<1x128xi32, #tpu.memory_space<vmem>>
      %dma_start3A_217 = tpu.memref_squeeze %dma_start3A_216 : memref<1x128xi32, #tpu.memory_space<vmem>> -> memref<128xi32, #tpu.memory_space<vmem>>
      %dma_start3A_218 = arith.constant 0 : i32
      %dma_start3A_219 = arith.constant 0 : i32
      %dma_start3A_220 = tpu.memref_slice %arg7[%dma_start3A_218, %dma_start3A_219] : memref<10112x128xf32, #tpu.memory_space<vmem_shared>> -> memref<10112x128xf32, #tpu.memory_space<vmem_shared>>
      tpu.enqueue_indirect_dma source(%arg10 : memref<128x128xf32, #tpu.memory_space<vmem>>) target(%dma_start3A_220 : memref<10112x128xf32, #tpu.memory_space<vmem_shared>>) offsets(%dma_start3A_217 : memref<128xi32, #tpu.memory_space<vmem>>) semaphore(%arg14 : memref<!tpu.dma_semaphore, #tpu.memory_space<semaphore_mem>>) {add = true}
      %dma_wait3A_221 = arith.constant 5 : i32
      %dma_wait3A_222 = arith.constant 0 : i32
      %dma_wait3A_223 = tpu.memref_slice %arg9[%dma_wait3A_221, %dma_wait3A_222] : memref<16x128xi32, #tpu.memory_space<vmem>> -> memref<1x128xi32, #tpu.memory_space<vmem>>
      %dma_wait3A_224 = tpu.memref_squeeze %dma_wait3A_223 : memref<1x128xi32, #tpu.memory_space<vmem>> -> memref<128xi32, #tpu.memory_space<vmem>>
      %dma_wait3A_225 = arith.constant 0 : i32
      %dma_wait3A_226 = arith.constant 0 : i32
      %dma_wait3A_227 = tpu.memref_slice %arg7[%dma_wait3A_225, %dma_wait3A_226] : memref<10112x128xf32, #tpu.memory_space<vmem_shared>> -> memref<10112x128xf32, #tpu.memory_space<vmem_shared>>
      tpu.wait_indirect_dma semaphore(%arg15 : memref<!tpu.dma_semaphore, #tpu.memory_space<semaphore_mem>>) src(%arg11 : memref<128x128xf32, #tpu.memory_space<vmem>>) dst(%dma_wait3A_227 : memref<10112x128xf32, #tpu.memory_space<vmem_shared>>)
      %dma_start3A_228 = arith.constant 7 : i32
      %dma_start3A_229 = arith.constant 0 : i32
      %dma_start3A_230 = tpu.memref_slice %arg8[%dma_start3A_228, %dma_start3A_229] : memref<16x128xi32, #tpu.memory_space<vmem>> -> memref<1x128xi32, #tpu.memory_space<vmem>>
      %dma_start3A_231 = tpu.memref_squeeze %dma_start3A_230 : memref<1x128xi32, #tpu.memory_space<vmem>> -> memref<128xi32, #tpu.memory_space<vmem>>
      %dma_start3A_232 = arith.constant 0 : i32
      %dma_start3A_233 = arith.constant 0 : i32
      %dma_start3A_234 = tpu.memref_slice %arg2[%dma_start3A_232, %dma_start3A_233] : memref<10000x128xf32, #tpu.memory_space<hbm>> -> memref<10000x128xf32, #tpu.memory_space<hbm>>
      tpu.enqueue_indirect_dma source(%dma_start3A_234 : memref<10000x128xf32, #tpu.memory_space<hbm>>) target(%arg11 : memref<128x128xf32, #tpu.memory_space<vmem>>) offsets(%dma_start3A_231 : memref<128xi32, #tpu.memory_space<vmem>>) semaphore(%arg13 : memref<!tpu.dma_semaphore, #tpu.memory_space<semaphore_mem>>)
      %dma_wait3A_235 = arith.constant 7 : i32
      %dma_wait3A_236 = arith.constant 0 : i32
      %dma_wait3A_237 = tpu.memref_slice %arg8[%dma_wait3A_235, %dma_wait3A_236] : memref<16x128xi32, #tpu.memory_space<vmem>> -> memref<1x128xi32, #tpu.memory_space<vmem>>
      %dma_wait3A_238 = tpu.memref_squeeze %dma_wait3A_237 : memref<1x128xi32, #tpu.memory_space<vmem>> -> memref<128xi32, #tpu.memory_space<vmem>>
      %dma_wait3A_239 = arith.constant 0 : i32
      %dma_wait3A_240 = arith.constant 0 : i32
      %dma_wait3A_241 = tpu.memref_slice %arg2[%dma_wait3A_239, %dma_wait3A_240] : memref<10000x128xf32, #tpu.memory_space<hbm>> -> memref<10000x128xf32, #tpu.memory_space<hbm>>
      tpu.wait_indirect_dma semaphore(%arg13 : memref<!tpu.dma_semaphore, #tpu.memory_space<semaphore_mem>>) src(%dma_wait3A_241 : memref<10000x128xf32, #tpu.memory_space<hbm>>) dst(%arg11 : memref<128x128xf32, #tpu.memory_space<vmem>>)
      %dma_start3A_242 = arith.constant 7 : i32
      %dma_start3A_243 = arith.constant 0 : i32
      %dma_start3A_244 = tpu.memref_slice %arg9[%dma_start3A_242, %dma_start3A_243] : memref<16x128xi32, #tpu.memory_space<vmem>> -> memref<1x128xi32, #tpu.memory_space<vmem>>
      %dma_start3A_245 = tpu.memref_squeeze %dma_start3A_244 : memref<1x128xi32, #tpu.memory_space<vmem>> -> memref<128xi32, #tpu.memory_space<vmem>>
      %dma_start3A_246 = arith.constant 0 : i32
      %dma_start3A_247 = arith.constant 0 : i32
      %dma_start3A_248 = tpu.memref_slice %arg7[%dma_start3A_246, %dma_start3A_247] : memref<10112x128xf32, #tpu.memory_space<vmem_shared>> -> memref<10112x128xf32, #tpu.memory_space<vmem_shared>>
      tpu.enqueue_indirect_dma source(%arg11 : memref<128x128xf32, #tpu.memory_space<vmem>>) target(%dma_start3A_248 : memref<10112x128xf32, #tpu.memory_space<vmem_shared>>) offsets(%dma_start3A_245 : memref<128xi32, #tpu.memory_space<vmem>>) semaphore(%arg15 : memref<!tpu.dma_semaphore, #tpu.memory_space<semaphore_mem>>) {add = true}
      %dma_wait3A_249 = arith.constant 6 : i32
      %dma_wait3A_250 = arith.constant 0 : i32
      %dma_wait3A_251 = tpu.memref_slice %arg9[%dma_wait3A_249, %dma_wait3A_250] : memref<16x128xi32, #tpu.memory_space<vmem>> -> memref<1x128xi32, #tpu.memory_space<vmem>>
      %dma_wait3A_252 = tpu.memref_squeeze %dma_wait3A_251 : memref<1x128xi32, #tpu.memory_space<vmem>> -> memref<128xi32, #tpu.memory_space<vmem>>
      %dma_wait3A_253 = arith.constant 0 : i32
      %dma_wait3A_254 = arith.constant 0 : i32
      %dma_wait3A_255 = tpu.memref_slice %arg7[%dma_wait3A_253, %dma_wait3A_254] : memref<10112x128xf32, #tpu.memory_space<vmem_shared>> -> memref<10112x128xf32, #tpu.memory_space<vmem_shared>>
      tpu.wait_indirect_dma semaphore(%arg14 : memref<!tpu.dma_semaphore, #tpu.memory_space<semaphore_mem>>) src(%arg10 : memref<128x128xf32, #tpu.memory_space<vmem>>) dst(%dma_wait3A_255 : memref<10112x128xf32, #tpu.memory_space<vmem_shared>>)
      %dma_start3A_256 = arith.constant 8 : i32
      %dma_start3A_257 = arith.constant 0 : i32
      %dma_start3A_258 = tpu.memref_slice %arg8[%dma_start3A_256, %dma_start3A_257] : memref<16x128xi32, #tpu.memory_space<vmem>> -> memref<1x128xi32, #tpu.memory_space<vmem>>
      %dma_start3A_259 = tpu.memref_squeeze %dma_start3A_258 : memref<1x128xi32, #tpu.memory_space<vmem>> -> memref<128xi32, #tpu.memory_space<vmem>>
      %dma_start3A_260 = arith.constant 0 : i32
      %dma_start3A_261 = arith.constant 0 : i32
      %dma_start3A_262 = tpu.memref_slice %arg2[%dma_start3A_260, %dma_start3A_261] : memref<10000x128xf32, #tpu.memory_space<hbm>> -> memref<10000x128xf32, #tpu.memory_space<hbm>>
      tpu.enqueue_indirect_dma source(%dma_start3A_262 : memref<10000x128xf32, #tpu.memory_space<hbm>>) target(%arg10 : memref<128x128xf32, #tpu.memory_space<vmem>>) offsets(%dma_start3A_259 : memref<128xi32, #tpu.memory_space<vmem>>) semaphore(%arg12 : memref<!tpu.dma_semaphore, #tpu.memory_space<semaphore_mem>>)
      %dma_wait3A_263 = arith.constant 8 : i32
      %dma_wait3A_264 = arith.constant 0 : i32
      %dma_wait3A_265 = tpu.memref_slice %arg8[%dma_wait3A_263, %dma_wait3A_264] : memref<16x128xi32, #tpu.memory_space<vmem>> -> memref<1x128xi32, #tpu.memory_space<vmem>>
      %dma_wait3A_266 = tpu.memref_squeeze %dma_wait3A_265 : memref<1x128xi32, #tpu.memory_space<vmem>> -> memref<128xi32, #tpu.memory_space<vmem>>
      %dma_wait3A_267 = arith.constant 0 : i32
      %dma_wait3A_268 = arith.constant 0 : i32
      %dma_wait3A_269 = tpu.memref_slice %arg2[%dma_wait3A_267, %dma_wait3A_268] : memref<10000x128xf32, #tpu.memory_space<hbm>> -> memref<10000x128xf32, #tpu.memory_space<hbm>>
      tpu.wait_indirect_dma semaphore(%arg12 : memref<!tpu.dma_semaphore, #tpu.memory_space<semaphore_mem>>) src(%dma_wait3A_269 : memref<10000x128xf32, #tpu.memory_space<hbm>>) dst(%arg10 : memref<128x128xf32, #tpu.memory_space<vmem>>)
      %dma_start3A_270 = arith.constant 8 : i32
      %dma_start3A_271 = arith.constant 0 : i32
      %dma_start3A_272 = tpu.memref_slice %arg9[%dma_start3A_270, %dma_start3A_271] : memref<16x128xi32, #tpu.memory_space<vmem>> -> memref<1x128xi32, #tpu.memory_space<vmem>>
      %dma_start3A_273 = tpu.memref_squeeze %dma_start3A_272 : memref<1x128xi32, #tpu.memory_space<vmem>> -> memref<128xi32, #tpu.memory_space<vmem>>
      %dma_start3A_274 = arith.constant 0 : i32
      %dma_start3A_275 = arith.constant 0 : i32
      %dma_start3A_276 = tpu.memref_slice %arg7[%dma_start3A_274, %dma_start3A_275] : memref<10112x128xf32, #tpu.memory_space<vmem_shared>> -> memref<10112x128xf32, #tpu.memory_space<vmem_shared>>
      tpu.enqueue_indirect_dma source(%arg10 : memref<128x128xf32, #tpu.memory_space<vmem>>) target(%dma_start3A_276 : memref<10112x128xf32, #tpu.memory_space<vmem_shared>>) offsets(%dma_start3A_273 : memref<128xi32, #tpu.memory_space<vmem>>) semaphore(%arg14 : memref<!tpu.dma_semaphore, #tpu.memory_space<semaphore_mem>>) {add = true}
      %dma_wait3A_277 = arith.constant 7 : i32
      %dma_wait3A_278 = arith.constant 0 : i32
      %dma_wait3A_279 = tpu.memref_slice %arg9[%dma_wait3A_277, %dma_wait3A_278] : memref<16x128xi32, #tpu.memory_space<vmem>> -> memref<1x128xi32, #tpu.memory_space<vmem>>
      %dma_wait3A_280 = tpu.memref_squeeze %dma_wait3A_279 : memref<1x128xi32, #tpu.memory_space<vmem>> -> memref<128xi32, #tpu.memory_space<vmem>>
      %dma_wait3A_281 = arith.constant 0 : i32
      %dma_wait3A_282 = arith.constant 0 : i32
      %dma_wait3A_283 = tpu.memref_slice %arg7[%dma_wait3A_281, %dma_wait3A_282] : memref<10112x128xf32, #tpu.memory_space<vmem_shared>> -> memref<10112x128xf32, #tpu.memory_space<vmem_shared>>
      tpu.wait_indirect_dma semaphore(%arg15 : memref<!tpu.dma_semaphore, #tpu.memory_space<semaphore_mem>>) src(%arg11 : memref<128x128xf32, #tpu.memory_space<vmem>>) dst(%dma_wait3A_283 : memref<10112x128xf32, #tpu.memory_space<vmem_shared>>)
      %dma_start3A_284 = arith.constant 9 : i32
      %dma_start3A_285 = arith.constant 0 : i32
      %dma_start3A_286 = tpu.memref_slice %arg8[%dma_start3A_284, %dma_start3A_285] : memref<16x128xi32, #tpu.memory_space<vmem>> -> memref<1x128xi32, #tpu.memory_space<vmem>>
      %dma_start3A_287 = tpu.memref_squeeze %dma_start3A_286 : memref<1x128xi32, #tpu.memory_space<vmem>> -> memref<128xi32, #tpu.memory_space<vmem>>
      %dma_start3A_288 = arith.constant 0 : i32
      %dma_start3A_289 = arith.constant 0 : i32
      %dma_start3A_290 = tpu.memref_slice %arg2[%dma_start3A_288, %dma_start3A_289] : memref<10000x128xf32, #tpu.memory_space<hbm>> -> memref<10000x128xf32, #tpu.memory_space<hbm>>
      tpu.enqueue_indirect_dma source(%dma_start3A_290 : memref<10000x128xf32, #tpu.memory_space<hbm>>) target(%arg11 : memref<128x128xf32, #tpu.memory_space<vmem>>) offsets(%dma_start3A_287 : memref<128xi32, #tpu.memory_space<vmem>>) semaphore(%arg13 : memref<!tpu.dma_semaphore, #tpu.memory_space<semaphore_mem>>)
      %dma_wait3A_291 = arith.constant 9 : i32
      %dma_wait3A_292 = arith.constant 0 : i32
      %dma_wait3A_293 = tpu.memref_slice %arg8[%dma_wait3A_291, %dma_wait3A_292] : memref<16x128xi32, #tpu.memory_space<vmem>> -> memref<1x128xi32, #tpu.memory_space<vmem>>
      %dma_wait3A_294 = tpu.memref_squeeze %dma_wait3A_293 : memref<1x128xi32, #tpu.memory_space<vmem>> -> memref<128xi32, #tpu.memory_space<vmem>>
      %dma_wait3A_295 = arith.constant 0 : i32
      %dma_wait3A_296 = arith.constant 0 : i32
      %dma_wait3A_297 = tpu.memref_slice %arg2[%dma_wait3A_295, %dma_wait3A_296] : memref<10000x128xf32, #tpu.memory_space<hbm>> -> memref<10000x128xf32, #tpu.memory_space<hbm>>
      tpu.wait_indirect_dma semaphore(%arg13 : memref<!tpu.dma_semaphore, #tpu.memory_space<semaphore_mem>>) src(%dma_wait3A_297 : memref<10000x128xf32, #tpu.memory_space<hbm>>) dst(%arg11 : memref<128x128xf32, #tpu.memory_space<vmem>>)
      %dma_start3A_298 = arith.constant 9 : i32
      %dma_start3A_299 = arith.constant 0 : i32
      %dma_start3A_300 = tpu.memref_slice %arg9[%dma_start3A_298, %dma_start3A_299] : memref<16x128xi32, #tpu.memory_space<vmem>> -> memref<1x128xi32, #tpu.memory_space<vmem>>
      %dma_start3A_301 = tpu.memref_squeeze %dma_start3A_300 : memref<1x128xi32, #tpu.memory_space<vmem>> -> memref<128xi32, #tpu.memory_space<vmem>>
      %dma_start3A_302 = arith.constant 0 : i32
      %dma_start3A_303 = arith.constant 0 : i32
      %dma_start3A_304 = tpu.memref_slice %arg7[%dma_start3A_302, %dma_start3A_303] : memref<10112x128xf32, #tpu.memory_space<vmem_shared>> -> memref<10112x128xf32, #tpu.memory_space<vmem_shared>>
      tpu.enqueue_indirect_dma source(%arg11 : memref<128x128xf32, #tpu.memory_space<vmem>>) target(%dma_start3A_304 : memref<10112x128xf32, #tpu.memory_space<vmem_shared>>) offsets(%dma_start3A_301 : memref<128xi32, #tpu.memory_space<vmem>>) semaphore(%arg15 : memref<!tpu.dma_semaphore, #tpu.memory_space<semaphore_mem>>) {add = true}
      %dma_wait3A_305 = arith.constant 8 : i32
      %dma_wait3A_306 = arith.constant 0 : i32
      %dma_wait3A_307 = tpu.memref_slice %arg9[%dma_wait3A_305, %dma_wait3A_306] : memref<16x128xi32, #tpu.memory_space<vmem>> -> memref<1x128xi32, #tpu.memory_space<vmem>>
      %dma_wait3A_308 = tpu.memref_squeeze %dma_wait3A_307 : memref<1x128xi32, #tpu.memory_space<vmem>> -> memref<128xi32, #tpu.memory_space<vmem>>
      %dma_wait3A_309 = arith.constant 0 : i32
      %dma_wait3A_310 = arith.constant 0 : i32
      %dma_wait3A_311 = tpu.memref_slice %arg7[%dma_wait3A_309, %dma_wait3A_310] : memref<10112x128xf32, #tpu.memory_space<vmem_shared>> -> memref<10112x128xf32, #tpu.memory_space<vmem_shared>>
      tpu.wait_indirect_dma semaphore(%arg14 : memref<!tpu.dma_semaphore, #tpu.memory_space<semaphore_mem>>) src(%arg10 : memref<128x128xf32, #tpu.memory_space<vmem>>) dst(%dma_wait3A_311 : memref<10112x128xf32, #tpu.memory_space<vmem_shared>>)
      %dma_start3A_312 = arith.constant 10 : i32
      %dma_start3A_313 = arith.constant 0 : i32
      %dma_start3A_314 = tpu.memref_slice %arg8[%dma_start3A_312, %dma_start3A_313] : memref<16x128xi32, #tpu.memory_space<vmem>> -> memref<1x128xi32, #tpu.memory_space<vmem>>
      %dma_start3A_315 = tpu.memref_squeeze %dma_start3A_314 : memref<1x128xi32, #tpu.memory_space<vmem>> -> memref<128xi32, #tpu.memory_space<vmem>>
      %dma_start3A_316 = arith.constant 0 : i32
      %dma_start3A_317 = arith.constant 0 : i32
      %dma_start3A_318 = tpu.memref_slice %arg2[%dma_start3A_316, %dma_start3A_317] : memref<10000x128xf32, #tpu.memory_space<hbm>> -> memref<10000x128xf32, #tpu.memory_space<hbm>>
      tpu.enqueue_indirect_dma source(%dma_start3A_318 : memref<10000x128xf32, #tpu.memory_space<hbm>>) target(%arg10 : memref<128x128xf32, #tpu.memory_space<vmem>>) offsets(%dma_start3A_315 : memref<128xi32, #tpu.memory_space<vmem>>) semaphore(%arg12 : memref<!tpu.dma_semaphore, #tpu.memory_space<semaphore_mem>>)
      %dma_wait3A_319 = arith.constant 10 : i32
      %dma_wait3A_320 = arith.constant 0 : i32
      %dma_wait3A_321 = tpu.memref_slice %arg8[%dma_wait3A_319, %dma_wait3A_320] : memref<16x128xi32, #tpu.memory_space<vmem>> -> memref<1x128xi32, #tpu.memory_space<vmem>>
      %dma_wait3A_322 = tpu.memref_squeeze %dma_wait3A_321 : memref<1x128xi32, #tpu.memory_space<vmem>> -> memref<128xi32, #tpu.memory_space<vmem>>
      %dma_wait3A_323 = arith.constant 0 : i32
      %dma_wait3A_324 = arith.constant 0 : i32
      %dma_wait3A_325 = tpu.memref_slice %arg2[%dma_wait3A_323, %dma_wait3A_324] : memref<10000x128xf32, #tpu.memory_space<hbm>> -> memref<10000x128xf32, #tpu.memory_space<hbm>>
      tpu.wait_indirect_dma semaphore(%arg12 : memref<!tpu.dma_semaphore, #tpu.memory_space<semaphore_mem>>) src(%dma_wait3A_325 : memref<10000x128xf32, #tpu.memory_space<hbm>>) dst(%arg10 : memref<128x128xf32, #tpu.memory_space<vmem>>)
      %dma_start3A_326 = arith.constant 10 : i32
      %dma_start3A_327 = arith.constant 0 : i32
      %dma_start3A_328 = tpu.memref_slice %arg9[%dma_start3A_326, %dma_start3A_327] : memref<16x128xi32, #tpu.memory_space<vmem>> -> memref<1x128xi32, #tpu.memory_space<vmem>>
      %dma_start3A_329 = tpu.memref_squeeze %dma_start3A_328 : memref<1x128xi32, #tpu.memory_space<vmem>> -> memref<128xi32, #tpu.memory_space<vmem>>
      %dma_start3A_330 = arith.constant 0 : i32
      %dma_start3A_331 = arith.constant 0 : i32
      %dma_start3A_332 = tpu.memref_slice %arg7[%dma_start3A_330, %dma_start3A_331] : memref<10112x128xf32, #tpu.memory_space<vmem_shared>> -> memref<10112x128xf32, #tpu.memory_space<vmem_shared>>
      tpu.enqueue_indirect_dma source(%arg10 : memref<128x128xf32, #tpu.memory_space<vmem>>) target(%dma_start3A_332 : memref<10112x128xf32, #tpu.memory_space<vmem_shared>>) offsets(%dma_start3A_329 : memref<128xi32, #tpu.memory_space<vmem>>) semaphore(%arg14 : memref<!tpu.dma_semaphore, #tpu.memory_space<semaphore_mem>>) {add = true}
      %dma_wait3A_333 = arith.constant 9 : i32
      %dma_wait3A_334 = arith.constant 0 : i32
      %dma_wait3A_335 = tpu.memref_slice %arg9[%dma_wait3A_333, %dma_wait3A_334] : memref<16x128xi32, #tpu.memory_space<vmem>> -> memref<1x128xi32, #tpu.memory_space<vmem>>
      %dma_wait3A_336 = tpu.memref_squeeze %dma_wait3A_335 : memref<1x128xi32, #tpu.memory_space<vmem>> -> memref<128xi32, #tpu.memory_space<vmem>>
      %dma_wait3A_337 = arith.constant 0 : i32
      %dma_wait3A_338 = arith.constant 0 : i32
      %dma_wait3A_339 = tpu.memref_slice %arg7[%dma_wait3A_337, %dma_wait3A_338] : memref<10112x128xf32, #tpu.memory_space<vmem_shared>> -> memref<10112x128xf32, #tpu.memory_space<vmem_shared>>
      tpu.wait_indirect_dma semaphore(%arg15 : memref<!tpu.dma_semaphore, #tpu.memory_space<semaphore_mem>>) src(%arg11 : memref<128x128xf32, #tpu.memory_space<vmem>>) dst(%dma_wait3A_339 : memref<10112x128xf32, #tpu.memory_space<vmem_shared>>)
      %dma_start3A_340 = arith.constant 11 : i32
      %dma_start3A_341 = arith.constant 0 : i32
      %dma_start3A_342 = tpu.memref_slice %arg8[%dma_start3A_340, %dma_start3A_341] : memref<16x128xi32, #tpu.memory_space<vmem>> -> memref<1x128xi32, #tpu.memory_space<vmem>>
      %dma_start3A_343 = tpu.memref_squeeze %dma_start3A_342 : memref<1x128xi32, #tpu.memory_space<vmem>> -> memref<128xi32, #tpu.memory_space<vmem>>
      %dma_start3A_344 = arith.constant 0 : i32
      %dma_start3A_345 = arith.constant 0 : i32
      %dma_start3A_346 = tpu.memref_slice %arg2[%dma_start3A_344, %dma_start3A_345] : memref<10000x128xf32, #tpu.memory_space<hbm>> -> memref<10000x128xf32, #tpu.memory_space<hbm>>
      tpu.enqueue_indirect_dma source(%dma_start3A_346 : memref<10000x128xf32, #tpu.memory_space<hbm>>) target(%arg11 : memref<128x128xf32, #tpu.memory_space<vmem>>) offsets(%dma_start3A_343 : memref<128xi32, #tpu.memory_space<vmem>>) semaphore(%arg13 : memref<!tpu.dma_semaphore, #tpu.memory_space<semaphore_mem>>)
      %dma_wait3A_347 = arith.constant 11 : i32
      %dma_wait3A_348 = arith.constant 0 : i32
      %dma_wait3A_349 = tpu.memref_slice %arg8[%dma_wait3A_347, %dma_wait3A_348] : memref<16x128xi32, #tpu.memory_space<vmem>> -> memref<1x128xi32, #tpu.memory_space<vmem>>
      %dma_wait3A_350 = tpu.memref_squeeze %dma_wait3A_349 : memref<1x128xi32, #tpu.memory_space<vmem>> -> memref<128xi32, #tpu.memory_space<vmem>>
      %dma_wait3A_351 = arith.constant 0 : i32
      %dma_wait3A_352 = arith.constant 0 : i32
      %dma_wait3A_353 = tpu.memref_slice %arg2[%dma_wait3A_351, %dma_wait3A_352] : memref<10000x128xf32, #tpu.memory_space<hbm>> -> memref<10000x128xf32, #tpu.memory_space<hbm>>
      tpu.wait_indirect_dma semaphore(%arg13 : memref<!tpu.dma_semaphore, #tpu.memory_space<semaphore_mem>>) src(%dma_wait3A_353 : memref<10000x128xf32, #tpu.memory_space<hbm>>) dst(%arg11 : memref<128x128xf32, #tpu.memory_space<vmem>>)
      %dma_start3A_354 = arith.constant 11 : i32
      %dma_start3A_355 = arith.constant 0 : i32
      %dma_start3A_356 = tpu.memref_slice %arg9[%dma_start3A_354, %dma_start3A_355] : memref<16x128xi32, #tpu.memory_space<vmem>> -> memref<1x128xi32, #tpu.memory_space<vmem>>
      %dma_start3A_357 = tpu.memref_squeeze %dma_start3A_356 : memref<1x128xi32, #tpu.memory_space<vmem>> -> memref<128xi32, #tpu.memory_space<vmem>>
      %dma_start3A_358 = arith.constant 0 : i32
      %dma_start3A_359 = arith.constant 0 : i32
      %dma_start3A_360 = tpu.memref_slice %arg7[%dma_start3A_358, %dma_start3A_359] : memref<10112x128xf32, #tpu.memory_space<vmem_shared>> -> memref<10112x128xf32, #tpu.memory_space<vmem_shared>>
      tpu.enqueue_indirect_dma source(%arg11 : memref<128x128xf32, #tpu.memory_space<vmem>>) target(%dma_start3A_360 : memref<10112x128xf32, #tpu.memory_space<vmem_shared>>) offsets(%dma_start3A_357 : memref<128xi32, #tpu.memory_space<vmem>>) semaphore(%arg15 : memref<!tpu.dma_semaphore, #tpu.memory_space<semaphore_mem>>) {add = true}
      %dma_wait3A_361 = arith.constant 10 : i32
      %dma_wait3A_362 = arith.constant 0 : i32
      %dma_wait3A_363 = tpu.memref_slice %arg9[%dma_wait3A_361, %dma_wait3A_362] : memref<16x128xi32, #tpu.memory_space<vmem>> -> memref<1x128xi32, #tpu.memory_space<vmem>>
      %dma_wait3A_364 = tpu.memref_squeeze %dma_wait3A_363 : memref<1x128xi32, #tpu.memory_space<vmem>> -> memref<128xi32, #tpu.memory_space<vmem>>
      %dma_wait3A_365 = arith.constant 0 : i32
      %dma_wait3A_366 = arith.constant 0 : i32
      %dma_wait3A_367 = tpu.memref_slice %arg7[%dma_wait3A_365, %dma_wait3A_366] : memref<10112x128xf32, #tpu.memory_space<vmem_shared>> -> memref<10112x128xf32, #tpu.memory_space<vmem_shared>>
      tpu.wait_indirect_dma semaphore(%arg14 : memref<!tpu.dma_semaphore, #tpu.memory_space<semaphore_mem>>) src(%arg10 : memref<128x128xf32, #tpu.memory_space<vmem>>) dst(%dma_wait3A_367 : memref<10112x128xf32, #tpu.memory_space<vmem_shared>>)
      %dma_start3A_368 = arith.constant 12 : i32
      %dma_start3A_369 = arith.constant 0 : i32
      %dma_start3A_370 = tpu.memref_slice %arg8[%dma_start3A_368, %dma_start3A_369] : memref<16x128xi32, #tpu.memory_space<vmem>> -> memref<1x128xi32, #tpu.memory_space<vmem>>
      %dma_start3A_371 = tpu.memref_squeeze %dma_start3A_370 : memref<1x128xi32, #tpu.memory_space<vmem>> -> memref<128xi32, #tpu.memory_space<vmem>>
      %dma_start3A_372 = arith.constant 0 : i32
      %dma_start3A_373 = arith.constant 0 : i32
      %dma_start3A_374 = tpu.memref_slice %arg2[%dma_start3A_372, %dma_start3A_373] : memref<10000x128xf32, #tpu.memory_space<hbm>> -> memref<10000x128xf32, #tpu.memory_space<hbm>>
      tpu.enqueue_indirect_dma source(%dma_start3A_374 : memref<10000x128xf32, #tpu.memory_space<hbm>>) target(%arg10 : memref<128x128xf32, #tpu.memory_space<vmem>>) offsets(%dma_start3A_371 : memref<128xi32, #tpu.memory_space<vmem>>) semaphore(%arg12 : memref<!tpu.dma_semaphore, #tpu.memory_space<semaphore_mem>>)
      %dma_wait3A_375 = arith.constant 12 : i32
      %dma_wait3A_376 = arith.constant 0 : i32
      %dma_wait3A_377 = tpu.memref_slice %arg8[%dma_wait3A_375, %dma_wait3A_376] : memref<16x128xi32, #tpu.memory_space<vmem>> -> memref<1x128xi32, #tpu.memory_space<vmem>>
      %dma_wait3A_378 = tpu.memref_squeeze %dma_wait3A_377 : memref<1x128xi32, #tpu.memory_space<vmem>> -> memref<128xi32, #tpu.memory_space<vmem>>
      %dma_wait3A_379 = arith.constant 0 : i32
      %dma_wait3A_380 = arith.constant 0 : i32
      %dma_wait3A_381 = tpu.memref_slice %arg2[%dma_wait3A_379, %dma_wait3A_380] : memref<10000x128xf32, #tpu.memory_space<hbm>> -> memref<10000x128xf32, #tpu.memory_space<hbm>>
      tpu.wait_indirect_dma semaphore(%arg12 : memref<!tpu.dma_semaphore, #tpu.memory_space<semaphore_mem>>) src(%dma_wait3A_381 : memref<10000x128xf32, #tpu.memory_space<hbm>>) dst(%arg10 : memref<128x128xf32, #tpu.memory_space<vmem>>)
      %dma_start3A_382 = arith.constant 12 : i32
      %dma_start3A_383 = arith.constant 0 : i32
      %dma_start3A_384 = tpu.memref_slice %arg9[%dma_start3A_382, %dma_start3A_383] : memref<16x128xi32, #tpu.memory_space<vmem>> -> memref<1x128xi32, #tpu.memory_space<vmem>>
      %dma_start3A_385 = tpu.memref_squeeze %dma_start3A_384 : memref<1x128xi32, #tpu.memory_space<vmem>> -> memref<128xi32, #tpu.memory_space<vmem>>
      %dma_start3A_386 = arith.constant 0 : i32
      %dma_start3A_387 = arith.constant 0 : i32
      %dma_start3A_388 = tpu.memref_slice %arg7[%dma_start3A_386, %dma_start3A_387] : memref<10112x128xf32, #tpu.memory_space<vmem_shared>> -> memref<10112x128xf32, #tpu.memory_space<vmem_shared>>
      tpu.enqueue_indirect_dma source(%arg10 : memref<128x128xf32, #tpu.memory_space<vmem>>) target(%dma_start3A_388 : memref<10112x128xf32, #tpu.memory_space<vmem_shared>>) offsets(%dma_start3A_385 : memref<128xi32, #tpu.memory_space<vmem>>) semaphore(%arg14 : memref<!tpu.dma_semaphore, #tpu.memory_space<semaphore_mem>>) {add = true}
      %dma_wait3A_389 = arith.constant 11 : i32
      %dma_wait3A_390 = arith.constant 0 : i32
      %dma_wait3A_391 = tpu.memref_slice %arg9[%dma_wait3A_389, %dma_wait3A_390] : memref<16x128xi32, #tpu.memory_space<vmem>> -> memref<1x128xi32, #tpu.memory_space<vmem>>
      %dma_wait3A_392 = tpu.memref_squeeze %dma_wait3A_391 : memref<1x128xi32, #tpu.memory_space<vmem>> -> memref<128xi32, #tpu.memory_space<vmem>>
      %dma_wait3A_393 = arith.constant 0 : i32
      %dma_wait3A_394 = arith.constant 0 : i32
      %dma_wait3A_395 = tpu.memref_slice %arg7[%dma_wait3A_393, %dma_wait3A_394] : memref<10112x128xf32, #tpu.memory_space<vmem_shared>> -> memref<10112x128xf32, #tpu.memory_space<vmem_shared>>
      tpu.wait_indirect_dma semaphore(%arg15 : memref<!tpu.dma_semaphore, #tpu.memory_space<semaphore_mem>>) src(%arg11 : memref<128x128xf32, #tpu.memory_space<vmem>>) dst(%dma_wait3A_395 : memref<10112x128xf32, #tpu.memory_space<vmem_shared>>)
      %dma_start3A_396 = arith.constant 13 : i32
      %dma_start3A_397 = arith.constant 0 : i32
      %dma_start3A_398 = tpu.memref_slice %arg8[%dma_start3A_396, %dma_start3A_397] : memref<16x128xi32, #tpu.memory_space<vmem>> -> memref<1x128xi32, #tpu.memory_space<vmem>>
      %dma_start3A_399 = tpu.memref_squeeze %dma_start3A_398 : memref<1x128xi32, #tpu.memory_space<vmem>> -> memref<128xi32, #tpu.memory_space<vmem>>
      %dma_start3A_400 = arith.constant 0 : i32
      %dma_start3A_401 = arith.constant 0 : i32
      %dma_start3A_402 = tpu.memref_slice %arg2[%dma_start3A_400, %dma_start3A_401] : memref<10000x128xf32, #tpu.memory_space<hbm>> -> memref<10000x128xf32, #tpu.memory_space<hbm>>
      tpu.enqueue_indirect_dma source(%dma_start3A_402 : memref<10000x128xf32, #tpu.memory_space<hbm>>) target(%arg11 : memref<128x128xf32, #tpu.memory_space<vmem>>) offsets(%dma_start3A_399 : memref<128xi32, #tpu.memory_space<vmem>>) semaphore(%arg13 : memref<!tpu.dma_semaphore, #tpu.memory_space<semaphore_mem>>)
      %dma_wait3A_403 = arith.constant 13 : i32
      %dma_wait3A_404 = arith.constant 0 : i32
      %dma_wait3A_405 = tpu.memref_slice %arg8[%dma_wait3A_403, %dma_wait3A_404] : memref<16x128xi32, #tpu.memory_space<vmem>> -> memref<1x128xi32, #tpu.memory_space<vmem>>
      %dma_wait3A_406 = tpu.memref_squeeze %dma_wait3A_405 : memref<1x128xi32, #tpu.memory_space<vmem>> -> memref<128xi32, #tpu.memory_space<vmem>>
      %dma_wait3A_407 = arith.constant 0 : i32
      %dma_wait3A_408 = arith.constant 0 : i32
      %dma_wait3A_409 = tpu.memref_slice %arg2[%dma_wait3A_407, %dma_wait3A_408] : memref<10000x128xf32, #tpu.memory_space<hbm>> -> memref<10000x128xf32, #tpu.memory_space<hbm>>
      tpu.wait_indirect_dma semaphore(%arg13 : memref<!tpu.dma_semaphore, #tpu.memory_space<semaphore_mem>>) src(%dma_wait3A_409 : memref<10000x128xf32, #tpu.memory_space<hbm>>) dst(%arg11 : memref<128x128xf32, #tpu.memory_space<vmem>>)
      %dma_start3A_410 = arith.constant 13 : i32
      %dma_start3A_411 = arith.constant 0 : i32
      %dma_start3A_412 = tpu.memref_slice %arg9[%dma_start3A_410, %dma_start3A_411] : memref<16x128xi32, #tpu.memory_space<vmem>> -> memref<1x128xi32, #tpu.memory_space<vmem>>
      %dma_start3A_413 = tpu.memref_squeeze %dma_start3A_412 : memref<1x128xi32, #tpu.memory_space<vmem>> -> memref<128xi32, #tpu.memory_space<vmem>>
      %dma_start3A_414 = arith.constant 0 : i32
      %dma_start3A_415 = arith.constant 0 : i32
      %dma_start3A_416 = tpu.memref_slice %arg7[%dma_start3A_414, %dma_start3A_415] : memref<10112x128xf32, #tpu.memory_space<vmem_shared>> -> memref<10112x128xf32, #tpu.memory_space<vmem_shared>>
      tpu.enqueue_indirect_dma source(%arg11 : memref<128x128xf32, #tpu.memory_space<vmem>>) target(%dma_start3A_416 : memref<10112x128xf32, #tpu.memory_space<vmem_shared>>) offsets(%dma_start3A_413 : memref<128xi32, #tpu.memory_space<vmem>>) semaphore(%arg15 : memref<!tpu.dma_semaphore, #tpu.memory_space<semaphore_mem>>) {add = true}
      %dma_wait3A_417 = arith.constant 12 : i32
      %dma_wait3A_418 = arith.constant 0 : i32
      %dma_wait3A_419 = tpu.memref_slice %arg9[%dma_wait3A_417, %dma_wait3A_418] : memref<16x128xi32, #tpu.memory_space<vmem>> -> memref<1x128xi32, #tpu.memory_space<vmem>>
      %dma_wait3A_420 = tpu.memref_squeeze %dma_wait3A_419 : memref<1x128xi32, #tpu.memory_space<vmem>> -> memref<128xi32, #tpu.memory_space<vmem>>
      %dma_wait3A_421 = arith.constant 0 : i32
      %dma_wait3A_422 = arith.constant 0 : i32
      %dma_wait3A_423 = tpu.memref_slice %arg7[%dma_wait3A_421, %dma_wait3A_422] : memref<10112x128xf32, #tpu.memory_space<vmem_shared>> -> memref<10112x128xf32, #tpu.memory_space<vmem_shared>>
      tpu.wait_indirect_dma semaphore(%arg14 : memref<!tpu.dma_semaphore, #tpu.memory_space<semaphore_mem>>) src(%arg10 : memref<128x128xf32, #tpu.memory_space<vmem>>) dst(%dma_wait3A_423 : memref<10112x128xf32, #tpu.memory_space<vmem_shared>>)
      %dma_start3A_424 = arith.constant 14 : i32
      %dma_start3A_425 = arith.constant 0 : i32
      %dma_start3A_426 = tpu.memref_slice %arg8[%dma_start3A_424, %dma_start3A_425] : memref<16x128xi32, #tpu.memory_space<vmem>> -> memref<1x128xi32, #tpu.memory_space<vmem>>
      %dma_start3A_427 = tpu.memref_squeeze %dma_start3A_426 : memref<1x128xi32, #tpu.memory_space<vmem>> -> memref<128xi32, #tpu.memory_space<vmem>>
      %dma_start3A_428 = arith.constant 0 : i32
      %dma_start3A_429 = arith.constant 0 : i32
      %dma_start3A_430 = tpu.memref_slice %arg2[%dma_start3A_428, %dma_start3A_429] : memref<10000x128xf32, #tpu.memory_space<hbm>> -> memref<10000x128xf32, #tpu.memory_space<hbm>>
      tpu.enqueue_indirect_dma source(%dma_start3A_430 : memref<10000x128xf32, #tpu.memory_space<hbm>>) target(%arg10 : memref<128x128xf32, #tpu.memory_space<vmem>>) offsets(%dma_start3A_427 : memref<128xi32, #tpu.memory_space<vmem>>) semaphore(%arg12 : memref<!tpu.dma_semaphore, #tpu.memory_space<semaphore_mem>>)
      %dma_wait3A_431 = arith.constant 14 : i32
      %dma_wait3A_432 = arith.constant 0 : i32
      %dma_wait3A_433 = tpu.memref_slice %arg8[%dma_wait3A_431, %dma_wait3A_432] : memref<16x128xi32, #tpu.memory_space<vmem>> -> memref<1x128xi32, #tpu.memory_space<vmem>>
      %dma_wait3A_434 = tpu.memref_squeeze %dma_wait3A_433 : memref<1x128xi32, #tpu.memory_space<vmem>> -> memref<128xi32, #tpu.memory_space<vmem>>
      %dma_wait3A_435 = arith.constant 0 : i32
      %dma_wait3A_436 = arith.constant 0 : i32
      %dma_wait3A_437 = tpu.memref_slice %arg2[%dma_wait3A_435, %dma_wait3A_436] : memref<10000x128xf32, #tpu.memory_space<hbm>> -> memref<10000x128xf32, #tpu.memory_space<hbm>>
      tpu.wait_indirect_dma semaphore(%arg12 : memref<!tpu.dma_semaphore, #tpu.memory_space<semaphore_mem>>) src(%dma_wait3A_437 : memref<10000x128xf32, #tpu.memory_space<hbm>>) dst(%arg10 : memref<128x128xf32, #tpu.memory_space<vmem>>)
      %dma_start3A_438 = arith.constant 14 : i32
      %dma_start3A_439 = arith.constant 0 : i32
      %dma_start3A_440 = tpu.memref_slice %arg9[%dma_start3A_438, %dma_start3A_439] : memref<16x128xi32, #tpu.memory_space<vmem>> -> memref<1x128xi32, #tpu.memory_space<vmem>>
      %dma_start3A_441 = tpu.memref_squeeze %dma_start3A_440 : memref<1x128xi32, #tpu.memory_space<vmem>> -> memref<128xi32, #tpu.memory_space<vmem>>
      %dma_start3A_442 = arith.constant 0 : i32
      %dma_start3A_443 = arith.constant 0 : i32
      %dma_start3A_444 = tpu.memref_slice %arg7[%dma_start3A_442, %dma_start3A_443] : memref<10112x128xf32, #tpu.memory_space<vmem_shared>> -> memref<10112x128xf32, #tpu.memory_space<vmem_shared>>
      tpu.enqueue_indirect_dma source(%arg10 : memref<128x128xf32, #tpu.memory_space<vmem>>) target(%dma_start3A_444 : memref<10112x128xf32, #tpu.memory_space<vmem_shared>>) offsets(%dma_start3A_441 : memref<128xi32, #tpu.memory_space<vmem>>) semaphore(%arg14 : memref<!tpu.dma_semaphore, #tpu.memory_space<semaphore_mem>>) {add = true}
      %dma_wait3A_445 = arith.constant 13 : i32
      %dma_wait3A_446 = arith.constant 0 : i32
      %dma_wait3A_447 = tpu.memref_slice %arg9[%dma_wait3A_445, %dma_wait3A_446] : memref<16x128xi32, #tpu.memory_space<vmem>> -> memref<1x128xi32, #tpu.memory_space<vmem>>
      %dma_wait3A_448 = tpu.memref_squeeze %dma_wait3A_447 : memref<1x128xi32, #tpu.memory_space<vmem>> -> memref<128xi32, #tpu.memory_space<vmem>>
      %dma_wait3A_449 = arith.constant 0 : i32
      %dma_wait3A_450 = arith.constant 0 : i32
      %dma_wait3A_451 = tpu.memref_slice %arg7[%dma_wait3A_449, %dma_wait3A_450] : memref<10112x128xf32, #tpu.memory_space<vmem_shared>> -> memref<10112x128xf32, #tpu.memory_space<vmem_shared>>
      tpu.wait_indirect_dma semaphore(%arg15 : memref<!tpu.dma_semaphore, #tpu.memory_space<semaphore_mem>>) src(%arg11 : memref<128x128xf32, #tpu.memory_space<vmem>>) dst(%dma_wait3A_451 : memref<10112x128xf32, #tpu.memory_space<vmem_shared>>)
      %dma_start3A_452 = arith.constant 15 : i32
      %dma_start3A_453 = arith.constant 0 : i32
      %dma_start3A_454 = tpu.memref_slice %arg8[%dma_start3A_452, %dma_start3A_453] : memref<16x128xi32, #tpu.memory_space<vmem>> -> memref<1x128xi32, #tpu.memory_space<vmem>>
      %dma_start3A_455 = tpu.memref_squeeze %dma_start3A_454 : memref<1x128xi32, #tpu.memory_space<vmem>> -> memref<128xi32, #tpu.memory_space<vmem>>
      %dma_start3A_456 = arith.constant 0 : i32
      %dma_start3A_457 = arith.constant 0 : i32
      %dma_start3A_458 = tpu.memref_slice %arg2[%dma_start3A_456, %dma_start3A_457] : memref<10000x128xf32, #tpu.memory_space<hbm>> -> memref<10000x128xf32, #tpu.memory_space<hbm>>
      tpu.enqueue_indirect_dma source(%dma_start3A_458 : memref<10000x128xf32, #tpu.memory_space<hbm>>) target(%arg11 : memref<128x128xf32, #tpu.memory_space<vmem>>) offsets(%dma_start3A_455 : memref<128xi32, #tpu.memory_space<vmem>>) semaphore(%arg13 : memref<!tpu.dma_semaphore, #tpu.memory_space<semaphore_mem>>)
      %dma_wait3A_459 = arith.constant 15 : i32
      %dma_wait3A_460 = arith.constant 0 : i32
      %dma_wait3A_461 = tpu.memref_slice %arg8[%dma_wait3A_459, %dma_wait3A_460] : memref<16x128xi32, #tpu.memory_space<vmem>> -> memref<1x128xi32, #tpu.memory_space<vmem>>
      %dma_wait3A_462 = tpu.memref_squeeze %dma_wait3A_461 : memref<1x128xi32, #tpu.memory_space<vmem>> -> memref<128xi32, #tpu.memory_space<vmem>>
      %dma_wait3A_463 = arith.constant 0 : i32
      %dma_wait3A_464 = arith.constant 0 : i32
      %dma_wait3A_465 = tpu.memref_slice %arg2[%dma_wait3A_463, %dma_wait3A_464] : memref<10000x128xf32, #tpu.memory_space<hbm>> -> memref<10000x128xf32, #tpu.memory_space<hbm>>
      tpu.wait_indirect_dma semaphore(%arg13 : memref<!tpu.dma_semaphore, #tpu.memory_space<semaphore_mem>>) src(%dma_wait3A_465 : memref<10000x128xf32, #tpu.memory_space<hbm>>) dst(%arg11 : memref<128x128xf32, #tpu.memory_space<vmem>>)
      %dma_start3A_466 = arith.constant 15 : i32
      %dma_start3A_467 = arith.constant 0 : i32
      %dma_start3A_468 = tpu.memref_slice %arg9[%dma_start3A_466, %dma_start3A_467] : memref<16x128xi32, #tpu.memory_space<vmem>> -> memref<1x128xi32, #tpu.memory_space<vmem>>
      %dma_start3A_469 = tpu.memref_squeeze %dma_start3A_468 : memref<1x128xi32, #tpu.memory_space<vmem>> -> memref<128xi32, #tpu.memory_space<vmem>>
      %dma_start3A_470 = arith.constant 0 : i32
      %dma_start3A_471 = arith.constant 0 : i32
      %dma_start3A_472 = tpu.memref_slice %arg7[%dma_start3A_470, %dma_start3A_471] : memref<10112x128xf32, #tpu.memory_space<vmem_shared>> -> memref<10112x128xf32, #tpu.memory_space<vmem_shared>>
      tpu.enqueue_indirect_dma source(%arg11 : memref<128x128xf32, #tpu.memory_space<vmem>>) target(%dma_start3A_472 : memref<10112x128xf32, #tpu.memory_space<vmem_shared>>) offsets(%dma_start3A_469 : memref<128xi32, #tpu.memory_space<vmem>>) semaphore(%arg15 : memref<!tpu.dma_semaphore, #tpu.memory_space<semaphore_mem>>) {add = true}
      %dma_wait3A_473 = arith.constant 14 : i32
      %dma_wait3A_474 = arith.constant 0 : i32
      %dma_wait3A_475 = tpu.memref_slice %arg9[%dma_wait3A_473, %dma_wait3A_474] : memref<16x128xi32, #tpu.memory_space<vmem>> -> memref<1x128xi32, #tpu.memory_space<vmem>>
      %dma_wait3A_476 = tpu.memref_squeeze %dma_wait3A_475 : memref<1x128xi32, #tpu.memory_space<vmem>> -> memref<128xi32, #tpu.memory_space<vmem>>
      %dma_wait3A_477 = arith.constant 0 : i32
      %dma_wait3A_478 = arith.constant 0 : i32
      %dma_wait3A_479 = tpu.memref_slice %arg7[%dma_wait3A_477, %dma_wait3A_478] : memref<10112x128xf32, #tpu.memory_space<vmem_shared>> -> memref<10112x128xf32, #tpu.memory_space<vmem_shared>>
      tpu.wait_indirect_dma semaphore(%arg14 : memref<!tpu.dma_semaphore, #tpu.memory_space<semaphore_mem>>) src(%arg10 : memref<128x128xf32, #tpu.memory_space<vmem>>) dst(%dma_wait3A_479 : memref<10112x128xf32, #tpu.memory_space<vmem_shared>>)
      %dma_wait3A_480 = arith.constant 15 : i32
      %dma_wait3A_481 = arith.constant 0 : i32
      %dma_wait3A_482 = tpu.memref_slice %arg9[%dma_wait3A_480, %dma_wait3A_481] : memref<16x128xi32, #tpu.memory_space<vmem>> -> memref<1x128xi32, #tpu.memory_space<vmem>>
      %dma_wait3A_483 = tpu.memref_squeeze %dma_wait3A_482 : memref<1x128xi32, #tpu.memory_space<vmem>> -> memref<128xi32, #tpu.memory_space<vmem>>
      %dma_wait3A_484 = arith.constant 0 : i32
      %dma_wait3A_485 = arith.constant 0 : i32
      %dma_wait3A_486 = tpu.memref_slice %arg7[%dma_wait3A_484, %dma_wait3A_485] : memref<10112x128xf32, #tpu.memory_space<vmem_shared>> -> memref<10112x128xf32, #tpu.memory_space<vmem_shared>>
      tpu.wait_indirect_dma semaphore(%arg15 : memref<!tpu.dma_semaphore, #tpu.memory_space<semaphore_mem>>) src(%arg11 : memref<128x128xf32, #tpu.memory_space<vmem>>) dst(%dma_wait3A_486 : memref<10112x128xf32, #tpu.memory_space<vmem_shared>>)
    }
    %scan3A_29 = arith.constant 5 : i32
    %barrier3A_30 = arith.constant 0 : index
    tpu.barrier barrier_id(%barrier3A_30)
    %mul3A_31 = arith.constant 632 : i32
    %mul3A_32 = arith.muli %arg1, %mul3A_31 : i32
    %mul3A_33 = arith.constant 632 : i32
    %mul3A_34 = arith.muli %arg1, %mul3A_33 : i32
    "tpu.region"() ({
      %run_scoped3A = tpu.sem_alloc : memref<!tpu.dma_semaphore, #tpu.memory_space<semaphore_mem>>
      %dma_start3A = arith.constant 0 : i32
      %dma_start3A_35 = tpu.memref_slice %arg5[%arg0, %mul3A_34, %dma_start3A] : memref<2x10112x128xf32, #tpu.memory_space<hbm>> -> memref<1x632x128xf32, #tpu.memory_space<hbm>>
      %dma_start3A_36 = tpu.memref_squeeze %dma_start3A_35 : memref<1x632x128xf32, #tpu.memory_space<hbm>> -> memref<632x128xf32, #tpu.memory_space<hbm>>
      %dma_start3A_37 = arith.constant 0 : i32
      %dma_start3A_38 = tpu.memref_slice %arg7[%mul3A_32, %dma_start3A_37] : memref<10112x128xf32, #tpu.memory_space<vmem_shared>> -> memref<632x128xf32, #tpu.memory_space<vmem_shared>>
      tpu.enqueue_dma source(%dma_start3A_38 : memref<632x128xf32, #tpu.memory_space<vmem_shared>>) target(%dma_start3A_36 : memref<632x128xf32, #tpu.memory_space<hbm>>) target_semaphore(%run_scoped3A : memref<!tpu.dma_semaphore, #tpu.memory_space<semaphore_mem>>)
      %dma_wait3A = arith.constant 0 : i32
      %dma_wait3A_39 = tpu.memref_slice %arg5[%arg0, %mul3A_34, %dma_wait3A] : memref<2x10112x128xf32, #tpu.memory_space<hbm>> -> memref<1x632x128xf32, #tpu.memory_space<hbm>>
      %dma_wait3A_40 = tpu.memref_squeeze %dma_wait3A_39 : memref<1x632x128xf32, #tpu.memory_space<hbm>> -> memref<632x128xf32, #tpu.memory_space<hbm>>
      %dma_wait3A_41 = arith.constant 0 : i32
      %dma_wait3A_42 = tpu.memref_slice %arg7[%mul3A_32, %dma_wait3A_41] : memref<10112x128xf32, #tpu.memory_space<vmem_shared>> -> memref<632x128xf32, #tpu.memory_space<vmem_shared>>
      tpu.wait_dma2 semaphore(%run_scoped3A : memref<!tpu.dma_semaphore, #tpu.memory_space<semaphore_mem>>) src(%dma_wait3A_42 : memref<632x128xf32, #tpu.memory_space<vmem_shared>>) dst(%dma_wait3A_40 : memref<632x128xf32, #tpu.memory_space<hbm>>)
      tpu.yield
    }) : () -> ()
    return
  }
}

#map = affine_map<(d0, d1) -> (0, 0)>
#map1 = affine_map<(d0, d1) -> (0, 0, 0, 0)>
#map2 = affine_map<(d0, d1) -> (0, 0, 0)>
module attributes {stable_mosaic.version = 14 : i64} {
  func.func @k(%arg0: i32, %arg1: i32, %arg2: memref<10000x128xf32, #tpu.memory_space<hbm>>, %arg3: memref<2x32x80x128xi32, #tpu.memory_space<hbm>>, %arg4: memref<632x128xf32, #tpu.memory_space<hbm>>, %arg5: memref<2x10112x128xf32, #tpu.memory_space<hbm>>, %arg6: memref<10112x128xf32, #tpu.memory_space<vmem_shared>>, %arg7: memref<16x128xi32, #tpu.memory_space<vmem>>, %arg8: memref<16x128xi32, #tpu.memory_space<vmem>>, %arg9: memref<128x128xf32, #tpu.memory_space<vmem>>, %arg10: memref<128x128xf32, #tpu.memory_space<vmem>>, %arg11: memref<!tpu.dma_semaphore, #tpu.memory_space<semaphore_mem>>, %arg12: memref<!tpu.dma_semaphore, #tpu.memory_space<semaphore_mem>>, %arg13: memref<!tpu.dma_semaphore, #tpu.memory_space<semaphore_mem>>, %arg14: memref<!tpu.dma_semaphore, #tpu.memory_space<semaphore_mem>>) attributes {dimension_semantics = [#tpu.dimension_semantics<core_parallel>, #tpu.dimension_semantics<subcore_parallel>], iteration_bounds = array<i64: 2, 16>, scalar_prefetch = 0 : i64, scratch_operands = 9 : i64, tpu.core_type = #tpu.core_type<sc_vector_subcore>, window_params = [{transform_indices = #map}, {transform_indices = #map1}, {transform_indices = #map}, {transform_indices = #map2}]} {
    %mul3A = arith.constant 16 : i32
    %mul3A_0 = arith.muli %arg0, %mul3A : i32
    %add3A = arith.addi %mul3A_0, %arg1 : i32
    %broadcast_in_dim3A = arith.constant 1.000000e+00 : f32
    %broadcast_in_dim3A_1 = vector.broadcast %broadcast_in_dim3A : f32 to vector<16xf32>
    %mul3A_2 = arith.constant 632 : i32
    %mul3A_3 = arith.muli %arg1, %mul3A_2 : i32
    "tpu.region"() ({
      %run_scoped3A = tpu.sem_alloc : memref<!tpu.dma_semaphore, #tpu.memory_space<semaphore_mem>>
      %dma_start3A = arith.constant 0 : i32
      %dma_start3A_14 = tpu.memref_slice %arg6[%mul3A_3, %dma_start3A] : memref<10112x128xf32, #tpu.memory_space<vmem_shared>> -> memref<632x128xf32, #tpu.memory_space<vmem_shared>>
      tpu.enqueue_dma source(%arg4 : memref<632x128xf32, #tpu.memory_space<hbm>>) target(%dma_start3A_14 : memref<632x128xf32, #tpu.memory_space<vmem_shared>>) target_semaphore(%run_scoped3A : memref<!tpu.dma_semaphore, #tpu.memory_space<semaphore_mem>>)
      %dma_wait3A = arith.constant 0 : i32
      %dma_wait3A_15 = tpu.memref_slice %arg6[%mul3A_3, %dma_wait3A] : memref<10112x128xf32, #tpu.memory_space<vmem_shared>> -> memref<632x128xf32, #tpu.memory_space<vmem_shared>>
      tpu.wait_dma2 semaphore(%run_scoped3A : memref<!tpu.dma_semaphore, #tpu.memory_space<semaphore_mem>>) src(%arg4 : memref<632x128xf32, #tpu.memory_space<hbm>>) dst(%dma_wait3A_15 : memref<632x128xf32, #tpu.memory_space<vmem_shared>>)
      tpu.yield
    }) : () -> ()
    %barrier3A = arith.constant 0 : index
    tpu.barrier barrier_id(%barrier3A)
    %scan3A = arith.constant 0 : i32
    %scan3A_4 = arith.constant 0 : i32
    %scan3A_5 = arith.constant 5 : i32
    %scan3A_6 = arith.addi %scan3A_4, %scan3A_5 : i32
    %scan3A_7 = arith.constant 1 : i32
    scf.for %scan3A_14 = %scan3A_4 to %scan3A_6 step %scan3A_7  : i32 {
      %mul3A_15 = arith.constant 16 : i32
      %mul3A_16 = arith.muli %scan3A_14, %mul3A_15 : i32
      %run_scoped3A = arith.constant 0 : i32
      "tpu.region"() ({
        %run_scoped3A_466 = tpu.sem_alloc : memref<!tpu.dma_semaphore, #tpu.memory_space<semaphore_mem>>
        %dma_start3A_467 = arith.constant 0 : i32
        %dma_start3A_468 = tpu.memref_slice %arg3[%run_scoped3A, %add3A, %mul3A_16, %dma_start3A_467] : memref<2x32x80x128xi32, #tpu.memory_space<hbm>> -> memref<1x1x16x128xi32, #tpu.memory_space<hbm>>
        %dma_start3A_469 = tpu.memref_squeeze %dma_start3A_468 : memref<1x1x16x128xi32, #tpu.memory_space<hbm>> -> memref<16x128xi32, #tpu.memory_space<hbm>>
        %dma_start3A_470 = arith.constant 0 : i32
        %dma_start3A_471 = tpu.memref_slice %arg3[%run_scoped3A, %add3A, %mul3A_16, %dma_start3A_470] : memref<2x32x80x128xi32, #tpu.memory_space<hbm>> -> memref<1x1x16x128xi32, #tpu.memory_space<hbm>>
        %dma_start3A_472 = tpu.memref_squeeze %dma_start3A_471 : memref<1x1x16x128xi32, #tpu.memory_space<hbm>> -> memref<16x128xi32, #tpu.memory_space<hbm>>
        tpu.enqueue_dma source(%dma_start3A_472 : memref<16x128xi32, #tpu.memory_space<hbm>>) target(%arg7 : memref<16x128xi32, #tpu.memory_space<vmem>>) target_semaphore(%run_scoped3A_466 : memref<!tpu.dma_semaphore, #tpu.memory_space<semaphore_mem>>)
        %dma_wait3A_473 = arith.constant 0 : i32
        %dma_wait3A_474 = tpu.memref_slice %arg3[%run_scoped3A, %add3A, %mul3A_16, %dma_wait3A_473] : memref<2x32x80x128xi32, #tpu.memory_space<hbm>> -> memref<1x1x16x128xi32, #tpu.memory_space<hbm>>
        %dma_wait3A_475 = tpu.memref_squeeze %dma_wait3A_474 : memref<1x1x16x128xi32, #tpu.memory_space<hbm>> -> memref<16x128xi32, #tpu.memory_space<hbm>>
        %dma_wait3A_476 = arith.constant 0 : i32
        %dma_wait3A_477 = tpu.memref_slice %arg3[%run_scoped3A, %add3A, %mul3A_16, %dma_wait3A_476] : memref<2x32x80x128xi32, #tpu.memory_space<hbm>> -> memref<1x1x16x128xi32, #tpu.memory_space<hbm>>
        %dma_wait3A_478 = tpu.memref_squeeze %dma_wait3A_477 : memref<1x1x16x128xi32, #tpu.memory_space<hbm>> -> memref<16x128xi32, #tpu.memory_space<hbm>>
        tpu.wait_dma2 semaphore(%run_scoped3A_466 : memref<!tpu.dma_semaphore, #tpu.memory_space<semaphore_mem>>) src(%dma_wait3A_478 : memref<16x128xi32, #tpu.memory_space<hbm>>) dst(%arg7 : memref<16x128xi32, #tpu.memory_space<vmem>>)
        tpu.yield
      }) : () -> ()
      %mul3A_17 = arith.constant 16 : i32
      %mul3A_18 = arith.muli %scan3A_14, %mul3A_17 : i32
      %run_scoped3A_19 = arith.constant 1 : i32
      "tpu.region"() ({
        %run_scoped3A_466 = tpu.sem_alloc : memref<!tpu.dma_semaphore, #tpu.memory_space<semaphore_mem>>
        %dma_start3A_467 = arith.constant 0 : i32
        %dma_start3A_468 = tpu.memref_slice %arg3[%run_scoped3A_19, %add3A, %mul3A_18, %dma_start3A_467] : memref<2x32x80x128xi32, #tpu.memory_space<hbm>> -> memref<1x1x16x128xi32, #tpu.memory_space<hbm>>
        %dma_start3A_469 = tpu.memref_squeeze %dma_start3A_468 : memref<1x1x16x128xi32, #tpu.memory_space<hbm>> -> memref<16x128xi32, #tpu.memory_space<hbm>>
        %dma_start3A_470 = arith.constant 0 : i32
        %dma_start3A_471 = tpu.memref_slice %arg3[%run_scoped3A_19, %add3A, %mul3A_18, %dma_start3A_470] : memref<2x32x80x128xi32, #tpu.memory_space<hbm>> -> memref<1x1x16x128xi32, #tpu.memory_space<hbm>>
        %dma_start3A_472 = tpu.memref_squeeze %dma_start3A_471 : memref<1x1x16x128xi32, #tpu.memory_space<hbm>> -> memref<16x128xi32, #tpu.memory_space<hbm>>
        tpu.enqueue_dma source(%dma_start3A_472 : memref<16x128xi32, #tpu.memory_space<hbm>>) target(%arg8 : memref<16x128xi32, #tpu.memory_space<vmem>>) target_semaphore(%run_scoped3A_466 : memref<!tpu.dma_semaphore, #tpu.memory_space<semaphore_mem>>)
        %dma_wait3A_473 = arith.constant 0 : i32
        %dma_wait3A_474 = tpu.memref_slice %arg3[%run_scoped3A_19, %add3A, %mul3A_18, %dma_wait3A_473] : memref<2x32x80x128xi32, #tpu.memory_space<hbm>> -> memref<1x1x16x128xi32, #tpu.memory_space<hbm>>
        %dma_wait3A_475 = tpu.memref_squeeze %dma_wait3A_474 : memref<1x1x16x128xi32, #tpu.memory_space<hbm>> -> memref<16x128xi32, #tpu.memory_space<hbm>>
        %dma_wait3A_476 = arith.constant 0 : i32
        %dma_wait3A_477 = tpu.memref_slice %arg3[%run_scoped3A_19, %add3A, %mul3A_18, %dma_wait3A_476] : memref<2x32x80x128xi32, #tpu.memory_space<hbm>> -> memref<1x1x16x128xi32, #tpu.memory_space<hbm>>
        %dma_wait3A_478 = tpu.memref_squeeze %dma_wait3A_477 : memref<1x1x16x128xi32, #tpu.memory_space<hbm>> -> memref<16x128xi32, #tpu.memory_space<hbm>>
        tpu.wait_dma2 semaphore(%run_scoped3A_466 : memref<!tpu.dma_semaphore, #tpu.memory_space<semaphore_mem>>) src(%dma_wait3A_478 : memref<16x128xi32, #tpu.memory_space<hbm>>) dst(%arg8 : memref<16x128xi32, #tpu.memory_space<vmem>>)
        tpu.yield
      }) : () -> ()
      %dma_start3A = arith.constant 0 : i32
      %dma_start3A_20 = arith.constant 0 : i32
      %dma_start3A_21 = tpu.memref_slice %arg7[%dma_start3A, %dma_start3A_20] : memref<16x128xi32, #tpu.memory_space<vmem>> -> memref<1x128xi32, #tpu.memory_space<vmem>>
      %dma_start3A_22 = tpu.memref_squeeze %dma_start3A_21 : memref<1x128xi32, #tpu.memory_space<vmem>> -> memref<128xi32, #tpu.memory_space<vmem>>
      %dma_start3A_23 = arith.constant 0 : i32
      %dma_start3A_24 = arith.constant 0 : i32
      %dma_start3A_25 = tpu.memref_slice %arg2[%dma_start3A_23, %dma_start3A_24] : memref<10000x128xf32, #tpu.memory_space<hbm>> -> memref<10000x128xf32, #tpu.memory_space<hbm>>
      tpu.enqueue_indirect_dma source(%dma_start3A_25 : memref<10000x128xf32, #tpu.memory_space<hbm>>) target(%arg9 : memref<128x128xf32, #tpu.memory_space<vmem>>) offsets(%dma_start3A_22 : memref<128xi32, #tpu.memory_space<vmem>>) semaphore(%arg11 : memref<!tpu.dma_semaphore, #tpu.memory_space<semaphore_mem>>)
      %dma_wait3A = arith.constant 0 : i32
      %dma_wait3A_26 = arith.constant 0 : i32
      %dma_wait3A_27 = tpu.memref_slice %arg7[%dma_wait3A, %dma_wait3A_26] : memref<16x128xi32, #tpu.memory_space<vmem>> -> memref<1x128xi32, #tpu.memory_space<vmem>>
      %dma_wait3A_28 = tpu.memref_squeeze %dma_wait3A_27 : memref<1x128xi32, #tpu.memory_space<vmem>> -> memref<128xi32, #tpu.memory_space<vmem>>
      %dma_wait3A_29 = arith.constant 0 : i32
      %dma_wait3A_30 = arith.constant 0 : i32
      %dma_wait3A_31 = tpu.memref_slice %arg2[%dma_wait3A_29, %dma_wait3A_30] : memref<10000x128xf32, #tpu.memory_space<hbm>> -> memref<10000x128xf32, #tpu.memory_space<hbm>>
      tpu.wait_indirect_dma semaphore(%arg11 : memref<!tpu.dma_semaphore, #tpu.memory_space<semaphore_mem>>) src(%dma_wait3A_31 : memref<10000x128xf32, #tpu.memory_space<hbm>>) dst(%arg9 : memref<128x128xf32, #tpu.memory_space<vmem>>)
      %dma_start3A_32 = arith.constant 0 : i32
      %dma_start3A_33 = arith.constant 0 : i32
      %dma_start3A_34 = tpu.memref_slice %arg8[%dma_start3A_32, %dma_start3A_33] : memref<16x128xi32, #tpu.memory_space<vmem>> -> memref<1x128xi32, #tpu.memory_space<vmem>>
      %dma_start3A_35 = tpu.memref_squeeze %dma_start3A_34 : memref<1x128xi32, #tpu.memory_space<vmem>> -> memref<128xi32, #tpu.memory_space<vmem>>
      %dma_start3A_36 = arith.constant 0 : i32
      %dma_start3A_37 = arith.constant 0 : i32
      %dma_start3A_38 = tpu.memref_slice %arg6[%dma_start3A_36, %dma_start3A_37] : memref<10112x128xf32, #tpu.memory_space<vmem_shared>> -> memref<10112x128xf32, #tpu.memory_space<vmem_shared>>
      tpu.enqueue_indirect_dma source(%arg9 : memref<128x128xf32, #tpu.memory_space<vmem>>) target(%dma_start3A_38 : memref<10112x128xf32, #tpu.memory_space<vmem_shared>>) offsets(%dma_start3A_35 : memref<128xi32, #tpu.memory_space<vmem>>) semaphore(%arg13 : memref<!tpu.dma_semaphore, #tpu.memory_space<semaphore_mem>>) {add = true}
      %dma_start3A_39 = arith.constant 1 : i32
      %dma_start3A_40 = arith.constant 0 : i32
      %dma_start3A_41 = tpu.memref_slice %arg7[%dma_start3A_39, %dma_start3A_40] : memref<16x128xi32, #tpu.memory_space<vmem>> -> memref<1x128xi32, #tpu.memory_space<vmem>>
      %dma_start3A_42 = tpu.memref_squeeze %dma_start3A_41 : memref<1x128xi32, #tpu.memory_space<vmem>> -> memref<128xi32, #tpu.memory_space<vmem>>
      %dma_start3A_43 = arith.constant 0 : i32
      %dma_start3A_44 = arith.constant 0 : i32
      %dma_start3A_45 = tpu.memref_slice %arg2[%dma_start3A_43, %dma_start3A_44] : memref<10000x128xf32, #tpu.memory_space<hbm>> -> memref<10000x128xf32, #tpu.memory_space<hbm>>
      tpu.enqueue_indirect_dma source(%dma_start3A_45 : memref<10000x128xf32, #tpu.memory_space<hbm>>) target(%arg10 : memref<128x128xf32, #tpu.memory_space<vmem>>) offsets(%dma_start3A_42 : memref<128xi32, #tpu.memory_space<vmem>>) semaphore(%arg12 : memref<!tpu.dma_semaphore, #tpu.memory_space<semaphore_mem>>)
      %dma_wait3A_46 = arith.constant 1 : i32
      %dma_wait3A_47 = arith.constant 0 : i32
      %dma_wait3A_48 = tpu.memref_slice %arg7[%dma_wait3A_46, %dma_wait3A_47] : memref<16x128xi32, #tpu.memory_space<vmem>> -> memref<1x128xi32, #tpu.memory_space<vmem>>
      %dma_wait3A_49 = tpu.memref_squeeze %dma_wait3A_48 : memref<1x128xi32, #tpu.memory_space<vmem>> -> memref<128xi32, #tpu.memory_space<vmem>>
      %dma_wait3A_50 = arith.constant 0 : i32
      %dma_wait3A_51 = arith.constant 0 : i32
      %dma_wait3A_52 = tpu.memref_slice %arg2[%dma_wait3A_50, %dma_wait3A_51] : memref<10000x128xf32, #tpu.memory_space<hbm>> -> memref<10000x128xf32, #tpu.memory_space<hbm>>
      tpu.wait_indirect_dma semaphore(%arg12 : memref<!tpu.dma_semaphore, #tpu.memory_space<semaphore_mem>>) src(%dma_wait3A_52 : memref<10000x128xf32, #tpu.memory_space<hbm>>) dst(%arg10 : memref<128x128xf32, #tpu.memory_space<vmem>>)
      %dma_start3A_53 = arith.constant 1 : i32
      %dma_start3A_54 = arith.constant 0 : i32
      %dma_start3A_55 = tpu.memref_slice %arg8[%dma_start3A_53, %dma_start3A_54] : memref<16x128xi32, #tpu.memory_space<vmem>> -> memref<1x128xi32, #tpu.memory_space<vmem>>
      %dma_start3A_56 = tpu.memref_squeeze %dma_start3A_55 : memref<1x128xi32, #tpu.memory_space<vmem>> -> memref<128xi32, #tpu.memory_space<vmem>>
      %dma_start3A_57 = arith.constant 0 : i32
      %dma_start3A_58 = arith.constant 0 : i32
      %dma_start3A_59 = tpu.memref_slice %arg6[%dma_start3A_57, %dma_start3A_58] : memref<10112x128xf32, #tpu.memory_space<vmem_shared>> -> memref<10112x128xf32, #tpu.memory_space<vmem_shared>>
      tpu.enqueue_indirect_dma source(%arg10 : memref<128x128xf32, #tpu.memory_space<vmem>>) target(%dma_start3A_59 : memref<10112x128xf32, #tpu.memory_space<vmem_shared>>) offsets(%dma_start3A_56 : memref<128xi32, #tpu.memory_space<vmem>>) semaphore(%arg14 : memref<!tpu.dma_semaphore, #tpu.memory_space<semaphore_mem>>) {add = true}
      %dma_wait3A_60 = arith.constant 0 : i32
      %dma_wait3A_61 = arith.constant 0 : i32
      %dma_wait3A_62 = tpu.memref_slice %arg8[%dma_wait3A_60, %dma_wait3A_61] : memref<16x128xi32, #tpu.memory_space<vmem>> -> memref<1x128xi32, #tpu.memory_space<vmem>>
      %dma_wait3A_63 = tpu.memref_squeeze %dma_wait3A_62 : memref<1x128xi32, #tpu.memory_space<vmem>> -> memref<128xi32, #tpu.memory_space<vmem>>
      %dma_wait3A_64 = arith.constant 0 : i32
      %dma_wait3A_65 = arith.constant 0 : i32
      %dma_wait3A_66 = tpu.memref_slice %arg6[%dma_wait3A_64, %dma_wait3A_65] : memref<10112x128xf32, #tpu.memory_space<vmem_shared>> -> memref<10112x128xf32, #tpu.memory_space<vmem_shared>>
      tpu.wait_indirect_dma semaphore(%arg13 : memref<!tpu.dma_semaphore, #tpu.memory_space<semaphore_mem>>) src(%arg9 : memref<128x128xf32, #tpu.memory_space<vmem>>) dst(%dma_wait3A_66 : memref<10112x128xf32, #tpu.memory_space<vmem_shared>>)
      %dma_start3A_67 = arith.constant 2 : i32
      %dma_start3A_68 = arith.constant 0 : i32
      %dma_start3A_69 = tpu.memref_slice %arg7[%dma_start3A_67, %dma_start3A_68] : memref<16x128xi32, #tpu.memory_space<vmem>> -> memref<1x128xi32, #tpu.memory_space<vmem>>
      %dma_start3A_70 = tpu.memref_squeeze %dma_start3A_69 : memref<1x128xi32, #tpu.memory_space<vmem>> -> memref<128xi32, #tpu.memory_space<vmem>>
      %dma_start3A_71 = arith.constant 0 : i32
      %dma_start3A_72 = arith.constant 0 : i32
      %dma_start3A_73 = tpu.memref_slice %arg2[%dma_start3A_71, %dma_start3A_72] : memref<10000x128xf32, #tpu.memory_space<hbm>> -> memref<10000x128xf32, #tpu.memory_space<hbm>>
      tpu.enqueue_indirect_dma source(%dma_start3A_73 : memref<10000x128xf32, #tpu.memory_space<hbm>>) target(%arg9 : memref<128x128xf32, #tpu.memory_space<vmem>>) offsets(%dma_start3A_70 : memref<128xi32, #tpu.memory_space<vmem>>) semaphore(%arg11 : memref<!tpu.dma_semaphore, #tpu.memory_space<semaphore_mem>>)
      %dma_wait3A_74 = arith.constant 2 : i32
      %dma_wait3A_75 = arith.constant 0 : i32
      %dma_wait3A_76 = tpu.memref_slice %arg7[%dma_wait3A_74, %dma_wait3A_75] : memref<16x128xi32, #tpu.memory_space<vmem>> -> memref<1x128xi32, #tpu.memory_space<vmem>>
      %dma_wait3A_77 = tpu.memref_squeeze %dma_wait3A_76 : memref<1x128xi32, #tpu.memory_space<vmem>> -> memref<128xi32, #tpu.memory_space<vmem>>
      %dma_wait3A_78 = arith.constant 0 : i32
      %dma_wait3A_79 = arith.constant 0 : i32
      %dma_wait3A_80 = tpu.memref_slice %arg2[%dma_wait3A_78, %dma_wait3A_79] : memref<10000x128xf32, #tpu.memory_space<hbm>> -> memref<10000x128xf32, #tpu.memory_space<hbm>>
      tpu.wait_indirect_dma semaphore(%arg11 : memref<!tpu.dma_semaphore, #tpu.memory_space<semaphore_mem>>) src(%dma_wait3A_80 : memref<10000x128xf32, #tpu.memory_space<hbm>>) dst(%arg9 : memref<128x128xf32, #tpu.memory_space<vmem>>)
      %dma_start3A_81 = arith.constant 2 : i32
      %dma_start3A_82 = arith.constant 0 : i32
      %dma_start3A_83 = tpu.memref_slice %arg8[%dma_start3A_81, %dma_start3A_82] : memref<16x128xi32, #tpu.memory_space<vmem>> -> memref<1x128xi32, #tpu.memory_space<vmem>>
      %dma_start3A_84 = tpu.memref_squeeze %dma_start3A_83 : memref<1x128xi32, #tpu.memory_space<vmem>> -> memref<128xi32, #tpu.memory_space<vmem>>
      %dma_start3A_85 = arith.constant 0 : i32
      %dma_start3A_86 = arith.constant 0 : i32
      %dma_start3A_87 = tpu.memref_slice %arg6[%dma_start3A_85, %dma_start3A_86] : memref<10112x128xf32, #tpu.memory_space<vmem_shared>> -> memref<10112x128xf32, #tpu.memory_space<vmem_shared>>
      tpu.enqueue_indirect_dma source(%arg9 : memref<128x128xf32, #tpu.memory_space<vmem>>) target(%dma_start3A_87 : memref<10112x128xf32, #tpu.memory_space<vmem_shared>>) offsets(%dma_start3A_84 : memref<128xi32, #tpu.memory_space<vmem>>) semaphore(%arg13 : memref<!tpu.dma_semaphore, #tpu.memory_space<semaphore_mem>>) {add = true}
      %dma_wait3A_88 = arith.constant 1 : i32
      %dma_wait3A_89 = arith.constant 0 : i32
      %dma_wait3A_90 = tpu.memref_slice %arg8[%dma_wait3A_88, %dma_wait3A_89] : memref<16x128xi32, #tpu.memory_space<vmem>> -> memref<1x128xi32, #tpu.memory_space<vmem>>
      %dma_wait3A_91 = tpu.memref_squeeze %dma_wait3A_90 : memref<1x128xi32, #tpu.memory_space<vmem>> -> memref<128xi32, #tpu.memory_space<vmem>>
      %dma_wait3A_92 = arith.constant 0 : i32
      %dma_wait3A_93 = arith.constant 0 : i32
      %dma_wait3A_94 = tpu.memref_slice %arg6[%dma_wait3A_92, %dma_wait3A_93] : memref<10112x128xf32, #tpu.memory_space<vmem_shared>> -> memref<10112x128xf32, #tpu.memory_space<vmem_shared>>
      tpu.wait_indirect_dma semaphore(%arg14 : memref<!tpu.dma_semaphore, #tpu.memory_space<semaphore_mem>>) src(%arg10 : memref<128x128xf32, #tpu.memory_space<vmem>>) dst(%dma_wait3A_94 : memref<10112x128xf32, #tpu.memory_space<vmem_shared>>)
      %dma_start3A_95 = arith.constant 3 : i32
      %dma_start3A_96 = arith.constant 0 : i32
      %dma_start3A_97 = tpu.memref_slice %arg7[%dma_start3A_95, %dma_start3A_96] : memref<16x128xi32, #tpu.memory_space<vmem>> -> memref<1x128xi32, #tpu.memory_space<vmem>>
      %dma_start3A_98 = tpu.memref_squeeze %dma_start3A_97 : memref<1x128xi32, #tpu.memory_space<vmem>> -> memref<128xi32, #tpu.memory_space<vmem>>
      %dma_start3A_99 = arith.constant 0 : i32
      %dma_start3A_100 = arith.constant 0 : i32
      %dma_start3A_101 = tpu.memref_slice %arg2[%dma_start3A_99, %dma_start3A_100] : memref<10000x128xf32, #tpu.memory_space<hbm>> -> memref<10000x128xf32, #tpu.memory_space<hbm>>
      tpu.enqueue_indirect_dma source(%dma_start3A_101 : memref<10000x128xf32, #tpu.memory_space<hbm>>) target(%arg10 : memref<128x128xf32, #tpu.memory_space<vmem>>) offsets(%dma_start3A_98 : memref<128xi32, #tpu.memory_space<vmem>>) semaphore(%arg12 : memref<!tpu.dma_semaphore, #tpu.memory_space<semaphore_mem>>)
      %dma_wait3A_102 = arith.constant 3 : i32
      %dma_wait3A_103 = arith.constant 0 : i32
      %dma_wait3A_104 = tpu.memref_slice %arg7[%dma_wait3A_102, %dma_wait3A_103] : memref<16x128xi32, #tpu.memory_space<vmem>> -> memref<1x128xi32, #tpu.memory_space<vmem>>
      %dma_wait3A_105 = tpu.memref_squeeze %dma_wait3A_104 : memref<1x128xi32, #tpu.memory_space<vmem>> -> memref<128xi32, #tpu.memory_space<vmem>>
      %dma_wait3A_106 = arith.constant 0 : i32
      %dma_wait3A_107 = arith.constant 0 : i32
      %dma_wait3A_108 = tpu.memref_slice %arg2[%dma_wait3A_106, %dma_wait3A_107] : memref<10000x128xf32, #tpu.memory_space<hbm>> -> memref<10000x128xf32, #tpu.memory_space<hbm>>
      tpu.wait_indirect_dma semaphore(%arg12 : memref<!tpu.dma_semaphore, #tpu.memory_space<semaphore_mem>>) src(%dma_wait3A_108 : memref<10000x128xf32, #tpu.memory_space<hbm>>) dst(%arg10 : memref<128x128xf32, #tpu.memory_space<vmem>>)
      %dma_start3A_109 = arith.constant 3 : i32
      %dma_start3A_110 = arith.constant 0 : i32
      %dma_start3A_111 = tpu.memref_slice %arg8[%dma_start3A_109, %dma_start3A_110] : memref<16x128xi32, #tpu.memory_space<vmem>> -> memref<1x128xi32, #tpu.memory_space<vmem>>
      %dma_start3A_112 = tpu.memref_squeeze %dma_start3A_111 : memref<1x128xi32, #tpu.memory_space<vmem>> -> memref<128xi32, #tpu.memory_space<vmem>>
      %dma_start3A_113 = arith.constant 0 : i32
      %dma_start3A_114 = arith.constant 0 : i32
      %dma_start3A_115 = tpu.memref_slice %arg6[%dma_start3A_113, %dma_start3A_114] : memref<10112x128xf32, #tpu.memory_space<vmem_shared>> -> memref<10112x128xf32, #tpu.memory_space<vmem_shared>>
      tpu.enqueue_indirect_dma source(%arg10 : memref<128x128xf32, #tpu.memory_space<vmem>>) target(%dma_start3A_115 : memref<10112x128xf32, #tpu.memory_space<vmem_shared>>) offsets(%dma_start3A_112 : memref<128xi32, #tpu.memory_space<vmem>>) semaphore(%arg14 : memref<!tpu.dma_semaphore, #tpu.memory_space<semaphore_mem>>) {add = true}
      %dma_wait3A_116 = arith.constant 2 : i32
      %dma_wait3A_117 = arith.constant 0 : i32
      %dma_wait3A_118 = tpu.memref_slice %arg8[%dma_wait3A_116, %dma_wait3A_117] : memref<16x128xi32, #tpu.memory_space<vmem>> -> memref<1x128xi32, #tpu.memory_space<vmem>>
      %dma_wait3A_119 = tpu.memref_squeeze %dma_wait3A_118 : memref<1x128xi32, #tpu.memory_space<vmem>> -> memref<128xi32, #tpu.memory_space<vmem>>
      %dma_wait3A_120 = arith.constant 0 : i32
      %dma_wait3A_121 = arith.constant 0 : i32
      %dma_wait3A_122 = tpu.memref_slice %arg6[%dma_wait3A_120, %dma_wait3A_121] : memref<10112x128xf32, #tpu.memory_space<vmem_shared>> -> memref<10112x128xf32, #tpu.memory_space<vmem_shared>>
      tpu.wait_indirect_dma semaphore(%arg13 : memref<!tpu.dma_semaphore, #tpu.memory_space<semaphore_mem>>) src(%arg9 : memref<128x128xf32, #tpu.memory_space<vmem>>) dst(%dma_wait3A_122 : memref<10112x128xf32, #tpu.memory_space<vmem_shared>>)
      %dma_start3A_123 = arith.constant 4 : i32
      %dma_start3A_124 = arith.constant 0 : i32
      %dma_start3A_125 = tpu.memref_slice %arg7[%dma_start3A_123, %dma_start3A_124] : memref<16x128xi32, #tpu.memory_space<vmem>> -> memref<1x128xi32, #tpu.memory_space<vmem>>
      %dma_start3A_126 = tpu.memref_squeeze %dma_start3A_125 : memref<1x128xi32, #tpu.memory_space<vmem>> -> memref<128xi32, #tpu.memory_space<vmem>>
      %dma_start3A_127 = arith.constant 0 : i32
      %dma_start3A_128 = arith.constant 0 : i32
      %dma_start3A_129 = tpu.memref_slice %arg2[%dma_start3A_127, %dma_start3A_128] : memref<10000x128xf32, #tpu.memory_space<hbm>> -> memref<10000x128xf32, #tpu.memory_space<hbm>>
      tpu.enqueue_indirect_dma source(%dma_start3A_129 : memref<10000x128xf32, #tpu.memory_space<hbm>>) target(%arg9 : memref<128x128xf32, #tpu.memory_space<vmem>>) offsets(%dma_start3A_126 : memref<128xi32, #tpu.memory_space<vmem>>) semaphore(%arg11 : memref<!tpu.dma_semaphore, #tpu.memory_space<semaphore_mem>>)
      %dma_wait3A_130 = arith.constant 4 : i32
      %dma_wait3A_131 = arith.constant 0 : i32
      %dma_wait3A_132 = tpu.memref_slice %arg7[%dma_wait3A_130, %dma_wait3A_131] : memref<16x128xi32, #tpu.memory_space<vmem>> -> memref<1x128xi32, #tpu.memory_space<vmem>>
      %dma_wait3A_133 = tpu.memref_squeeze %dma_wait3A_132 : memref<1x128xi32, #tpu.memory_space<vmem>> -> memref<128xi32, #tpu.memory_space<vmem>>
      %dma_wait3A_134 = arith.constant 0 : i32
      %dma_wait3A_135 = arith.constant 0 : i32
      %dma_wait3A_136 = tpu.memref_slice %arg2[%dma_wait3A_134, %dma_wait3A_135] : memref<10000x128xf32, #tpu.memory_space<hbm>> -> memref<10000x128xf32, #tpu.memory_space<hbm>>
      tpu.wait_indirect_dma semaphore(%arg11 : memref<!tpu.dma_semaphore, #tpu.memory_space<semaphore_mem>>) src(%dma_wait3A_136 : memref<10000x128xf32, #tpu.memory_space<hbm>>) dst(%arg9 : memref<128x128xf32, #tpu.memory_space<vmem>>)
      %dma_start3A_137 = arith.constant 4 : i32
      %dma_start3A_138 = arith.constant 0 : i32
      %dma_start3A_139 = tpu.memref_slice %arg8[%dma_start3A_137, %dma_start3A_138] : memref<16x128xi32, #tpu.memory_space<vmem>> -> memref<1x128xi32, #tpu.memory_space<vmem>>
      %dma_start3A_140 = tpu.memref_squeeze %dma_start3A_139 : memref<1x128xi32, #tpu.memory_space<vmem>> -> memref<128xi32, #tpu.memory_space<vmem>>
      %dma_start3A_141 = arith.constant 0 : i32
      %dma_start3A_142 = arith.constant 0 : i32
      %dma_start3A_143 = tpu.memref_slice %arg6[%dma_start3A_141, %dma_start3A_142] : memref<10112x128xf32, #tpu.memory_space<vmem_shared>> -> memref<10112x128xf32, #tpu.memory_space<vmem_shared>>
      tpu.enqueue_indirect_dma source(%arg9 : memref<128x128xf32, #tpu.memory_space<vmem>>) target(%dma_start3A_143 : memref<10112x128xf32, #tpu.memory_space<vmem_shared>>) offsets(%dma_start3A_140 : memref<128xi32, #tpu.memory_space<vmem>>) semaphore(%arg13 : memref<!tpu.dma_semaphore, #tpu.memory_space<semaphore_mem>>) {add = true}
      %dma_wait3A_144 = arith.constant 3 : i32
      %dma_wait3A_145 = arith.constant 0 : i32
      %dma_wait3A_146 = tpu.memref_slice %arg8[%dma_wait3A_144, %dma_wait3A_145] : memref<16x128xi32, #tpu.memory_space<vmem>> -> memref<1x128xi32, #tpu.memory_space<vmem>>
      %dma_wait3A_147 = tpu.memref_squeeze %dma_wait3A_146 : memref<1x128xi32, #tpu.memory_space<vmem>> -> memref<128xi32, #tpu.memory_space<vmem>>
      %dma_wait3A_148 = arith.constant 0 : i32
      %dma_wait3A_149 = arith.constant 0 : i32
      %dma_wait3A_150 = tpu.memref_slice %arg6[%dma_wait3A_148, %dma_wait3A_149] : memref<10112x128xf32, #tpu.memory_space<vmem_shared>> -> memref<10112x128xf32, #tpu.memory_space<vmem_shared>>
      tpu.wait_indirect_dma semaphore(%arg14 : memref<!tpu.dma_semaphore, #tpu.memory_space<semaphore_mem>>) src(%arg10 : memref<128x128xf32, #tpu.memory_space<vmem>>) dst(%dma_wait3A_150 : memref<10112x128xf32, #tpu.memory_space<vmem_shared>>)
      %dma_start3A_151 = arith.constant 5 : i32
      %dma_start3A_152 = arith.constant 0 : i32
      %dma_start3A_153 = tpu.memref_slice %arg7[%dma_start3A_151, %dma_start3A_152] : memref<16x128xi32, #tpu.memory_space<vmem>> -> memref<1x128xi32, #tpu.memory_space<vmem>>
      %dma_start3A_154 = tpu.memref_squeeze %dma_start3A_153 : memref<1x128xi32, #tpu.memory_space<vmem>> -> memref<128xi32, #tpu.memory_space<vmem>>
      %dma_start3A_155 = arith.constant 0 : i32
      %dma_start3A_156 = arith.constant 0 : i32
      %dma_start3A_157 = tpu.memref_slice %arg2[%dma_start3A_155, %dma_start3A_156] : memref<10000x128xf32, #tpu.memory_space<hbm>> -> memref<10000x128xf32, #tpu.memory_space<hbm>>
      tpu.enqueue_indirect_dma source(%dma_start3A_157 : memref<10000x128xf32, #tpu.memory_space<hbm>>) target(%arg10 : memref<128x128xf32, #tpu.memory_space<vmem>>) offsets(%dma_start3A_154 : memref<128xi32, #tpu.memory_space<vmem>>) semaphore(%arg12 : memref<!tpu.dma_semaphore, #tpu.memory_space<semaphore_mem>>)
      %dma_wait3A_158 = arith.constant 5 : i32
      %dma_wait3A_159 = arith.constant 0 : i32
      %dma_wait3A_160 = tpu.memref_slice %arg7[%dma_wait3A_158, %dma_wait3A_159] : memref<16x128xi32, #tpu.memory_space<vmem>> -> memref<1x128xi32, #tpu.memory_space<vmem>>
      %dma_wait3A_161 = tpu.memref_squeeze %dma_wait3A_160 : memref<1x128xi32, #tpu.memory_space<vmem>> -> memref<128xi32, #tpu.memory_space<vmem>>
      %dma_wait3A_162 = arith.constant 0 : i32
      %dma_wait3A_163 = arith.constant 0 : i32
      %dma_wait3A_164 = tpu.memref_slice %arg2[%dma_wait3A_162, %dma_wait3A_163] : memref<10000x128xf32, #tpu.memory_space<hbm>> -> memref<10000x128xf32, #tpu.memory_space<hbm>>
      tpu.wait_indirect_dma semaphore(%arg12 : memref<!tpu.dma_semaphore, #tpu.memory_space<semaphore_mem>>) src(%dma_wait3A_164 : memref<10000x128xf32, #tpu.memory_space<hbm>>) dst(%arg10 : memref<128x128xf32, #tpu.memory_space<vmem>>)
      %dma_start3A_165 = arith.constant 5 : i32
      %dma_start3A_166 = arith.constant 0 : i32
      %dma_start3A_167 = tpu.memref_slice %arg8[%dma_start3A_165, %dma_start3A_166] : memref<16x128xi32, #tpu.memory_space<vmem>> -> memref<1x128xi32, #tpu.memory_space<vmem>>
      %dma_start3A_168 = tpu.memref_squeeze %dma_start3A_167 : memref<1x128xi32, #tpu.memory_space<vmem>> -> memref<128xi32, #tpu.memory_space<vmem>>
      %dma_start3A_169 = arith.constant 0 : i32
      %dma_start3A_170 = arith.constant 0 : i32
      %dma_start3A_171 = tpu.memref_slice %arg6[%dma_start3A_169, %dma_start3A_170] : memref<10112x128xf32, #tpu.memory_space<vmem_shared>> -> memref<10112x128xf32, #tpu.memory_space<vmem_shared>>
      tpu.enqueue_indirect_dma source(%arg10 : memref<128x128xf32, #tpu.memory_space<vmem>>) target(%dma_start3A_171 : memref<10112x128xf32, #tpu.memory_space<vmem_shared>>) offsets(%dma_start3A_168 : memref<128xi32, #tpu.memory_space<vmem>>) semaphore(%arg14 : memref<!tpu.dma_semaphore, #tpu.memory_space<semaphore_mem>>) {add = true}
      %dma_wait3A_172 = arith.constant 4 : i32
      %dma_wait3A_173 = arith.constant 0 : i32
      %dma_wait3A_174 = tpu.memref_slice %arg8[%dma_wait3A_172, %dma_wait3A_173] : memref<16x128xi32, #tpu.memory_space<vmem>> -> memref<1x128xi32, #tpu.memory_space<vmem>>
      %dma_wait3A_175 = tpu.memref_squeeze %dma_wait3A_174 : memref<1x128xi32, #tpu.memory_space<vmem>> -> memref<128xi32, #tpu.memory_space<vmem>>
      %dma_wait3A_176 = arith.constant 0 : i32
      %dma_wait3A_177 = arith.constant 0 : i32
      %dma_wait3A_178 = tpu.memref_slice %arg6[%dma_wait3A_176, %dma_wait3A_177] : memref<10112x128xf32, #tpu.memory_space<vmem_shared>> -> memref<10112x128xf32, #tpu.memory_space<vmem_shared>>
      tpu.wait_indirect_dma semaphore(%arg13 : memref<!tpu.dma_semaphore, #tpu.memory_space<semaphore_mem>>) src(%arg9 : memref<128x128xf32, #tpu.memory_space<vmem>>) dst(%dma_wait3A_178 : memref<10112x128xf32, #tpu.memory_space<vmem_shared>>)
      %dma_start3A_179 = arith.constant 6 : i32
      %dma_start3A_180 = arith.constant 0 : i32
      %dma_start3A_181 = tpu.memref_slice %arg7[%dma_start3A_179, %dma_start3A_180] : memref<16x128xi32, #tpu.memory_space<vmem>> -> memref<1x128xi32, #tpu.memory_space<vmem>>
      %dma_start3A_182 = tpu.memref_squeeze %dma_start3A_181 : memref<1x128xi32, #tpu.memory_space<vmem>> -> memref<128xi32, #tpu.memory_space<vmem>>
      %dma_start3A_183 = arith.constant 0 : i32
      %dma_start3A_184 = arith.constant 0 : i32
      %dma_start3A_185 = tpu.memref_slice %arg2[%dma_start3A_183, %dma_start3A_184] : memref<10000x128xf32, #tpu.memory_space<hbm>> -> memref<10000x128xf32, #tpu.memory_space<hbm>>
      tpu.enqueue_indirect_dma source(%dma_start3A_185 : memref<10000x128xf32, #tpu.memory_space<hbm>>) target(%arg9 : memref<128x128xf32, #tpu.memory_space<vmem>>) offsets(%dma_start3A_182 : memref<128xi32, #tpu.memory_space<vmem>>) semaphore(%arg11 : memref<!tpu.dma_semaphore, #tpu.memory_space<semaphore_mem>>)
      %dma_wait3A_186 = arith.constant 6 : i32
      %dma_wait3A_187 = arith.constant 0 : i32
      %dma_wait3A_188 = tpu.memref_slice %arg7[%dma_wait3A_186, %dma_wait3A_187] : memref<16x128xi32, #tpu.memory_space<vmem>> -> memref<1x128xi32, #tpu.memory_space<vmem>>
      %dma_wait3A_189 = tpu.memref_squeeze %dma_wait3A_188 : memref<1x128xi32, #tpu.memory_space<vmem>> -> memref<128xi32, #tpu.memory_space<vmem>>
      %dma_wait3A_190 = arith.constant 0 : i32
      %dma_wait3A_191 = arith.constant 0 : i32
      %dma_wait3A_192 = tpu.memref_slice %arg2[%dma_wait3A_190, %dma_wait3A_191] : memref<10000x128xf32, #tpu.memory_space<hbm>> -> memref<10000x128xf32, #tpu.memory_space<hbm>>
      tpu.wait_indirect_dma semaphore(%arg11 : memref<!tpu.dma_semaphore, #tpu.memory_space<semaphore_mem>>) src(%dma_wait3A_192 : memref<10000x128xf32, #tpu.memory_space<hbm>>) dst(%arg9 : memref<128x128xf32, #tpu.memory_space<vmem>>)
      %dma_start3A_193 = arith.constant 6 : i32
      %dma_start3A_194 = arith.constant 0 : i32
      %dma_start3A_195 = tpu.memref_slice %arg8[%dma_start3A_193, %dma_start3A_194] : memref<16x128xi32, #tpu.memory_space<vmem>> -> memref<1x128xi32, #tpu.memory_space<vmem>>
      %dma_start3A_196 = tpu.memref_squeeze %dma_start3A_195 : memref<1x128xi32, #tpu.memory_space<vmem>> -> memref<128xi32, #tpu.memory_space<vmem>>
      %dma_start3A_197 = arith.constant 0 : i32
      %dma_start3A_198 = arith.constant 0 : i32
      %dma_start3A_199 = tpu.memref_slice %arg6[%dma_start3A_197, %dma_start3A_198] : memref<10112x128xf32, #tpu.memory_space<vmem_shared>> -> memref<10112x128xf32, #tpu.memory_space<vmem_shared>>
      tpu.enqueue_indirect_dma source(%arg9 : memref<128x128xf32, #tpu.memory_space<vmem>>) target(%dma_start3A_199 : memref<10112x128xf32, #tpu.memory_space<vmem_shared>>) offsets(%dma_start3A_196 : memref<128xi32, #tpu.memory_space<vmem>>) semaphore(%arg13 : memref<!tpu.dma_semaphore, #tpu.memory_space<semaphore_mem>>) {add = true}
      %dma_wait3A_200 = arith.constant 5 : i32
      %dma_wait3A_201 = arith.constant 0 : i32
      %dma_wait3A_202 = tpu.memref_slice %arg8[%dma_wait3A_200, %dma_wait3A_201] : memref<16x128xi32, #tpu.memory_space<vmem>> -> memref<1x128xi32, #tpu.memory_space<vmem>>
      %dma_wait3A_203 = tpu.memref_squeeze %dma_wait3A_202 : memref<1x128xi32, #tpu.memory_space<vmem>> -> memref<128xi32, #tpu.memory_space<vmem>>
      %dma_wait3A_204 = arith.constant 0 : i32
      %dma_wait3A_205 = arith.constant 0 : i32
      %dma_wait3A_206 = tpu.memref_slice %arg6[%dma_wait3A_204, %dma_wait3A_205] : memref<10112x128xf32, #tpu.memory_space<vmem_shared>> -> memref<10112x128xf32, #tpu.memory_space<vmem_shared>>
      tpu.wait_indirect_dma semaphore(%arg14 : memref<!tpu.dma_semaphore, #tpu.memory_space<semaphore_mem>>) src(%arg10 : memref<128x128xf32, #tpu.memory_space<vmem>>) dst(%dma_wait3A_206 : memref<10112x128xf32, #tpu.memory_space<vmem_shared>>)
      %dma_start3A_207 = arith.constant 7 : i32
      %dma_start3A_208 = arith.constant 0 : i32
      %dma_start3A_209 = tpu.memref_slice %arg7[%dma_start3A_207, %dma_start3A_208] : memref<16x128xi32, #tpu.memory_space<vmem>> -> memref<1x128xi32, #tpu.memory_space<vmem>>
      %dma_start3A_210 = tpu.memref_squeeze %dma_start3A_209 : memref<1x128xi32, #tpu.memory_space<vmem>> -> memref<128xi32, #tpu.memory_space<vmem>>
      %dma_start3A_211 = arith.constant 0 : i32
      %dma_start3A_212 = arith.constant 0 : i32
      %dma_start3A_213 = tpu.memref_slice %arg2[%dma_start3A_211, %dma_start3A_212] : memref<10000x128xf32, #tpu.memory_space<hbm>> -> memref<10000x128xf32, #tpu.memory_space<hbm>>
      tpu.enqueue_indirect_dma source(%dma_start3A_213 : memref<10000x128xf32, #tpu.memory_space<hbm>>) target(%arg10 : memref<128x128xf32, #tpu.memory_space<vmem>>) offsets(%dma_start3A_210 : memref<128xi32, #tpu.memory_space<vmem>>) semaphore(%arg12 : memref<!tpu.dma_semaphore, #tpu.memory_space<semaphore_mem>>)
      %dma_wait3A_214 = arith.constant 7 : i32
      %dma_wait3A_215 = arith.constant 0 : i32
      %dma_wait3A_216 = tpu.memref_slice %arg7[%dma_wait3A_214, %dma_wait3A_215] : memref<16x128xi32, #tpu.memory_space<vmem>> -> memref<1x128xi32, #tpu.memory_space<vmem>>
      %dma_wait3A_217 = tpu.memref_squeeze %dma_wait3A_216 : memref<1x128xi32, #tpu.memory_space<vmem>> -> memref<128xi32, #tpu.memory_space<vmem>>
      %dma_wait3A_218 = arith.constant 0 : i32
      %dma_wait3A_219 = arith.constant 0 : i32
      %dma_wait3A_220 = tpu.memref_slice %arg2[%dma_wait3A_218, %dma_wait3A_219] : memref<10000x128xf32, #tpu.memory_space<hbm>> -> memref<10000x128xf32, #tpu.memory_space<hbm>>
      tpu.wait_indirect_dma semaphore(%arg12 : memref<!tpu.dma_semaphore, #tpu.memory_space<semaphore_mem>>) src(%dma_wait3A_220 : memref<10000x128xf32, #tpu.memory_space<hbm>>) dst(%arg10 : memref<128x128xf32, #tpu.memory_space<vmem>>)
      %dma_start3A_221 = arith.constant 7 : i32
      %dma_start3A_222 = arith.constant 0 : i32
      %dma_start3A_223 = tpu.memref_slice %arg8[%dma_start3A_221, %dma_start3A_222] : memref<16x128xi32, #tpu.memory_space<vmem>> -> memref<1x128xi32, #tpu.memory_space<vmem>>
      %dma_start3A_224 = tpu.memref_squeeze %dma_start3A_223 : memref<1x128xi32, #tpu.memory_space<vmem>> -> memref<128xi32, #tpu.memory_space<vmem>>
      %dma_start3A_225 = arith.constant 0 : i32
      %dma_start3A_226 = arith.constant 0 : i32
      %dma_start3A_227 = tpu.memref_slice %arg6[%dma_start3A_225, %dma_start3A_226] : memref<10112x128xf32, #tpu.memory_space<vmem_shared>> -> memref<10112x128xf32, #tpu.memory_space<vmem_shared>>
      tpu.enqueue_indirect_dma source(%arg10 : memref<128x128xf32, #tpu.memory_space<vmem>>) target(%dma_start3A_227 : memref<10112x128xf32, #tpu.memory_space<vmem_shared>>) offsets(%dma_start3A_224 : memref<128xi32, #tpu.memory_space<vmem>>) semaphore(%arg14 : memref<!tpu.dma_semaphore, #tpu.memory_space<semaphore_mem>>) {add = true}
      %dma_wait3A_228 = arith.constant 6 : i32
      %dma_wait3A_229 = arith.constant 0 : i32
      %dma_wait3A_230 = tpu.memref_slice %arg8[%dma_wait3A_228, %dma_wait3A_229] : memref<16x128xi32, #tpu.memory_space<vmem>> -> memref<1x128xi32, #tpu.memory_space<vmem>>
      %dma_wait3A_231 = tpu.memref_squeeze %dma_wait3A_230 : memref<1x128xi32, #tpu.memory_space<vmem>> -> memref<128xi32, #tpu.memory_space<vmem>>
      %dma_wait3A_232 = arith.constant 0 : i32
      %dma_wait3A_233 = arith.constant 0 : i32
      %dma_wait3A_234 = tpu.memref_slice %arg6[%dma_wait3A_232, %dma_wait3A_233] : memref<10112x128xf32, #tpu.memory_space<vmem_shared>> -> memref<10112x128xf32, #tpu.memory_space<vmem_shared>>
      tpu.wait_indirect_dma semaphore(%arg13 : memref<!tpu.dma_semaphore, #tpu.memory_space<semaphore_mem>>) src(%arg9 : memref<128x128xf32, #tpu.memory_space<vmem>>) dst(%dma_wait3A_234 : memref<10112x128xf32, #tpu.memory_space<vmem_shared>>)
      %dma_start3A_235 = arith.constant 8 : i32
      %dma_start3A_236 = arith.constant 0 : i32
      %dma_start3A_237 = tpu.memref_slice %arg7[%dma_start3A_235, %dma_start3A_236] : memref<16x128xi32, #tpu.memory_space<vmem>> -> memref<1x128xi32, #tpu.memory_space<vmem>>
      %dma_start3A_238 = tpu.memref_squeeze %dma_start3A_237 : memref<1x128xi32, #tpu.memory_space<vmem>> -> memref<128xi32, #tpu.memory_space<vmem>>
      %dma_start3A_239 = arith.constant 0 : i32
      %dma_start3A_240 = arith.constant 0 : i32
      %dma_start3A_241 = tpu.memref_slice %arg2[%dma_start3A_239, %dma_start3A_240] : memref<10000x128xf32, #tpu.memory_space<hbm>> -> memref<10000x128xf32, #tpu.memory_space<hbm>>
      tpu.enqueue_indirect_dma source(%dma_start3A_241 : memref<10000x128xf32, #tpu.memory_space<hbm>>) target(%arg9 : memref<128x128xf32, #tpu.memory_space<vmem>>) offsets(%dma_start3A_238 : memref<128xi32, #tpu.memory_space<vmem>>) semaphore(%arg11 : memref<!tpu.dma_semaphore, #tpu.memory_space<semaphore_mem>>)
      %dma_wait3A_242 = arith.constant 8 : i32
      %dma_wait3A_243 = arith.constant 0 : i32
      %dma_wait3A_244 = tpu.memref_slice %arg7[%dma_wait3A_242, %dma_wait3A_243] : memref<16x128xi32, #tpu.memory_space<vmem>> -> memref<1x128xi32, #tpu.memory_space<vmem>>
      %dma_wait3A_245 = tpu.memref_squeeze %dma_wait3A_244 : memref<1x128xi32, #tpu.memory_space<vmem>> -> memref<128xi32, #tpu.memory_space<vmem>>
      %dma_wait3A_246 = arith.constant 0 : i32
      %dma_wait3A_247 = arith.constant 0 : i32
      %dma_wait3A_248 = tpu.memref_slice %arg2[%dma_wait3A_246, %dma_wait3A_247] : memref<10000x128xf32, #tpu.memory_space<hbm>> -> memref<10000x128xf32, #tpu.memory_space<hbm>>
      tpu.wait_indirect_dma semaphore(%arg11 : memref<!tpu.dma_semaphore, #tpu.memory_space<semaphore_mem>>) src(%dma_wait3A_248 : memref<10000x128xf32, #tpu.memory_space<hbm>>) dst(%arg9 : memref<128x128xf32, #tpu.memory_space<vmem>>)
      %dma_start3A_249 = arith.constant 8 : i32
      %dma_start3A_250 = arith.constant 0 : i32
      %dma_start3A_251 = tpu.memref_slice %arg8[%dma_start3A_249, %dma_start3A_250] : memref<16x128xi32, #tpu.memory_space<vmem>> -> memref<1x128xi32, #tpu.memory_space<vmem>>
      %dma_start3A_252 = tpu.memref_squeeze %dma_start3A_251 : memref<1x128xi32, #tpu.memory_space<vmem>> -> memref<128xi32, #tpu.memory_space<vmem>>
      %dma_start3A_253 = arith.constant 0 : i32
      %dma_start3A_254 = arith.constant 0 : i32
      %dma_start3A_255 = tpu.memref_slice %arg6[%dma_start3A_253, %dma_start3A_254] : memref<10112x128xf32, #tpu.memory_space<vmem_shared>> -> memref<10112x128xf32, #tpu.memory_space<vmem_shared>>
      tpu.enqueue_indirect_dma source(%arg9 : memref<128x128xf32, #tpu.memory_space<vmem>>) target(%dma_start3A_255 : memref<10112x128xf32, #tpu.memory_space<vmem_shared>>) offsets(%dma_start3A_252 : memref<128xi32, #tpu.memory_space<vmem>>) semaphore(%arg13 : memref<!tpu.dma_semaphore, #tpu.memory_space<semaphore_mem>>) {add = true}
      %dma_wait3A_256 = arith.constant 7 : i32
      %dma_wait3A_257 = arith.constant 0 : i32
      %dma_wait3A_258 = tpu.memref_slice %arg8[%dma_wait3A_256, %dma_wait3A_257] : memref<16x128xi32, #tpu.memory_space<vmem>> -> memref<1x128xi32, #tpu.memory_space<vmem>>
      %dma_wait3A_259 = tpu.memref_squeeze %dma_wait3A_258 : memref<1x128xi32, #tpu.memory_space<vmem>> -> memref<128xi32, #tpu.memory_space<vmem>>
      %dma_wait3A_260 = arith.constant 0 : i32
      %dma_wait3A_261 = arith.constant 0 : i32
      %dma_wait3A_262 = tpu.memref_slice %arg6[%dma_wait3A_260, %dma_wait3A_261] : memref<10112x128xf32, #tpu.memory_space<vmem_shared>> -> memref<10112x128xf32, #tpu.memory_space<vmem_shared>>
      tpu.wait_indirect_dma semaphore(%arg14 : memref<!tpu.dma_semaphore, #tpu.memory_space<semaphore_mem>>) src(%arg10 : memref<128x128xf32, #tpu.memory_space<vmem>>) dst(%dma_wait3A_262 : memref<10112x128xf32, #tpu.memory_space<vmem_shared>>)
      %dma_start3A_263 = arith.constant 9 : i32
      %dma_start3A_264 = arith.constant 0 : i32
      %dma_start3A_265 = tpu.memref_slice %arg7[%dma_start3A_263, %dma_start3A_264] : memref<16x128xi32, #tpu.memory_space<vmem>> -> memref<1x128xi32, #tpu.memory_space<vmem>>
      %dma_start3A_266 = tpu.memref_squeeze %dma_start3A_265 : memref<1x128xi32, #tpu.memory_space<vmem>> -> memref<128xi32, #tpu.memory_space<vmem>>
      %dma_start3A_267 = arith.constant 0 : i32
      %dma_start3A_268 = arith.constant 0 : i32
      %dma_start3A_269 = tpu.memref_slice %arg2[%dma_start3A_267, %dma_start3A_268] : memref<10000x128xf32, #tpu.memory_space<hbm>> -> memref<10000x128xf32, #tpu.memory_space<hbm>>
      tpu.enqueue_indirect_dma source(%dma_start3A_269 : memref<10000x128xf32, #tpu.memory_space<hbm>>) target(%arg10 : memref<128x128xf32, #tpu.memory_space<vmem>>) offsets(%dma_start3A_266 : memref<128xi32, #tpu.memory_space<vmem>>) semaphore(%arg12 : memref<!tpu.dma_semaphore, #tpu.memory_space<semaphore_mem>>)
      %dma_wait3A_270 = arith.constant 9 : i32
      %dma_wait3A_271 = arith.constant 0 : i32
      %dma_wait3A_272 = tpu.memref_slice %arg7[%dma_wait3A_270, %dma_wait3A_271] : memref<16x128xi32, #tpu.memory_space<vmem>> -> memref<1x128xi32, #tpu.memory_space<vmem>>
      %dma_wait3A_273 = tpu.memref_squeeze %dma_wait3A_272 : memref<1x128xi32, #tpu.memory_space<vmem>> -> memref<128xi32, #tpu.memory_space<vmem>>
      %dma_wait3A_274 = arith.constant 0 : i32
      %dma_wait3A_275 = arith.constant 0 : i32
      %dma_wait3A_276 = tpu.memref_slice %arg2[%dma_wait3A_274, %dma_wait3A_275] : memref<10000x128xf32, #tpu.memory_space<hbm>> -> memref<10000x128xf32, #tpu.memory_space<hbm>>
      tpu.wait_indirect_dma semaphore(%arg12 : memref<!tpu.dma_semaphore, #tpu.memory_space<semaphore_mem>>) src(%dma_wait3A_276 : memref<10000x128xf32, #tpu.memory_space<hbm>>) dst(%arg10 : memref<128x128xf32, #tpu.memory_space<vmem>>)
      %dma_start3A_277 = arith.constant 9 : i32
      %dma_start3A_278 = arith.constant 0 : i32
      %dma_start3A_279 = tpu.memref_slice %arg8[%dma_start3A_277, %dma_start3A_278] : memref<16x128xi32, #tpu.memory_space<vmem>> -> memref<1x128xi32, #tpu.memory_space<vmem>>
      %dma_start3A_280 = tpu.memref_squeeze %dma_start3A_279 : memref<1x128xi32, #tpu.memory_space<vmem>> -> memref<128xi32, #tpu.memory_space<vmem>>
      %dma_start3A_281 = arith.constant 0 : i32
      %dma_start3A_282 = arith.constant 0 : i32
      %dma_start3A_283 = tpu.memref_slice %arg6[%dma_start3A_281, %dma_start3A_282] : memref<10112x128xf32, #tpu.memory_space<vmem_shared>> -> memref<10112x128xf32, #tpu.memory_space<vmem_shared>>
      tpu.enqueue_indirect_dma source(%arg10 : memref<128x128xf32, #tpu.memory_space<vmem>>) target(%dma_start3A_283 : memref<10112x128xf32, #tpu.memory_space<vmem_shared>>) offsets(%dma_start3A_280 : memref<128xi32, #tpu.memory_space<vmem>>) semaphore(%arg14 : memref<!tpu.dma_semaphore, #tpu.memory_space<semaphore_mem>>) {add = true}
      %dma_wait3A_284 = arith.constant 8 : i32
      %dma_wait3A_285 = arith.constant 0 : i32
      %dma_wait3A_286 = tpu.memref_slice %arg8[%dma_wait3A_284, %dma_wait3A_285] : memref<16x128xi32, #tpu.memory_space<vmem>> -> memref<1x128xi32, #tpu.memory_space<vmem>>
      %dma_wait3A_287 = tpu.memref_squeeze %dma_wait3A_286 : memref<1x128xi32, #tpu.memory_space<vmem>> -> memref<128xi32, #tpu.memory_space<vmem>>
      %dma_wait3A_288 = arith.constant 0 : i32
      %dma_wait3A_289 = arith.constant 0 : i32
      %dma_wait3A_290 = tpu.memref_slice %arg6[%dma_wait3A_288, %dma_wait3A_289] : memref<10112x128xf32, #tpu.memory_space<vmem_shared>> -> memref<10112x128xf32, #tpu.memory_space<vmem_shared>>
      tpu.wait_indirect_dma semaphore(%arg13 : memref<!tpu.dma_semaphore, #tpu.memory_space<semaphore_mem>>) src(%arg9 : memref<128x128xf32, #tpu.memory_space<vmem>>) dst(%dma_wait3A_290 : memref<10112x128xf32, #tpu.memory_space<vmem_shared>>)
      %dma_start3A_291 = arith.constant 10 : i32
      %dma_start3A_292 = arith.constant 0 : i32
      %dma_start3A_293 = tpu.memref_slice %arg7[%dma_start3A_291, %dma_start3A_292] : memref<16x128xi32, #tpu.memory_space<vmem>> -> memref<1x128xi32, #tpu.memory_space<vmem>>
      %dma_start3A_294 = tpu.memref_squeeze %dma_start3A_293 : memref<1x128xi32, #tpu.memory_space<vmem>> -> memref<128xi32, #tpu.memory_space<vmem>>
      %dma_start3A_295 = arith.constant 0 : i32
      %dma_start3A_296 = arith.constant 0 : i32
      %dma_start3A_297 = tpu.memref_slice %arg2[%dma_start3A_295, %dma_start3A_296] : memref<10000x128xf32, #tpu.memory_space<hbm>> -> memref<10000x128xf32, #tpu.memory_space<hbm>>
      tpu.enqueue_indirect_dma source(%dma_start3A_297 : memref<10000x128xf32, #tpu.memory_space<hbm>>) target(%arg9 : memref<128x128xf32, #tpu.memory_space<vmem>>) offsets(%dma_start3A_294 : memref<128xi32, #tpu.memory_space<vmem>>) semaphore(%arg11 : memref<!tpu.dma_semaphore, #tpu.memory_space<semaphore_mem>>)
      %dma_wait3A_298 = arith.constant 10 : i32
      %dma_wait3A_299 = arith.constant 0 : i32
      %dma_wait3A_300 = tpu.memref_slice %arg7[%dma_wait3A_298, %dma_wait3A_299] : memref<16x128xi32, #tpu.memory_space<vmem>> -> memref<1x128xi32, #tpu.memory_space<vmem>>
      %dma_wait3A_301 = tpu.memref_squeeze %dma_wait3A_300 : memref<1x128xi32, #tpu.memory_space<vmem>> -> memref<128xi32, #tpu.memory_space<vmem>>
      %dma_wait3A_302 = arith.constant 0 : i32
      %dma_wait3A_303 = arith.constant 0 : i32
      %dma_wait3A_304 = tpu.memref_slice %arg2[%dma_wait3A_302, %dma_wait3A_303] : memref<10000x128xf32, #tpu.memory_space<hbm>> -> memref<10000x128xf32, #tpu.memory_space<hbm>>
      tpu.wait_indirect_dma semaphore(%arg11 : memref<!tpu.dma_semaphore, #tpu.memory_space<semaphore_mem>>) src(%dma_wait3A_304 : memref<10000x128xf32, #tpu.memory_space<hbm>>) dst(%arg9 : memref<128x128xf32, #tpu.memory_space<vmem>>)
      %dma_start3A_305 = arith.constant 10 : i32
      %dma_start3A_306 = arith.constant 0 : i32
      %dma_start3A_307 = tpu.memref_slice %arg8[%dma_start3A_305, %dma_start3A_306] : memref<16x128xi32, #tpu.memory_space<vmem>> -> memref<1x128xi32, #tpu.memory_space<vmem>>
      %dma_start3A_308 = tpu.memref_squeeze %dma_start3A_307 : memref<1x128xi32, #tpu.memory_space<vmem>> -> memref<128xi32, #tpu.memory_space<vmem>>
      %dma_start3A_309 = arith.constant 0 : i32
      %dma_start3A_310 = arith.constant 0 : i32
      %dma_start3A_311 = tpu.memref_slice %arg6[%dma_start3A_309, %dma_start3A_310] : memref<10112x128xf32, #tpu.memory_space<vmem_shared>> -> memref<10112x128xf32, #tpu.memory_space<vmem_shared>>
      tpu.enqueue_indirect_dma source(%arg9 : memref<128x128xf32, #tpu.memory_space<vmem>>) target(%dma_start3A_311 : memref<10112x128xf32, #tpu.memory_space<vmem_shared>>) offsets(%dma_start3A_308 : memref<128xi32, #tpu.memory_space<vmem>>) semaphore(%arg13 : memref<!tpu.dma_semaphore, #tpu.memory_space<semaphore_mem>>) {add = true}
      %dma_wait3A_312 = arith.constant 9 : i32
      %dma_wait3A_313 = arith.constant 0 : i32
      %dma_wait3A_314 = tpu.memref_slice %arg8[%dma_wait3A_312, %dma_wait3A_313] : memref<16x128xi32, #tpu.memory_space<vmem>> -> memref<1x128xi32, #tpu.memory_space<vmem>>
      %dma_wait3A_315 = tpu.memref_squeeze %dma_wait3A_314 : memref<1x128xi32, #tpu.memory_space<vmem>> -> memref<128xi32, #tpu.memory_space<vmem>>
      %dma_wait3A_316 = arith.constant 0 : i32
      %dma_wait3A_317 = arith.constant 0 : i32
      %dma_wait3A_318 = tpu.memref_slice %arg6[%dma_wait3A_316, %dma_wait3A_317] : memref<10112x128xf32, #tpu.memory_space<vmem_shared>> -> memref<10112x128xf32, #tpu.memory_space<vmem_shared>>
      tpu.wait_indirect_dma semaphore(%arg14 : memref<!tpu.dma_semaphore, #tpu.memory_space<semaphore_mem>>) src(%arg10 : memref<128x128xf32, #tpu.memory_space<vmem>>) dst(%dma_wait3A_318 : memref<10112x128xf32, #tpu.memory_space<vmem_shared>>)
      %dma_start3A_319 = arith.constant 11 : i32
      %dma_start3A_320 = arith.constant 0 : i32
      %dma_start3A_321 = tpu.memref_slice %arg7[%dma_start3A_319, %dma_start3A_320] : memref<16x128xi32, #tpu.memory_space<vmem>> -> memref<1x128xi32, #tpu.memory_space<vmem>>
      %dma_start3A_322 = tpu.memref_squeeze %dma_start3A_321 : memref<1x128xi32, #tpu.memory_space<vmem>> -> memref<128xi32, #tpu.memory_space<vmem>>
      %dma_start3A_323 = arith.constant 0 : i32
      %dma_start3A_324 = arith.constant 0 : i32
      %dma_start3A_325 = tpu.memref_slice %arg2[%dma_start3A_323, %dma_start3A_324] : memref<10000x128xf32, #tpu.memory_space<hbm>> -> memref<10000x128xf32, #tpu.memory_space<hbm>>
      tpu.enqueue_indirect_dma source(%dma_start3A_325 : memref<10000x128xf32, #tpu.memory_space<hbm>>) target(%arg10 : memref<128x128xf32, #tpu.memory_space<vmem>>) offsets(%dma_start3A_322 : memref<128xi32, #tpu.memory_space<vmem>>) semaphore(%arg12 : memref<!tpu.dma_semaphore, #tpu.memory_space<semaphore_mem>>)
      %dma_wait3A_326 = arith.constant 11 : i32
      %dma_wait3A_327 = arith.constant 0 : i32
      %dma_wait3A_328 = tpu.memref_slice %arg7[%dma_wait3A_326, %dma_wait3A_327] : memref<16x128xi32, #tpu.memory_space<vmem>> -> memref<1x128xi32, #tpu.memory_space<vmem>>
      %dma_wait3A_329 = tpu.memref_squeeze %dma_wait3A_328 : memref<1x128xi32, #tpu.memory_space<vmem>> -> memref<128xi32, #tpu.memory_space<vmem>>
      %dma_wait3A_330 = arith.constant 0 : i32
      %dma_wait3A_331 = arith.constant 0 : i32
      %dma_wait3A_332 = tpu.memref_slice %arg2[%dma_wait3A_330, %dma_wait3A_331] : memref<10000x128xf32, #tpu.memory_space<hbm>> -> memref<10000x128xf32, #tpu.memory_space<hbm>>
      tpu.wait_indirect_dma semaphore(%arg12 : memref<!tpu.dma_semaphore, #tpu.memory_space<semaphore_mem>>) src(%dma_wait3A_332 : memref<10000x128xf32, #tpu.memory_space<hbm>>) dst(%arg10 : memref<128x128xf32, #tpu.memory_space<vmem>>)
      %dma_start3A_333 = arith.constant 11 : i32
      %dma_start3A_334 = arith.constant 0 : i32
      %dma_start3A_335 = tpu.memref_slice %arg8[%dma_start3A_333, %dma_start3A_334] : memref<16x128xi32, #tpu.memory_space<vmem>> -> memref<1x128xi32, #tpu.memory_space<vmem>>
      %dma_start3A_336 = tpu.memref_squeeze %dma_start3A_335 : memref<1x128xi32, #tpu.memory_space<vmem>> -> memref<128xi32, #tpu.memory_space<vmem>>
      %dma_start3A_337 = arith.constant 0 : i32
      %dma_start3A_338 = arith.constant 0 : i32
      %dma_start3A_339 = tpu.memref_slice %arg6[%dma_start3A_337, %dma_start3A_338] : memref<10112x128xf32, #tpu.memory_space<vmem_shared>> -> memref<10112x128xf32, #tpu.memory_space<vmem_shared>>
      tpu.enqueue_indirect_dma source(%arg10 : memref<128x128xf32, #tpu.memory_space<vmem>>) target(%dma_start3A_339 : memref<10112x128xf32, #tpu.memory_space<vmem_shared>>) offsets(%dma_start3A_336 : memref<128xi32, #tpu.memory_space<vmem>>) semaphore(%arg14 : memref<!tpu.dma_semaphore, #tpu.memory_space<semaphore_mem>>) {add = true}
      %dma_wait3A_340 = arith.constant 10 : i32
      %dma_wait3A_341 = arith.constant 0 : i32
      %dma_wait3A_342 = tpu.memref_slice %arg8[%dma_wait3A_340, %dma_wait3A_341] : memref<16x128xi32, #tpu.memory_space<vmem>> -> memref<1x128xi32, #tpu.memory_space<vmem>>
      %dma_wait3A_343 = tpu.memref_squeeze %dma_wait3A_342 : memref<1x128xi32, #tpu.memory_space<vmem>> -> memref<128xi32, #tpu.memory_space<vmem>>
      %dma_wait3A_344 = arith.constant 0 : i32
      %dma_wait3A_345 = arith.constant 0 : i32
      %dma_wait3A_346 = tpu.memref_slice %arg6[%dma_wait3A_344, %dma_wait3A_345] : memref<10112x128xf32, #tpu.memory_space<vmem_shared>> -> memref<10112x128xf32, #tpu.memory_space<vmem_shared>>
      tpu.wait_indirect_dma semaphore(%arg13 : memref<!tpu.dma_semaphore, #tpu.memory_space<semaphore_mem>>) src(%arg9 : memref<128x128xf32, #tpu.memory_space<vmem>>) dst(%dma_wait3A_346 : memref<10112x128xf32, #tpu.memory_space<vmem_shared>>)
      %dma_start3A_347 = arith.constant 12 : i32
      %dma_start3A_348 = arith.constant 0 : i32
      %dma_start3A_349 = tpu.memref_slice %arg7[%dma_start3A_347, %dma_start3A_348] : memref<16x128xi32, #tpu.memory_space<vmem>> -> memref<1x128xi32, #tpu.memory_space<vmem>>
      %dma_start3A_350 = tpu.memref_squeeze %dma_start3A_349 : memref<1x128xi32, #tpu.memory_space<vmem>> -> memref<128xi32, #tpu.memory_space<vmem>>
      %dma_start3A_351 = arith.constant 0 : i32
      %dma_start3A_352 = arith.constant 0 : i32
      %dma_start3A_353 = tpu.memref_slice %arg2[%dma_start3A_351, %dma_start3A_352] : memref<10000x128xf32, #tpu.memory_space<hbm>> -> memref<10000x128xf32, #tpu.memory_space<hbm>>
      tpu.enqueue_indirect_dma source(%dma_start3A_353 : memref<10000x128xf32, #tpu.memory_space<hbm>>) target(%arg9 : memref<128x128xf32, #tpu.memory_space<vmem>>) offsets(%dma_start3A_350 : memref<128xi32, #tpu.memory_space<vmem>>) semaphore(%arg11 : memref<!tpu.dma_semaphore, #tpu.memory_space<semaphore_mem>>)
      %dma_wait3A_354 = arith.constant 12 : i32
      %dma_wait3A_355 = arith.constant 0 : i32
      %dma_wait3A_356 = tpu.memref_slice %arg7[%dma_wait3A_354, %dma_wait3A_355] : memref<16x128xi32, #tpu.memory_space<vmem>> -> memref<1x128xi32, #tpu.memory_space<vmem>>
      %dma_wait3A_357 = tpu.memref_squeeze %dma_wait3A_356 : memref<1x128xi32, #tpu.memory_space<vmem>> -> memref<128xi32, #tpu.memory_space<vmem>>
      %dma_wait3A_358 = arith.constant 0 : i32
      %dma_wait3A_359 = arith.constant 0 : i32
      %dma_wait3A_360 = tpu.memref_slice %arg2[%dma_wait3A_358, %dma_wait3A_359] : memref<10000x128xf32, #tpu.memory_space<hbm>> -> memref<10000x128xf32, #tpu.memory_space<hbm>>
      tpu.wait_indirect_dma semaphore(%arg11 : memref<!tpu.dma_semaphore, #tpu.memory_space<semaphore_mem>>) src(%dma_wait3A_360 : memref<10000x128xf32, #tpu.memory_space<hbm>>) dst(%arg9 : memref<128x128xf32, #tpu.memory_space<vmem>>)
      %dma_start3A_361 = arith.constant 12 : i32
      %dma_start3A_362 = arith.constant 0 : i32
      %dma_start3A_363 = tpu.memref_slice %arg8[%dma_start3A_361, %dma_start3A_362] : memref<16x128xi32, #tpu.memory_space<vmem>> -> memref<1x128xi32, #tpu.memory_space<vmem>>
      %dma_start3A_364 = tpu.memref_squeeze %dma_start3A_363 : memref<1x128xi32, #tpu.memory_space<vmem>> -> memref<128xi32, #tpu.memory_space<vmem>>
      %dma_start3A_365 = arith.constant 0 : i32
      %dma_start3A_366 = arith.constant 0 : i32
      %dma_start3A_367 = tpu.memref_slice %arg6[%dma_start3A_365, %dma_start3A_366] : memref<10112x128xf32, #tpu.memory_space<vmem_shared>> -> memref<10112x128xf32, #tpu.memory_space<vmem_shared>>
      tpu.enqueue_indirect_dma source(%arg9 : memref<128x128xf32, #tpu.memory_space<vmem>>) target(%dma_start3A_367 : memref<10112x128xf32, #tpu.memory_space<vmem_shared>>) offsets(%dma_start3A_364 : memref<128xi32, #tpu.memory_space<vmem>>) semaphore(%arg13 : memref<!tpu.dma_semaphore, #tpu.memory_space<semaphore_mem>>) {add = true}
      %dma_wait3A_368 = arith.constant 11 : i32
      %dma_wait3A_369 = arith.constant 0 : i32
      %dma_wait3A_370 = tpu.memref_slice %arg8[%dma_wait3A_368, %dma_wait3A_369] : memref<16x128xi32, #tpu.memory_space<vmem>> -> memref<1x128xi32, #tpu.memory_space<vmem>>
      %dma_wait3A_371 = tpu.memref_squeeze %dma_wait3A_370 : memref<1x128xi32, #tpu.memory_space<vmem>> -> memref<128xi32, #tpu.memory_space<vmem>>
      %dma_wait3A_372 = arith.constant 0 : i32
      %dma_wait3A_373 = arith.constant 0 : i32
      %dma_wait3A_374 = tpu.memref_slice %arg6[%dma_wait3A_372, %dma_wait3A_373] : memref<10112x128xf32, #tpu.memory_space<vmem_shared>> -> memref<10112x128xf32, #tpu.memory_space<vmem_shared>>
      tpu.wait_indirect_dma semaphore(%arg14 : memref<!tpu.dma_semaphore, #tpu.memory_space<semaphore_mem>>) src(%arg10 : memref<128x128xf32, #tpu.memory_space<vmem>>) dst(%dma_wait3A_374 : memref<10112x128xf32, #tpu.memory_space<vmem_shared>>)
      %dma_start3A_375 = arith.constant 13 : i32
      %dma_start3A_376 = arith.constant 0 : i32
      %dma_start3A_377 = tpu.memref_slice %arg7[%dma_start3A_375, %dma_start3A_376] : memref<16x128xi32, #tpu.memory_space<vmem>> -> memref<1x128xi32, #tpu.memory_space<vmem>>
      %dma_start3A_378 = tpu.memref_squeeze %dma_start3A_377 : memref<1x128xi32, #tpu.memory_space<vmem>> -> memref<128xi32, #tpu.memory_space<vmem>>
      %dma_start3A_379 = arith.constant 0 : i32
      %dma_start3A_380 = arith.constant 0 : i32
      %dma_start3A_381 = tpu.memref_slice %arg2[%dma_start3A_379, %dma_start3A_380] : memref<10000x128xf32, #tpu.memory_space<hbm>> -> memref<10000x128xf32, #tpu.memory_space<hbm>>
      tpu.enqueue_indirect_dma source(%dma_start3A_381 : memref<10000x128xf32, #tpu.memory_space<hbm>>) target(%arg10 : memref<128x128xf32, #tpu.memory_space<vmem>>) offsets(%dma_start3A_378 : memref<128xi32, #tpu.memory_space<vmem>>) semaphore(%arg12 : memref<!tpu.dma_semaphore, #tpu.memory_space<semaphore_mem>>)
      %dma_wait3A_382 = arith.constant 13 : i32
      %dma_wait3A_383 = arith.constant 0 : i32
      %dma_wait3A_384 = tpu.memref_slice %arg7[%dma_wait3A_382, %dma_wait3A_383] : memref<16x128xi32, #tpu.memory_space<vmem>> -> memref<1x128xi32, #tpu.memory_space<vmem>>
      %dma_wait3A_385 = tpu.memref_squeeze %dma_wait3A_384 : memref<1x128xi32, #tpu.memory_space<vmem>> -> memref<128xi32, #tpu.memory_space<vmem>>
      %dma_wait3A_386 = arith.constant 0 : i32
      %dma_wait3A_387 = arith.constant 0 : i32
      %dma_wait3A_388 = tpu.memref_slice %arg2[%dma_wait3A_386, %dma_wait3A_387] : memref<10000x128xf32, #tpu.memory_space<hbm>> -> memref<10000x128xf32, #tpu.memory_space<hbm>>
      tpu.wait_indirect_dma semaphore(%arg12 : memref<!tpu.dma_semaphore, #tpu.memory_space<semaphore_mem>>) src(%dma_wait3A_388 : memref<10000x128xf32, #tpu.memory_space<hbm>>) dst(%arg10 : memref<128x128xf32, #tpu.memory_space<vmem>>)
      %dma_start3A_389 = arith.constant 13 : i32
      %dma_start3A_390 = arith.constant 0 : i32
      %dma_start3A_391 = tpu.memref_slice %arg8[%dma_start3A_389, %dma_start3A_390] : memref<16x128xi32, #tpu.memory_space<vmem>> -> memref<1x128xi32, #tpu.memory_space<vmem>>
      %dma_start3A_392 = tpu.memref_squeeze %dma_start3A_391 : memref<1x128xi32, #tpu.memory_space<vmem>> -> memref<128xi32, #tpu.memory_space<vmem>>
      %dma_start3A_393 = arith.constant 0 : i32
      %dma_start3A_394 = arith.constant 0 : i32
      %dma_start3A_395 = tpu.memref_slice %arg6[%dma_start3A_393, %dma_start3A_394] : memref<10112x128xf32, #tpu.memory_space<vmem_shared>> -> memref<10112x128xf32, #tpu.memory_space<vmem_shared>>
      tpu.enqueue_indirect_dma source(%arg10 : memref<128x128xf32, #tpu.memory_space<vmem>>) target(%dma_start3A_395 : memref<10112x128xf32, #tpu.memory_space<vmem_shared>>) offsets(%dma_start3A_392 : memref<128xi32, #tpu.memory_space<vmem>>) semaphore(%arg14 : memref<!tpu.dma_semaphore, #tpu.memory_space<semaphore_mem>>) {add = true}
      %dma_wait3A_396 = arith.constant 12 : i32
      %dma_wait3A_397 = arith.constant 0 : i32
      %dma_wait3A_398 = tpu.memref_slice %arg8[%dma_wait3A_396, %dma_wait3A_397] : memref<16x128xi32, #tpu.memory_space<vmem>> -> memref<1x128xi32, #tpu.memory_space<vmem>>
      %dma_wait3A_399 = tpu.memref_squeeze %dma_wait3A_398 : memref<1x128xi32, #tpu.memory_space<vmem>> -> memref<128xi32, #tpu.memory_space<vmem>>
      %dma_wait3A_400 = arith.constant 0 : i32
      %dma_wait3A_401 = arith.constant 0 : i32
      %dma_wait3A_402 = tpu.memref_slice %arg6[%dma_wait3A_400, %dma_wait3A_401] : memref<10112x128xf32, #tpu.memory_space<vmem_shared>> -> memref<10112x128xf32, #tpu.memory_space<vmem_shared>>
      tpu.wait_indirect_dma semaphore(%arg13 : memref<!tpu.dma_semaphore, #tpu.memory_space<semaphore_mem>>) src(%arg9 : memref<128x128xf32, #tpu.memory_space<vmem>>) dst(%dma_wait3A_402 : memref<10112x128xf32, #tpu.memory_space<vmem_shared>>)
      %dma_start3A_403 = arith.constant 14 : i32
      %dma_start3A_404 = arith.constant 0 : i32
      %dma_start3A_405 = tpu.memref_slice %arg7[%dma_start3A_403, %dma_start3A_404] : memref<16x128xi32, #tpu.memory_space<vmem>> -> memref<1x128xi32, #tpu.memory_space<vmem>>
      %dma_start3A_406 = tpu.memref_squeeze %dma_start3A_405 : memref<1x128xi32, #tpu.memory_space<vmem>> -> memref<128xi32, #tpu.memory_space<vmem>>
      %dma_start3A_407 = arith.constant 0 : i32
      %dma_start3A_408 = arith.constant 0 : i32
      %dma_start3A_409 = tpu.memref_slice %arg2[%dma_start3A_407, %dma_start3A_408] : memref<10000x128xf32, #tpu.memory_space<hbm>> -> memref<10000x128xf32, #tpu.memory_space<hbm>>
      tpu.enqueue_indirect_dma source(%dma_start3A_409 : memref<10000x128xf32, #tpu.memory_space<hbm>>) target(%arg9 : memref<128x128xf32, #tpu.memory_space<vmem>>) offsets(%dma_start3A_406 : memref<128xi32, #tpu.memory_space<vmem>>) semaphore(%arg11 : memref<!tpu.dma_semaphore, #tpu.memory_space<semaphore_mem>>)
      %dma_wait3A_410 = arith.constant 14 : i32
      %dma_wait3A_411 = arith.constant 0 : i32
      %dma_wait3A_412 = tpu.memref_slice %arg7[%dma_wait3A_410, %dma_wait3A_411] : memref<16x128xi32, #tpu.memory_space<vmem>> -> memref<1x128xi32, #tpu.memory_space<vmem>>
      %dma_wait3A_413 = tpu.memref_squeeze %dma_wait3A_412 : memref<1x128xi32, #tpu.memory_space<vmem>> -> memref<128xi32, #tpu.memory_space<vmem>>
      %dma_wait3A_414 = arith.constant 0 : i32
      %dma_wait3A_415 = arith.constant 0 : i32
      %dma_wait3A_416 = tpu.memref_slice %arg2[%dma_wait3A_414, %dma_wait3A_415] : memref<10000x128xf32, #tpu.memory_space<hbm>> -> memref<10000x128xf32, #tpu.memory_space<hbm>>
      tpu.wait_indirect_dma semaphore(%arg11 : memref<!tpu.dma_semaphore, #tpu.memory_space<semaphore_mem>>) src(%dma_wait3A_416 : memref<10000x128xf32, #tpu.memory_space<hbm>>) dst(%arg9 : memref<128x128xf32, #tpu.memory_space<vmem>>)
      %dma_start3A_417 = arith.constant 14 : i32
      %dma_start3A_418 = arith.constant 0 : i32
      %dma_start3A_419 = tpu.memref_slice %arg8[%dma_start3A_417, %dma_start3A_418] : memref<16x128xi32, #tpu.memory_space<vmem>> -> memref<1x128xi32, #tpu.memory_space<vmem>>
      %dma_start3A_420 = tpu.memref_squeeze %dma_start3A_419 : memref<1x128xi32, #tpu.memory_space<vmem>> -> memref<128xi32, #tpu.memory_space<vmem>>
      %dma_start3A_421 = arith.constant 0 : i32
      %dma_start3A_422 = arith.constant 0 : i32
      %dma_start3A_423 = tpu.memref_slice %arg6[%dma_start3A_421, %dma_start3A_422] : memref<10112x128xf32, #tpu.memory_space<vmem_shared>> -> memref<10112x128xf32, #tpu.memory_space<vmem_shared>>
      tpu.enqueue_indirect_dma source(%arg9 : memref<128x128xf32, #tpu.memory_space<vmem>>) target(%dma_start3A_423 : memref<10112x128xf32, #tpu.memory_space<vmem_shared>>) offsets(%dma_start3A_420 : memref<128xi32, #tpu.memory_space<vmem>>) semaphore(%arg13 : memref<!tpu.dma_semaphore, #tpu.memory_space<semaphore_mem>>) {add = true}
      %dma_wait3A_424 = arith.constant 13 : i32
      %dma_wait3A_425 = arith.constant 0 : i32
      %dma_wait3A_426 = tpu.memref_slice %arg8[%dma_wait3A_424, %dma_wait3A_425] : memref<16x128xi32, #tpu.memory_space<vmem>> -> memref<1x128xi32, #tpu.memory_space<vmem>>
      %dma_wait3A_427 = tpu.memref_squeeze %dma_wait3A_426 : memref<1x128xi32, #tpu.memory_space<vmem>> -> memref<128xi32, #tpu.memory_space<vmem>>
      %dma_wait3A_428 = arith.constant 0 : i32
      %dma_wait3A_429 = arith.constant 0 : i32
      %dma_wait3A_430 = tpu.memref_slice %arg6[%dma_wait3A_428, %dma_wait3A_429] : memref<10112x128xf32, #tpu.memory_space<vmem_shared>> -> memref<10112x128xf32, #tpu.memory_space<vmem_shared>>
      tpu.wait_indirect_dma semaphore(%arg14 : memref<!tpu.dma_semaphore, #tpu.memory_space<semaphore_mem>>) src(%arg10 : memref<128x128xf32, #tpu.memory_space<vmem>>) dst(%dma_wait3A_430 : memref<10112x128xf32, #tpu.memory_space<vmem_shared>>)
      %dma_start3A_431 = arith.constant 15 : i32
      %dma_start3A_432 = arith.constant 0 : i32
      %dma_start3A_433 = tpu.memref_slice %arg7[%dma_start3A_431, %dma_start3A_432] : memref<16x128xi32, #tpu.memory_space<vmem>> -> memref<1x128xi32, #tpu.memory_space<vmem>>
      %dma_start3A_434 = tpu.memref_squeeze %dma_start3A_433 : memref<1x128xi32, #tpu.memory_space<vmem>> -> memref<128xi32, #tpu.memory_space<vmem>>
      %dma_start3A_435 = arith.constant 0 : i32
      %dma_start3A_436 = arith.constant 0 : i32
      %dma_start3A_437 = tpu.memref_slice %arg2[%dma_start3A_435, %dma_start3A_436] : memref<10000x128xf32, #tpu.memory_space<hbm>> -> memref<10000x128xf32, #tpu.memory_space<hbm>>
      tpu.enqueue_indirect_dma source(%dma_start3A_437 : memref<10000x128xf32, #tpu.memory_space<hbm>>) target(%arg10 : memref<128x128xf32, #tpu.memory_space<vmem>>) offsets(%dma_start3A_434 : memref<128xi32, #tpu.memory_space<vmem>>) semaphore(%arg12 : memref<!tpu.dma_semaphore, #tpu.memory_space<semaphore_mem>>)
      %dma_wait3A_438 = arith.constant 15 : i32
      %dma_wait3A_439 = arith.constant 0 : i32
      %dma_wait3A_440 = tpu.memref_slice %arg7[%dma_wait3A_438, %dma_wait3A_439] : memref<16x128xi32, #tpu.memory_space<vmem>> -> memref<1x128xi32, #tpu.memory_space<vmem>>
      %dma_wait3A_441 = tpu.memref_squeeze %dma_wait3A_440 : memref<1x128xi32, #tpu.memory_space<vmem>> -> memref<128xi32, #tpu.memory_space<vmem>>
      %dma_wait3A_442 = arith.constant 0 : i32
      %dma_wait3A_443 = arith.constant 0 : i32
      %dma_wait3A_444 = tpu.memref_slice %arg2[%dma_wait3A_442, %dma_wait3A_443] : memref<10000x128xf32, #tpu.memory_space<hbm>> -> memref<10000x128xf32, #tpu.memory_space<hbm>>
      tpu.wait_indirect_dma semaphore(%arg12 : memref<!tpu.dma_semaphore, #tpu.memory_space<semaphore_mem>>) src(%dma_wait3A_444 : memref<10000x128xf32, #tpu.memory_space<hbm>>) dst(%arg10 : memref<128x128xf32, #tpu.memory_space<vmem>>)
      %dma_start3A_445 = arith.constant 15 : i32
      %dma_start3A_446 = arith.constant 0 : i32
      %dma_start3A_447 = tpu.memref_slice %arg8[%dma_start3A_445, %dma_start3A_446] : memref<16x128xi32, #tpu.memory_space<vmem>> -> memref<1x128xi32, #tpu.memory_space<vmem>>
      %dma_start3A_448 = tpu.memref_squeeze %dma_start3A_447 : memref<1x128xi32, #tpu.memory_space<vmem>> -> memref<128xi32, #tpu.memory_space<vmem>>
      %dma_start3A_449 = arith.constant 0 : i32
      %dma_start3A_450 = arith.constant 0 : i32
      %dma_start3A_451 = tpu.memref_slice %arg6[%dma_start3A_449, %dma_start3A_450] : memref<10112x128xf32, #tpu.memory_space<vmem_shared>> -> memref<10112x128xf32, #tpu.memory_space<vmem_shared>>
      tpu.enqueue_indirect_dma source(%arg10 : memref<128x128xf32, #tpu.memory_space<vmem>>) target(%dma_start3A_451 : memref<10112x128xf32, #tpu.memory_space<vmem_shared>>) offsets(%dma_start3A_448 : memref<128xi32, #tpu.memory_space<vmem>>) semaphore(%arg14 : memref<!tpu.dma_semaphore, #tpu.memory_space<semaphore_mem>>) {add = true}
      %dma_wait3A_452 = arith.constant 14 : i32
      %dma_wait3A_453 = arith.constant 0 : i32
      %dma_wait3A_454 = tpu.memref_slice %arg8[%dma_wait3A_452, %dma_wait3A_453] : memref<16x128xi32, #tpu.memory_space<vmem>> -> memref<1x128xi32, #tpu.memory_space<vmem>>
      %dma_wait3A_455 = tpu.memref_squeeze %dma_wait3A_454 : memref<1x128xi32, #tpu.memory_space<vmem>> -> memref<128xi32, #tpu.memory_space<vmem>>
      %dma_wait3A_456 = arith.constant 0 : i32
      %dma_wait3A_457 = arith.constant 0 : i32
      %dma_wait3A_458 = tpu.memref_slice %arg6[%dma_wait3A_456, %dma_wait3A_457] : memref<10112x128xf32, #tpu.memory_space<vmem_shared>> -> memref<10112x128xf32, #tpu.memory_space<vmem_shared>>
      tpu.wait_indirect_dma semaphore(%arg13 : memref<!tpu.dma_semaphore, #tpu.memory_space<semaphore_mem>>) src(%arg9 : memref<128x128xf32, #tpu.memory_space<vmem>>) dst(%dma_wait3A_458 : memref<10112x128xf32, #tpu.memory_space<vmem_shared>>)
      %dma_wait3A_459 = arith.constant 15 : i32
      %dma_wait3A_460 = arith.constant 0 : i32
      %dma_wait3A_461 = tpu.memref_slice %arg8[%dma_wait3A_459, %dma_wait3A_460] : memref<16x128xi32, #tpu.memory_space<vmem>> -> memref<1x128xi32, #tpu.memory_space<vmem>>
      %dma_wait3A_462 = tpu.memref_squeeze %dma_wait3A_461 : memref<1x128xi32, #tpu.memory_space<vmem>> -> memref<128xi32, #tpu.memory_space<vmem>>
      %dma_wait3A_463 = arith.constant 0 : i32
      %dma_wait3A_464 = arith.constant 0 : i32
      %dma_wait3A_465 = tpu.memref_slice %arg6[%dma_wait3A_463, %dma_wait3A_464] : memref<10112x128xf32, #tpu.memory_space<vmem_shared>> -> memref<10112x128xf32, #tpu.memory_space<vmem_shared>>
      tpu.wait_indirect_dma semaphore(%arg14 : memref<!tpu.dma_semaphore, #tpu.memory_space<semaphore_mem>>) src(%arg10 : memref<128x128xf32, #tpu.memory_space<vmem>>) dst(%dma_wait3A_465 : memref<10112x128xf32, #tpu.memory_space<vmem_shared>>)
    }
    %scan3A_8 = arith.constant 5 : i32
    %barrier3A_9 = arith.constant 0 : index
    tpu.barrier barrier_id(%barrier3A_9)
    %mul3A_10 = arith.constant 632 : i32
    %mul3A_11 = arith.muli %arg1, %mul3A_10 : i32
    %mul3A_12 = arith.constant 632 : i32
    %mul3A_13 = arith.muli %arg1, %mul3A_12 : i32
    "tpu.region"() ({
      %run_scoped3A = tpu.sem_alloc : memref<!tpu.dma_semaphore, #tpu.memory_space<semaphore_mem>>
      %dma_start3A = arith.constant 0 : i32
      %dma_start3A_14 = tpu.memref_slice %arg5[%arg0, %mul3A_13, %dma_start3A] : memref<2x10112x128xf32, #tpu.memory_space<hbm>> -> memref<1x632x128xf32, #tpu.memory_space<hbm>>
      %dma_start3A_15 = tpu.memref_squeeze %dma_start3A_14 : memref<1x632x128xf32, #tpu.memory_space<hbm>> -> memref<632x128xf32, #tpu.memory_space<hbm>>
      %dma_start3A_16 = arith.constant 0 : i32
      %dma_start3A_17 = tpu.memref_slice %arg6[%mul3A_11, %dma_start3A_16] : memref<10112x128xf32, #tpu.memory_space<vmem_shared>> -> memref<632x128xf32, #tpu.memory_space<vmem_shared>>
      tpu.enqueue_dma source(%dma_start3A_17 : memref<632x128xf32, #tpu.memory_space<vmem_shared>>) target(%dma_start3A_15 : memref<632x128xf32, #tpu.memory_space<hbm>>) target_semaphore(%run_scoped3A : memref<!tpu.dma_semaphore, #tpu.memory_space<semaphore_mem>>)
      %dma_wait3A = arith.constant 0 : i32
      %dma_wait3A_18 = tpu.memref_slice %arg5[%arg0, %mul3A_13, %dma_wait3A] : memref<2x10112x128xf32, #tpu.memory_space<hbm>> -> memref<1x632x128xf32, #tpu.memory_space<hbm>>
      %dma_wait3A_19 = tpu.memref_squeeze %dma_wait3A_18 : memref<1x632x128xf32, #tpu.memory_space<hbm>> -> memref<632x128xf32, #tpu.memory_space<hbm>>
      %dma_wait3A_20 = arith.constant 0 : i32
      %dma_wait3A_21 = tpu.memref_slice %arg6[%mul3A_11, %dma_wait3A_20] : memref<10112x128xf32, #tpu.memory_space<vmem_shared>> -> memref<632x128xf32, #tpu.memory_space<vmem_shared>>
      tpu.wait_dma2 semaphore(%run_scoped3A : memref<!tpu.dma_semaphore, #tpu.memory_space<semaphore_mem>>) src(%dma_wait3A_21 : memref<632x128xf32, #tpu.memory_space<vmem_shared>>) dst(%dma_wait3A_19 : memref<632x128xf32, #tpu.memory_space<hbm>>)
      tpu.yield
    }) : () -> ()
    return
  }
}

module attributes {stable_mosaic.version = 14 : i64} {
  func.func @body(%arg0: i32, %arg1: memref<1000x128xf32, #tpu.memory_space<vmem>>, %arg2: memref<1000x128xf32, #tpu.memory_space<vmem>>, %arg3: memref<1000x128xf32, #tpu.memory_space<vmem>>, %arg4: memref<1000x128xf32, #tpu.memory_space<vmem>>, %arg5: memref<1000x128xf32, #tpu.memory_space<vmem>>, %arg6: memref<128x128xf32, #tpu.memory_space<vmem>>, %arg7: memref<128x128xf32, #tpu.memory_space<vmem>>, %arg8: memref<1x128xf32, #tpu.memory_space<vmem>>, %arg9: memref<1000x128xf32, #tpu.memory_space<vmem>>) attributes {dimension_semantics = [#tpu.dimension_semantics<arbitrary>], iteration_bounds = array<i64: 10>, scalar_prefetch = 0 : i64, scratch_operands = 0 : i64, tpu.core_type = #tpu.core_type<tc>, window_params = [{transform_indices = @transform_0, window_bounds = array<i64: 1000, 128>}, {transform_indices = @transform_1, window_bounds = array<i64: 1000, 128>}, {transform_indices = @transform_2, window_bounds = array<i64: 1000, 128>}, {transform_indices = @transform_3, window_bounds = array<i64: 1000, 128>}, {transform_indices = @transform_4, window_bounds = array<i64: 1000, 128>}, {pipeline_mode = #tpu.pipeline_mode<synchronous>, transform_indices = @transform_5, window_bounds = array<i64: 128, 128>}, {pipeline_mode = #tpu.pipeline_mode<synchronous>, transform_indices = @transform_6, window_bounds = array<i64: 128, 128>}, {pipeline_mode = #tpu.pipeline_mode<synchronous>, transform_indices = @transform_7, window_bounds = array<i64: 1, 128>}, {transform_indices = @transform_8, window_bounds = array<i64: 1000, 128>}]} {
    %get3A = arith.constant 0 : index
    %get3A_0 = arith.constant 0 : index
    %get3A_1 = vector.load %arg3[%get3A, %get3A_0] : memref<1000x128xf32, #tpu.memory_space<vmem>>, vector<1000x1xf32>
    %get3A_2 = arith.constant 0 : index
    %get3A_3 = arith.constant 0 : index
    %get3A_4 = vector.load %arg4[%get3A_2, %get3A_3] : memref<1000x128xf32, #tpu.memory_space<vmem>>, vector<1000x1xf32>
    %add3A = arith.addf %get3A_1, %get3A_4 : vector<1000x1xf32>
    %max3A = arith.constant 1.000000e+00 : f32
    %max3A_5 = vector.broadcast %max3A : f32 to vector<1000x1xf32>
    %max3A_6 = arith.maximumf %add3A, %max3A_5 : vector<1000x1xf32>
    %get3A_7 = arith.constant 0 : index
    %get3A_8 = arith.constant 0 : index
    %get3A_9 = vector.load %arg1[%get3A_7, %get3A_8] : memref<1000x128xf32, #tpu.memory_space<vmem>>, vector<1000x128xf32>
    %get3A_10 = arith.constant 0 : index
    %get3A_11 = arith.constant 0 : index
    %get3A_12 = vector.load %arg2[%get3A_10, %get3A_11] : memref<1000x128xf32, #tpu.memory_space<vmem>>, vector<1000x128xf32>
    %add3A_13 = arith.addf %get3A_9, %get3A_12 : vector<1000x128xf32>
    %div3A = vector.broadcast %max3A_6 : vector<1000x1xf32> to vector<1000x128xf32>
    %div3A_14 = arith.divf %add3A_13, %div3A : vector<1000x128xf32>
    %get3A_15 = arith.constant 0 : index
    %get3A_16 = arith.constant 0 : index
    %get3A_17 = vector.load %arg6[%get3A_15, %get3A_16] : memref<128x128xf32, #tpu.memory_space<vmem>>, vector<128x128xf32>
    %dot_general3A = arith.constant dense<0.000000e+00> : vector<1000x128xf32>
    %dot_general3A_18 = tpu.matmul %div3A_14, %get3A_17, %dot_general3A {dimension_numbers = #tpu.dot_dimension_numbers<[1], [1], [0], [0], [0, 0, 1, 0], [], []>, precision = #tpu.contract_precision<fp32>, transpose_lhs_hint = false} : vector<1000x128xf32>, vector<128x128xf32>, vector<1000x128xf32> -> vector<1000x128xf32>
    %get3A_19 = arith.constant 0 : index
    %get3A_20 = arith.constant 0 : index
    %get3A_21 = vector.load %arg5[%get3A_19, %get3A_20] : memref<1000x128xf32, #tpu.memory_space<vmem>>, vector<1000x128xf32>
    %get3A_22 = arith.constant 0 : index
    %get3A_23 = arith.constant 0 : index
    %get3A_24 = vector.load %arg7[%get3A_22, %get3A_23] : memref<128x128xf32, #tpu.memory_space<vmem>>, vector<128x128xf32>
    %dot_general3A_25 = arith.constant dense<0.000000e+00> : vector<1000x128xf32>
    %dot_general3A_26 = tpu.matmul %get3A_21, %get3A_24, %dot_general3A_25 {dimension_numbers = #tpu.dot_dimension_numbers<[1], [1], [0], [0], [0, 0, 1, 0], [], []>, precision = #tpu.contract_precision<fp32>, transpose_lhs_hint = false} : vector<1000x128xf32>, vector<128x128xf32>, vector<1000x128xf32> -> vector<1000x128xf32>
    %add3A_27 = arith.addf %dot_general3A_18, %dot_general3A_26 : vector<1000x128xf32>
    %get3A_28 = arith.constant 0 : index
    %get3A_29 = arith.constant 0 : index
    %get3A_30 = vector.load %arg8[%get3A_28, %get3A_29] : memref<1x128xf32, #tpu.memory_space<vmem>>, vector<1x128xf32>
    %add3A_31 = vector.broadcast %get3A_30 : vector<1x128xf32> to vector<1000x128xf32>
    %add3A_32 = arith.addf %add3A_27, %add3A_31 : vector<1000x128xf32>
    %max3A_33 = arith.constant 0.000000e+00 : f32
    %max3A_34 = vector.broadcast %max3A_33 : f32 to vector<1000x128xf32>
    %max3A_35 = arith.maximumf %add3A_32, %max3A_34 : vector<1000x128xf32>
    %swap3A = arith.constant 0 : index
    %swap3A_36 = arith.constant 0 : index
    %swap3A_37 = vector.load %arg9[%swap3A, %swap3A_36] : memref<1000x128xf32, #tpu.memory_space<vmem>>, vector<1000x128xf32>
    tpu.vector_store %arg9[%swap3A, %swap3A_36], %max3A_35 {strides = array<i32>} : memref<1000x128xf32, #tpu.memory_space<vmem>>, vector<1000x128xf32>,
    return
  }
  func.func @transform_0(%arg0: i32) -> (i32, i32) {
    %c0_i32 = arith.constant 0 : i32
    %c0_i32_0 = arith.constant 0 : i32
    return %arg0, %c0_i32 : i32, i32
  }
  func.func @transform_1(%arg0: i32) -> (i32, i32) {
    %c0_i32 = arith.constant 0 : i32
    %c0_i32_0 = arith.constant 0 : i32
    return %arg0, %c0_i32 : i32, i32
  }
  func.func @transform_2(%arg0: i32) -> (i32, i32) {
    %c0_i32 = arith.constant 0 : i32
    %c0_i32_0 = arith.constant 0 : i32
    return %arg0, %c0_i32 : i32, i32
  }
  func.func @transform_3(%arg0: i32) -> (i32, i32) {
    %c0_i32 = arith.constant 0 : i32
    %c0_i32_0 = arith.constant 0 : i32
    return %arg0, %c0_i32 : i32, i32
  }
  func.func @transform_4(%arg0: i32) -> (i32, i32) {
    %c0_i32 = arith.constant 0 : i32
    %c0_i32_0 = arith.constant 0 : i32
    return %arg0, %c0_i32 : i32, i32
  }
  func.func @transform_5(%arg0: i32) -> (i32, i32) {
    %c0_i32 = arith.constant 0 : i32
    %c0_i32_0 = arith.constant 0 : i32
    %c0_i32_1 = arith.constant 0 : i32
    return %c0_i32, %c0_i32_0 : i32, i32
  }
  func.func @transform_6(%arg0: i32) -> (i32, i32) {
    %c0_i32 = arith.constant 0 : i32
    %c0_i32_0 = arith.constant 0 : i32
    %c0_i32_1 = arith.constant 0 : i32
    return %c0_i32, %c0_i32_0 : i32, i32
  }
  func.func @transform_7(%arg0: i32) -> (i32, i32) {
    %c0_i32 = arith.constant 0 : i32
    %c0_i32_0 = arith.constant 0 : i32
    %c0_i32_1 = arith.constant 0 : i32
    return %c0_i32, %c0_i32_0 : i32, i32
  }
  func.func @transform_8(%arg0: i32) -> (i32, i32) {
    %c0_i32 = arith.constant 0 : i32
    %c0_i32_0 = arith.constant 0 : i32
    return %arg0, %c0_i32 : i32, i32
  }
}

module attributes {stable_mosaic.version = 14 : i64} {
  func.func @body(%arg0: i32, %arg1: memref<1000x128xf32, #tpu.memory_space<vmem>>, %arg2: memref<1000x128xf32, #tpu.memory_space<vmem>>, %arg3: memref<1000x128xf32, #tpu.memory_space<vmem>>, %arg4: memref<1000x128xf32, #tpu.memory_space<vmem>>, %arg5: memref<1000x128xf32, #tpu.memory_space<vmem>>, %arg6: memref<64x128xf32, #tpu.memory_space<vmem>>, %arg7: memref<64x128xf32, #tpu.memory_space<vmem>>, %arg8: memref<1x64xf32, #tpu.memory_space<vmem>>, %arg9: memref<1000x64xf32, #tpu.memory_space<vmem>>) attributes {dimension_semantics = [#tpu.dimension_semantics<arbitrary>], iteration_bounds = array<i64: 10>, scalar_prefetch = 0 : i64, scratch_operands = 0 : i64, tpu.core_type = #tpu.core_type<tc>, window_params = [{transform_indices = @transform_0, window_bounds = array<i64: 1000, 128>}, {transform_indices = @transform_1, window_bounds = array<i64: 1000, 128>}, {transform_indices = @transform_2, window_bounds = array<i64: 1000, 128>}, {transform_indices = @transform_3, window_bounds = array<i64: 1000, 128>}, {transform_indices = @transform_4, window_bounds = array<i64: 1000, 128>}, {pipeline_mode = #tpu.pipeline_mode<synchronous>, transform_indices = @transform_5, window_bounds = array<i64: 64, 128>}, {pipeline_mode = #tpu.pipeline_mode<synchronous>, transform_indices = @transform_6, window_bounds = array<i64: 64, 128>}, {pipeline_mode = #tpu.pipeline_mode<synchronous>, transform_indices = @transform_7, window_bounds = array<i64: 1, 64>}, {transform_indices = @transform_8, window_bounds = array<i64: 1000, 64>}]} {
    %get3A = arith.constant 0 : index
    %get3A_0 = arith.constant 0 : index
    %get3A_1 = vector.load %arg3[%get3A, %get3A_0] : memref<1000x128xf32, #tpu.memory_space<vmem>>, vector<1000x1xf32>
    %get3A_2 = arith.constant 0 : index
    %get3A_3 = arith.constant 0 : index
    %get3A_4 = vector.load %arg4[%get3A_2, %get3A_3] : memref<1000x128xf32, #tpu.memory_space<vmem>>, vector<1000x1xf32>
    %add3A = arith.addf %get3A_1, %get3A_4 : vector<1000x1xf32>
    %max3A = arith.constant 1.000000e+00 : f32
    %max3A_5 = vector.broadcast %max3A : f32 to vector<1000x1xf32>
    %max3A_6 = arith.maximumf %add3A, %max3A_5 : vector<1000x1xf32>
    %get3A_7 = arith.constant 0 : index
    %get3A_8 = arith.constant 0 : index
    %get3A_9 = vector.load %arg1[%get3A_7, %get3A_8] : memref<1000x128xf32, #tpu.memory_space<vmem>>, vector<1000x128xf32>
    %get3A_10 = arith.constant 0 : index
    %get3A_11 = arith.constant 0 : index
    %get3A_12 = vector.load %arg2[%get3A_10, %get3A_11] : memref<1000x128xf32, #tpu.memory_space<vmem>>, vector<1000x128xf32>
    %add3A_13 = arith.addf %get3A_9, %get3A_12 : vector<1000x128xf32>
    %div3A = vector.broadcast %max3A_6 : vector<1000x1xf32> to vector<1000x128xf32>
    %div3A_14 = arith.divf %add3A_13, %div3A : vector<1000x128xf32>
    %get3A_15 = arith.constant 0 : index
    %get3A_16 = arith.constant 0 : index
    %get3A_17 = vector.load %arg6[%get3A_15, %get3A_16] : memref<64x128xf32, #tpu.memory_space<vmem>>, vector<64x128xf32>
    %dot_general3A = arith.constant dense<0.000000e+00> : vector<1000x64xf32>
    %dot_general3A_18 = tpu.matmul %div3A_14, %get3A_17, %dot_general3A {dimension_numbers = #tpu.dot_dimension_numbers<[1], [1], [0], [0], [0, 0, 1, 0], [], []>, precision = #tpu.contract_precision<fp32>, transpose_lhs_hint = false} : vector<1000x128xf32>, vector<64x128xf32>, vector<1000x64xf32> -> vector<1000x64xf32>
    %get3A_19 = arith.constant 0 : index
    %get3A_20 = arith.constant 0 : index
    %get3A_21 = vector.load %arg5[%get3A_19, %get3A_20] : memref<1000x128xf32, #tpu.memory_space<vmem>>, vector<1000x128xf32>
    %get3A_22 = arith.constant 0 : index
    %get3A_23 = arith.constant 0 : index
    %get3A_24 = vector.load %arg7[%get3A_22, %get3A_23] : memref<64x128xf32, #tpu.memory_space<vmem>>, vector<64x128xf32>
    %dot_general3A_25 = arith.constant dense<0.000000e+00> : vector<1000x64xf32>
    %dot_general3A_26 = tpu.matmul %get3A_21, %get3A_24, %dot_general3A_25 {dimension_numbers = #tpu.dot_dimension_numbers<[1], [1], [0], [0], [0, 0, 1, 0], [], []>, precision = #tpu.contract_precision<fp32>, transpose_lhs_hint = false} : vector<1000x128xf32>, vector<64x128xf32>, vector<1000x64xf32> -> vector<1000x64xf32>
    %add3A_27 = arith.addf %dot_general3A_18, %dot_general3A_26 : vector<1000x64xf32>
    %get3A_28 = arith.constant 0 : index
    %get3A_29 = arith.constant 0 : index
    %get3A_30 = vector.load %arg8[%get3A_28, %get3A_29] : memref<1x64xf32, #tpu.memory_space<vmem>>, vector<1x64xf32>
    %add3A_31 = vector.broadcast %get3A_30 : vector<1x64xf32> to vector<1000x64xf32>
    %add3A_32 = arith.addf %add3A_27, %add3A_31 : vector<1000x64xf32>
    %reduce_max3A = arith.constant dense<0xFF800000> : vector<1000xf32>
    %reduce_max3A_33 = vector.multi_reduction <maximumf>, %add3A_32, %reduce_max3A [1] : vector<1000x64xf32> to vector<1000xf32>
    %broadcast_in_dim3A = vector.shape_cast %reduce_max3A_33 : vector<1000xf32> to vector<1000x1xf32>
    %sub3A = vector.broadcast %broadcast_in_dim3A : vector<1000x1xf32> to vector<1000x64xf32>
    %sub3A_34 = arith.subf %add3A_32, %sub3A : vector<1000x64xf32>
    %exp3A = math.exp %sub3A_34 : vector<1000x64xf32>
    %reduce_sum3A = arith.constant dense<0.000000e+00> : vector<1000xf32>
    %reduce_sum3A_35 = vector.multi_reduction <add>, %exp3A, %reduce_sum3A [1] : vector<1000x64xf32> to vector<1000xf32>
    %broadcast_in_dim3A_36 = vector.shape_cast %reduce_sum3A_35 : vector<1000xf32> to vector<1000x1xf32>
    %log3A = math.log %broadcast_in_dim3A_36 : vector<1000x1xf32>
    %sub3A_37 = vector.broadcast %log3A : vector<1000x1xf32> to vector<1000x64xf32>
    %sub3A_38 = arith.subf %sub3A_34, %sub3A_37 : vector<1000x64xf32>
    %swap3A = arith.constant 0 : index
    %swap3A_39 = arith.constant 0 : index
    %swap3A_40 = vector.load %arg9[%swap3A, %swap3A_39] : memref<1000x64xf32, #tpu.memory_space<vmem>>, vector<1000x64xf32>
    tpu.vector_store %arg9[%swap3A, %swap3A_39], %sub3A_38 {strides = array<i32>} : memref<1000x64xf32, #tpu.memory_space<vmem>>, vector<1000x64xf32>,
    return
  }
  func.func @transform_0(%arg0: i32) -> (i32, i32) {
    %c0_i32 = arith.constant 0 : i32
    %c0_i32_0 = arith.constant 0 : i32
    return %arg0, %c0_i32 : i32, i32
  }
  func.func @transform_1(%arg0: i32) -> (i32, i32) {
    %c0_i32 = arith.constant 0 : i32
    %c0_i32_0 = arith.constant 0 : i32
    return %arg0, %c0_i32 : i32, i32
  }
  func.func @transform_2(%arg0: i32) -> (i32, i32) {
    %c0_i32 = arith.constant 0 : i32
    %c0_i32_0 = arith.constant 0 : i32
    return %arg0, %c0_i32 : i32, i32
  }
  func.func @transform_3(%arg0: i32) -> (i32, i32) {
    %c0_i32 = arith.constant 0 : i32
    %c0_i32_0 = arith.constant 0 : i32
    return %arg0, %c0_i32 : i32, i32
  }
  func.func @transform_4(%arg0: i32) -> (i32, i32) {
    %c0_i32 = arith.constant 0 : i32
    %c0_i32_0 = arith.constant 0 : i32
    return %arg0, %c0_i32 : i32, i32
  }
  func.func @transform_5(%arg0: i32) -> (i32, i32) {
    %c0_i32 = arith.constant 0 : i32
    %c0_i32_0 = arith.constant 0 : i32
    %c0_i32_1 = arith.constant 0 : i32
    return %c0_i32, %c0_i32_0 : i32, i32
  }
  func.func @transform_6(%arg0: i32) -> (i32, i32) {
    %c0_i32 = arith.constant 0 : i32
    %c0_i32_0 = arith.constant 0 : i32
    %c0_i32_1 = arith.constant 0 : i32
    return %c0_i32, %c0_i32_0 : i32, i32
  }
  func.func @transform_7(%arg0: i32) -> (i32, i32) {
    %c0_i32 = arith.constant 0 : i32
    %c0_i32_0 = arith.constant 0 : i32
    %c0_i32_1 = arith.constant 0 : i32
    return %c0_i32, %c0_i32_0 : i32, i32
  }
  func.func @transform_8(%arg0: i32) -> (i32, i32) {
    %c0_i32 = arith.constant 0 : i32
    %c0_i32_0 = arith.constant 0 : i32
    return %arg0, %c0_i32 : i32, i32
  }
}

</mosaic_0001>

<sc_bundles>
// kernel: kernel.6.cloned.1.call-start
scs
__scs_entry_jumppad:
0x0: {  	(pc) =	sbr.rel $0x88, $3  }
0x1: {  	(tag) =	ssettag $0x0;
	lr =	simm.s32 $0x1  }
0x2: {  	[smem:$0x3F99] =	sst lr;
	_ =	strace $0xD0000000  }
0x3: {  	_ = 	snop  }
0x4: {  	_ = 	snop  }
0x5: {  	_ = 	snop  }
0x6: {  	_ = 	snop  }
0x7: {  	_ = 	snop  }
__scs_overlays_trampoline_lowered:
0x8: {  	[smem:$0x3FA8] =	sst s0  }
0x9: {  	[smem:$0x3FA9] =	sst s1  }
0xa: {  	[smem:$0x3FAA] =	sst s2  }
0xb: {  	[smem:$0x3FAB] =	sst s3  }
0xc: {  	[smem:$0x3FAC] =	sst s4  }
0xd: {  	[smem:$0x3FAD] =	sst s5  }
0xe: {  	[smem:$0x3FAE] =	sst s6  }
0xf: {  	[smem:$0x3FAF] =	sst s7  }
0x10: {  	[smem:$0x3FB0] =	sst s8  }
0x11: {  	[smem:$0x3FB1] =	sst s9;
	s0 =	simm.s32 @!p0 $0x0  }
0x12: {  	s1 =	sld [smem:$0x3F97];
	s0 =	simm.s32 @p0 $0x1  }
0x13: {  	[smem:$0x3FB2] =	sst s0;
	s0 =	simm.s32 @!p1 $0x0  }
0x14: {  	s2 =	sld [smem:$0x3F96];
	s0 =	simm.s32 @p1 $0x1  }
0x15: {  	[smem:$0x3FB3] =	sst s0;
	s0 =	simm.s32 @!p2 $0x0  }
0x16: {  	s3 =	sld [smem:$0x3FDB];
	s0 =	simm.s32 @p2 $0x1  }
0x17: {  	s4 =	simm.s32 $0x1BF5;
	[smem:$0x3FB5] =	sst s0  }
0x18: {  	s0 =	sld [smem:$0x3F98];
	_ =	swait.ge [sflag:s4], $0x0  }
0x19: {  	s7 =	sld [smem:$0x3F99]  }
0x1a: {  	s8 =	sadd.s32 $0xFFFFE003, lr  }
0x1b: {  	s9 =	sadd.s32 $0xFFFFFEF7, lr;
	s5 =	simm.s32 $0xFFFFFFFF;
	p2 =	slt.u32 s8, $0xFFFFF086  }
0x1c: {  	p1 =	slt.u32 s9, $0xF7A;
	s5 =	simm.s32 @!p2 $0x0  }
0x1d: {  	s5 =	simm.s32 @p1 $0x1;
	p0 =	seq.s32 s7, s2  }
0x1e: {  	s7 =	smul.u32 @!p0 $0xF7A, s2;
	p2 =	seq.s32 @!p0 s5, $0x0  }
0x1f: {  	s9 =	smul.u32 $0xF7A, s1;
	s8 =	simm.s32 @!p0 $0x1BF5;
	p2 =	por !p2, p0  }
0x20: {  	[sflag:s8] =	ssyncset.s32 @!p0 $0xFFFFF086;
	s6 =	sadd.s32 @!p0 s3, s7;
	s7 =	simm.s32 @!p0 $0x108  }
0x21: {  	s3 =	sadd.s32 s3, s9;
	s6 =	sadd.s32 @!p0 $0x88, s6;
	s7 =	simm.s32 @p2 $0x1082  }
0x22: {  	[simem:s7], [sflag:s8] =	dma.local @!p0 [hbm:s6], $0xF7A  }
0x23: {  	s9 =	sor.u32 $0xD0000000, s2;
	s6 =	simm.s32 $0x108;
	_ =	swait.ge @!p0 [sflag:s8], $0x0  }
0x24: {  	s3 =	sadd.s32 $0x88, s3;
	s6 =	simm.s32 @!p1 $0x1082;
	[sflag:s4] =	ssyncset.s32 $0xFFFFF086  }
0x25: {  	[simem:s6], [sflag:s4] =	dma.local [hbm:s3], $0xF7A  }
0x26: {  	[smem:$0x3F99] =	sst s1;
	(tag) =	ssettag s2;
	_ =	strace s9  }
0x27: {  	s1 =	sld [smem:$0x3FA9]  }
0x28: {  	s2 =	sld [smem:$0x3FAA]  }
0x29: {  	s4 =	sld [smem:$0x3FAC]  }
0x2a: {  	p0 =	seq.s32 s5, $0x0;
	s5 =	sld [smem:$0x3FAD]  }
0x2b: {  	s6 =	sld [smem:$0x3FAE]  }
0x2c: {  	s7 =	sld [smem:$0x3FAF]  }
0x2d: {  	s3 =	simm.s32 $0x108;
	s8 =	sld [smem:$0x3FB0]  }
0x2e: {  	s3 =	simm.s32 @!p0 $0x1082;
	s9 =	sld [smem:$0x3FB1]  }
0x2f: {  	lr =	sadd.s32 s0, s3;
	s0 =	sld [smem:$0x3FA8]  }
0x30: {  	s3 =	sld [smem:$0x3FAB]  }
0x31: {  	[smem:$0x3FB4] =	sst s10  }
0x32: {  	s10 =	sld [smem:$0x3FB2];
	_ =	sdelay $0x3  }
0x33: {  	p0 =	seq.s32 s10, $0x1;
	s10 =	sld [smem:$0x3FB4];
	_ =	sdelay $0x3  }
0x34: {  	[smem:$0x3FB4] =	sst s10  }
0x35: {  	s10 =	sld [smem:$0x3FB3];
	_ =	sdelay $0x3  }
0x36: {  	p1 =	seq.s32 s10, $0x1;
	s10 =	sld [smem:$0x3FB4];
	_ =	sdelay $0x3  }
0x37: {  	[smem:$0x3FB4] =	sst s10  }
0x38: {  	s10 =	sld [smem:$0x3FB5]  }
0x39: {  	_ = 	snop;
	(pc) =	sbr.ind lr, $3  }
0x3a: {  	_ = 	snop  }
0x3b: {  	_ = 	snop  }
0x3c: {  	p2 =	seq.s32 s10, $0x1;
	s10 =	sld [smem:$0x3FB4]  }
0x3d: {  	_ =	shalt  }
0x3e: {  	_ =	shalt  }
0x3f: {  	_ =	shalt  }
0x40: {  	_ =	shalt  }
0x41: {  	_ =	shalt  }
0x42: {  	_ =	shalt  }
0x43: {  	_ =	shalt  }
0x44: {  	_ =	shalt  }
0x45: {  	_ =	shalt  }
0x46: {  	_ =	shalt  }
0x47: {  	_ =	shalt  }
0x48: {  	_ =	shalt  }
0x49: {  	_ =	shalt  }
0x4a: {  	_ =	shalt  }
0x4b: {  	_ =	shalt  }
0x4c: {  	_ =	shalt  }
0x4d: {  	_ =	shalt  }
0x4e: {  	_ =	shalt  }
0x4f: {  	_ =	shalt  }
0x50: {  	_ =	shalt  }
0x51: {  	_ =	shalt  }
0x52: {  	_ =	shalt  }
0x53: {  	_ =	shalt  }
0x54: {  	_ =	shalt  }
0x55: {  	_ =	shalt  }
0x56: {  	_ =	shalt  }
0x57: {  	_ =	shalt  }
0x58: {  	_ =	shalt  }
0x59: {  	_ =	shalt  }
0x5a: {  	_ =	shalt  }
0x5b: {  	_ =	shalt  }
0x5c: {  	_ =	shalt  }
0x5d: {  	_ =	shalt  }
0x5e: {  	_ =	shalt  }
0x5f: {  	_ =	shalt  }
0x60: {  	_ =	shalt  }
0x61: {  	_ =	shalt  }
0x62: {  	_ =	shalt  }
0x63: {  	_ =	shalt  }
0x64: {  	_ =	shalt  }
0x65: {  	_ =	shalt  }
0x66: {  	_ =	shalt  }
0x67: {  	_ =	shalt  }
0x68: {  	_ =	shalt  }
0x69: {  	_ =	shalt  }
0x6a: {  	_ =	shalt  }
0x6b: {  	_ =	shalt  }
0x6c: {  	_ =	shalt  }
0x6d: {  	_ =	shalt  }
0x6e: {  	_ =	shalt  }
0x6f: {  	_ =	shalt  }
0x70: {  	_ =	shalt  }
0x71: {  	_ =	shalt  }
0x72: {  	_ =	shalt  }
0x73: {  	_ =	shalt  }
0x74: {  	_ =	shalt  }
0x75: {  	_ =	shalt  }
0x76: {  	_ =	shalt  }
0x77: {  	_ =	shalt  }
0x78: {  	_ =	shalt  }
0x79: {  	_ =	shalt  }
0x7a: {  	_ =	shalt  }
0x7b: {  	_ =	shalt  }
0x7c: {  	_ =	shalt  }
0x7d: {  	_ =	shalt  }
0x7e: {  	_ =	shalt  }
0x7f: {  	_ =	shalt  }
0x80: {  	_ =	shalt  }
0x81: {  	_ =	shalt  }
0x82: {  	_ =	shalt  }
0x83: {  	_ =	shalt  }
0x84: {  	_ =	shalt  }
0x85: {  	_ =	shalt  }
0x86: {  	_ =	shalt  }
0x87: {  	_ =	shalt  }
.Lfunc_end0:
.L_simem_size_0:
called_computation_lowered:
.L_overlay_start_0:
0x88: {  	s2 =	sld [smem:$0x3FD9]  }
0x89: {  	s3 =	sld [smem:$0x3FFE];
	_ =	sdelay $0x1  }
0x8a: {  	s1 =	srdreg.scid  }
0x8b: {  	s0 =	sand.u32 $0x1, s1  }
0x8c: {  	s17 =	sshll.u32 s0, $0xA;
	s2 =	sadd.s32 s3, s2  }
0x8d: {  	s2 =	sadd.s32 s2, s17  }
0x8e: {  	[smem:$0x3FC0] =	sst s2  }
0x8f: {  	_ = 	snop  }
0x90: {  	s2 =	sld [smem:$0x3FC9]  }
0x91: {  	s18 =	sld [smem:$0x3FD0];
	(tm) =	ssettm $0x1  }
0x92: {  	s4 =	sld [smem:$0x3FFB];
	_ =	sdelay $0x3  }
0x93: {  	_ =	strace s4  }
0x94: {  	s4 =	sld [smem:$0x3FFC];
	_ =	sdelay $0x3  }
0x95: {  	_ =	strace s4  }
0x96: {  	s4 =	sld [smem:$0x3FFD];
	_ =	sdelay $0x3  }
0x97: {  	_ =	strace s4  }
0x98: {  	_ =	strace $0x8FFFFFFF  }
0x99: {  	s19 =	sld [smem:$0x3FDB];
	_ =	sdelay $0x1  }
0x9a: {  	s5 =	simm.s32 $_scs_section_size  }
0x9b: {  	s6 =	simm.s32 $_size__tile_overlayer_lowered;
	s7 =	simm.s32 $_tile_overlayer_lowered  }
0x9c: {  	s22 =	simm.s32 $0x1BFF;
	s21 =	sshll.u32 s7, $0x1;
	s4 =	sadd.s32 s5, s19  }
0x9d: {  	s8 =	simm.s32 $0x0;
	s20 =	sshll.u32 s6, $0x1;
	s6 =	sadd.s32 s21, s4  }
0x9e: {  	[timem:s8], [sflag:s22] =	dma.local [hbm:s6], s20  }
0x9f: {  	_ =	swait.ge [sflag:s22], s20  }
0xa0: {  	s5 =	ssub.s32 $0x0, s20;
	[sflag:s22] =	ssyncset.done $0x0  }
0xa1: {  	[sflag:s22] =	ssyncadd.s32 s5;
	_ =	sdelay $0x1  }
0xa2: {  	s23 =	simm.s32 $0x1B8B  }
0xa3: {  	_ =	swait.ge [sflag:s23], $0x1  }
0xa4: {  	[sflag:s23] =	ssyncset.done $0x0  }
0xa5: {  	s25 =	simm.s32 $0x1B8E;
	s24 =	sld [smem:$0x3FFE];
	[sflag:s23] =	ssyncadd.s32 $0xFFFFFFFF  }
0xa6: {  	s26 =	simm.s32 $execute0_lowered;
	[smem:$0x3FD2] =	sst s25  }
0xa7: {  	s6 =	sshll.u32 s26, $0x1;
	_ =	strace $0x80000046;
	[dreg:$0x1] =	wrdreg $0xFFFFFFFF  }
0xa8: {  	s28 =	simm.s32 $_size_execute0_lowered;
	s4 =	sadd.s32 s4, s6;
	[dreg:$0x0] =	wrdreg $0x0  }
0xa9: {  	s6 =	sshll.u32 s28, $0x1;
	[dreg:$0x2] =	wrdreg s4  }
0xaa: {  	[dreg:$0x3] =	wrdreg s6  }
0xab: {  	[dreg:$0x4] =	wrdreg $0xC0  }
0xac: {  	_ =	task [dreg:s8], $0x5FFFF  }
0xad: {  	[dreg:$0x1] =	wrdreg $0xFFFFFFFF  }
0xae: {  	[dreg:$0x0] =	wrdreg $0x60  }
0xaf: {  	[dreg:$0x2] =	wrdreg s2  }
0xb0: {  	[dreg:$0x3] =	wrdreg s24  }
0xb1: {  	[dreg:$0x4] =	wrdreg s18  }
0xb2: {  	[dreg:$0x5] =	wrdreg $0x0  }
0xb3: {  	[dreg:$0x6] =	wrdreg $0x9  }
0xb4: {  	_ =	task.clear_ibuf [dreg:s8], $0x7FFFF;
	_ =	strace $0x90000046  }
0xb5: {  	s29 =	simm.s32 $0x9;
	_ =	strace $0x80000048  }
0xb6: {  	_ =	swait.ge [sflag:s29], $0x1  }
0xb7: {  	[sflag:s29] =	ssyncadd.s32 $0xFFFFFFFF  }
0xb8: {  	_ =	strace $0x90000048  }
0xb9: {  	_ =	sfence  }
0xba: {  	s30 =	sld [smem:$0x0];
	_ =	sdelay $0x2  }
0xbb: {  	s31 =	sshll.u32 s1, $0xD;
	s1 =	sshrl.u32 s1, $0x2  }
0xbc: {  	s3 =	sand.u32 $0x4000, s31;
	s1 =	sadd.s32 s1, s30  }
0xbd: {  	s0 =	sor.u32 s3, s0;
	s1 =	sshll.u32 s1, $0x11  }
0xbe: {  	s0 =	sor.u32 s1, s0  }
0xbf: {  	s0 =	sadd.s32 $0x8F2B, s0  }
0xc0: {  	[sflag:s0] =	ssyncadd.remote.s32 $0x1  }
0xc1: {  	_ =	sfence.sel $0xFFFF  }
0xc2: {  	[dreg:$0x0] =	wrdreg $0xFFFFFFFF;
	(pc) =	sbr.abs _section_cstart, $3  }
0xc3: {  	[dreg:$0x1] =	wrdreg $0xFFFFFFFF  }
0xc4: {  	_ =	task.clear_ibuf [dreg:s8], $0x2FFFF;
	_ =	strace $0x9FFFFFFF  }
0xc5: {  	(tm) =	ssettm $0x7FFFFFFF  }
tec
execute0_lowered:
.L_overlay_start_1:
0x0: {  	(tag) =	ssettag $0x1  }
0x1: {  	s1 =	rddreg [dreg:$0x0]  }
0x2: {  	s0 =	rddreg [dreg:$0x1]  }
0x3: {  	s3 =	rddreg [dreg:$0x3];
	s2 =	srdreg.scid;
	s5 =	simm.s32 $0x0  }
0x4: {  	s10 =	stileid.u32;
	s12 =	simm.s32 $0x13D00;
	s13 =	simm.s32 $0x13D80  }
0x5: {  	s14 =	simm.s32 $0x13E00;
	s15 =	simm.s32 $0x13E80;
	s17 =	simm.s32 $0x13F00  }
0x6: {  	s18 =	simm.s32 $0x13F80;
	s19 =	simm.s32 $0x14000;
	s20 =	simm.s32 $0x14080  }
0x7: {  	s21 =	simm.s32 $0x14100;
	s22 =	simm.s32 $0x14180;
	[smem:$0x7FF] =	sst s5  }
0x8: {  	s28 =	simm.s32 $0x14980;
	_ =	strace $0x80000047;
	[dreg:$0x7] =	wrdreg s12  }
0x9: {  	s29 =	simm.s32 $0x14A00;
	s30 =	simm.s32 $0x14A80;
	[dreg:$0x8] =	wrdreg s13  }
0xa: {  	s31 =	simm.s32 $0x14B00;
	s6 =	smul.u32 $0x13C00, s10;
	[dreg:$0x9] =	wrdreg s14  }
0xb: {  	s2 =	sand.u32 $0x1, s2;
	s23 =	smul.u32 $0x4F000, s10;
	[dreg:$0xa] =	wrdreg s15  }
0xc: {  	s7 =	sadd.s32 $0x1800, s0;
	s9 =	smul.u32 $0x2800, s10;
	[dreg:$0xb] =	wrdreg s17  }
0xd: {  	s25 =	sshll.u32 s10, $0x6;
	s4 =	smul.u32 $0x13C000, s2;
	[dreg:$0xc] =	wrdreg s18  }
0xe: {  	s8 =	ssub.s32 $0x2, s2;
	s2 =	smul.u32 $0x28000, s2;
	[dreg:$0xd] =	wrdreg s19  }
0xf: {  	s11 =	sor.u32 $0x1C05, s25;
	s12 =	simm.s32 $0x5;
	[dreg:$0xe] =	wrdreg s20  }
0x10: {  	s13 =	simm.s32 $0x14400;
	s14 =	simm.s32 $0x80;
	[dreg:$0xf] =	wrdreg s21  }
0x11: {  	s15 =	simm.s32 $0x14C00;
	s17 =	simm.s32 $0x14480;
	[dreg:$0x10] =	wrdreg s22  }
0x12: {  	s25 =	simm.s32 $0x14300;
	s18 =	simm.s32 $0x14500;
	s19 =	simm.s32 $0x14580  }
0x13: {  	s20 =	simm.s32 $0x14600;
	s21 =	simm.s32 $0x14680;
	[dreg:$0x13] =	wrdreg s25  }
0x14: {  	s22 =	simm.s32 $0x14700;
	s24 =	sshrl.u32 s8, $0x1;
	[dreg:$0x15] =	wrdreg s11  }
0x15: {  	s25 =	simm.s32 $0x14880;
	s4 =	sadd.s32 s6, s4;
	s6 =	sshrl.u32 s23, $0x2  }
0x16: {  	s2 =	sadd.s32 s9, s2;
	s9 =	simm.s32 $0x13C80;
	s23 =	simm.s32 $0x14200  }
0x17: {  	s4 =	sshrl.u32 s4, $0x3;
	s6 =	sadd.s32 s6, s3;
	[dreg:$0x6] =	wrdreg s9  }
0x18: {  	[dreg:$0x11] =	wrdreg s23;
	s9 =	simm.s32 $0x4;
	s23 =	simm.s32 $0x14780  }
0x19: {  	s0 =	sadd.s32 s4, s0;
	s4 =	ssub.s32 s8, s24;
	s24 =	simm.s32 $0x14280  }
0x1a: {  	s8 =	sshrl.u32 s2, $0x3;
	s16 =	sshrl.u32 s6, $0x3;
	[dreg:$0x12] =	wrdreg s24  }
0x1b: {  	s2 =	sadd.s32 $0x50000, s2;
	s26 =	sadd.s32 $0x64800, s0;
	[dreg:$0x19] =	wrdreg s16  }
0x1c: {  	s0 =	sadd.s32 $0x15800, s0;
	s4 =	smax.u32 s4, $0x1;
	[dreg:$0x16] =	wrdreg s26  }
0x1d: {  	s2 =	sshrl.u32 s2, $0x3;
	s24 =	simm.s32 $0x14800;
	[dreg:$0x17] =	wrdreg s0  }
0x1e: {  	[dreg:$0x18] =	wrdreg s4;
	s0 =	sadd.s32 s8, s7;
	s10 =	sadd.s32 s2, s7  }
0x1f: {  	s26 =	simm.s32 $0x14380;
	s2 =	simm.s32 $0x18C00;
	s7 =	simm.s32 $0x2  }
0x20: {  	s8 =	simm.s32 $0x3;
	s4 =	simm.s32 $0x0;
	[dreg:$0x5] =	wrdreg s0  }
0x21: {  	v0 =	vimm.f32 $1.000000000e+00;
	[dreg:$0x14] =	wrdreg s26;
	s0 =	simm.s32 $0x1;
	s26 =	simm.s32 $0x14900  }
.LBB2_1:
0x22: {  	s6 =	rddreg [dreg:$0x2]  }
0x23: {  	[spmem:s16], [sflag:s11] =	dma.local [hbm:s6], $0x2780  }
0x24: {  	_ =	swait.ge [sflag:s12], $0x2780  }
0x25: {  	[sflag:s12] =	ssyncset.done $0x0  }
0x26: {  	[sflag:s12] =	ssyncadd.s32 $0xFFFFD880  }
0x27: {  	s6 =	simm.s32 $0x0;
	s11 =	simm.s32 $0x200;
	[bflag:$0x0] =	sbarrier.arrive $0xFFFF  }
.LBB2_2:
0x28: {  	p0 =	sne.s32 s11, $0xFE00;
	[tilespmem:s6+$0x14C70] =	vst v0  }
0x29: {  	[tilespmem:s6+$0x14C00] =	vst v0  }
0x2a: {  	[tilespmem:s6+$0x14C10] =	vst v0  }
.Ltmp0:
0x2b: {  	[tilespmem:s6+$0x14C20] =	vst v0;
	(pc) =	sbr.rel @p0 .LBB2_2-.Ltmp0, $4  }
0x2c: {  	[tilespmem:s6+$0x14C30] =	vst v0  }
0x2d: {  	[tilespmem:s6+$0x14C40] =	vst v0  }
0x2e: {  	[tilespmem:s6+$0x14C50] =	vst v0  }
0x2f: {  	[tilespmem:s6+$0x14C60] =	vst v0;
	s6 =	sshra.s32 s11, $0x2;
	s11 =	sadd.s32 $0x200, s11  }
0x30: {  	[tilespmem:s6+$0x14C70] =	vst v0  }
0x31: {  	[tilespmem:s6+$0x14C00] =	vst v0  }
0x32: {  	[tilespmem:s6+$0x14C10] =	vst v0  }
0x33: {  	[tilespmem:s6+$0x14C20] =	vst v0  }
0x34: {  	[tilespmem:s6+$0x14C30] =	vst v0  }
0x35: {  	[tilespmem:s6+$0x14C40] =	vst v0  }
0x36: {  	[tilespmem:s6+$0x14C50] =	vst v0  }
0x37: {  	[dreg:$0x1a] =	wrdreg s4;
	[tilespmem:s6+$0x14C60] =	vst v0;
	s16 =	sadd.s32 $0x0, s10  }
0x38: {  	[tilespmem:s13], [sflag:$0x5] =	stream.linear.gather [hbm4b:s16+s5], $0x800, $0x38;
	[tilespmem:$0x1CC00] =	vst v63  }
0x39: {  	_ =	swait.ge [sflag:s12], $0x800  }
0x3a: {  	[sflag:s12] =	ssyncset.done $0x0  }
0x3b: {  	[sflag:s12] =	ssyncadd.s32 $0xFFFFF800  }
0x3c: {  	[spmem:s3] =	stream.indirect.scatter.add.f32 [tilespmem:s15], [sflag:$0x1], $0x80, s13, s14, $0xb8;
	[tilespmem:$0x1CC00] =	vst v63  }
0x3d: {  	_ = 	snop  }
0x3e: {  	[spmem:s3] =	stream.indirect.scatter.add.f32 [tilespmem:s15], [sflag:$0x1], $0x80, s17, s14, $0xb8;
	[tilespmem:$0x1CC00] =	vst v63  }
0x3f: {  	_ = 	snop  }
0x40: {  	[spmem:s3] =	stream.indirect.scatter.add.f32 [tilespmem:s15], [sflag:$0x1], $0x80, s18, s14, $0xb8;
	[tilespmem:$0x1CC00] =	vst v63  }
0x41: {  	_ = 	snop  }
0x42: {  	[spmem:s3] =	stream.indirect.scatter.add.f32 [tilespmem:s15], [sflag:$0x1], $0x80, s19, s14, $0xb8;
	[tilespmem:$0x1CC00] =	vst v63  }
0x43: {  	_ = 	snop  }
0x44: {  	[spmem:s3] =	stream.indirect.scatter.add.f32 [tilespmem:s15], [sflag:$0x1], $0x80, s20, s14, $0xb8;
	[tilespmem:$0x1CC00] =	vst v63  }
0x45: {  	_ = 	snop  }
0x46: {  	[spmem:s3] =	stream.indirect.scatter.add.f32 [tilespmem:s15], [sflag:$0x1], $0x80, s21, s14, $0xb8;
	[tilespmem:$0x1CC00] =	vst v63  }
0x47: {  	_ = 	snop  }
0x48: {  	[spmem:s3] =	stream.indirect.scatter.add.f32 [tilespmem:s15], [sflag:$0x1], $0x80, s22, s14, $0xb8;
	[tilespmem:$0x1CC00] =	vst v63  }
0x49: {  	_ = 	snop  }
0x4a: {  	[spmem:s3] =	stream.indirect.scatter.add.f32 [tilespmem:s15], [sflag:$0x1], $0x80, s23, s14, $0xb8;
	[tilespmem:$0x1CC00] =	vst v63  }
0x4b: {  	_ = 	snop  }
0x4c: {  	[spmem:s3] =	stream.indirect.scatter.add.f32 [tilespmem:s15], [sflag:$0x1], $0x80, s24, s14, $0xb8;
	[tilespmem:$0x1CC00] =	vst v63  }
0x4d: {  	_ = 	snop  }
0x4e: {  	[spmem:s3] =	stream.indirect.scatter.add.f32 [tilespmem:s15], [sflag:$0x1], $0x80, s25, s14, $0xb8;
	[tilespmem:$0x1CC00] =	vst v63  }
0x4f: {  	_ = 	snop  }
0x50: {  	[spmem:s3] =	stream.indirect.scatter.add.f32 [tilespmem:s15], [sflag:$0x1], $0x80, s26, s14, $0xb8;
	[tilespmem:$0x1CC00] =	vst v63  }
0x51: {  	_ = 	snop  }
0x52: {  	[spmem:s3] =	stream.indirect.scatter.add.f32 [tilespmem:s15], [sflag:$0x1], $0x80, s28, s14, $0xb8;
	[tilespmem:$0x1CC00] =	vst v63  }
0x53: {  	_ = 	snop  }
0x54: {  	[spmem:s3] =	stream.indirect.scatter.add.f32 [tilespmem:s15], [sflag:$0x1], $0x80, s29, s14, $0xb8;
	[tilespmem:$0x1CC00] =	vst v63  }
0x55: {  	_ = 	snop  }
0x56: {  	[spmem:s3] =	stream.indirect.scatter.add.f32 [tilespmem:s15], [sflag:$0x1], $0x80, s30, s14, $0xb8;
	[tilespmem:$0x1CC00] =	vst v63  }
0x57: {  	_ = 	snop  }
0x58: {  	[spmem:s3] =	stream.indirect.scatter.add.f32 [tilespmem:s15], [sflag:$0x1], $0x80, s31, s14, $0xb8;
	[tilespmem:$0x1CC00] =	vst v63  }
0x59: {  	s17 =	simm.s32 $0x14B80  }
0x5a: {  	[spmem:s3] =	stream.indirect.scatter.add.f32 [tilespmem:s15], [sflag:$0x1], $0x80, s17, s14, $0xb8;
	[tilespmem:$0x1CC00] =	vst v63  }
0x5b: {  	_ =	swait.ge [sflag:s0], $0x4000  }
0x5c: {  	[sflag:s0] =	ssyncset.done $0x0  }
0x5d: {  	[sflag:s0] =	ssyncadd.s32 $0xFFFFC000  }
0x5e: {  	_ =	swait.ge [sflag:s0], $0x4000  }
0x5f: {  	[sflag:s0] =	ssyncset.done $0x0  }
0x60: {  	[sflag:s0] =	ssyncadd.s32 $0xFFFFC000  }
0x61: {  	_ =	swait.ge [sflag:s0], $0x4000  }
0x62: {  	[sflag:s0] =	ssyncset.done $0x0  }
0x63: {  	[sflag:s0] =	ssyncadd.s32 $0xFFFFC000  }
0x64: {  	_ =	swait.ge [sflag:s0], $0x4000  }
0x65: {  	[sflag:s0] =	ssyncset.done $0x0  }
0x66: {  	[sflag:s0] =	ssyncadd.s32 $0xFFFFC000  }
0x67: {  	_ =	swait.ge [sflag:s0], $0x4000  }
0x68: {  	[sflag:s0] =	ssyncset.done $0x0  }
0x69: {  	[sflag:s0] =	ssyncadd.s32 $0xFFFFC000  }
0x6a: {  	_ =	swait.ge [sflag:s0], $0x4000  }
0x6b: {  	[sflag:s0] =	ssyncset.done $0x0  }
0x6c: {  	[sflag:s0] =	ssyncadd.s32 $0xFFFFC000  }
0x6d: {  	_ =	swait.ge [sflag:s0], $0x4000  }
0x6e: {  	[sflag:s0] =	ssyncset.done $0x0  }
0x6f: {  	[sflag:s0] =	ssyncadd.s32 $0xFFFFC000  }
0x70: {  	_ =	swait.ge [sflag:s0], $0x4000  }
0x71: {  	[sflag:s0] =	ssyncset.done $0x0  }
0x72: {  	[sflag:s0] =	ssyncadd.s32 $0xFFFFC000  }
0x73: {  	_ =	swait.ge [sflag:s0], $0x4000  }
0x74: {  	[sflag:s0] =	ssyncset.done $0x0  }
0x75: {  	[sflag:s0] =	ssyncadd.s32 $0xFFFFC000  }
0x76: {  	_ =	swait.ge [sflag:s0], $0x4000  }
0x77: {  	[sflag:s0] =	ssyncset.done $0x0  }
0x78: {  	[sflag:s0] =	ssyncadd.s32 $0xFFFFC000  }
0x79: {  	_ =	swait.ge [sflag:s0], $0x4000  }
0x7a: {  	[sflag:s0] =	ssyncset.done $0x0  }
0x7b: {  	[sflag:s0] =	ssyncadd.s32 $0xFFFFC000  }
0x7c: {  	_ =	swait.ge [sflag:s0], $0x4000  }
0x7d: {  	[sflag:s0] =	ssyncset.done $0x0  }
0x7e: {  	[sflag:s0] =	ssyncadd.s32 $0xFFFFC000  }
0x7f: {  	_ =	swait.ge [sflag:s0], $0x4000  }
0x80: {  	[sflag:s0] =	ssyncset.done $0x0  }
0x81: {  	[sflag:s0] =	ssyncadd.s32 $0xFFFFC000  }
0x82: {  	_ =	swait.ge [sflag:s0], $0x4000  }
0x83: {  	[sflag:s0] =	ssyncset.done $0x0  }
0x84: {  	[sflag:s0] =	ssyncadd.s32 $0xFFFFC000  }
0x85: {  	_ =	swait.ge [sflag:s0], $0x4000  }
0x86: {  	[sflag:s0] =	ssyncset.done $0x0  }
0x87: {  	[sflag:s0] =	ssyncadd.s32 $0xFFFFC000  }
0x88: {  	s4 =	simm.s32 $0x14B80;
	_ =	swait.ge [sflag:s0], $0x4000  }
0x89: {  	s6 =	simm.s32 $0x100;
	s16 =	simm.s32 $0x200;
	[sflag:s0] =	ssyncset.done $0x0  }
.LBB2_4:
0x8a: {  	s17 =	sadd.s32 s6, s10  }
0x8b: {  	[sflag:s0] =	ssyncadd.s32 $0xFFFFC000;
	s6 =	smov.u32 s16;
	s11 =	sadd.s32 $0x100, s16  }
0x8c: {  	[tilespmem:s13], [sflag:$0x5] =	stream.linear.gather [hbm4b:s17+s5], $0x800, $0x38;
	[tilespmem:$0x1CC00] =	vst v63  }
0x8d: {  	s17 =	simm.s32 $0x14480  }
0x8e: {  	p0 =	sne.s32 s16, $0x400;
	_ =	swait.ge [sflag:s12], $0x800  }
0x8f: {  	[sflag:s12] =	ssyncset.done $0x0  }
0x90: {  	[sflag:s12] =	ssyncadd.s32 $0xFFFFF800  }
0x91: {  	[spmem:s3] =	stream.indirect.scatter.add.f32 [tilespmem:s15], [sflag:$0x1], $0x80, s13, s14, $0xb8;
	[tilespmem:$0x1CC00] =	vst v63  }
0x92: {  	_ = 	snop  }
0x93: {  	[spmem:s3] =	stream.indirect.scatter.add.f32 [tilespmem:s15], [sflag:$0x1], $0x80, s17, s14, $0xb8;
	[tilespmem:$0x1CC00] =	vst v63  }
0x94: {  	_ = 	snop  }
0x95: {  	[spmem:s3] =	stream.indirect.scatter.add.f32 [tilespmem:s15], [sflag:$0x1], $0x80, s18, s14, $0xb8;
	[tilespmem:$0x1CC00] =	vst v63  }
0x96: {  	_ = 	snop  }
0x97: {  	[spmem:s3] =	stream.indirect.scatter.add.f32 [tilespmem:s15], [sflag:$0x1], $0x80, s19, s14, $0xb8;
	[tilespmem:$0x1CC00] =	vst v63  }
0x98: {  	_ = 	snop  }
0x99: {  	[spmem:s3] =	stream.indirect.scatter.add.f32 [tilespmem:s15], [sflag:$0x1], $0x80, s20, s14, $0xb8;
	[tilespmem:$0x1CC00] =	vst v63  }
0x9a: {  	_ = 	snop  }
0x9b: {  	[spmem:s3] =	stream.indirect.scatter.add.f32 [tilespmem:s15], [sflag:$0x1], $0x80, s21, s14, $0xb8;
	[tilespmem:$0x1CC00] =	vst v63  }
0x9c: {  	_ = 	snop  }
0x9d: {  	[spmem:s3] =	stream.indirect.scatter.add.f32 [tilespmem:s15], [sflag:$0x1], $0x80, s22, s14, $0xb8;
	[tilespmem:$0x1CC00] =	vst v63  }
0x9e: {  	_ = 	snop  }
0x9f: {  	[spmem:s3] =	stream.indirect.scatter.add.f32 [tilespmem:s15], [sflag:$0x1], $0x80, s23, s14, $0xb8;
	[tilespmem:$0x1CC00] =	vst v63  }
0xa0: {  	_ = 	snop  }
0xa1: {  	[spmem:s3] =	stream.indirect.scatter.add.f32 [tilespmem:s15], [sflag:$0x1], $0x80, s24, s14, $0xb8;
	[tilespmem:$0x1CC00] =	vst v63  }
0xa2: {  	_ = 	snop  }
0xa3: {  	[spmem:s3] =	stream.indirect.scatter.add.f32 [tilespmem:s15], [sflag:$0x1], $0x80, s25, s14, $0xb8;
	[tilespmem:$0x1CC00] =	vst v63  }
0xa4: {  	_ = 	snop  }
0xa5: {  	[spmem:s3] =	stream.indirect.scatter.add.f32 [tilespmem:s15], [sflag:$0x1], $0x80, s26, s14, $0xb8;
	[tilespmem:$0x1CC00] =	vst v63  }
0xa6: {  	_ = 	snop  }
0xa7: {  	[spmem:s3] =	stream.indirect.scatter.add.f32 [tilespmem:s15], [sflag:$0x1], $0x80, s28, s14, $0xb8;
	[tilespmem:$0x1CC00] =	vst v63  }
0xa8: {  	_ = 	snop  }
0xa9: {  	[spmem:s3] =	stream.indirect.scatter.add.f32 [tilespmem:s15], [sflag:$0x1], $0x80, s29, s14, $0xb8;
	[tilespmem:$0x1CC00] =	vst v63  }
0xaa: {  	_ = 	snop  }
0xab: {  	[spmem:s3] =	stream.indirect.scatter.add.f32 [tilespmem:s15], [sflag:$0x1], $0x80, s30, s14, $0xb8;
	[tilespmem:$0x1CC00] =	vst v63  }
0xac: {  	_ = 	snop  }
0xad: {  	[spmem:s3] =	stream.indirect.scatter.add.f32 [tilespmem:s15], [sflag:$0x1], $0x80, s31, s14, $0xb8;
	[tilespmem:$0x1CC00] =	vst v63  }
0xae: {  	_ = 	snop  }
0xaf: {  	[spmem:s3] =	stream.indirect.scatter.add.f32 [tilespmem:s15], [sflag:$0x1], $0x80, s4, s14, $0xb8;
	[tilespmem:$0x1CC00] =	vst v63  }
0xb0: {  	_ =	swait.ge [sflag:s0], $0x4000  }
0xb1: {  	[sflag:s0] =	ssyncset.done $0x0  }
0xb2: {  	[sflag:s0] =	ssyncadd.s32 $0xFFFFC000  }
0xb3: {  	_ =	swait.ge [sflag:s0], $0x4000  }
0xb4: {  	[sflag:s0] =	ssyncset.done $0x0  }
0xb5: {  	[sflag:s0] =	ssyncadd.s32 $0xFFFFC000  }
0xb6: {  	_ =	swait.ge [sflag:s0], $0x4000  }
0xb7: {  	[sflag:s0] =	ssyncset.done $0x0  }
0xb8: {  	[sflag:s0] =	ssyncadd.s32 $0xFFFFC000  }
0xb9: {  	_ =	swait.ge [sflag:s0], $0x4000  }
0xba: {  	[sflag:s0] =	ssyncset.done $0x0  }
0xbb: {  	[sflag:s0] =	ssyncadd.s32 $0xFFFFC000  }
0xbc: {  	_ =	swait.ge [sflag:s0], $0x4000  }
0xbd: {  	[sflag:s0] =	ssyncset.done $0x0  }
0xbe: {  	[sflag:s0] =	ssyncadd.s32 $0xFFFFC000  }
0xbf: {  	_ =	swait.ge [sflag:s0], $0x4000  }
0xc0: {  	[sflag:s0] =	ssyncset.done $0x0  }
0xc1: {  	[sflag:s0] =	ssyncadd.s32 $0xFFFFC000  }
0xc2: {  	_ =	swait.ge [sflag:s0], $0x4000  }
0xc3: {  	[sflag:s0] =	ssyncset.done $0x0  }
0xc4: {  	[sflag:s0] =	ssyncadd.s32 $0xFFFFC000  }
0xc5: {  	_ =	swait.ge [sflag:s0], $0x4000  }
0xc6: {  	[sflag:s0] =	ssyncset.done $0x0  }
0xc7: {  	[sflag:s0] =	ssyncadd.s32 $0xFFFFC000  }
0xc8: {  	_ =	swait.ge [sflag:s0], $0x4000  }
0xc9: {  	[sflag:s0] =	ssyncset.done $0x0  }
0xca: {  	[sflag:s0] =	ssyncadd.s32 $0xFFFFC000  }
0xcb: {  	_ =	swait.ge [sflag:s0], $0x4000  }
0xcc: {  	[sflag:s0] =	ssyncset.done $0x0  }
0xcd: {  	[sflag:s0] =	ssyncadd.s32 $0xFFFFC000  }
0xce: {  	_ =	swait.ge [sflag:s0], $0x4000  }
0xcf: {  	[sflag:s0] =	ssyncset.done $0x0  }
0xd0: {  	[sflag:s0] =	ssyncadd.s32 $0xFFFFC000  }
0xd1: {  	_ =	swait.ge [sflag:s0], $0x4000  }
0xd2: {  	[sflag:s0] =	ssyncset.done $0x0  }
0xd3: {  	[sflag:s0] =	ssyncadd.s32 $0xFFFFC000  }
0xd4: {  	_ =	swait.ge [sflag:s0], $0x4000  }
0xd5: {  	[sflag:s0] =	ssyncset.done $0x0  }
0xd6: {  	[sflag:s0] =	ssyncadd.s32 $0xFFFFC000  }
0xd7: {  	_ =	swait.ge [sflag:s0], $0x4000  }
0xd8: {  	[sflag:s0] =	ssyncset.done $0x0  }
0xd9: {  	[sflag:s0] =	ssyncadd.s32 $0xFFFFC000  }
.Ltmp1:
0xda: {  	_ =	swait.ge [sflag:s0], $0x4000;
	(pc) =	sbr.rel @p0 .LBB2_4-.Ltmp1, $4  }
0xdb: {  	[sflag:s0] =	ssyncset.done $0x0  }
0xdc: {  	[sflag:s0] =	ssyncadd.s32 $0xFFFFC000  }
0xdd: {  	_ =	swait.ge [sflag:s0], $0x4000  }
0xde: {  	s16 =	smov.u32 s11;
	[sflag:s0] =	ssyncset.done $0x0  }
0xdf: {  	s6 =	sadd.s32 s6, s10;
	[sflag:s0] =	ssyncadd.s32 $0xFFFFC000  }
0xe0: {  	[tilespmem:s13], [sflag:$0x5] =	stream.linear.gather [hbm4b:s6+s5], $0x800, $0x38;
	[tilespmem:$0x1CC00] =	vst v63  }
0xe1: {  	_ =	swait.ge [sflag:s12], $0x800  }
0xe2: {  	[sflag:s12] =	ssyncset.done $0x0  }
0xe3: {  	[sflag:s12] =	ssyncadd.s32 $0xFFFFF800  }
0xe4: {  	[spmem:s3] =	stream.indirect.scatter.add.f32 [tilespmem:s15], [sflag:$0x1], $0x80, s13, s14, $0xb8;
	[tilespmem:$0x1CC00] =	vst v63  }
0xe5: {  	_ = 	snop  }
0xe6: {  	[spmem:s3] =	stream.indirect.scatter.add.f32 [tilespmem:s15], [sflag:$0x1], $0x80, s17, s14, $0xb8;
	[tilespmem:$0x1CC00] =	vst v63  }
0xe7: {  	_ = 	snop  }
0xe8: {  	[spmem:s3] =	stream.indirect.scatter.add.f32 [tilespmem:s15], [sflag:$0x1], $0x80, s18, s14, $0xb8;
	[tilespmem:$0x1CC00] =	vst v63  }
0xe9: {  	_ = 	snop  }
0xea: {  	[spmem:s3] =	stream.indirect.scatter.add.f32 [tilespmem:s15], [sflag:$0x1], $0x80, s19, s14, $0xb8;
	[tilespmem:$0x1CC00] =	vst v63  }
0xeb: {  	_ = 	snop  }
0xec: {  	[spmem:s3] =	stream.indirect.scatter.add.f32 [tilespmem:s15], [sflag:$0x1], $0x80, s20, s14, $0xb8;
	[tilespmem:$0x1CC00] =	vst v63  }
0xed: {  	_ = 	snop  }
0xee: {  	[spmem:s3] =	stream.indirect.scatter.add.f32 [tilespmem:s15], [sflag:$0x1], $0x80, s21, s14, $0xb8;
	[tilespmem:$0x1CC00] =	vst v63  }
0xef: {  	_ = 	snop  }
0xf0: {  	[spmem:s3] =	stream.indirect.scatter.add.f32 [tilespmem:s15], [sflag:$0x1], $0x80, s22, s14, $0xb8;
	[tilespmem:$0x1CC00] =	vst v63  }
0xf1: {  	_ = 	snop  }
0xf2: {  	[spmem:s3] =	stream.indirect.scatter.add.f32 [tilespmem:s15], [sflag:$0x1], $0x80, s23, s14, $0xb8;
	[tilespmem:$0x1CC00] =	vst v63  }
0xf3: {  	_ = 	snop  }
0xf4: {  	[spmem:s3] =	stream.indirect.scatter.add.f32 [tilespmem:s15], [sflag:$0x1], $0x80, s24, s14, $0xb8;
	[tilespmem:$0x1CC00] =	vst v63  }
0xf5: {  	_ = 	snop  }
0xf6: {  	[spmem:s3] =	stream.indirect.scatter.add.f32 [tilespmem:s15], [sflag:$0x1], $0x80, s25, s14, $0xb8;
	[tilespmem:$0x1CC00] =	vst v63  }
0xf7: {  	_ = 	snop  }
0xf8: {  	[spmem:s3] =	stream.indirect.scatter.add.f32 [tilespmem:s15], [sflag:$0x1], $0x80, s26, s14, $0xb8;
	[tilespmem:$0x1CC00] =	vst v63  }
0xf9: {  	_ = 	snop  }
0xfa: {  	[spmem:s3] =	stream.indirect.scatter.add.f32 [tilespmem:s15], [sflag:$0x1], $0x80, s28, s14, $0xb8;
	[tilespmem:$0x1CC00] =	vst v63  }
0xfb: {  	_ = 	snop  }
0xfc: {  	[spmem:s3] =	stream.indirect.scatter.add.f32 [tilespmem:s15], [sflag:$0x1], $0x80, s29, s14, $0xb8;
	[tilespmem:$0x1CC00] =	vst v63  }
0xfd: {  	_ = 	snop  }
0xfe: {  	[spmem:s3] =	stream.indirect.scatter.add.f32 [tilespmem:s15], [sflag:$0x1], $0x80, s30, s14, $0xb8;
	[tilespmem:$0x1CC00] =	vst v63  }
0xff: {  	_ = 	snop  }
0x100: {  	[spmem:s3] =	stream.indirect.scatter.add.f32 [tilespmem:s15], [sflag:$0x1], $0x80, s31, s14, $0xb8;
	[tilespmem:$0x1CC00] =	vst v63  }
0x101: {  	s4 =	simm.s32 $0x14B80  }
0x102: {  	[spmem:s3] =	stream.indirect.scatter.add.f32 [tilespmem:s15], [sflag:$0x1], $0x80, s4, s14, $0xb8;
	[tilespmem:$0x1CC00] =	vst v63  }
0x103: {  	_ =	swait.ge [sflag:s0], $0x4000  }
0x104: {  	[sflag:s0] =	ssyncset.done $0x0  }
0x105: {  	[sflag:s0] =	ssyncadd.s32 $0xFFFFC000  }
0x106: {  	_ =	swait.ge [sflag:s0], $0x4000  }
0x107: {  	[sflag:s0] =	ssyncset.done $0x0  }
0x108: {  	[sflag:s0] =	ssyncadd.s32 $0xFFFFC000  }
0x109: {  	_ =	swait.ge [sflag:s0], $0x4000  }
0x10a: {  	[sflag:s0] =	ssyncset.done $0x0  }
0x10b: {  	[sflag:s0] =	ssyncadd.s32 $0xFFFFC000  }
0x10c: {  	_ =	swait.ge [sflag:s0], $0x4000  }
0x10d: {  	[sflag:s0] =	ssyncset.done $0x0  }
0x10e: {  	[sflag:s0] =	ssyncadd.s32 $0xFFFFC000  }
0x10f: {  	_ =	swait.ge [sflag:s0], $0x4000  }
0x110: {  	[sflag:s0] =	ssyncset.done $0x0  }
0x111: {  	[sflag:s0] =	ssyncadd.s32 $0xFFFFC000  }
0x112: {  	_ =	swait.ge [sflag:s0], $0x4000  }
0x113: {  	[sflag:s0] =	ssyncset.done $0x0  }
0x114: {  	[sflag:s0] =	ssyncadd.s32 $0xFFFFC000  }
0x115: {  	_ =	swait.ge [sflag:s0], $0x4000  }
0x116: {  	[sflag:s0] =	ssyncset.done $0x0  }
0x117: {  	[sflag:s0] =	ssyncadd.s32 $0xFFFFC000  }
0x118: {  	_ =	swait.ge [sflag:s0], $0x4000  }
0x119: {  	[sflag:s0] =	ssyncset.done $0x0  }
0x11a: {  	[sflag:s0] =	ssyncadd.s32 $0xFFFFC000  }
0x11b: {  	_ =	swait.ge [sflag:s0], $0x4000  }
0x11c: {  	[sflag:s0] =	ssyncset.done $0x0  }
0x11d: {  	[sflag:s0] =	ssyncadd.s32 $0xFFFFC000  }
0x11e: {  	_ =	swait.ge [sflag:s0], $0x4000  }
0x11f: {  	[sflag:s0] =	ssyncset.done $0x0  }
0x120: {  	[sflag:s0] =	ssyncadd.s32 $0xFFFFC000  }
0x121: {  	_ =	swait.ge [sflag:s0], $0x4000  }
0x122: {  	[sflag:s0] =	ssyncset.done $0x0  }
0x123: {  	[sflag:s0] =	ssyncadd.s32 $0xFFFFC000  }
0x124: {  	_ =	swait.ge [sflag:s0], $0x4000  }
0x125: {  	[sflag:s0] =	ssyncset.done $0x0  }
0x126: {  	[sflag:s0] =	ssyncadd.s32 $0xFFFFC000  }
0x127: {  	_ =	swait.ge [sflag:s0], $0x4000  }
0x128: {  	[sflag:s0] =	ssyncset.done $0x0  }
0x129: {  	[sflag:s0] =	ssyncadd.s32 $0xFFFFC000  }
0x12a: {  	_ =	swait.ge [sflag:s0], $0x4000  }
0x12b: {  	[sflag:s0] =	ssyncset.done $0x0  }
0x12c: {  	[sflag:s0] =	ssyncadd.s32 $0xFFFFC000  }
0x12d: {  	_ =	swait.ge [sflag:s0], $0x4000  }
0x12e: {  	[sflag:s0] =	ssyncset.done $0x0  }
0x12f: {  	[sflag:s0] =	ssyncadd.s32 $0xFFFFC000  }
0x130: {  	_ =	swait.ge [sflag:s0], $0x4000  }
0x131: {  	[sflag:s0] =	ssyncset.done $0x0  }
0x132: {  	[sflag:s0] =	ssyncadd.s32 $0xFFFFC000  }
0x133: {  	[bflag:$0x0] =	sbarrier.arrive $0xFFFF  }
0x134: {  	s11 =	rddreg [dreg:$0x15]  }
0x135: {  	s4 =	rddreg [dreg:$0x16]  }
0x136: {  	s16 =	rddreg [dreg:$0x19]  }
0x137: {  	[hbm:s4], [sflag:s11] =	dma.local [spmem:s16], $0x2780  }
0x138: {  	_ =	swait.ge [sflag:s12], $0x2780  }
0x139: {  	[sflag:s12] =	ssyncset.done $0x0  }
0x13a: {  	[sflag:s12] =	ssyncadd.s32 $0xFFFFD880  }
0x13b: {  	[bflag:$0x0] =	sbarrier.arrive $0xFFFF  }
0x13c: {  	s4 =	rddreg [dreg:$0x2]  }
0x13d: {  	[spmem:s16], [sflag:s11] =	dma.local [hbm:s4], $0x2780  }
0x13e: {  	_ =	swait.ge [sflag:s12], $0x2780  }
0x13f: {  	[sflag:s12] =	ssyncset.done $0x0  }
0x140: {  	[sflag:s12] =	ssyncadd.s32 $0xFFFFD880  }
0x141: {  	[bflag:$0x0] =	sbarrier.arrive $0xFFFF  }
0x142: {  	s4 =	rddreg [dreg:$0x5]  }
0x143: {  	s6 =	sadd.s32 $0x0, s4;
	s4 =	simm.s32 $0x13C00  }
0x144: {  	[tilespmem:s4], [sflag:$0x5] =	stream.linear.gather [hbm4b:s6+s5], $0x800, $0x38;
	[tilespmem:$0x1CC00] =	vst v63  }
0x145: {  	_ =	swait.ge [sflag:s12], $0x800  }
0x146: {  	[sflag:s12] =	ssyncset.done $0x0  }
0x147: {  	s11 =	sadd.s32 $0x0, s10;
	[sflag:s12] =	ssyncadd.s32 $0xFFFFF800  }
0x148: {  	[tilespmem:s13], [sflag:$0x5] =	stream.linear.gather [hbm4b:s11+s5], $0x800, $0x38;
	[tilespmem:$0x1CC00] =	vst v63  }
0x149: {  	_ =	swait.ge [sflag:s12], $0x800  }
0x14a: {  	[sflag:s12] =	ssyncset.done $0x0  }
0x14b: {  	[sflag:s12] =	ssyncadd.s32 $0xFFFFF800  }
0x14c: {  	[tilespmem:s15], [sflag:$0x1] =	stream.indirect.gather [hbm4b:s1+s14], $0x80, s4, s14, $0xb8;
	[tilespmem:$0x1CC00] =	vst v63  }
0x14d: {  	_ =	swait.ge [sflag:s0], $0x4000  }
0x14e: {  	[sflag:s0] =	ssyncset.done $0x0  }
0x14f: {  	[sflag:s0] =	ssyncadd.s32 $0xFFFFC000  }
0x150: {  	[spmem:s3] =	stream.indirect.scatter.add.f32 [tilespmem:s15], [sflag:$0x3], $0x80, s13, s14, $0xb8;
	[tilespmem:$0x1CC00] =	vst v63  }
0x151: {  	s16 =	rddreg [dreg:$0x6]  }
0x152: {  	[tilespmem:s2], [sflag:$0x2] =	stream.indirect.gather [hbm4b:s1+s14], $0x80, s16, s14, $0xb8;
	[tilespmem:$0x1CC00] =	vst v63  }
0x153: {  	_ =	swait.ge [sflag:s7], $0x4000  }
0x154: {  	[sflag:s7] =	ssyncset.done $0x0  }
0x155: {  	[sflag:s7] =	ssyncadd.s32 $0xFFFFC000  }
0x156: {  	[spmem:s3] =	stream.indirect.scatter.add.f32 [tilespmem:s2], [sflag:$0x4], $0x80, s17, s14, $0xb8;
	[tilespmem:$0x1CC00] =	vst v63  }
0x157: {  	_ =	swait.ge [sflag:s8], $0x4000  }
0x158: {  	[sflag:s8] =	ssyncset.done $0x0  }
0x159: {  	s11 =	rddreg [dreg:$0x7];
	[sflag:s8] =	ssyncadd.s32 $0xFFFFC000  }
0x15a: {  	[tilespmem:s15], [sflag:$0x1] =	stream.indirect.gather [hbm4b:s1+s14], $0x80, s11, s14, $0xb8;
	[tilespmem:$0x1CC00] =	vst v63  }
0x15b: {  	_ =	swait.ge [sflag:s0], $0x4000  }
0x15c: {  	[sflag:s0] =	ssyncset.done $0x0  }
0x15d: {  	[sflag:s0] =	ssyncadd.s32 $0xFFFFC000  }
0x15e: {  	[spmem:s3] =	stream.indirect.scatter.add.f32 [tilespmem:s15], [sflag:$0x3], $0x80, s18, s14, $0xb8;
	[tilespmem:$0x1CC00] =	vst v63  }
0x15f: {  	_ =	swait.ge [sflag:s9], $0x4000  }
0x160: {  	[sflag:s9] =	ssyncset.done $0x0  }
0x161: {  	s16 =	rddreg [dreg:$0x8];
	[sflag:s9] =	ssyncadd.s32 $0xFFFFC000  }
0x162: {  	[tilespmem:s2], [sflag:$0x2] =	stream.indirect.gather [hbm4b:s1+s14], $0x80, s16, s14, $0xb8;
	[tilespmem:$0x1CC00] =	vst v63  }
0x163: {  	_ =	swait.ge [sflag:s7], $0x4000  }
0x164: {  	[sflag:s7] =	ssyncset.done $0x0  }
0x165: {  	[sflag:s7] =	ssyncadd.s32 $0xFFFFC000  }
0x166: {  	[spmem:s3] =	stream.indirect.scatter.add.f32 [tilespmem:s2], [sflag:$0x4], $0x80, s19, s14, $0xb8;
	[tilespmem:$0x1CC00] =	vst v63  }
0x167: {  	_ =	swait.ge [sflag:s8], $0x4000  }
0x168: {  	[sflag:s8] =	ssyncset.done $0x0  }
0x169: {  	s17 =	rddreg [dreg:$0x9];
	[sflag:s8] =	ssyncadd.s32 $0xFFFFC000  }
0x16a: {  	[tilespmem:s15], [sflag:$0x1] =	stream.indirect.gather [hbm4b:s1+s14], $0x80, s17, s14, $0xb8;
	[tilespmem:$0x1CC00] =	vst v63  }
0x16b: {  	_ =	swait.ge [sflag:s0], $0x4000  }
0x16c: {  	[sflag:s0] =	ssyncset.done $0x0  }
0x16d: {  	[sflag:s0] =	ssyncadd.s32 $0xFFFFC000  }
0x16e: {  	[spmem:s3] =	stream.indirect.scatter.add.f32 [tilespmem:s15], [sflag:$0x3], $0x80, s20, s14, $0xb8;
	[tilespmem:$0x1CC00] =	vst v63  }
0x16f: {  	_ =	swait.ge [sflag:s9], $0x4000  }
0x170: {  	[sflag:s9] =	ssyncset.done $0x0  }
0x171: {  	s11 =	rddreg [dreg:$0xa];
	[sflag:s9] =	ssyncadd.s32 $0xFFFFC000  }
0x172: {  	[tilespmem:s2], [sflag:$0x2] =	stream.indirect.gather [hbm4b:s1+s14], $0x80, s11, s14, $0xb8;
	[tilespmem:$0x1CC00] =	vst v63  }
0x173: {  	_ =	swait.ge [sflag:s7], $0x4000  }
0x174: {  	[sflag:s7] =	ssyncset.done $0x0  }
0x175: {  	[sflag:s7] =	ssyncadd.s32 $0xFFFFC000  }
0x176: {  	[spmem:s3] =	stream.indirect.scatter.add.f32 [tilespmem:s2], [sflag:$0x4], $0x80, s21, s14, $0xb8;
	[tilespmem:$0x1CC00] =	vst v63  }
0x177: {  	_ =	swait.ge [sflag:s8], $0x4000  }
0x178: {  	[sflag:s8] =	ssyncset.done $0x0  }
0x179: {  	s16 =	rddreg [dreg:$0xb];
	[sflag:s8] =	ssyncadd.s32 $0xFFFFC000  }
0x17a: {  	[tilespmem:s15], [sflag:$0x1] =	stream.indirect.gather [hbm4b:s1+s14], $0x80, s16, s14, $0xb8;
	[tilespmem:$0x1CC00] =	vst v63  }
0x17b: {  	_ =	swait.ge [sflag:s0], $0x4000  }
0x17c: {  	[sflag:s0] =	ssyncset.done $0x0  }
0x17d: {  	[sflag:s0] =	ssyncadd.s32 $0xFFFFC000  }
0x17e: {  	[spmem:s3] =	stream.indirect.scatter.add.f32 [tilespmem:s15], [sflag:$0x3], $0x80, s22, s14, $0xb8;
	[tilespmem:$0x1CC00] =	vst v63  }
0x17f: {  	_ =	swait.ge [sflag:s9], $0x4000  }
0x180: {  	[sflag:s9] =	ssyncset.done $0x0  }
0x181: {  	s17 =	rddreg [dreg:$0xc];
	[sflag:s9] =	ssyncadd.s32 $0xFFFFC000  }
0x182: {  	[tilespmem:s2], [sflag:$0x2] =	stream.indirect.gather [hbm4b:s1+s14], $0x80, s17, s14, $0xb8;
	[tilespmem:$0x1CC00] =	vst v63  }
0x183: {  	_ =	swait.ge [sflag:s7], $0x4000  }
0x184: {  	[sflag:s7] =	ssyncset.done $0x0  }
0x185: {  	[sflag:s7] =	ssyncadd.s32 $0xFFFFC000  }
0x186: {  	[spmem:s3] =	stream.indirect.scatter.add.f32 [tilespmem:s2], [sflag:$0x4], $0x80, s23, s14, $0xb8;
	[tilespmem:$0x1CC00] =	vst v63  }
0x187: {  	_ =	swait.ge [sflag:s8], $0x4000  }
0x188: {  	[sflag:s8] =	ssyncset.done $0x0  }
0x189: {  	s11 =	rddreg [dreg:$0xd];
	[sflag:s8] =	ssyncadd.s32 $0xFFFFC000  }
0x18a: {  	[tilespmem:s15], [sflag:$0x1] =	stream.indirect.gather [hbm4b:s1+s14], $0x80, s11, s14, $0xb8;
	[tilespmem:$0x1CC00] =	vst v63  }
0x18b: {  	_ =	swait.ge [sflag:s0], $0x4000  }
0x18c: {  	[sflag:s0] =	ssyncset.done $0x0  }
0x18d: {  	[sflag:s0] =	ssyncadd.s32 $0xFFFFC000  }
0x18e: {  	[spmem:s3] =	stream.indirect.scatter.add.f32 [tilespmem:s15], [sflag:$0x3], $0x80, s24, s14, $0xb8;
	[tilespmem:$0x1CC00] =	vst v63  }
0x18f: {  	_ =	swait.ge [sflag:s9], $0x4000  }
0x190: {  	[sflag:s9] =	ssyncset.done $0x0  }
0x191: {  	s16 =	rddreg [dreg:$0xe];
	[sflag:s9] =	ssyncadd.s32 $0xFFFFC000  }
0x192: {  	[tilespmem:s2], [sflag:$0x2] =	stream.indirect.gather [hbm4b:s1+s14], $0x80, s16, s14, $0xb8;
	[tilespmem:$0x1CC00] =	vst v63  }
0x193: {  	_ =	swait.ge [sflag:s7], $0x4000  }
0x194: {  	[sflag:s7] =	ssyncset.done $0x0  }
0x195: {  	[sflag:s7] =	ssyncadd.s32 $0xFFFFC000  }
0x196: {  	[spmem:s3] =	stream.indirect.scatter.add.f32 [tilespmem:s2], [sflag:$0x4], $0x80, s25, s14, $0xb8;
	[tilespmem:$0x1CC00] =	vst v63  }
0x197: {  	_ =	swait.ge [sflag:s8], $0x4000  }
0x198: {  	[sflag:s8] =	ssyncset.done $0x0  }
0x199: {  	s17 =	rddreg [dreg:$0xf];
	[sflag:s8] =	ssyncadd.s32 $0xFFFFC000  }
0x19a: {  	[tilespmem:s15], [sflag:$0x1] =	stream.indirect.gather [hbm4b:s1+s14], $0x80, s17, s14, $0xb8;
	[tilespmem:$0x1CC00] =	vst v63  }
0x19b: {  	_ =	swait.ge [sflag:s0], $0x4000  }
0x19c: {  	[sflag:s0] =	ssyncset.done $0x0  }
0x19d: {  	[sflag:s0] =	ssyncadd.s32 $0xFFFFC000  }
0x19e: {  	[spmem:s3] =	stream.indirect.scatter.add.f32 [tilespmem:s15], [sflag:$0x3], $0x80, s26, s14, $0xb8;
	[tilespmem:$0x1CC00] =	vst v63  }
0x19f: {  	_ =	swait.ge [sflag:s9], $0x4000  }
0x1a0: {  	[sflag:s9] =	ssyncset.done $0x0  }
0x1a1: {  	s11 =	rddreg [dreg:$0x10];
	[sflag:s9] =	ssyncadd.s32 $0xFFFFC000  }
0x1a2: {  	[tilespmem:s2], [sflag:$0x2] =	stream.indirect.gather [hbm4b:s1+s14], $0x80, s11, s14, $0xb8;
	[tilespmem:$0x1CC00] =	vst v63  }
0x1a3: {  	_ =	swait.ge [sflag:s7], $0x4000  }
0x1a4: {  	[sflag:s7] =	ssyncset.done $0x0  }
0x1a5: {  	[sflag:s7] =	ssyncadd.s32 $0xFFFFC000  }
0x1a6: {  	[spmem:s3] =	stream.indirect.scatter.add.f32 [tilespmem:s2], [sflag:$0x4], $0x80, s28, s14, $0xb8;
	[tilespmem:$0x1CC00] =	vst v63  }
0x1a7: {  	_ =	swait.ge [sflag:s8], $0x4000  }
0x1a8: {  	[sflag:s8] =	ssyncset.done $0x0  }
0x1a9: {  	s16 =	rddreg [dreg:$0x11];
	[sflag:s8] =	ssyncadd.s32 $0xFFFFC000  }
0x1aa: {  	[tilespmem:s15], [sflag:$0x1] =	stream.indirect.gather [hbm4b:s1+s14], $0x80, s16, s14, $0xb8;
	[tilespmem:$0x1CC00] =	vst v63  }
0x1ab: {  	_ =	swait.ge [sflag:s0], $0x4000  }
0x1ac: {  	[sflag:s0] =	ssyncset.done $0x0  }
0x1ad: {  	[sflag:s0] =	ssyncadd.s32 $0xFFFFC000  }
0x1ae: {  	[spmem:s3] =	stream.indirect.scatter.add.f32 [tilespmem:s15], [sflag:$0x3], $0x80, s29, s14, $0xb8;
	[tilespmem:$0x1CC00] =	vst v63  }
0x1af: {  	_ =	swait.ge [sflag:s9], $0x4000  }
0x1b0: {  	[sflag:s9] =	ssyncset.done $0x0  }
0x1b1: {  	s17 =	rddreg [dreg:$0x12];
	[sflag:s9] =	ssyncadd.s32 $0xFFFFC000  }
0x1b2: {  	[tilespmem:s2], [sflag:$0x2] =	stream.indirect.gather [hbm4b:s1+s14], $0x80, s17, s14, $0xb8;
	[tilespmem:$0x1CC00] =	vst v63  }
0x1b3: {  	_ =	swait.ge [sflag:s7], $0x4000  }
0x1b4: {  	[sflag:s7] =	ssyncset.done $0x0  }
0x1b5: {  	[sflag:s7] =	ssyncadd.s32 $0xFFFFC000  }
0x1b6: {  	[spmem:s3] =	stream.indirect.scatter.add.f32 [tilespmem:s2], [sflag:$0x4], $0x80, s30, s14, $0xb8;
	[tilespmem:$0x1CC00] =	vst v63  }
0x1b7: {  	_ =	swait.ge [sflag:s8], $0x4000  }
0x1b8: {  	[sflag:s8] =	ssyncset.done $0x0  }
0x1b9: {  	s11 =	rddreg [dreg:$0x13];
	[sflag:s8] =	ssyncadd.s32 $0xFFFFC000  }
0x1ba: {  	[tilespmem:s15], [sflag:$0x1] =	stream.indirect.gather [hbm4b:s1+s14], $0x80, s11, s14, $0xb8;
	[tilespmem:$0x1CC00] =	vst v63  }
0x1bb: {  	_ =	swait.ge [sflag:s0], $0x4000  }
0x1bc: {  	[sflag:s0] =	ssyncset.done $0x0  }
0x1bd: {  	[sflag:s0] =	ssyncadd.s32 $0xFFFFC000  }
0x1be: {  	[spmem:s3] =	stream.indirect.scatter.add.f32 [tilespmem:s15], [sflag:$0x3], $0x80, s31, s14, $0xb8;
	[tilespmem:$0x1CC00] =	vst v63  }
0x1bf: {  	_ =	swait.ge [sflag:s9], $0x4000  }
0x1c0: {  	[sflag:s9] =	ssyncset.done $0x0  }
0x1c1: {  	s16 =	rddreg [dreg:$0x14];
	[sflag:s9] =	ssyncadd.s32 $0xFFFFC000  }
0x1c2: {  	[tilespmem:s2], [sflag:$0x2] =	stream.indirect.gather [hbm4b:s1+s14], $0x80, s16, s14, $0xb8;
	[tilespmem:$0x1CC00] =	vst v63  }
0x1c3: {  	_ =	swait.ge [sflag:s7], $0x4000  }
0x1c4: {  	[sflag:s7] =	ssyncset.done $0x0  }
0x1c5: {  	s17 =	simm.s32 $0x14B80;
	[sflag:s7] =	ssyncadd.s32 $0xFFFFC000  }
0x1c6: {  	[spmem:s3] =	stream.indirect.scatter.add.f32 [tilespmem:s2], [sflag:$0x4], $0x80, s17, s14, $0xb8;
	[tilespmem:$0x1CC00] =	vst v63  }
0x1c7: {  	_ =	swait.ge [sflag:s8], $0x4000  }
0x1c8: {  	[sflag:s8] =	ssyncset.done $0x0  }
0x1c9: {  	[sflag:s8] =	ssyncadd.s32 $0xFFFFC000  }
0x1ca: {  	s6 =	simm.s32 $0x200;
	_ =	swait.ge [sflag:s9], $0x4000  }
0x1cb: {  	s11 =	simm.s32 $0x100;
	s16 =	rddreg [dreg:$0x5];
	[sflag:s9] =	ssyncset.done $0x0  }
.LBB2_6:
0x1cc: {  	[sflag:s9] =	ssyncadd.s32 $0xFFFFC000;
	s16 =	sadd.s32 s11, s16  }
0x1cd: {  	[tilespmem:s4], [sflag:$0x5] =	stream.linear.gather [hbm4b:s16+s5], $0x800, $0x38;
	[tilespmem:$0x1CC00] =	vst v63  }
0x1ce: {  	_ =	swait.ge [sflag:s12], $0x800  }
0x1cf: {  	[sflag:s12] =	ssyncset.done $0x0  }
0x1d0: {  	s16 =	sadd.s32 s11, s10;
	[sflag:s12] =	ssyncadd.s32 $0xFFFFF800  }
0x1d1: {  	[tilespmem:s13], [sflag:$0x5] =	stream.linear.gather [hbm4b:s16+s5], $0x800, $0x38;
	[tilespmem:$0x1CC00] =	vst v63  }
0x1d2: {  	_ =	swait.ge [sflag:s12], $0x800  }
0x1d3: {  	[sflag:s12] =	ssyncset.done $0x0  }
0x1d4: {  	[sflag:s12] =	ssyncadd.s32 $0xFFFFF800  }
0x1d5: {  	[tilespmem:s15], [sflag:$0x1] =	stream.indirect.gather [hbm4b:s1+s14], $0x80, s4, s14, $0xb8;
	[tilespmem:$0x1CC00] =	vst v63  }
0x1d6: {  	_ =	swait.ge [sflag:s0], $0x4000  }
0x1d7: {  	[sflag:s0] =	ssyncset.done $0x0  }
0x1d8: {  	[sflag:s0] =	ssyncadd.s32 $0xFFFFC000  }
0x1d9: {  	[spmem:s3] =	stream.indirect.scatter.add.f32 [tilespmem:s15], [sflag:$0x3], $0x80, s13, s14, $0xb8;
	[tilespmem:$0x1CC00] =	vst v63  }
0x1da: {  	s16 =	rddreg [dreg:$0x6]  }
0x1db: {  	[tilespmem:s2], [sflag:$0x2] =	stream.indirect.gather [hbm4b:s1+s14], $0x80, s16, s14, $0xb8;
	[tilespmem:$0x1CC00] =	vst v63  }
0x1dc: {  	_ =	swait.ge [sflag:s7], $0x4000  }
0x1dd: {  	s17 =	smov.u32 s6;
	[sflag:s7] =	ssyncset.done $0x0  }
0x1de: {  	s11 =	smov.u32 s17;
	s17 =	simm.s32 $0x14480;
	[sflag:s7] =	ssyncadd.s32 $0xFFFFC000  }
0x1df: {  	[spmem:s3] =	stream.indirect.scatter.add.f32 [tilespmem:s2], [sflag:$0x4], $0x80, s17, s14, $0xb8;
	[tilespmem:$0x1CC00] =	vst v63  }
0x1e0: {  	_ =	swait.ge [sflag:s8], $0x4000  }
0x1e1: {  	[sflag:s8] =	ssyncset.done $0x0  }
0x1e2: {  	s16 =	rddreg [dreg:$0x7];
	[sflag:s8] =	ssyncadd.s32 $0xFFFFC000  }
0x1e3: {  	[tilespmem:s15], [sflag:$0x1] =	stream.indirect.gather [hbm4b:s1+s14], $0x80, s16, s14, $0xb8;
	[tilespmem:$0x1CC00] =	vst v63  }
0x1e4: {  	_ =	swait.ge [sflag:s0], $0x4000  }
0x1e5: {  	[sflag:s0] =	ssyncset.done $0x0  }
0x1e6: {  	[sflag:s0] =	ssyncadd.s32 $0xFFFFC000  }
0x1e7: {  	[spmem:s3] =	stream.indirect.scatter.add.f32 [tilespmem:s15], [sflag:$0x3], $0x80, s18, s14, $0xb8;
	[tilespmem:$0x1CC00] =	vst v63  }
0x1e8: {  	_ =	swait.ge [sflag:s9], $0x4000  }
0x1e9: {  	[sflag:s9] =	ssyncset.done $0x0  }
0x1ea: {  	s16 =	rddreg [dreg:$0x8];
	[sflag:s9] =	ssyncadd.s32 $0xFFFFC000  }
0x1eb: {  	[tilespmem:s2], [sflag:$0x2] =	stream.indirect.gather [hbm4b:s1+s14], $0x80, s16, s14, $0xb8;
	[tilespmem:$0x1CC00] =	vst v63  }
0x1ec: {  	_ =	swait.ge [sflag:s7], $0x4000  }
0x1ed: {  	[sflag:s7] =	ssyncset.done $0x0  }
0x1ee: {  	[sflag:s7] =	ssyncadd.s32 $0xFFFFC000  }
0x1ef: {  	[spmem:s3] =	stream.indirect.scatter.add.f32 [tilespmem:s2], [sflag:$0x4], $0x80, s19, s14, $0xb8;
	[tilespmem:$0x1CC00] =	vst v63  }
0x1f0: {  	_ =	swait.ge [sflag:s8], $0x4000  }
0x1f1: {  	[sflag:s8] =	ssyncset.done $0x0  }
0x1f2: {  	s16 =	rddreg [dreg:$0x9];
	[sflag:s8] =	ssyncadd.s32 $0xFFFFC000  }
0x1f3: {  	[tilespmem:s15], [sflag:$0x1] =	stream.indirect.gather [hbm4b:s1+s14], $0x80, s16, s14, $0xb8;
	[tilespmem:$0x1CC00] =	vst v63  }
0x1f4: {  	_ =	swait.ge [sflag:s0], $0x4000  }
0x1f5: {  	[sflag:s0] =	ssyncset.done $0x0  }
0x1f6: {  	[sflag:s0] =	ssyncadd.s32 $0xFFFFC000  }
0x1f7: {  	[spmem:s3] =	stream.indirect.scatter.add.f32 [tilespmem:s15], [sflag:$0x3], $0x80, s20, s14, $0xb8;
	[tilespmem:$0x1CC00] =	vst v63  }
0x1f8: {  	_ =	swait.ge [sflag:s9], $0x4000  }
0x1f9: {  	[sflag:s9] =	ssyncset.done $0x0  }
0x1fa: {  	s16 =	rddreg [dreg:$0xa];
	[sflag:s9] =	ssyncadd.s32 $0xFFFFC000  }
0x1fb: {  	[tilespmem:s2], [sflag:$0x2] =	stream.indirect.gather [hbm4b:s1+s14], $0x80, s16, s14, $0xb8;
	[tilespmem:$0x1CC00] =	vst v63  }
0x1fc: {  	_ =	swait.ge [sflag:s7], $0x4000  }
0x1fd: {  	[sflag:s7] =	ssyncset.done $0x0  }
0x1fe: {  	[sflag:s7] =	ssyncadd.s32 $0xFFFFC000  }
0x1ff: {  	[spmem:s3] =	stream.indirect.scatter.add.f32 [tilespmem:s2], [sflag:$0x4], $0x80, s21, s14, $0xb8;
	[tilespmem:$0x1CC00] =	vst v63  }
0x200: {  	_ =	swait.ge [sflag:s8], $0x4000  }
0x201: {  	[sflag:s8] =	ssyncset.done $0x0  }
0x202: {  	s16 =	rddreg [dreg:$0xb];
	[sflag:s8] =	ssyncadd.s32 $0xFFFFC000  }
0x203: {  	[tilespmem:s15], [sflag:$0x1] =	stream.indirect.gather [hbm4b:s1+s14], $0x80, s16, s14, $0xb8;
	[tilespmem:$0x1CC00] =	vst v63  }
0x204: {  	_ =	swait.ge [sflag:s0], $0x4000  }
0x205: {  	[sflag:s0] =	ssyncset.done $0x0  }
0x206: {  	[sflag:s0] =	ssyncadd.s32 $0xFFFFC000  }
0x207: {  	[spmem:s3] =	stream.indirect.scatter.add.f32 [tilespmem:s15], [sflag:$0x3], $0x80, s22, s14, $0xb8;
	[tilespmem:$0x1CC00] =	vst v63  }
0x208: {  	_ =	swait.ge [sflag:s9], $0x4000  }
0x209: {  	[sflag:s9] =	ssyncset.done $0x0  }
0x20a: {  	s16 =	rddreg [dreg:$0xc];
	[sflag:s9] =	ssyncadd.s32 $0xFFFFC000  }
0x20b: {  	[tilespmem:s2], [sflag:$0x2] =	stream.indirect.gather [hbm4b:s1+s14], $0x80, s16, s14, $0xb8;
	[tilespmem:$0x1CC00] =	vst v63  }
0x20c: {  	_ =	swait.ge [sflag:s7], $0x4000  }
0x20d: {  	[sflag:s7] =	ssyncset.done $0x0  }
0x20e: {  	[sflag:s7] =	ssyncadd.s32 $0xFFFFC000  }
0x20f: {  	[spmem:s3] =	stream.indirect.scatter.add.f32 [tilespmem:s2], [sflag:$0x4], $0x80, s23, s14, $0xb8;
	[tilespmem:$0x1CC00] =	vst v63  }
0x210: {  	_ =	swait.ge [sflag:s8], $0x4000  }
0x211: {  	[sflag:s8] =	ssyncset.done $0x0  }
0x212: {  	s16 =	rddreg [dreg:$0xd];
	[sflag:s8] =	ssyncadd.s32 $0xFFFFC000  }
0x213: {  	[tilespmem:s15], [sflag:$0x1] =	stream.indirect.gather [hbm4b:s1+s14], $0x80, s16, s14, $0xb8;
	[tilespmem:$0x1CC00] =	vst v63  }
0x214: {  	_ =	swait.ge [sflag:s0], $0x4000  }
0x215: {  	[sflag:s0] =	ssyncset.done $0x0  }
0x216: {  	[sflag:s0] =	ssyncadd.s32 $0xFFFFC000  }
0x217: {  	[spmem:s3] =	stream.indirect.scatter.add.f32 [tilespmem:s15], [sflag:$0x3], $0x80, s24, s14, $0xb8;
	[tilespmem:$0x1CC00] =	vst v63  }
0x218: {  	_ =	swait.ge [sflag:s9], $0x4000  }
0x219: {  	[sflag:s9] =	ssyncset.done $0x0  }
0x21a: {  	s16 =	rddreg [dreg:$0xe];
	[sflag:s9] =	ssyncadd.s32 $0xFFFFC000  }
0x21b: {  	[tilespmem:s2], [sflag:$0x2] =	stream.indirect.gather [hbm4b:s1+s14], $0x80, s16, s14, $0xb8;
	[tilespmem:$0x1CC00] =	vst v63  }
0x21c: {  	_ =	swait.ge [sflag:s7], $0x4000  }
0x21d: {  	[sflag:s7] =	ssyncset.done $0x0  }
0x21e: {  	[sflag:s7] =	ssyncadd.s32 $0xFFFFC000  }
0x21f: {  	[spmem:s3] =	stream.indirect.scatter.add.f32 [tilespmem:s2], [sflag:$0x4], $0x80, s25, s14, $0xb8;
	[tilespmem:$0x1CC00] =	vst v63  }
0x220: {  	_ =	swait.ge [sflag:s8], $0x4000  }
0x221: {  	[sflag:s8] =	ssyncset.done $0x0  }
0x222: {  	s16 =	rddreg [dreg:$0xf];
	[sflag:s8] =	ssyncadd.s32 $0xFFFFC000  }
0x223: {  	[tilespmem:s15], [sflag:$0x1] =	stream.indirect.gather [hbm4b:s1+s14], $0x80, s16, s14, $0xb8;
	[tilespmem:$0x1CC00] =	vst v63  }
0x224: {  	_ =	swait.ge [sflag:s0], $0x4000  }
0x225: {  	[sflag:s0] =	ssyncset.done $0x0  }
0x226: {  	[sflag:s0] =	ssyncadd.s32 $0xFFFFC000  }
0x227: {  	[spmem:s3] =	stream.indirect.scatter.add.f32 [tilespmem:s15], [sflag:$0x3], $0x80, s26, s14, $0xb8;
	[tilespmem:$0x1CC00] =	vst v63  }
0x228: {  	_ =	swait.ge [sflag:s9], $0x4000  }
0x229: {  	[sflag:s9] =	ssyncset.done $0x0  }
0x22a: {  	s16 =	rddreg [dreg:$0x10];
	[sflag:s9] =	ssyncadd.s32 $0xFFFFC000  }
0x22b: {  	[tilespmem:s2], [sflag:$0x2] =	stream.indirect.gather [hbm4b:s1+s14], $0x80, s16, s14, $0xb8;
	[tilespmem:$0x1CC00] =	vst v63  }
0x22c: {  	_ =	swait.ge [sflag:s7], $0x4000  }
0x22d: {  	[sflag:s7] =	ssyncset.done $0x0  }
0x22e: {  	[sflag:s7] =	ssyncadd.s32 $0xFFFFC000  }
0x22f: {  	[spmem:s3] =	stream.indirect.scatter.add.f32 [tilespmem:s2], [sflag:$0x4], $0x80, s28, s14, $0xb8;
	[tilespmem:$0x1CC00] =	vst v63  }
0x230: {  	_ =	swait.ge [sflag:s8], $0x4000  }
0x231: {  	[sflag:s8] =	ssyncset.done $0x0  }
0x232: {  	s16 =	rddreg [dreg:$0x11];
	[sflag:s8] =	ssyncadd.s32 $0xFFFFC000  }
0x233: {  	[tilespmem:s15], [sflag:$0x1] =	stream.indirect.gather [hbm4b:s1+s14], $0x80, s16, s14, $0xb8;
	[tilespmem:$0x1CC00] =	vst v63  }
0x234: {  	_ =	swait.ge [sflag:s0], $0x4000  }
0x235: {  	[sflag:s0] =	ssyncset.done $0x0  }
0x236: {  	[sflag:s0] =	ssyncadd.s32 $0xFFFFC000  }
0x237: {  	[spmem:s3] =	stream.indirect.scatter.add.f32 [tilespmem:s15], [sflag:$0x3], $0x80, s29, s14, $0xb8;
	[tilespmem:$0x1CC00] =	vst v63  }
0x238: {  	_ =	swait.ge [sflag:s9], $0x4000  }
0x239: {  	[sflag:s9] =	ssyncset.done $0x0  }
0x23a: {  	s16 =	rddreg [dreg:$0x12];
	[sflag:s9] =	ssyncadd.s32 $0xFFFFC000  }
0x23b: {  	[tilespmem:s2], [sflag:$0x2] =	stream.indirect.gather [hbm4b:s1+s14], $0x80, s16, s14, $0xb8;
	[tilespmem:$0x1CC00] =	vst v63  }
0x23c: {  	_ =	swait.ge [sflag:s7], $0x4000  }
0x23d: {  	[sflag:s7] =	ssyncset.done $0x0  }
0x23e: {  	[sflag:s7] =	ssyncadd.s32 $0xFFFFC000  }
0x23f: {  	[spmem:s3] =	stream.indirect.scatter.add.f32 [tilespmem:s2], [sflag:$0x4], $0x80, s30, s14, $0xb8;
	[tilespmem:$0x1CC00] =	vst v63  }
0x240: {  	_ =	swait.ge [sflag:s8], $0x4000  }
0x241: {  	[sflag:s8] =	ssyncset.done $0x0  }
0x242: {  	s16 =	rddreg [dreg:$0x13];
	[sflag:s8] =	ssyncadd.s32 $0xFFFFC000  }
0x243: {  	[tilespmem:s15], [sflag:$0x1] =	stream.indirect.gather [hbm4b:s1+s14], $0x80, s16, s14, $0xb8;
	[tilespmem:$0x1CC00] =	vst v63  }
0x244: {  	_ =	swait.ge [sflag:s0], $0x4000  }
0x245: {  	[sflag:s0] =	ssyncset.done $0x0  }
0x246: {  	[sflag:s0] =	ssyncadd.s32 $0xFFFFC000  }
0x247: {  	[spmem:s3] =	stream.indirect.scatter.add.f32 [tilespmem:s15], [sflag:$0x3], $0x80, s31, s14, $0xb8;
	[tilespmem:$0x1CC00] =	vst v63  }
0x248: {  	_ =	swait.ge [sflag:s9], $0x4000  }
0x249: {  	[sflag:s9] =	ssyncset.done $0x0  }
0x24a: {  	s16 =	rddreg [dreg:$0x14];
	[sflag:s9] =	ssyncadd.s32 $0xFFFFC000  }
0x24b: {  	[tilespmem:s2], [sflag:$0x2] =	stream.indirect.gather [hbm4b:s1+s14], $0x80, s16, s14, $0xb8;
	[tilespmem:$0x1CC00] =	vst v63  }
0x24c: {  	_ =	swait.ge [sflag:s7], $0x4000  }
0x24d: {  	[sflag:s7] =	ssyncset.done $0x0  }
0x24e: {  	p0 =	sne.s32 s6, $0x400;
	s16 =	simm.s32 $0x14B80;
	[sflag:s7] =	ssyncadd.s32 $0xFFFFC000  }
0x24f: {  	[spmem:s3] =	stream.indirect.scatter.add.f32 [tilespmem:s2], [sflag:$0x4], $0x80, s16, s14, $0xb8;
	[tilespmem:$0x1CC00] =	vst v63  }
.Ltmp2:
0x250: {  	_ =	swait.ge [sflag:s8], $0x4000;
	(pc) =	sbr.rel @p0 .LBB2_6-.Ltmp2, $4  }
0x251: {  	[sflag:s8] =	ssyncset.done $0x0  }
0x252: {  	[sflag:s8] =	ssyncadd.s32 $0xFFFFC000  }
0x253: {  	_ =	swait.ge [sflag:s9], $0x4000  }
0x254: {  	s6 =	sadd.s32 $0x100, s6;
	s16 =	rddreg [dreg:$0x5];
	[sflag:s9] =	ssyncset.done $0x0  }
0x255: {  	[sflag:s9] =	ssyncadd.s32 $0xFFFFC000;
	s6 =	sadd.s32 s11, s16  }
0x256: {  	[tilespmem:s4], [sflag:$0x5] =	stream.linear.gather [hbm4b:s6+s5], $0x800, $0x38;
	[tilespmem:$0x1CC00] =	vst v63  }
0x257: {  	_ =	swait.ge [sflag:s12], $0x800  }
0x258: {  	[sflag:s12] =	ssyncset.done $0x0  }
0x259: {  	s11 =	sadd.s32 s11, s10;
	[sflag:s12] =	ssyncadd.s32 $0xFFFFF800  }
0x25a: {  	[tilespmem:s13], [sflag:$0x5] =	stream.linear.gather [hbm4b:s11+s5], $0x800, $0x38;
	[tilespmem:$0x1CC00] =	vst v63  }
0x25b: {  	_ =	swait.ge [sflag:s12], $0x800  }
0x25c: {  	[sflag:s12] =	ssyncset.done $0x0  }
0x25d: {  	[sflag:s12] =	ssyncadd.s32 $0xFFFFF800  }
0x25e: {  	[tilespmem:s15], [sflag:$0x1] =	stream.indirect.gather [hbm4b:s1+s14], $0x80, s4, s14, $0xb8;
	[tilespmem:$0x1CC00] =	vst v63  }
0x25f: {  	_ =	swait.ge [sflag:s0], $0x4000  }
0x260: {  	[sflag:s0] =	ssyncset.done $0x0  }
0x261: {  	[sflag:s0] =	ssyncadd.s32 $0xFFFFC000  }
0x262: {  	[spmem:s3] =	stream.indirect.scatter.add.f32 [tilespmem:s15], [sflag:$0x3], $0x80, s13, s14, $0xb8;
	[tilespmem:$0x1CC00] =	vst v63  }
0x263: {  	s16 =	rddreg [dreg:$0x6]  }
0x264: {  	[tilespmem:s2], [sflag:$0x2] =	stream.indirect.gather [hbm4b:s1+s14], $0x80, s16, s14, $0xb8;
	[tilespmem:$0x1CC00] =	vst v63  }
0x265: {  	_ =	swait.ge [sflag:s7], $0x4000  }
0x266: {  	[sflag:s7] =	ssyncset.done $0x0  }
0x267: {  	[sflag:s7] =	ssyncadd.s32 $0xFFFFC000  }
0x268: {  	[spmem:s3] =	stream.indirect.scatter.add.f32 [tilespmem:s2], [sflag:$0x4], $0x80, s17, s14, $0xb8;
	[tilespmem:$0x1CC00] =	vst v63  }
0x269: {  	_ =	swait.ge [sflag:s8], $0x4000  }
0x26a: {  	[sflag:s8] =	ssyncset.done $0x0  }
0x26b: {  	s4 =	rddreg [dreg:$0x7];
	[sflag:s8] =	ssyncadd.s32 $0xFFFFC000  }
0x26c: {  	[tilespmem:s15], [sflag:$0x1] =	stream.indirect.gather [hbm4b:s1+s14], $0x80, s4, s14, $0xb8;
	[tilespmem:$0x1CC00] =	vst v63  }
0x26d: {  	_ =	swait.ge [sflag:s0], $0x4000  }
0x26e: {  	[sflag:s0] =	ssyncset.done $0x0  }
0x26f: {  	[sflag:s0] =	ssyncadd.s32 $0xFFFFC000  }
0x270: {  	[spmem:s3] =	stream.indirect.scatter.add.f32 [tilespmem:s15], [sflag:$0x3], $0x80, s18, s14, $0xb8;
	[tilespmem:$0x1CC00] =	vst v63  }
0x271: {  	_ =	swait.ge [sflag:s9], $0x4000  }
0x272: {  	[sflag:s9] =	ssyncset.done $0x0  }
0x273: {  	s11 =	rddreg [dreg:$0x8];
	[sflag:s9] =	ssyncadd.s32 $0xFFFFC000  }
0x274: {  	[tilespmem:s2], [sflag:$0x2] =	stream.indirect.gather [hbm4b:s1+s14], $0x80, s11, s14, $0xb8;
	[tilespmem:$0x1CC00] =	vst v63  }
0x275: {  	_ =	swait.ge [sflag:s7], $0x4000  }
0x276: {  	[sflag:s7] =	ssyncset.done $0x0  }
0x277: {  	[sflag:s7] =	ssyncadd.s32 $0xFFFFC000  }
0x278: {  	[spmem:s3] =	stream.indirect.scatter.add.f32 [tilespmem:s2], [sflag:$0x4], $0x80, s19, s14, $0xb8;
	[tilespmem:$0x1CC00] =	vst v63  }
0x279: {  	_ =	swait.ge [sflag:s8], $0x4000  }
0x27a: {  	[sflag:s8] =	ssyncset.done $0x0  }
0x27b: {  	s16 =	rddreg [dreg:$0x9];
	[sflag:s8] =	ssyncadd.s32 $0xFFFFC000  }
0x27c: {  	[tilespmem:s15], [sflag:$0x1] =	stream.indirect.gather [hbm4b:s1+s14], $0x80, s16, s14, $0xb8;
	[tilespmem:$0x1CC00] =	vst v63  }
0x27d: {  	_ =	swait.ge [sflag:s0], $0x4000  }
0x27e: {  	[sflag:s0] =	ssyncset.done $0x0  }
0x27f: {  	[sflag:s0] =	ssyncadd.s32 $0xFFFFC000  }
0x280: {  	[spmem:s3] =	stream.indirect.scatter.add.f32 [tilespmem:s15], [sflag:$0x3], $0x80, s20, s14, $0xb8;
	[tilespmem:$0x1CC00] =	vst v63  }
0x281: {  	_ =	swait.ge [sflag:s9], $0x4000  }
0x282: {  	[sflag:s9] =	ssyncset.done $0x0  }
0x283: {  	s4 =	rddreg [dreg:$0xa];
	[sflag:s9] =	ssyncadd.s32 $0xFFFFC000  }
0x284: {  	[tilespmem:s2], [sflag:$0x2] =	stream.indirect.gather [hbm4b:s1+s14], $0x80, s4, s14, $0xb8;
	[tilespmem:$0x1CC00] =	vst v63  }
0x285: {  	_ =	swait.ge [sflag:s7], $0x4000  }
0x286: {  	[sflag:s7] =	ssyncset.done $0x0  }
0x287: {  	[sflag:s7] =	ssyncadd.s32 $0xFFFFC000  }
0x288: {  	[spmem:s3] =	stream.indirect.scatter.add.f32 [tilespmem:s2], [sflag:$0x4], $0x80, s21, s14, $0xb8;
	[tilespmem:$0x1CC00] =	vst v63  }
0x289: {  	_ =	swait.ge [sflag:s8], $0x4000  }
0x28a: {  	[sflag:s8] =	ssyncset.done $0x0  }
0x28b: {  	s11 =	rddreg [dreg:$0xb];
	[sflag:s8] =	ssyncadd.s32 $0xFFFFC000  }
0x28c: {  	[tilespmem:s15], [sflag:$0x1] =	stream.indirect.gather [hbm4b:s1+s14], $0x80, s11, s14, $0xb8;
	[tilespmem:$0x1CC00] =	vst v63  }
0x28d: {  	_ =	swait.ge [sflag:s0], $0x4000  }
0x28e: {  	[sflag:s0] =	ssyncset.done $0x0  }
0x28f: {  	[sflag:s0] =	ssyncadd.s32 $0xFFFFC000  }
0x290: {  	[spmem:s3] =	stream.indirect.scatter.add.f32 [tilespmem:s15], [sflag:$0x3], $0x80, s22, s14, $0xb8;
	[tilespmem:$0x1CC00] =	vst v63  }
0x291: {  	_ =	swait.ge [sflag:s9], $0x4000  }
0x292: {  	[sflag:s9] =	ssyncset.done $0x0  }
0x293: {  	s16 =	rddreg [dreg:$0xc];
	[sflag:s9] =	ssyncadd.s32 $0xFFFFC000  }
0x294: {  	[tilespmem:s2], [sflag:$0x2] =	stream.indirect.gather [hbm4b:s1+s14], $0x80, s16, s14, $0xb8;
	[tilespmem:$0x1CC00] =	vst v63  }
0x295: {  	_ =	swait.ge [sflag:s7], $0x4000  }
0x296: {  	[sflag:s7] =	ssyncset.done $0x0  }
0x297: {  	[sflag:s7] =	ssyncadd.s32 $0xFFFFC000  }
0x298: {  	[spmem:s3] =	stream.indirect.scatter.add.f32 [tilespmem:s2], [sflag:$0x4], $0x80, s23, s14, $0xb8;
	[tilespmem:$0x1CC00] =	vst v63  }
0x299: {  	_ =	swait.ge [sflag:s8], $0x4000  }
0x29a: {  	[sflag:s8] =	ssyncset.done $0x0  }
0x29b: {  	s4 =	rddreg [dreg:$0xd];
	[sflag:s8] =	ssyncadd.s32 $0xFFFFC000  }
0x29c: {  	[tilespmem:s15], [sflag:$0x1] =	stream.indirect.gather [hbm4b:s1+s14], $0x80, s4, s14, $0xb8;
	[tilespmem:$0x1CC00] =	vst v63  }
0x29d: {  	_ =	swait.ge [sflag:s0], $0x4000  }
0x29e: {  	[sflag:s0] =	ssyncset.done $0x0  }
0x29f: {  	[sflag:s0] =	ssyncadd.s32 $0xFFFFC000  }
0x2a0: {  	[spmem:s3] =	stream.indirect.scatter.add.f32 [tilespmem:s15], [sflag:$0x3], $0x80, s24, s14, $0xb8;
	[tilespmem:$0x1CC00] =	vst v63  }
0x2a1: {  	_ =	swait.ge [sflag:s9], $0x4000  }
0x2a2: {  	[sflag:s9] =	ssyncset.done $0x0  }
0x2a3: {  	s11 =	rddreg [dreg:$0xe];
	[sflag:s9] =	ssyncadd.s32 $0xFFFFC000  }
0x2a4: {  	[tilespmem:s2], [sflag:$0x2] =	stream.indirect.gather [hbm4b:s1+s14], $0x80, s11, s14, $0xb8;
	[tilespmem:$0x1CC00] =	vst v63  }
0x2a5: {  	_ =	swait.ge [sflag:s7], $0x4000  }
0x2a6: {  	[sflag:s7] =	ssyncset.done $0x0  }
0x2a7: {  	[sflag:s7] =	ssyncadd.s32 $0xFFFFC000  }
0x2a8: {  	[spmem:s3] =	stream.indirect.scatter.add.f32 [tilespmem:s2], [sflag:$0x4], $0x80, s25, s14, $0xb8;
	[tilespmem:$0x1CC00] =	vst v63  }
0x2a9: {  	_ =	swait.ge [sflag:s8], $0x4000  }
0x2aa: {  	[sflag:s8] =	ssyncset.done $0x0  }
0x2ab: {  	s16 =	rddreg [dreg:$0xf];
	[sflag:s8] =	ssyncadd.s32 $0xFFFFC000  }
0x2ac: {  	[tilespmem:s15], [sflag:$0x1] =	stream.indirect.gather [hbm4b:s1+s14], $0x80, s16, s14, $0xb8;
	[tilespmem:$0x1CC00] =	vst v63  }
0x2ad: {  	_ =	swait.ge [sflag:s0], $0x4000  }
0x2ae: {  	[sflag:s0] =	ssyncset.done $0x0  }
0x2af: {  	[sflag:s0] =	ssyncadd.s32 $0xFFFFC000  }
0x2b0: {  	[spmem:s3] =	stream.indirect.scatter.add.f32 [tilespmem:s15], [sflag:$0x3], $0x80, s26, s14, $0xb8;
	[tilespmem:$0x1CC00] =	vst v63  }
0x2b1: {  	_ =	swait.ge [sflag:s9], $0x4000  }
0x2b2: {  	[sflag:s9] =	ssyncset.done $0x0  }
0x2b3: {  	s4 =	rddreg [dreg:$0x10];
	[sflag:s9] =	ssyncadd.s32 $0xFFFFC000  }
0x2b4: {  	[tilespmem:s2], [sflag:$0x2] =	stream.indirect.gather [hbm4b:s1+s14], $0x80, s4, s14, $0xb8;
	[tilespmem:$0x1CC00] =	vst v63  }
0x2b5: {  	_ =	swait.ge [sflag:s7], $0x4000  }
0x2b6: {  	[sflag:s7] =	ssyncset.done $0x0  }
0x2b7: {  	[sflag:s7] =	ssyncadd.s32 $0xFFFFC000  }
0x2b8: {  	[spmem:s3] =	stream.indirect.scatter.add.f32 [tilespmem:s2], [sflag:$0x4], $0x80, s28, s14, $0xb8;
	[tilespmem:$0x1CC00] =	vst v63  }
0x2b9: {  	_ =	swait.ge [sflag:s8], $0x4000  }
0x2ba: {  	[sflag:s8] =	ssyncset.done $0x0  }
0x2bb: {  	s11 =	rddreg [dreg:$0x11];
	[sflag:s8] =	ssyncadd.s32 $0xFFFFC000  }
0x2bc: {  	[tilespmem:s15], [sflag:$0x1] =	stream.indirect.gather [hbm4b:s1+s14], $0x80, s11, s14, $0xb8;
	[tilespmem:$0x1CC00] =	vst v63  }
0x2bd: {  	_ =	swait.ge [sflag:s0], $0x4000  }
0x2be: {  	[sflag:s0] =	ssyncset.done $0x0  }
0x2bf: {  	[sflag:s0] =	ssyncadd.s32 $0xFFFFC000  }
0x2c0: {  	[spmem:s3] =	stream.indirect.scatter.add.f32 [tilespmem:s15], [sflag:$0x3], $0x80, s29, s14, $0xb8;
	[tilespmem:$0x1CC00] =	vst v63  }
0x2c1: {  	_ =	swait.ge [sflag:s9], $0x4000  }
0x2c2: {  	[sflag:s9] =	ssyncset.done $0x0  }
0x2c3: {  	s16 =	rddreg [dreg:$0x12];
	[sflag:s9] =	ssyncadd.s32 $0xFFFFC000  }
0x2c4: {  	[tilespmem:s2], [sflag:$0x2] =	stream.indirect.gather [hbm4b:s1+s14], $0x80, s16, s14, $0xb8;
	[tilespmem:$0x1CC00] =	vst v63  }
0x2c5: {  	_ =	swait.ge [sflag:s7], $0x4000  }
0x2c6: {  	[sflag:s7] =	ssyncset.done $0x0  }
0x2c7: {  	[sflag:s7] =	ssyncadd.s32 $0xFFFFC000  }
0x2c8: {  	[spmem:s3] =	stream.indirect.scatter.add.f32 [tilespmem:s2], [sflag:$0x4], $0x80, s30, s14, $0xb8;
	[tilespmem:$0x1CC00] =	vst v63  }
0x2c9: {  	_ =	swait.ge [sflag:s8], $0x4000  }
0x2ca: {  	[sflag:s8] =	ssyncset.done $0x0  }
0x2cb: {  	s4 =	rddreg [dreg:$0x13];
	[sflag:s8] =	ssyncadd.s32 $0xFFFFC000  }
0x2cc: {  	[tilespmem:s15], [sflag:$0x1] =	stream.indirect.gather [hbm4b:s1+s14], $0x80, s4, s14, $0xb8;
	[tilespmem:$0x1CC00] =	vst v63  }
0x2cd: {  	_ =	swait.ge [sflag:s0], $0x4000  }
0x2ce: {  	[sflag:s0] =	ssyncset.done $0x0  }
0x2cf: {  	[sflag:s0] =	ssyncadd.s32 $0xFFFFC000  }
0x2d0: {  	[spmem:s3] =	stream.indirect.scatter.add.f32 [tilespmem:s15], [sflag:$0x3], $0x80, s31, s14, $0xb8;
	[tilespmem:$0x1CC00] =	vst v63  }
0x2d1: {  	_ =	swait.ge [sflag:s9], $0x4000  }
0x2d2: {  	[sflag:s9] =	ssyncset.done $0x0  }
0x2d3: {  	s11 =	rddreg [dreg:$0x14];
	[sflag:s9] =	ssyncadd.s32 $0xFFFFC000  }
0x2d4: {  	[tilespmem:s2], [sflag:$0x2] =	stream.indirect.gather [hbm4b:s1+s14], $0x80, s11, s14, $0xb8;
	[tilespmem:$0x1CC00] =	vst v63  }
0x2d5: {  	_ =	swait.ge [sflag:s7], $0x4000  }
0x2d6: {  	[sflag:s7] =	ssyncset.done $0x0  }
0x2d7: {  	s16 =	simm.s32 $0x14B80;
	[sflag:s7] =	ssyncadd.s32 $0xFFFFC000  }
0x2d8: {  	[spmem:s3] =	stream.indirect.scatter.add.f32 [tilespmem:s2], [sflag:$0x4], $0x80, s16, s14, $0xb8;
	[tilespmem:$0x1CC00] =	vst v63  }
0x2d9: {  	_ =	swait.ge [sflag:s8], $0x4000  }
0x2da: {  	[sflag:s8] =	ssyncset.done $0x0  }
0x2db: {  	[sflag:s8] =	ssyncadd.s32 $0xFFFFC000  }
0x2dc: {  	_ =	swait.ge [sflag:s9], $0x4000  }
0x2dd: {  	[sflag:s9] =	ssyncset.done $0x0  }
0x2de: {  	[sflag:s9] =	ssyncadd.s32 $0xFFFFC000  }
0x2df: {  	[bflag:$0x0] =	sbarrier.arrive $0xFFFF  }
0x2e0: {  	s11 =	rddreg [dreg:$0x15]  }
0x2e1: {  	s4 =	rddreg [dreg:$0x17]  }
0x2e2: {  	s16 =	rddreg [dreg:$0x19]  }
0x2e3: {  	[hbm:s4], [sflag:s11] =	dma.local [spmem:s16], $0x2780  }
0x2e4: {  	_ =	swait.ge [sflag:s12], $0x2780  }
0x2e5: {  	s6 =	rddreg [dreg:$0x1a]  }
0x2e6: {  	s4 =	sadd.s32 $0x1, s6;
	s6 =	rddreg [dreg:$0x18]  }
0x2e7: {  	p0 =	sne.s32 s4, s6  }
.Ltmp3:
0x2e8: {  	_ = 	snop;
	(pc) =	sbr.rel @p0 .LBB2_1-.Ltmp3, $3  }
0x2e9: {  	_ =	sdelay $0x1  }
0x2ea: {  	[sflag:s12] =	ssyncset.done $0x0  }
0x2eb: {  	[sflag:s12] =	ssyncadd.s32 $0xFFFFD880  }
0x2ec: {  	_ =	sfence.sel $0x180000  }
0x2ed: {  	[bflag:$0x0] =	sbarrier.arrive $0xFFFF  }
0x2ee: {  	_ =	strace $0x90000047  }
0x2ef: {  	s0 =	stileid.u32;
	[bflag:$0x2] =	sbarrier.arrive $0xFFFF  }
0x2f0: {  	p0 =	sne.s32 s0, $0x0;
	s0 =	rddreg [dreg:$0x4]  }
0x2f1: {  	s0 =	sadd.s32 @!p0 $0x100000, s0  }
0x2f2: {  	[sflag:s0] =	ssyncadd.tile.s32 @!p0 $0x1;
	_ =	shalt  }
.Lfunc_end2:
_tile_overlayer_lowered:
.L_overlay_start_2:
0x2f3: {  	(tag) =	ssettag $0x2  }
0x2f4: {  	s0 =	rddreg [dreg:$0x0];
	s2 =	stileid.u32  }
0x2f5: {  	s1 =	rddreg [dreg:$0x1];
	p0 =	sne.s32 s2, $0x0  }
0x2f6: {  	s3 =	rddreg [dreg:$0x2];
	[bflag:$0x3] =	sbarrier.arrive $0xFFFF;
	s2 =	simm.s32 @!p0 $0x1C05  }
0x2f7: {  	[timem:s3], [sflag:s2] =	dma.local @!p0 [hbm:s0], s1  }
0x2f8: {  	s0 =	simm.s32 @!p0 $0x5  }
0x2f9: {  	_ =	swait.ge @!p0 [sflag:s0], s1  }
0x2fa: {  	s1 =	ssub.s32 @!p0 $0x0, s1;
	[sflag:s0] =	ssyncset.done @!p0 $0x0  }
0x2fb: {  	[sflag:s0] =	ssyncadd.s32 @!p0 s1  }
0x2fc: {  	[bflag:$0x3] =	sbarrier.arrive $0xFFFF  }
0x2fd: {  	_ =	shalt  }

// kernel: kernel.9.cloned.1.call-start
scs
__scs_entry_jumppad:
0x0: {  	(pc) =	sbr.rel $0x88, $3  }
0x1: {  	(tag) =	ssettag $0x0;
	lr =	simm.s32 $0x1  }
0x2: {  	[smem:$0x3F99] =	sst lr;
	_ =	strace $0xD0000000  }
0x3: {  	_ = 	snop  }
0x4: {  	_ = 	snop  }
0x5: {  	_ = 	snop  }
0x6: {  	_ = 	snop  }
0x7: {  	_ = 	snop  }
__scs_overlays_trampoline_lowered:
0x8: {  	[smem:$0x3FA8] =	sst s0  }
0x9: {  	[smem:$0x3FA9] =	sst s1  }
0xa: {  	[smem:$0x3FAA] =	sst s2  }
0xb: {  	[smem:$0x3FAB] =	sst s3  }
0xc: {  	[smem:$0x3FAC] =	sst s4  }
0xd: {  	[smem:$0x3FAD] =	sst s5  }
0xe: {  	[smem:$0x3FAE] =	sst s6  }
0xf: {  	[smem:$0x3FAF] =	sst s7  }
0x10: {  	[smem:$0x3FB0] =	sst s8  }
0x11: {  	[smem:$0x3FB1] =	sst s9;
	s0 =	simm.s32 @!p0 $0x0  }
0x12: {  	s1 =	sld [smem:$0x3F97];
	s0 =	simm.s32 @p0 $0x1  }
0x13: {  	[smem:$0x3FB2] =	sst s0;
	s0 =	simm.s32 @!p1 $0x0  }
0x14: {  	s2 =	sld [smem:$0x3F96];
	s0 =	simm.s32 @p1 $0x1  }
0x15: {  	[smem:$0x3FB3] =	sst s0;
	s0 =	simm.s32 @!p2 $0x0  }
0x16: {  	s3 =	sld [smem:$0x3FDB];
	s0 =	simm.s32 @p2 $0x1  }
0x17: {  	s4 =	simm.s32 $0x1BF5;
	[smem:$0x3FB5] =	sst s0  }
0x18: {  	s0 =	sld [smem:$0x3F98];
	_ =	swait.ge [sflag:s4], $0x0  }
0x19: {  	s7 =	sld [smem:$0x3F99]  }
0x1a: {  	s8 =	sadd.s32 $0xFFFFE003, lr  }
0x1b: {  	s9 =	sadd.s32 $0xFFFFFEF7, lr;
	s5 =	simm.s32 $0xFFFFFFFF;
	p2 =	slt.u32 s8, $0xFFFFF086  }
0x1c: {  	p1 =	slt.u32 s9, $0xF7A;
	s5 =	simm.s32 @!p2 $0x0  }
0x1d: {  	s5 =	simm.s32 @p1 $0x1;
	p0 =	seq.s32 s7, s2  }
0x1e: {  	s7 =	smul.u32 @!p0 $0xF7A, s2;
	p2 =	seq.s32 @!p0 s5, $0x0  }
0x1f: {  	s9 =	smul.u32 $0xF7A, s1;
	s8 =	simm.s32 @!p0 $0x1BF5;
	p2 =	por !p2, p0  }
0x20: {  	[sflag:s8] =	ssyncset.s32 @!p0 $0xFFFFF086;
	s6 =	sadd.s32 @!p0 s3, s7;
	s7 =	simm.s32 @!p0 $0x108  }
0x21: {  	s3 =	sadd.s32 s3, s9;
	s6 =	sadd.s32 @!p0 $0x88, s6;
	s7 =	simm.s32 @p2 $0x1082  }
0x22: {  	[simem:s7], [sflag:s8] =	dma.local @!p0 [hbm:s6], $0xF7A  }
0x23: {  	s9 =	sor.u32 $0xD0000000, s2;
	s6 =	simm.s32 $0x108;
	_ =	swait.ge @!p0 [sflag:s8], $0x0  }
0x24: {  	s3 =	sadd.s32 $0x88, s3;
	s6 =	simm.s32 @!p1 $0x1082;
	[sflag:s4] =	ssyncset.s32 $0xFFFFF086  }
0x25: {  	[simem:s6], [sflag:s4] =	dma.local [hbm:s3], $0xF7A  }
0x26: {  	[smem:$0x3F99] =	sst s1;
	(tag) =	ssettag s2;
	_ =	strace s9  }
0x27: {  	s1 =	sld [smem:$0x3FA9]  }
0x28: {  	s2 =	sld [smem:$0x3FAA]  }
0x29: {  	s4 =	sld [smem:$0x3FAC]  }
0x2a: {  	p0 =	seq.s32 s5, $0x0;
	s5 =	sld [smem:$0x3FAD]  }
0x2b: {  	s6 =	sld [smem:$0x3FAE]  }
0x2c: {  	s7 =	sld [smem:$0x3FAF]  }
0x2d: {  	s3 =	simm.s32 $0x108;
	s8 =	sld [smem:$0x3FB0]  }
0x2e: {  	s3 =	simm.s32 @!p0 $0x1082;
	s9 =	sld [smem:$0x3FB1]  }
0x2f: {  	lr =	sadd.s32 s0, s3;
	s0 =	sld [smem:$0x3FA8]  }
0x30: {  	s3 =	sld [smem:$0x3FAB]  }
0x31: {  	[smem:$0x3FB4] =	sst s10  }
0x32: {  	s10 =	sld [smem:$0x3FB2];
	_ =	sdelay $0x3  }
0x33: {  	p0 =	seq.s32 s10, $0x1;
	s10 =	sld [smem:$0x3FB4];
	_ =	sdelay $0x3  }
0x34: {  	[smem:$0x3FB4] =	sst s10  }
0x35: {  	s10 =	sld [smem:$0x3FB3];
	_ =	sdelay $0x3  }
0x36: {  	p1 =	seq.s32 s10, $0x1;
	s10 =	sld [smem:$0x3FB4];
	_ =	sdelay $0x3  }
0x37: {  	[smem:$0x3FB4] =	sst s10  }
0x38: {  	s10 =	sld [smem:$0x3FB5]  }
0x39: {  	_ = 	snop;
	(pc) =	sbr.ind lr, $3  }
0x3a: {  	_ = 	snop  }
0x3b: {  	_ = 	snop  }
0x3c: {  	p2 =	seq.s32 s10, $0x1;
	s10 =	sld [smem:$0x3FB4]  }
0x3d: {  	_ =	shalt  }
0x3e: {  	_ =	shalt  }
0x3f: {  	_ =	shalt  }
0x40: {  	_ =	shalt  }
0x41: {  	_ =	shalt  }
0x42: {  	_ =	shalt  }
0x43: {  	_ =	shalt  }
0x44: {  	_ =	shalt  }
0x45: {  	_ =	shalt  }
0x46: {  	_ =	shalt  }
0x47: {  	_ =	shalt  }
0x48: {  	_ =	shalt  }
0x49: {  	_ =	shalt  }
0x4a: {  	_ =	shalt  }
0x4b: {  	_ =	shalt  }
0x4c: {  	_ =	shalt  }
0x4d: {  	_ =	shalt  }
0x4e: {  	_ =	shalt  }
0x4f: {  	_ =	shalt  }
0x50: {  	_ =	shalt  }
0x51: {  	_ =	shalt  }
0x52: {  	_ =	shalt  }
0x53: {  	_ =	shalt  }
0x54: {  	_ =	shalt  }
0x55: {  	_ =	shalt  }
0x56: {  	_ =	shalt  }
0x57: {  	_ =	shalt  }
0x58: {  	_ =	shalt  }
0x59: {  	_ =	shalt  }
0x5a: {  	_ =	shalt  }
0x5b: {  	_ =	shalt  }
0x5c: {  	_ =	shalt  }
0x5d: {  	_ =	shalt  }
0x5e: {  	_ =	shalt  }
0x5f: {  	_ =	shalt  }
0x60: {  	_ =	shalt  }
0x61: {  	_ =	shalt  }
0x62: {  	_ =	shalt  }
0x63: {  	_ =	shalt  }
0x64: {  	_ =	shalt  }
0x65: {  	_ =	shalt  }
0x66: {  	_ =	shalt  }
0x67: {  	_ =	shalt  }
0x68: {  	_ =	shalt  }
0x69: {  	_ =	shalt  }
0x6a: {  	_ =	shalt  }
0x6b: {  	_ =	shalt  }
0x6c: {  	_ =	shalt  }
0x6d: {  	_ =	shalt  }
0x6e: {  	_ =	shalt  }
0x6f: {  	_ =	shalt  }
0x70: {  	_ =	shalt  }
0x71: {  	_ =	shalt  }
0x72: {  	_ =	shalt  }
0x73: {  	_ =	shalt  }
0x74: {  	_ =	shalt  }
0x75: {  	_ =	shalt  }
0x76: {  	_ =	shalt  }
0x77: {  	_ =	shalt  }
0x78: {  	_ =	shalt  }
0x79: {  	_ =	shalt  }
0x7a: {  	_ =	shalt  }
0x7b: {  	_ =	shalt  }
0x7c: {  	_ =	shalt  }
0x7d: {  	_ =	shalt  }
0x7e: {  	_ =	shalt  }
0x7f: {  	_ =	shalt  }
0x80: {  	_ =	shalt  }
0x81: {  	_ =	shalt  }
0x82: {  	_ =	shalt  }
0x83: {  	_ =	shalt  }
0x84: {  	_ =	shalt  }
0x85: {  	_ =	shalt  }
0x86: {  	_ =	shalt  }
0x87: {  	_ =	shalt  }
.Lfunc_end0:
.L_simem_size_0:
called_computation.1_lowered:
.L_overlay_start_0:
0x88: {  	s2 =	sld [smem:$0x3FD9]  }
0x89: {  	s3 =	sld [smem:$0x3FFE];
	_ =	sdelay $0x1  }
0x8a: {  	s1 =	srdreg.scid  }
0x8b: {  	s0 =	sand.u32 $0x1, s1  }
0x8c: {  	s17 =	sshll.u32 s0, $0xA;
	s2 =	sadd.s32 s3, s2  }
0x8d: {  	s2 =	sadd.s32 s2, s17  }
0x8e: {  	[smem:$0x3FC0] =	sst s2  }
0x8f: {  	_ = 	snop  }
0x90: {  	s2 =	sld [smem:$0x3FD0];
	(tm) =	ssettm $0x1  }
0x91: {  	s18 =	sld [smem:$0x3FFB];
	_ =	sdelay $0x3  }
0x92: {  	_ =	strace s18  }
0x93: {  	s3 =	sld [smem:$0x3FFC];
	_ =	sdelay $0x3  }
0x94: {  	_ =	strace s3  }
0x95: {  	s3 =	sld [smem:$0x3FFD];
	_ =	sdelay $0x3  }
0x96: {  	_ =	strace s3  }
0x97: {  	_ =	strace $0x8FFFFFFF  }
0x98: {  	s19 =	sld [smem:$0x3FDB];
	_ =	sdelay $0x1  }
0x99: {  	s4 =	simm.s32 $_scs_section_size  }
0x9a: {  	s5 =	simm.s32 $_size__tile_overlayer_lowered;
	s6 =	simm.s32 $_tile_overlayer_lowered  }
0x9b: {  	s22 =	simm.s32 $0x1BFF;
	s21 =	sshll.u32 s6, $0x1;
	s3 =	sadd.s32 s4, s19  }
0x9c: {  	s7 =	simm.s32 $0x0;
	s20 =	sshll.u32 s5, $0x1;
	s5 =	sadd.s32 s21, s3  }
0x9d: {  	[timem:s7], [sflag:s22] =	dma.local [hbm:s5], s20  }
0x9e: {  	_ =	swait.ge [sflag:s22], s20  }
0x9f: {  	s4 =	ssub.s32 $0x0, s20;
	[sflag:s22] =	ssyncset.done $0x0  }
0xa0: {  	[sflag:s22] =	ssyncadd.s32 s4;
	_ =	sdelay $0x1  }
0xa1: {  	s23 =	simm.s32 $0x1B8B  }
0xa2: {  	_ =	swait.ge [sflag:s23], $0x1  }
0xa3: {  	[sflag:s23] =	ssyncset.done $0x0  }
0xa4: {  	s25 =	simm.s32 $0x1B8E;
	s24 =	sld [smem:$0x3FFE];
	[sflag:s23] =	ssyncadd.s32 $0xFFFFFFFF  }
0xa5: {  	s26 =	simm.s32 $execute0_lowered;
	[smem:$0x3FD2] =	sst s25  }
0xa6: {  	s5 =	sshll.u32 s26, $0x1;
	_ =	strace $0x80000049;
	[dreg:$0x1] =	wrdreg $0xFFFFFFFF  }
0xa7: {  	s28 =	simm.s32 $_size_execute0_lowered;
	s3 =	sadd.s32 s3, s5;
	[dreg:$0x0] =	wrdreg $0x0  }
0xa8: {  	s5 =	sshll.u32 s28, $0x1;
	[dreg:$0x2] =	wrdreg s3  }
0xa9: {  	[dreg:$0x3] =	wrdreg s5  }
0xaa: {  	[dreg:$0x4] =	wrdreg $0xC0  }
0xab: {  	_ =	task [dreg:s7], $0x5FFFF  }
0xac: {  	[dreg:$0x1] =	wrdreg $0xFFFFFFFF  }
0xad: {  	[dreg:$0x0] =	wrdreg $0x60  }
0xae: {  	[dreg:$0x2] =	wrdreg s24  }
0xaf: {  	[dreg:$0x3] =	wrdreg s2  }
0xb0: {  	[dreg:$0x4] =	wrdreg $0x0  }
0xb1: {  	[dreg:$0x5] =	wrdreg $0x9  }
0xb2: {  	_ =	task.clear_ibuf [dreg:s7], $0x6FFFF;
	_ =	strace $0x90000049  }
0xb3: {  	s29 =	simm.s32 $0x9;
	_ =	strace $0x8000004B  }
0xb4: {  	_ =	swait.ge [sflag:s29], $0x1  }
0xb5: {  	[sflag:s29] =	ssyncadd.s32 $0xFFFFFFFF  }
0xb6: {  	_ =	strace $0x9000004B  }
0xb7: {  	_ =	sfence  }
0xb8: {  	s30 =	sld [smem:$0x0];
	_ =	sdelay $0x2  }
0xb9: {  	s31 =	sshll.u32 s1, $0xD;
	s1 =	sshrl.u32 s1, $0x2  }
0xba: {  	s3 =	sand.u32 $0x4000, s31;
	s1 =	sadd.s32 s1, s30  }
0xbb: {  	s0 =	sor.u32 s3, s0;
	s1 =	sshll.u32 s1, $0x11  }
0xbc: {  	s0 =	sor.u32 s1, s0  }
0xbd: {  	s0 =	sadd.s32 $0x8F2B, s0  }
0xbe: {  	[sflag:s0] =	ssyncadd.remote.s32 $0x1  }
0xbf: {  	_ =	sfence.sel $0xFFFF  }
0xc0: {  	[dreg:$0x0] =	wrdreg $0xFFFFFFFF;
	(pc) =	sbr.abs _section_cstart, $3  }
0xc1: {  	[dreg:$0x1] =	wrdreg $0xFFFFFFFF  }
0xc2: {  	_ =	task.clear_ibuf [dreg:s7], $0x2FFFF;
	_ =	strace $0x9FFFFFFF  }
0xc3: {  	(tm) =	ssettm $0x7FFFFFFF  }
tec
execute0_lowered:
.L_overlay_start_1:
0x0: {  	(tag) =	ssettag $0x1  }
0x1: {  	s0 =	rddreg [dreg:$0x0];
	s1 =	srdreg.scid  }
0x2: {  	s10 =	stileid.u32;
	s3 =	rddreg [dreg:$0x2]  }
0x3: {  	s4 =	simm.s32 $0x0;
	s11 =	simm.s32 $0x14480;
	s12 =	simm.s32 $0x13D00  }
0x4: {  	s14 =	simm.s32 $0x14500;
	s15 =	simm.s32 $0x13D80;
	s16 =	simm.s32 $0x14580  }
0x5: {  	s17 =	simm.s32 $0x13E00;
	s18 =	simm.s32 $0x14600;
	[smem:$0x7FF] =	sst s4  }
0x6: {  	s19 =	simm.s32 $0x13E80;
	_ =	strace $0x8000004A;
	[dreg:$0x7] =	wrdreg s11  }
0x7: {  	s20 =	simm.s32 $0x14680;
	s21 =	simm.s32 $0x13F00;
	[dreg:$0x8] =	wrdreg s12  }
0x8: {  	s22 =	simm.s32 $0x14700;
	s23 =	simm.s32 $0x13F80;
	[dreg:$0x9] =	wrdreg s14  }
0x9: {  	s24 =	simm.s32 $0x14780;
	s28 =	simm.s32 $0x14A00;
	[dreg:$0xa] =	wrdreg s15  }
0xa: {  	s29 =	simm.s32 $0x14280;
	s30 =	simm.s32 $0x14A80;
	[dreg:$0xb] =	wrdreg s16  }
0xb: {  	s31 =	simm.s32 $0x14300;
	s5 =	smul.u32 $0x13C00, s10;
	[dreg:$0xc] =	wrdreg s17  }
0xc: {  	s1 =	sand.u32 $0x1, s1;
	s7 =	smul.u32 $0x2800, s10;
	[dreg:$0xd] =	wrdreg s18  }
0xd: {  	s8 =	sadd.s32 $0x1800, s0;
	s9 =	smul.u32 $0x4F000, s10;
	[dreg:$0xe] =	wrdreg s19  }
0xe: {  	s13 =	sshll.u32 s10, $0x6;
	s2 =	smul.u32 $0x13C000, s1;
	[dreg:$0xf] =	wrdreg s20  }
0xf: {  	s10 =	simm.s32 $0x5;
	s6 =	smul.u32 $0x28000, s1;
	[dreg:$0x10] =	wrdreg s21  }
0x10: {  	s1 =	ssub.s32 $0x2, s1;
	s11 =	simm.s32 $0x13C00;
	[dreg:$0x11] =	wrdreg s22  }
0x11: {  	s12 =	simm.s32 $0x14400;
	s14 =	simm.s32 $0x14C00;
	[dreg:$0x12] =	wrdreg s23  }
0x12: {  	s15 =	simm.s32 $0x1;
	s16 =	simm.s32 $0x18C00;
	[dreg:$0x13] =	wrdreg s24  }
0x13: {  	s17 =	simm.s32 $0x2;
	s18 =	simm.s32 $0x3;
	s19 =	simm.s32 $0x4  }
0x14: {  	s20 =	simm.s32 $0x14080;
	s21 =	simm.s32 $0x14880;
	s22 =	simm.s32 $0x14100  }
0x15: {  	s23 =	simm.s32 $0x14900;
	s24 =	simm.s32 $0x14180;
	s26 =	sshrl.u32 s1, $0x1  }
0x16: {  	s9 =	sshrl.u32 s9, $0x2;
	s2 =	sadd.s32 s5, s2;
	s5 =	sadd.s32 $0x15800, s0  }
0x17: {  	s25 =	sadd.s32 s7, s6;
	s1 =	ssub.s32 s1, s26;
	s7 =	sor.u32 $0x1C05, s13  }
0x18: {  	s13 =	simm.s32 $0x80;
	s26 =	simm.s32 $0x14800;
	s2 =	sshrl.u32 s2, $0x3  }
0x19: {  	s6 =	sshrl.u32 s25, $0x3;
	s1 =	smax.u32 s1, $0x1;
	[dreg:$0x15] =	wrdreg s26  }
0x1a: {  	s26 =	simm.s32 $0x14200;
	[dreg:$0x16] =	wrdreg s7;
	s0 =	sadd.s32 s2, s0  }
0x1b: {  	s2 =	sadd.s32 $0x50000, s25;
	s6 =	sadd.s32 s6, s8;
	[dreg:$0x18] =	wrdreg s1  }
0x1c: {  	s25 =	simm.s32 $0x14000;
	s1 =	simm.s32 $0x14B00;
	[dreg:$0x4] =	wrdreg s6  }
0x1d: {  	s2 =	sshrl.u32 s2, $0x3;
	s0 =	sadd.s32 $0x3CA00, s0;
	[dreg:$0x14] =	wrdreg s25  }
0x1e: {  	s6 =	sadd.s32 s9, s3;
	s2 =	sadd.s32 s2, s8;
	[dreg:$0x17] =	wrdreg s0  }
0x1f: {  	s25 =	simm.s32 $0x14980;
	s8 =	simm.s32 $0x13C80;
	[dreg:$0x5] =	wrdreg s2  }
0x20: {  	s9 =	simm.s32 $0x0;
	[dreg:$0x6] =	wrdreg s8;
	s8 =	sshrl.u32 s6, $0x3  }
0x21: {  	s0 =	simm.s32 $0x14380;
	s2 =	simm.s32 $0x14B80;
	[dreg:$0x19] =	wrdreg s8  }
.LBB2_1:
0x22: {  	[dreg:$0x1a] =	wrdreg s9  }
0x23: {  	s6 =	rddreg [dreg:$0x1]  }
0x24: {  	[spmem:s8], [sflag:s7] =	dma.local [hbm:s6], $0x2780  }
0x25: {  	_ =	swait.ge [sflag:s10], $0x2780  }
0x26: {  	[sflag:s10] =	ssyncset.done $0x0  }
0x27: {  	[sflag:s10] =	ssyncadd.s32 $0xFFFFD880  }
0x28: {  	[bflag:$0x0] =	sbarrier.arrive $0xFFFF  }
0x29: {  	s7 =	rddreg [dreg:$0x4]  }
0x2a: {  	s6 =	sadd.s32 $0x0, s7  }
0x2b: {  	[tilespmem:s11], [sflag:$0x5] =	stream.linear.gather [hbm4b:s6+s4], $0x800, $0x38;
	[tilespmem:$0x1CC00] =	vst v63  }
0x2c: {  	_ =	swait.ge [sflag:s10], $0x800  }
0x2d: {  	s8 =	rddreg [dreg:$0x5];
	[sflag:s10] =	ssyncset.done $0x0  }
0x2e: {  	[sflag:s10] =	ssyncadd.s32 $0xFFFFF800;
	s6 =	sadd.s32 $0x0, s8  }
0x2f: {  	[tilespmem:s12], [sflag:$0x5] =	stream.linear.gather [hbm4b:s6+s4], $0x800, $0x38;
	[tilespmem:$0x1CC00] =	vst v63  }
0x30: {  	_ =	swait.ge [sflag:s10], $0x800  }
0x31: {  	[sflag:s10] =	ssyncset.done $0x0  }
0x32: {  	[sflag:s10] =	ssyncadd.s32 $0xFFFFF800  }
0x33: {  	[tilespmem:s14], [sflag:$0x1] =	stream.indirect.gather [hbm4b:s5+s13], $0x80, s11, s13, $0xb8;
	[tilespmem:$0x1CC00] =	vst v63  }
0x34: {  	_ =	swait.ge [sflag:s15], $0x4000  }
0x35: {  	[sflag:s15] =	ssyncset.done $0x0  }
0x36: {  	[sflag:s15] =	ssyncadd.s32 $0xFFFFC000  }
0x37: {  	[spmem:s3] =	stream.indirect.scatter.add.f32 [tilespmem:s14], [sflag:$0x3], $0x80, s12, s13, $0xb8;
	[tilespmem:$0x1CC00] =	vst v63  }
0x38: {  	s9 =	rddreg [dreg:$0x6]  }
0x39: {  	[tilespmem:s16], [sflag:$0x2] =	stream.indirect.gather [hbm4b:s5+s13], $0x80, s9, s13, $0xb8;
	[tilespmem:$0x1CC00] =	vst v63  }
0x3a: {  	_ =	swait.ge [sflag:s17], $0x4000  }
0x3b: {  	[sflag:s17] =	ssyncset.done $0x0  }
0x3c: {  	s7 =	rddreg [dreg:$0x7];
	[sflag:s17] =	ssyncadd.s32 $0xFFFFC000  }
0x3d: {  	[spmem:s3] =	stream.indirect.scatter.add.f32 [tilespmem:s16], [sflag:$0x4], $0x80, s7, s13, $0xb8;
	[tilespmem:$0x1CC00] =	vst v63  }
0x3e: {  	_ =	swait.ge [sflag:s18], $0x4000  }
0x3f: {  	[sflag:s18] =	ssyncset.done $0x0  }
0x40: {  	s8 =	rddreg [dreg:$0x8];
	[sflag:s18] =	ssyncadd.s32 $0xFFFFC000  }
0x41: {  	[tilespmem:s14], [sflag:$0x1] =	stream.indirect.gather [hbm4b:s5+s13], $0x80, s8, s13, $0xb8;
	[tilespmem:$0x1CC00] =	vst v63  }
0x42: {  	_ =	swait.ge [sflag:s15], $0x4000  }
0x43: {  	[sflag:s15] =	ssyncset.done $0x0  }
0x44: {  	s9 =	rddreg [dreg:$0x9];
	[sflag:s15] =	ssyncadd.s32 $0xFFFFC000  }
0x45: {  	[spmem:s3] =	stream.indirect.scatter.add.f32 [tilespmem:s14], [sflag:$0x3], $0x80, s9, s13, $0xb8;
	[tilespmem:$0x1CC00] =	vst v63  }
0x46: {  	_ =	swait.ge [sflag:s19], $0x4000  }
0x47: {  	[sflag:s19] =	ssyncset.done $0x0  }
0x48: {  	s7 =	rddreg [dreg:$0xa];
	[sflag:s19] =	ssyncadd.s32 $0xFFFFC000  }
0x49: {  	[tilespmem:s16], [sflag:$0x2] =	stream.indirect.gather [hbm4b:s5+s13], $0x80, s7, s13, $0xb8;
	[tilespmem:$0x1CC00] =	vst v63  }
0x4a: {  	_ =	swait.ge [sflag:s17], $0x4000  }
0x4b: {  	[sflag:s17] =	ssyncset.done $0x0  }
0x4c: {  	s8 =	rddreg [dreg:$0xb];
	[sflag:s17] =	ssyncadd.s32 $0xFFFFC000  }
0x4d: {  	[spmem:s3] =	stream.indirect.scatter.add.f32 [tilespmem:s16], [sflag:$0x4], $0x80, s8, s13, $0xb8;
	[tilespmem:$0x1CC00] =	vst v63  }
0x4e: {  	_ =	swait.ge [sflag:s18], $0x4000  }
0x4f: {  	[sflag:s18] =	ssyncset.done $0x0  }
0x50: {  	s9 =	rddreg [dreg:$0xc];
	[sflag:s18] =	ssyncadd.s32 $0xFFFFC000  }
0x51: {  	[tilespmem:s14], [sflag:$0x1] =	stream.indirect.gather [hbm4b:s5+s13], $0x80, s9, s13, $0xb8;
	[tilespmem:$0x1CC00] =	vst v63  }
0x52: {  	_ =	swait.ge [sflag:s15], $0x4000  }
0x53: {  	[sflag:s15] =	ssyncset.done $0x0  }
0x54: {  	s7 =	rddreg [dreg:$0xd];
	[sflag:s15] =	ssyncadd.s32 $0xFFFFC000  }
0x55: {  	[spmem:s3] =	stream.indirect.scatter.add.f32 [tilespmem:s14], [sflag:$0x3], $0x80, s7, s13, $0xb8;
	[tilespmem:$0x1CC00] =	vst v63  }
0x56: {  	_ =	swait.ge [sflag:s19], $0x4000  }
0x57: {  	[sflag:s19] =	ssyncset.done $0x0  }
0x58: {  	s8 =	rddreg [dreg:$0xe];
	[sflag:s19] =	ssyncadd.s32 $0xFFFFC000  }
0x59: {  	[tilespmem:s16], [sflag:$0x2] =	stream.indirect.gather [hbm4b:s5+s13], $0x80, s8, s13, $0xb8;
	[tilespmem:$0x1CC00] =	vst v63  }
0x5a: {  	_ =	swait.ge [sflag:s17], $0x4000  }
0x5b: {  	[sflag:s17] =	ssyncset.done $0x0  }
0x5c: {  	s9 =	rddreg [dreg:$0xf];
	[sflag:s17] =	ssyncadd.s32 $0xFFFFC000  }
0x5d: {  	[spmem:s3] =	stream.indirect.scatter.add.f32 [tilespmem:s16], [sflag:$0x4], $0x80, s9, s13, $0xb8;
	[tilespmem:$0x1CC00] =	vst v63  }
0x5e: {  	_ =	swait.ge [sflag:s18], $0x4000  }
0x5f: {  	[sflag:s18] =	ssyncset.done $0x0  }
0x60: {  	s7 =	rddreg [dreg:$0x10];
	[sflag:s18] =	ssyncadd.s32 $0xFFFFC000  }
0x61: {  	[tilespmem:s14], [sflag:$0x1] =	stream.indirect.gather [hbm4b:s5+s13], $0x80, s7, s13, $0xb8;
	[tilespmem:$0x1CC00] =	vst v63  }
0x62: {  	_ =	swait.ge [sflag:s15], $0x4000  }
0x63: {  	[sflag:s15] =	ssyncset.done $0x0  }
0x64: {  	s8 =	rddreg [dreg:$0x11];
	[sflag:s15] =	ssyncadd.s32 $0xFFFFC000  }
0x65: {  	[spmem:s3] =	stream.indirect.scatter.add.f32 [tilespmem:s14], [sflag:$0x3], $0x80, s8, s13, $0xb8;
	[tilespmem:$0x1CC00] =	vst v63  }
0x66: {  	_ =	swait.ge [sflag:s19], $0x4000  }
0x67: {  	[sflag:s19] =	ssyncset.done $0x0  }
0x68: {  	s9 =	rddreg [dreg:$0x12];
	[sflag:s19] =	ssyncadd.s32 $0xFFFFC000  }
0x69: {  	[tilespmem:s16], [sflag:$0x2] =	stream.indirect.gather [hbm4b:s5+s13], $0x80, s9, s13, $0xb8;
	[tilespmem:$0x1CC00] =	vst v63  }
0x6a: {  	_ =	swait.ge [sflag:s17], $0x4000  }
0x6b: {  	[sflag:s17] =	ssyncset.done $0x0  }
0x6c: {  	s7 =	rddreg [dreg:$0x13];
	[sflag:s17] =	ssyncadd.s32 $0xFFFFC000  }
0x6d: {  	[spmem:s3] =	stream.indirect.scatter.add.f32 [tilespmem:s16], [sflag:$0x4], $0x80, s7, s13, $0xb8;
	[tilespmem:$0x1CC00] =	vst v63  }
0x6e: {  	_ =	swait.ge [sflag:s18], $0x4000  }
0x6f: {  	[sflag:s18] =	ssyncset.done $0x0  }
0x70: {  	s8 =	rddreg [dreg:$0x14];
	[sflag:s18] =	ssyncadd.s32 $0xFFFFC000  }
0x71: {  	[tilespmem:s14], [sflag:$0x1] =	stream.indirect.gather [hbm4b:s5+s13], $0x80, s8, s13, $0xb8;
	[tilespmem:$0x1CC00] =	vst v63  }
0x72: {  	_ =	swait.ge [sflag:s15], $0x4000  }
0x73: {  	[sflag:s15] =	ssyncset.done $0x0  }
0x74: {  	s9 =	rddreg [dreg:$0x15];
	[sflag:s15] =	ssyncadd.s32 $0xFFFFC000  }
0x75: {  	[spmem:s3] =	stream.indirect.scatter.add.f32 [tilespmem:s14], [sflag:$0x3], $0x80, s9, s13, $0xb8;
	[tilespmem:$0x1CC00] =	vst v63  }
0x76: {  	_ =	swait.ge [sflag:s19], $0x4000  }
0x77: {  	[sflag:s19] =	ssyncset.done $0x0  }
0x78: {  	[sflag:s19] =	ssyncadd.s32 $0xFFFFC000  }
0x79: {  	[tilespmem:s16], [sflag:$0x2] =	stream.indirect.gather [hbm4b:s5+s13], $0x80, s20, s13, $0xb8;
	[tilespmem:$0x1CC00] =	vst v63  }
0x7a: {  	_ =	swait.ge [sflag:s17], $0x4000  }
0x7b: {  	[sflag:s17] =	ssyncset.done $0x0  }
0x7c: {  	[sflag:s17] =	ssyncadd.s32 $0xFFFFC000  }
0x7d: {  	[spmem:s3] =	stream.indirect.scatter.add.f32 [tilespmem:s16], [sflag:$0x4], $0x80, s21, s13, $0xb8;
	[tilespmem:$0x1CC00] =	vst v63  }
0x7e: {  	_ =	swait.ge [sflag:s18], $0x4000  }
0x7f: {  	[sflag:s18] =	ssyncset.done $0x0  }
0x80: {  	[sflag:s18] =	ssyncadd.s32 $0xFFFFC000  }
0x81: {  	[tilespmem:s14], [sflag:$0x1] =	stream.indirect.gather [hbm4b:s5+s13], $0x80, s22, s13, $0xb8;
	[tilespmem:$0x1CC00] =	vst v63  }
0x82: {  	_ =	swait.ge [sflag:s15], $0x4000  }
0x83: {  	[sflag:s15] =	ssyncset.done $0x0  }
0x84: {  	[sflag:s15] =	ssyncadd.s32 $0xFFFFC000  }
0x85: {  	[spmem:s3] =	stream.indirect.scatter.add.f32 [tilespmem:s14], [sflag:$0x3], $0x80, s23, s13, $0xb8;
	[tilespmem:$0x1CC00] =	vst v63  }
0x86: {  	_ =	swait.ge [sflag:s19], $0x4000  }
0x87: {  	[sflag:s19] =	ssyncset.done $0x0  }
0x88: {  	[sflag:s19] =	ssyncadd.s32 $0xFFFFC000  }
0x89: {  	[tilespmem:s16], [sflag:$0x2] =	stream.indirect.gather [hbm4b:s5+s13], $0x80, s24, s13, $0xb8;
	[tilespmem:$0x1CC00] =	vst v63  }
0x8a: {  	_ =	swait.ge [sflag:s17], $0x4000  }
0x8b: {  	[sflag:s17] =	ssyncset.done $0x0  }
0x8c: {  	[sflag:s17] =	ssyncadd.s32 $0xFFFFC000  }
0x8d: {  	[spmem:s3] =	stream.indirect.scatter.add.f32 [tilespmem:s16], [sflag:$0x4], $0x80, s25, s13, $0xb8;
	[tilespmem:$0x1CC00] =	vst v63  }
0x8e: {  	_ =	swait.ge [sflag:s18], $0x4000  }
0x8f: {  	[sflag:s18] =	ssyncset.done $0x0  }
0x90: {  	[sflag:s18] =	ssyncadd.s32 $0xFFFFC000  }
0x91: {  	[tilespmem:s14], [sflag:$0x1] =	stream.indirect.gather [hbm4b:s5+s13], $0x80, s26, s13, $0xb8;
	[tilespmem:$0x1CC00] =	vst v63  }
0x92: {  	_ =	swait.ge [sflag:s15], $0x4000  }
0x93: {  	[sflag:s15] =	ssyncset.done $0x0  }
0x94: {  	[sflag:s15] =	ssyncadd.s32 $0xFFFFC000  }
0x95: {  	[spmem:s3] =	stream.indirect.scatter.add.f32 [tilespmem:s14], [sflag:$0x3], $0x80, s28, s13, $0xb8;
	[tilespmem:$0x1CC00] =	vst v63  }
0x96: {  	_ =	swait.ge [sflag:s19], $0x4000  }
0x97: {  	[sflag:s19] =	ssyncset.done $0x0  }
0x98: {  	[sflag:s19] =	ssyncadd.s32 $0xFFFFC000  }
0x99: {  	[tilespmem:s16], [sflag:$0x2] =	stream.indirect.gather [hbm4b:s5+s13], $0x80, s29, s13, $0xb8;
	[tilespmem:$0x1CC00] =	vst v63  }
0x9a: {  	_ =	swait.ge [sflag:s17], $0x4000  }
0x9b: {  	[sflag:s17] =	ssyncset.done $0x0  }
0x9c: {  	[sflag:s17] =	ssyncadd.s32 $0xFFFFC000  }
0x9d: {  	[spmem:s3] =	stream.indirect.scatter.add.f32 [tilespmem:s16], [sflag:$0x4], $0x80, s30, s13, $0xb8;
	[tilespmem:$0x1CC00] =	vst v63  }
0x9e: {  	_ =	swait.ge [sflag:s18], $0x4000  }
0x9f: {  	[sflag:s18] =	ssyncset.done $0x0  }
0xa0: {  	[sflag:s18] =	ssyncadd.s32 $0xFFFFC000  }
0xa1: {  	[tilespmem:s14], [sflag:$0x1] =	stream.indirect.gather [hbm4b:s5+s13], $0x80, s31, s13, $0xb8;
	[tilespmem:$0x1CC00] =	vst v63  }
0xa2: {  	_ =	swait.ge [sflag:s15], $0x4000  }
0xa3: {  	[sflag:s15] =	ssyncset.done $0x0  }
0xa4: {  	[sflag:s15] =	ssyncadd.s32 $0xFFFFC000  }
0xa5: {  	[spmem:s3] =	stream.indirect.scatter.add.f32 [tilespmem:s14], [sflag:$0x3], $0x80, s1, s13, $0xb8;
	[tilespmem:$0x1CC00] =	vst v63  }
0xa6: {  	_ =	swait.ge [sflag:s19], $0x4000  }
0xa7: {  	[sflag:s19] =	ssyncset.done $0x0  }
0xa8: {  	[sflag:s19] =	ssyncadd.s32 $0xFFFFC000  }
0xa9: {  	[tilespmem:s16], [sflag:$0x2] =	stream.indirect.gather [hbm4b:s5+s13], $0x80, s0, s13, $0xb8;
	[tilespmem:$0x1CC00] =	vst v63  }
0xaa: {  	_ =	swait.ge [sflag:s17], $0x4000  }
0xab: {  	[sflag:s17] =	ssyncset.done $0x0  }
0xac: {  	[sflag:s17] =	ssyncadd.s32 $0xFFFFC000  }
0xad: {  	[spmem:s3] =	stream.indirect.scatter.add.f32 [tilespmem:s16], [sflag:$0x4], $0x80, s2, s13, $0xb8;
	[tilespmem:$0x1CC00] =	vst v63  }
0xae: {  	_ =	swait.ge [sflag:s18], $0x4000  }
0xaf: {  	[sflag:s18] =	ssyncset.done $0x0  }
0xb0: {  	[sflag:s18] =	ssyncadd.s32 $0xFFFFC000  }
0xb1: {  	s6 =	simm.s32 $0x200;
	_ =	swait.ge [sflag:s19], $0x4000  }
0xb2: {  	s8 =	simm.s32 $0x100;
	s9 =	rddreg [dreg:$0x4];
	[sflag:s19] =	ssyncset.done $0x0  }
.LBB2_2:
0xb3: {  	[sflag:s19] =	ssyncadd.s32 $0xFFFFC000;
	s9 =	sadd.s32 s8, s9  }
0xb4: {  	[tilespmem:s11], [sflag:$0x5] =	stream.linear.gather [hbm4b:s9+s4], $0x800, $0x38;
	[tilespmem:$0x1CC00] =	vst v63  }
0xb5: {  	_ =	swait.ge [sflag:s10], $0x800  }
0xb6: {  	s9 =	rddreg [dreg:$0x5];
	[sflag:s10] =	ssyncset.done $0x0  }
0xb7: {  	[sflag:s10] =	ssyncadd.s32 $0xFFFFF800;
	s9 =	sadd.s32 s8, s9  }
0xb8: {  	[tilespmem:s12], [sflag:$0x5] =	stream.linear.gather [hbm4b:s9+s4], $0x800, $0x38;
	[tilespmem:$0x1CC00] =	vst v63  }
0xb9: {  	_ =	swait.ge [sflag:s10], $0x800  }
0xba: {  	[sflag:s10] =	ssyncset.done $0x0  }
0xbb: {  	[sflag:s10] =	ssyncadd.s32 $0xFFFFF800  }
0xbc: {  	[tilespmem:s14], [sflag:$0x1] =	stream.indirect.gather [hbm4b:s5+s13], $0x80, s11, s13, $0xb8;
	[tilespmem:$0x1CC00] =	vst v63  }
0xbd: {  	_ =	swait.ge [sflag:s15], $0x4000  }
0xbe: {  	[sflag:s15] =	ssyncset.done $0x0  }
0xbf: {  	[sflag:s15] =	ssyncadd.s32 $0xFFFFC000  }
0xc0: {  	[spmem:s3] =	stream.indirect.scatter.add.f32 [tilespmem:s14], [sflag:$0x3], $0x80, s12, s13, $0xb8;
	[tilespmem:$0x1CC00] =	vst v63  }
0xc1: {  	s9 =	rddreg [dreg:$0x6]  }
0xc2: {  	[tilespmem:s16], [sflag:$0x2] =	stream.indirect.gather [hbm4b:s5+s13], $0x80, s9, s13, $0xb8;
	[tilespmem:$0x1CC00] =	vst v63  }
0xc3: {  	_ =	swait.ge [sflag:s17], $0x4000  }
0xc4: {  	[sflag:s17] =	ssyncset.done $0x0  }
0xc5: {  	s9 =	rddreg [dreg:$0x7];
	[sflag:s17] =	ssyncadd.s32 $0xFFFFC000  }
0xc6: {  	[spmem:s3] =	stream.indirect.scatter.add.f32 [tilespmem:s16], [sflag:$0x4], $0x80, s9, s13, $0xb8;
	[tilespmem:$0x1CC00] =	vst v63  }
0xc7: {  	_ =	swait.ge [sflag:s18], $0x4000  }
0xc8: {  	[sflag:s18] =	ssyncset.done $0x0  }
0xc9: {  	s9 =	rddreg [dreg:$0x8];
	[sflag:s18] =	ssyncadd.s32 $0xFFFFC000  }
0xca: {  	[tilespmem:s14], [sflag:$0x1] =	stream.indirect.gather [hbm4b:s5+s13], $0x80, s9, s13, $0xb8;
	[tilespmem:$0x1CC00] =	vst v63  }
0xcb: {  	_ =	swait.ge [sflag:s15], $0x4000  }
0xcc: {  	[sflag:s15] =	ssyncset.done $0x0  }
0xcd: {  	s9 =	rddreg [dreg:$0x9];
	[sflag:s15] =	ssyncadd.s32 $0xFFFFC000  }
0xce: {  	[spmem:s3] =	stream.indirect.scatter.add.f32 [tilespmem:s14], [sflag:$0x3], $0x80, s9, s13, $0xb8;
	[tilespmem:$0x1CC00] =	vst v63  }
0xcf: {  	_ =	swait.ge [sflag:s19], $0x4000  }
0xd0: {  	[sflag:s19] =	ssyncset.done $0x0  }
0xd1: {  	s9 =	rddreg [dreg:$0xa];
	[sflag:s19] =	ssyncadd.s32 $0xFFFFC000  }
0xd2: {  	[tilespmem:s16], [sflag:$0x2] =	stream.indirect.gather [hbm4b:s5+s13], $0x80, s9, s13, $0xb8;
	[tilespmem:$0x1CC00] =	vst v63  }
0xd3: {  	_ =	swait.ge [sflag:s17], $0x4000  }
0xd4: {  	[sflag:s17] =	ssyncset.done $0x0  }
0xd5: {  	s9 =	rddreg [dreg:$0xb];
	[sflag:s17] =	ssyncadd.s32 $0xFFFFC000  }
0xd6: {  	[spmem:s3] =	stream.indirect.scatter.add.f32 [tilespmem:s16], [sflag:$0x4], $0x80, s9, s13, $0xb8;
	[tilespmem:$0x1CC00] =	vst v63  }
0xd7: {  	_ =	swait.ge [sflag:s18], $0x4000  }
0xd8: {  	[sflag:s18] =	ssyncset.done $0x0  }
0xd9: {  	s9 =	rddreg [dreg:$0xc];
	[sflag:s18] =	ssyncadd.s32 $0xFFFFC000  }
0xda: {  	[tilespmem:s14], [sflag:$0x1] =	stream.indirect.gather [hbm4b:s5+s13], $0x80, s9, s13, $0xb8;
	[tilespmem:$0x1CC00] =	vst v63  }
0xdb: {  	_ =	swait.ge [sflag:s15], $0x4000  }
0xdc: {  	[sflag:s15] =	ssyncset.done $0x0  }
0xdd: {  	s9 =	rddreg [dreg:$0xd];
	[sflag:s15] =	ssyncadd.s32 $0xFFFFC000  }
0xde: {  	[spmem:s3] =	stream.indirect.scatter.add.f32 [tilespmem:s14], [sflag:$0x3], $0x80, s9, s13, $0xb8;
	[tilespmem:$0x1CC00] =	vst v63  }
0xdf: {  	_ =	swait.ge [sflag:s19], $0x4000  }
0xe0: {  	[sflag:s19] =	ssyncset.done $0x0  }
0xe1: {  	s9 =	rddreg [dreg:$0xe];
	[sflag:s19] =	ssyncadd.s32 $0xFFFFC000  }
0xe2: {  	[tilespmem:s16], [sflag:$0x2] =	stream.indirect.gather [hbm4b:s5+s13], $0x80, s9, s13, $0xb8;
	[tilespmem:$0x1CC00] =	vst v63  }
0xe3: {  	_ =	swait.ge [sflag:s17], $0x4000  }
0xe4: {  	[sflag:s17] =	ssyncset.done $0x0  }
0xe5: {  	s9 =	rddreg [dreg:$0xf];
	[sflag:s17] =	ssyncadd.s32 $0xFFFFC000  }
0xe6: {  	[spmem:s3] =	stream.indirect.scatter.add.f32 [tilespmem:s16], [sflag:$0x4], $0x80, s9, s13, $0xb8;
	[tilespmem:$0x1CC00] =	vst v63  }
0xe7: {  	_ =	swait.ge [sflag:s18], $0x4000  }
0xe8: {  	[sflag:s18] =	ssyncset.done $0x0  }
0xe9: {  	s9 =	rddreg [dreg:$0x10];
	[sflag:s18] =	ssyncadd.s32 $0xFFFFC000  }
0xea: {  	[tilespmem:s14], [sflag:$0x1] =	stream.indirect.gather [hbm4b:s5+s13], $0x80, s9, s13, $0xb8;
	[tilespmem:$0x1CC00] =	vst v63  }
0xeb: {  	_ =	swait.ge [sflag:s15], $0x4000  }
0xec: {  	[sflag:s15] =	ssyncset.done $0x0  }
0xed: {  	s9 =	rddreg [dreg:$0x11];
	[sflag:s15] =	ssyncadd.s32 $0xFFFFC000  }
0xee: {  	[spmem:s3] =	stream.indirect.scatter.add.f32 [tilespmem:s14], [sflag:$0x3], $0x80, s9, s13, $0xb8;
	[tilespmem:$0x1CC00] =	vst v63  }
0xef: {  	_ =	swait.ge [sflag:s19], $0x4000  }
0xf0: {  	[sflag:s19] =	ssyncset.done $0x0  }
0xf1: {  	s9 =	rddreg [dreg:$0x12];
	[sflag:s19] =	ssyncadd.s32 $0xFFFFC000  }
0xf2: {  	[tilespmem:s16], [sflag:$0x2] =	stream.indirect.gather [hbm4b:s5+s13], $0x80, s9, s13, $0xb8;
	[tilespmem:$0x1CC00] =	vst v63  }
0xf3: {  	_ =	swait.ge [sflag:s17], $0x4000  }
0xf4: {  	[sflag:s17] =	ssyncset.done $0x0  }
0xf5: {  	s9 =	rddreg [dreg:$0x13];
	[sflag:s17] =	ssyncadd.s32 $0xFFFFC000  }
0xf6: {  	[spmem:s3] =	stream.indirect.scatter.add.f32 [tilespmem:s16], [sflag:$0x4], $0x80, s9, s13, $0xb8;
	[tilespmem:$0x1CC00] =	vst v63  }
0xf7: {  	_ =	swait.ge [sflag:s18], $0x4000  }
0xf8: {  	[sflag:s18] =	ssyncset.done $0x0  }
0xf9: {  	s9 =	rddreg [dreg:$0x14];
	[sflag:s18] =	ssyncadd.s32 $0xFFFFC000  }
0xfa: {  	[tilespmem:s14], [sflag:$0x1] =	stream.indirect.gather [hbm4b:s5+s13], $0x80, s9, s13, $0xb8;
	[tilespmem:$0x1CC00] =	vst v63  }
0xfb: {  	_ =	swait.ge [sflag:s15], $0x4000  }
0xfc: {  	[sflag:s15] =	ssyncset.done $0x0  }
0xfd: {  	s9 =	rddreg [dreg:$0x15];
	[sflag:s15] =	ssyncadd.s32 $0xFFFFC000  }
0xfe: {  	[spmem:s3] =	stream.indirect.scatter.add.f32 [tilespmem:s14], [sflag:$0x3], $0x80, s9, s13, $0xb8;
	[tilespmem:$0x1CC00] =	vst v63  }
0xff: {  	_ =	swait.ge [sflag:s19], $0x4000  }
0x100: {  	[sflag:s19] =	ssyncset.done $0x0  }
0x101: {  	[sflag:s19] =	ssyncadd.s32 $0xFFFFC000  }
0x102: {  	[tilespmem:s16], [sflag:$0x2] =	stream.indirect.gather [hbm4b:s5+s13], $0x80, s20, s13, $0xb8;
	[tilespmem:$0x1CC00] =	vst v63  }
0x103: {  	_ =	swait.ge [sflag:s17], $0x4000  }
0x104: {  	[sflag:s17] =	ssyncset.done $0x0  }
0x105: {  	[sflag:s17] =	ssyncadd.s32 $0xFFFFC000  }
0x106: {  	[spmem:s3] =	stream.indirect.scatter.add.f32 [tilespmem:s16], [sflag:$0x4], $0x80, s21, s13, $0xb8;
	[tilespmem:$0x1CC00] =	vst v63  }
0x107: {  	_ =	swait.ge [sflag:s18], $0x4000  }
0x108: {  	[sflag:s18] =	ssyncset.done $0x0  }
0x109: {  	[sflag:s18] =	ssyncadd.s32 $0xFFFFC000  }
0x10a: {  	[tilespmem:s14], [sflag:$0x1] =	stream.indirect.gather [hbm4b:s5+s13], $0x80, s22, s13, $0xb8;
	[tilespmem:$0x1CC00] =	vst v63  }
0x10b: {  	_ =	swait.ge [sflag:s15], $0x4000  }
0x10c: {  	[sflag:s15] =	ssyncset.done $0x0  }
0x10d: {  	[sflag:s15] =	ssyncadd.s32 $0xFFFFC000  }
0x10e: {  	[spmem:s3] =	stream.indirect.scatter.add.f32 [tilespmem:s14], [sflag:$0x3], $0x80, s23, s13, $0xb8;
	[tilespmem:$0x1CC00] =	vst v63  }
0x10f: {  	_ =	swait.ge [sflag:s19], $0x4000  }
0x110: {  	[sflag:s19] =	ssyncset.done $0x0  }
0x111: {  	[sflag:s19] =	ssyncadd.s32 $0xFFFFC000  }
0x112: {  	[tilespmem:s16], [sflag:$0x2] =	stream.indirect.gather [hbm4b:s5+s13], $0x80, s24, s13, $0xb8;
	[tilespmem:$0x1CC00] =	vst v63  }
0x113: {  	_ =	swait.ge [sflag:s17], $0x4000  }
0x114: {  	[sflag:s17] =	ssyncset.done $0x0  }
0x115: {  	[sflag:s17] =	ssyncadd.s32 $0xFFFFC000  }
0x116: {  	[spmem:s3] =	stream.indirect.scatter.add.f32 [tilespmem:s16], [sflag:$0x4], $0x80, s25, s13, $0xb8;
	[tilespmem:$0x1CC00] =	vst v63  }
0x117: {  	_ =	swait.ge [sflag:s18], $0x4000  }
0x118: {  	[sflag:s18] =	ssyncset.done $0x0  }
0x119: {  	[sflag:s18] =	ssyncadd.s32 $0xFFFFC000  }
0x11a: {  	[tilespmem:s14], [sflag:$0x1] =	stream.indirect.gather [hbm4b:s5+s13], $0x80, s26, s13, $0xb8;
	[tilespmem:$0x1CC00] =	vst v63  }
0x11b: {  	_ =	swait.ge [sflag:s15], $0x4000  }
0x11c: {  	[sflag:s15] =	ssyncset.done $0x0  }
0x11d: {  	[sflag:s15] =	ssyncadd.s32 $0xFFFFC000  }
0x11e: {  	[spmem:s3] =	stream.indirect.scatter.add.f32 [tilespmem:s14], [sflag:$0x3], $0x80, s28, s13, $0xb8;
	[tilespmem:$0x1CC00] =	vst v63  }
0x11f: {  	_ =	swait.ge [sflag:s19], $0x4000  }
0x120: {  	[sflag:s19] =	ssyncset.done $0x0  }
0x121: {  	[sflag:s19] =	ssyncadd.s32 $0xFFFFC000  }
0x122: {  	[tilespmem:s16], [sflag:$0x2] =	stream.indirect.gather [hbm4b:s5+s13], $0x80, s29, s13, $0xb8;
	[tilespmem:$0x1CC00] =	vst v63  }
0x123: {  	_ =	swait.ge [sflag:s17], $0x4000  }
0x124: {  	[sflag:s17] =	ssyncset.done $0x0  }
0x125: {  	[sflag:s17] =	ssyncadd.s32 $0xFFFFC000  }
0x126: {  	[spmem:s3] =	stream.indirect.scatter.add.f32 [tilespmem:s16], [sflag:$0x4], $0x80, s30, s13, $0xb8;
	[tilespmem:$0x1CC00] =	vst v63  }
0x127: {  	_ =	swait.ge [sflag:s18], $0x4000  }
0x128: {  	[sflag:s18] =	ssyncset.done $0x0  }
0x129: {  	[sflag:s18] =	ssyncadd.s32 $0xFFFFC000  }
0x12a: {  	[tilespmem:s14], [sflag:$0x1] =	stream.indirect.gather [hbm4b:s5+s13], $0x80, s31, s13, $0xb8;
	[tilespmem:$0x1CC00] =	vst v63  }
0x12b: {  	_ =	swait.ge [sflag:s15], $0x4000  }
0x12c: {  	[sflag:s15] =	ssyncset.done $0x0  }
0x12d: {  	[sflag:s15] =	ssyncadd.s32 $0xFFFFC000  }
0x12e: {  	[spmem:s3] =	stream.indirect.scatter.add.f32 [tilespmem:s14], [sflag:$0x3], $0x80, s1, s13, $0xb8;
	[tilespmem:$0x1CC00] =	vst v63  }
0x12f: {  	_ =	swait.ge [sflag:s19], $0x4000  }
0x130: {  	[sflag:s19] =	ssyncset.done $0x0  }
0x131: {  	[sflag:s19] =	ssyncadd.s32 $0xFFFFC000  }
0x132: {  	[tilespmem:s16], [sflag:$0x2] =	stream.indirect.gather [hbm4b:s5+s13], $0x80, s0, s13, $0xb8;
	[tilespmem:$0x1CC00] =	vst v63  }
0x133: {  	_ =	swait.ge [sflag:s17], $0x4000  }
0x134: {  	[sflag:s17] =	ssyncset.done $0x0  }
0x135: {  	p0 =	sne.s32 s6, $0x400;
	[sflag:s17] =	ssyncadd.s32 $0xFFFFC000  }
0x136: {  	[spmem:s3] =	stream.indirect.scatter.add.f32 [tilespmem:s16], [sflag:$0x4], $0x80, s2, s13, $0xb8;
	[tilespmem:$0x1CC00] =	vst v63  }
.Ltmp0:
0x137: {  	_ =	swait.ge [sflag:s18], $0x4000;
	(pc) =	sbr.rel @p0 .LBB2_2-.Ltmp0, $4  }
0x138: {  	[sflag:s18] =	ssyncset.done $0x0  }
0x139: {  	[sflag:s18] =	ssyncadd.s32 $0xFFFFC000  }
0x13a: {  	s7 =	smov.u32 s6;
	s6 =	sadd.s32 $0x100, s6;
	_ =	swait.ge [sflag:s19], $0x4000  }
0x13b: {  	s8 =	smov.u32 s7;
	s9 =	rddreg [dreg:$0x4];
	[sflag:s19] =	ssyncset.done $0x0  }
0x13c: {  	[sflag:s19] =	ssyncadd.s32 $0xFFFFC000;
	s6 =	sadd.s32 s8, s9  }
0x13d: {  	[tilespmem:s11], [sflag:$0x5] =	stream.linear.gather [hbm4b:s6+s4], $0x800, $0x38;
	[tilespmem:$0x1CC00] =	vst v63  }
0x13e: {  	_ =	swait.ge [sflag:s10], $0x800  }
0x13f: {  	s7 =	rddreg [dreg:$0x5];
	[sflag:s10] =	ssyncset.done $0x0  }
0x140: {  	s6 =	sadd.s32 s8, s7;
	[sflag:s10] =	ssyncadd.s32 $0xFFFFF800  }
0x141: {  	[tilespmem:s12], [sflag:$0x5] =	stream.linear.gather [hbm4b:s6+s4], $0x800, $0x38;
	[tilespmem:$0x1CC00] =	vst v63  }
0x142: {  	_ =	swait.ge [sflag:s10], $0x800  }
0x143: {  	[sflag:s10] =	ssyncset.done $0x0  }
0x144: {  	[sflag:s10] =	ssyncadd.s32 $0xFFFFF800  }
0x145: {  	[tilespmem:s14], [sflag:$0x1] =	stream.indirect.gather [hbm4b:s5+s13], $0x80, s11, s13, $0xb8;
	[tilespmem:$0x1CC00] =	vst v63  }
0x146: {  	_ =	swait.ge [sflag:s15], $0x4000  }
0x147: {  	[sflag:s15] =	ssyncset.done $0x0  }
0x148: {  	[sflag:s15] =	ssyncadd.s32 $0xFFFFC000  }
0x149: {  	[spmem:s3] =	stream.indirect.scatter.add.f32 [tilespmem:s14], [sflag:$0x3], $0x80, s12, s13, $0xb8;
	[tilespmem:$0x1CC00] =	vst v63  }
0x14a: {  	s8 =	rddreg [dreg:$0x6]  }
0x14b: {  	[tilespmem:s16], [sflag:$0x2] =	stream.indirect.gather [hbm4b:s5+s13], $0x80, s8, s13, $0xb8;
	[tilespmem:$0x1CC00] =	vst v63  }
0x14c: {  	_ =	swait.ge [sflag:s17], $0x4000  }
0x14d: {  	[sflag:s17] =	ssyncset.done $0x0  }
0x14e: {  	s9 =	rddreg [dreg:$0x7];
	[sflag:s17] =	ssyncadd.s32 $0xFFFFC000  }
0x14f: {  	[spmem:s3] =	stream.indirect.scatter.add.f32 [tilespmem:s16], [sflag:$0x4], $0x80, s9, s13, $0xb8;
	[tilespmem:$0x1CC00] =	vst v63  }
0x150: {  	_ =	swait.ge [sflag:s18], $0x4000  }
0x151: {  	[sflag:s18] =	ssyncset.done $0x0  }
0x152: {  	s7 =	rddreg [dreg:$0x8];
	[sflag:s18] =	ssyncadd.s32 $0xFFFFC000  }
0x153: {  	[tilespmem:s14], [sflag:$0x1] =	stream.indirect.gather [hbm4b:s5+s13], $0x80, s7, s13, $0xb8;
	[tilespmem:$0x1CC00] =	vst v63  }
0x154: {  	_ =	swait.ge [sflag:s15], $0x4000  }
0x155: {  	[sflag:s15] =	ssyncset.done $0x0  }
0x156: {  	s8 =	rddreg [dreg:$0x9];
	[sflag:s15] =	ssyncadd.s32 $0xFFFFC000  }
0x157: {  	[spmem:s3] =	stream.indirect.scatter.add.f32 [tilespmem:s14], [sflag:$0x3], $0x80, s8, s13, $0xb8;
	[tilespmem:$0x1CC00] =	vst v63  }
0x158: {  	_ =	swait.ge [sflag:s19], $0x4000  }
0x159: {  	[sflag:s19] =	ssyncset.done $0x0  }
0x15a: {  	s9 =	rddreg [dreg:$0xa];
	[sflag:s19] =	ssyncadd.s32 $0xFFFFC000  }
0x15b: {  	[tilespmem:s16], [sflag:$0x2] =	stream.indirect.gather [hbm4b:s5+s13], $0x80, s9, s13, $0xb8;
	[tilespmem:$0x1CC00] =	vst v63  }
0x15c: {  	_ =	swait.ge [sflag:s17], $0x4000  }
0x15d: {  	[sflag:s17] =	ssyncset.done $0x0  }
0x15e: {  	s7 =	rddreg [dreg:$0xb];
	[sflag:s17] =	ssyncadd.s32 $0xFFFFC000  }
0x15f: {  	[spmem:s3] =	stream.indirect.scatter.add.f32 [tilespmem:s16], [sflag:$0x4], $0x80, s7, s13, $0xb8;
	[tilespmem:$0x1CC00] =	vst v63  }
0x160: {  	_ =	swait.ge [sflag:s18], $0x4000  }
0x161: {  	[sflag:s18] =	ssyncset.done $0x0  }
0x162: {  	s8 =	rddreg [dreg:$0xc];
	[sflag:s18] =	ssyncadd.s32 $0xFFFFC000  }
0x163: {  	[tilespmem:s14], [sflag:$0x1] =	stream.indirect.gather [hbm4b:s5+s13], $0x80, s8, s13, $0xb8;
	[tilespmem:$0x1CC00] =	vst v63  }
0x164: {  	_ =	swait.ge [sflag:s15], $0x4000  }
0x165: {  	[sflag:s15] =	ssyncset.done $0x0  }
0x166: {  	s9 =	rddreg [dreg:$0xd];
	[sflag:s15] =	ssyncadd.s32 $0xFFFFC000  }
0x167: {  	[spmem:s3] =	stream.indirect.scatter.add.f32 [tilespmem:s14], [sflag:$0x3], $0x80, s9, s13, $0xb8;
	[tilespmem:$0x1CC00] =	vst v63  }
0x168: {  	_ =	swait.ge [sflag:s19], $0x4000  }
0x169: {  	[sflag:s19] =	ssyncset.done $0x0  }
0x16a: {  	s7 =	rddreg [dreg:$0xe];
	[sflag:s19] =	ssyncadd.s32 $0xFFFFC000  }
0x16b: {  	[tilespmem:s16], [sflag:$0x2] =	stream.indirect.gather [hbm4b:s5+s13], $0x80, s7, s13, $0xb8;
	[tilespmem:$0x1CC00] =	vst v63  }
0x16c: {  	_ =	swait.ge [sflag:s17], $0x4000  }
0x16d: {  	[sflag:s17] =	ssyncset.done $0x0  }
0x16e: {  	s8 =	rddreg [dreg:$0xf];
	[sflag:s17] =	ssyncadd.s32 $0xFFFFC000  }
0x16f: {  	[spmem:s3] =	stream.indirect.scatter.add.f32 [tilespmem:s16], [sflag:$0x4], $0x80, s8, s13, $0xb8;
	[tilespmem:$0x1CC00] =	vst v63  }
0x170: {  	_ =	swait.ge [sflag:s18], $0x4000  }
0x171: {  	[sflag:s18] =	ssyncset.done $0x0  }
0x172: {  	s9 =	rddreg [dreg:$0x10];
	[sflag:s18] =	ssyncadd.s32 $0xFFFFC000  }
0x173: {  	[tilespmem:s14], [sflag:$0x1] =	stream.indirect.gather [hbm4b:s5+s13], $0x80, s9, s13, $0xb8;
	[tilespmem:$0x1CC00] =	vst v63  }
0x174: {  	_ =	swait.ge [sflag:s15], $0x4000  }
0x175: {  	[sflag:s15] =	ssyncset.done $0x0  }
0x176: {  	s7 =	rddreg [dreg:$0x11];
	[sflag:s15] =	ssyncadd.s32 $0xFFFFC000  }
0x177: {  	[spmem:s3] =	stream.indirect.scatter.add.f32 [tilespmem:s14], [sflag:$0x3], $0x80, s7, s13, $0xb8;
	[tilespmem:$0x1CC00] =	vst v63  }
0x178: {  	_ =	swait.ge [sflag:s19], $0x4000  }
0x179: {  	[sflag:s19] =	ssyncset.done $0x0  }
0x17a: {  	s8 =	rddreg [dreg:$0x12];
	[sflag:s19] =	ssyncadd.s32 $0xFFFFC000  }
0x17b: {  	[tilespmem:s16], [sflag:$0x2] =	stream.indirect.gather [hbm4b:s5+s13], $0x80, s8, s13, $0xb8;
	[tilespmem:$0x1CC00] =	vst v63  }
0x17c: {  	_ =	swait.ge [sflag:s17], $0x4000  }
0x17d: {  	[sflag:s17] =	ssyncset.done $0x0  }
0x17e: {  	s9 =	rddreg [dreg:$0x13];
	[sflag:s17] =	ssyncadd.s32 $0xFFFFC000  }
0x17f: {  	[spmem:s3] =	stream.indirect.scatter.add.f32 [tilespmem:s16], [sflag:$0x4], $0x80, s9, s13, $0xb8;
	[tilespmem:$0x1CC00] =	vst v63  }
0x180: {  	_ =	swait.ge [sflag:s18], $0x4000  }
0x181: {  	[sflag:s18] =	ssyncset.done $0x0  }
0x182: {  	s7 =	rddreg [dreg:$0x14];
	[sflag:s18] =	ssyncadd.s32 $0xFFFFC000  }
0x183: {  	[tilespmem:s14], [sflag:$0x1] =	stream.indirect.gather [hbm4b:s5+s13], $0x80, s7, s13, $0xb8;
	[tilespmem:$0x1CC00] =	vst v63  }
0x184: {  	_ =	swait.ge [sflag:s15], $0x4000  }
0x185: {  	[sflag:s15] =	ssyncset.done $0x0  }
0x186: {  	s8 =	rddreg [dreg:$0x15];
	[sflag:s15] =	ssyncadd.s32 $0xFFFFC000  }
0x187: {  	[spmem:s3] =	stream.indirect.scatter.add.f32 [tilespmem:s14], [sflag:$0x3], $0x80, s8, s13, $0xb8;
	[tilespmem:$0x1CC00] =	vst v63  }
0x188: {  	_ =	swait.ge [sflag:s19], $0x4000  }
0x189: {  	[sflag:s19] =	ssyncset.done $0x0  }
0x18a: {  	[sflag:s19] =	ssyncadd.s32 $0xFFFFC000  }
0x18b: {  	[tilespmem:s16], [sflag:$0x2] =	stream.indirect.gather [hbm4b:s5+s13], $0x80, s20, s13, $0xb8;
	[tilespmem:$0x1CC00] =	vst v63  }
0x18c: {  	_ =	swait.ge [sflag:s17], $0x4000  }
0x18d: {  	[sflag:s17] =	ssyncset.done $0x0  }
0x18e: {  	[sflag:s17] =	ssyncadd.s32 $0xFFFFC000  }
0x18f: {  	[spmem:s3] =	stream.indirect.scatter.add.f32 [tilespmem:s16], [sflag:$0x4], $0x80, s21, s13, $0xb8;
	[tilespmem:$0x1CC00] =	vst v63  }
0x190: {  	_ =	swait.ge [sflag:s18], $0x4000  }
0x191: {  	[sflag:s18] =	ssyncset.done $0x0  }
0x192: {  	[sflag:s18] =	ssyncadd.s32 $0xFFFFC000  }
0x193: {  	[tilespmem:s14], [sflag:$0x1] =	stream.indirect.gather [hbm4b:s5+s13], $0x80, s22, s13, $0xb8;
	[tilespmem:$0x1CC00] =	vst v63  }
0x194: {  	_ =	swait.ge [sflag:s15], $0x4000  }
0x195: {  	[sflag:s15] =	ssyncset.done $0x0  }
0x196: {  	[sflag:s15] =	ssyncadd.s32 $0xFFFFC000  }
0x197: {  	[spmem:s3] =	stream.indirect.scatter.add.f32 [tilespmem:s14], [sflag:$0x3], $0x80, s23, s13, $0xb8;
	[tilespmem:$0x1CC00] =	vst v63  }
0x198: {  	_ =	swait.ge [sflag:s19], $0x4000  }
0x199: {  	[sflag:s19] =	ssyncset.done $0x0  }
0x19a: {  	[sflag:s19] =	ssyncadd.s32 $0xFFFFC000  }
0x19b: {  	[tilespmem:s16], [sflag:$0x2] =	stream.indirect.gather [hbm4b:s5+s13], $0x80, s24, s13, $0xb8;
	[tilespmem:$0x1CC00] =	vst v63  }
0x19c: {  	_ =	swait.ge [sflag:s17], $0x4000  }
0x19d: {  	[sflag:s17] =	ssyncset.done $0x0  }
0x19e: {  	[sflag:s17] =	ssyncadd.s32 $0xFFFFC000  }
0x19f: {  	[spmem:s3] =	stream.indirect.scatter.add.f32 [tilespmem:s16], [sflag:$0x4], $0x80, s25, s13, $0xb8;
	[tilespmem:$0x1CC00] =	vst v63  }
0x1a0: {  	_ =	swait.ge [sflag:s18], $0x4000  }
0x1a1: {  	[sflag:s18] =	ssyncset.done $0x0  }
0x1a2: {  	[sflag:s18] =	ssyncadd.s32 $0xFFFFC000  }
0x1a3: {  	[tilespmem:s14], [sflag:$0x1] =	stream.indirect.gather [hbm4b:s5+s13], $0x80, s26, s13, $0xb8;
	[tilespmem:$0x1CC00] =	vst v63  }
0x1a4: {  	_ =	swait.ge [sflag:s15], $0x4000  }
0x1a5: {  	[sflag:s15] =	ssyncset.done $0x0  }
0x1a6: {  	[sflag:s15] =	ssyncadd.s32 $0xFFFFC000  }
0x1a7: {  	[spmem:s3] =	stream.indirect.scatter.add.f32 [tilespmem:s14], [sflag:$0x3], $0x80, s28, s13, $0xb8;
	[tilespmem:$0x1CC00] =	vst v63  }
0x1a8: {  	_ =	swait.ge [sflag:s19], $0x4000  }
0x1a9: {  	[sflag:s19] =	ssyncset.done $0x0  }
0x1aa: {  	[sflag:s19] =	ssyncadd.s32 $0xFFFFC000  }
0x1ab: {  	[tilespmem:s16], [sflag:$0x2] =	stream.indirect.gather [hbm4b:s5+s13], $0x80, s29, s13, $0xb8;
	[tilespmem:$0x1CC00] =	vst v63  }
0x1ac: {  	_ =	swait.ge [sflag:s17], $0x4000  }
0x1ad: {  	[sflag:s17] =	ssyncset.done $0x0  }
0x1ae: {  	[sflag:s17] =	ssyncadd.s32 $0xFFFFC000  }
0x1af: {  	[spmem:s3] =	stream.indirect.scatter.add.f32 [tilespmem:s16], [sflag:$0x4], $0x80, s30, s13, $0xb8;
	[tilespmem:$0x1CC00] =	vst v63  }
0x1b0: {  	_ =	swait.ge [sflag:s18], $0x4000  }
0x1b1: {  	[sflag:s18] =	ssyncset.done $0x0  }
0x1b2: {  	[sflag:s18] =	ssyncadd.s32 $0xFFFFC000  }
0x1b3: {  	[tilespmem:s14], [sflag:$0x1] =	stream.indirect.gather [hbm4b:s5+s13], $0x80, s31, s13, $0xb8;
	[tilespmem:$0x1CC00] =	vst v63  }
0x1b4: {  	_ =	swait.ge [sflag:s15], $0x4000  }
0x1b5: {  	[sflag:s15] =	ssyncset.done $0x0  }
0x1b6: {  	[sflag:s15] =	ssyncadd.s32 $0xFFFFC000  }
0x1b7: {  	[spmem:s3] =	stream.indirect.scatter.add.f32 [tilespmem:s14], [sflag:$0x3], $0x80, s1, s13, $0xb8;
	[tilespmem:$0x1CC00] =	vst v63  }
0x1b8: {  	_ =	swait.ge [sflag:s19], $0x4000  }
0x1b9: {  	[sflag:s19] =	ssyncset.done $0x0  }
0x1ba: {  	[sflag:s19] =	ssyncadd.s32 $0xFFFFC000  }
0x1bb: {  	[tilespmem:s16], [sflag:$0x2] =	stream.indirect.gather [hbm4b:s5+s13], $0x80, s0, s13, $0xb8;
	[tilespmem:$0x1CC00] =	vst v63  }
0x1bc: {  	_ =	swait.ge [sflag:s17], $0x4000  }
0x1bd: {  	[sflag:s17] =	ssyncset.done $0x0  }
0x1be: {  	[sflag:s17] =	ssyncadd.s32 $0xFFFFC000  }
0x1bf: {  	[spmem:s3] =	stream.indirect.scatter.add.f32 [tilespmem:s16], [sflag:$0x4], $0x80, s2, s13, $0xb8;
	[tilespmem:$0x1CC00] =	vst v63  }
0x1c0: {  	_ =	swait.ge [sflag:s18], $0x4000  }
0x1c1: {  	[sflag:s18] =	ssyncset.done $0x0  }
0x1c2: {  	[sflag:s18] =	ssyncadd.s32 $0xFFFFC000  }
0x1c3: {  	_ =	swait.ge [sflag:s19], $0x4000  }
0x1c4: {  	[sflag:s19] =	ssyncset.done $0x0  }
0x1c5: {  	[sflag:s19] =	ssyncadd.s32 $0xFFFFC000  }
0x1c6: {  	[bflag:$0x0] =	sbarrier.arrive $0xFFFF  }
0x1c7: {  	s7 =	rddreg [dreg:$0x16]  }
0x1c8: {  	s9 =	rddreg [dreg:$0x17]  }
0x1c9: {  	s8 =	rddreg [dreg:$0x19]  }
0x1ca: {  	[hbm:s9], [sflag:s7] =	dma.local [spmem:s8], $0x2780  }
0x1cb: {  	_ =	swait.ge [sflag:s10], $0x2780  }
0x1cc: {  	s6 =	rddreg [dreg:$0x1a]  }
0x1cd: {  	s9 =	sadd.s32 $0x1, s6;
	s6 =	rddreg [dreg:$0x18]  }
0x1ce: {  	p0 =	sne.s32 s9, s6  }
.Ltmp1:
0x1cf: {  	_ = 	snop;
	(pc) =	sbr.rel @p0 .LBB2_1-.Ltmp1, $3  }
0x1d0: {  	_ =	sdelay $0x1  }
0x1d1: {  	[sflag:s10] =	ssyncset.done $0x0  }
0x1d2: {  	[sflag:s10] =	ssyncadd.s32 $0xFFFFD880  }
0x1d3: {  	_ =	sfence.sel $0x180000  }
0x1d4: {  	[bflag:$0x0] =	sbarrier.arrive $0xFFFF  }
0x1d5: {  	_ =	strace $0x9000004A  }
0x1d6: {  	s0 =	stileid.u32;
	[bflag:$0x2] =	sbarrier.arrive $0xFFFF  }
0x1d7: {  	p0 =	sne.s32 s0, $0x0;
	s0 =	rddreg [dreg:$0x3]  }
0x1d8: {  	s0 =	sadd.s32 @!p0 $0x100000, s0  }
0x1d9: {  	[sflag:s0] =	ssyncadd.tile.s32 @!p0 $0x1;
	_ =	shalt  }
.Lfunc_end2:
_tile_overlayer_lowered:
.L_overlay_start_2:
0x1da: {  	(tag) =	ssettag $0x2  }
0x1db: {  	s0 =	rddreg [dreg:$0x0];
	s2 =	stileid.u32  }
0x1dc: {  	s1 =	rddreg [dreg:$0x1];
	p0 =	sne.s32 s2, $0x0  }
0x1dd: {  	s3 =	rddreg [dreg:$0x2];
	[bflag:$0x3] =	sbarrier.arrive $0xFFFF;
	s2 =	simm.s32 @!p0 $0x1C05  }
0x1de: {  	[timem:s3], [sflag:s2] =	dma.local @!p0 [hbm:s0], s1  }
0x1df: {  	s0 =	simm.s32 @!p0 $0x5  }
0x1e0: {  	_ =	swait.ge @!p0 [sflag:s0], s1  }
0x1e1: {  	s1 =	ssub.s32 @!p0 $0x0, s1;
	[sflag:s0] =	ssyncset.done @!p0 $0x0  }
0x1e2: {  	[sflag:s0] =	ssyncadd.s32 @!p0 s1  }
0x1e3: {  	[bflag:$0x3] =	sbarrier.arrive $0xFFFF  }
0x1e4: {  	_ =	shalt  }

</sc_bundles>
